<compile_context>
chip_gen: v7x
topology: tpu7x:2x2x1
jax: 0.10.2.dev20260603
libtpu: 0.0.44.dev20260713+nightly
codegen_flags: <defaults>
</compile_context>

<pallas_src>
import jax
import jax.numpy as jnp
from jax import lax
from jax.experimental import pallas as pl
from jax.experimental.pallas import tpu as pltpu
from jax.experimental.pallas import tpu_sc as plsc

_BATCH = 16384
_HID = 16
_NW = 32
_PER_W = _BATCH // _NW
_CH = 8
_NPAIR = _PER_W // (2 * _CH)


def _mf_body(u_idx_hbm, i_idx_hbm, u_t3_hbm, i_t3_hbm, out_hbm,
             uidx_v, iidx_v, ub_a, ib_a, ub_b, ib_b, prods_v, out_v,
             sem_a, sem_b):
    nc = 2
    wid = lax.axis_index("s") * nc + lax.axis_index("c")

    pltpu.sync_copy(u_idx_hbm.at[wid], uidx_v)
    pltpu.sync_copy(i_idx_hbm.at[wid], iidx_v)

    lane = lax.iota(jnp.int32, 16)
    i_vec = lane // 8
    d_vec = lane % 8

    def fire(j, half, ub, ib, sem):
        iu = uidx_v[0, pl.ds(j * 16, 16)]
        ii = iidx_v[0, pl.ds(j * 16, 16)]
        for k in range(_CH):
            bu = pl.multiple_of((iu[half * _CH + k] // 128) * 128, 128)
            bi = pl.multiple_of((ii[half * _CH + k] // 128) * 128, 128)
            dst = pl.ds(k * 128, 128)
            pltpu.async_copy(u_t3_hbm.at[:, :, pl.ds(bu, 128)],
                             ub.at[:, :, dst], sem)
            pltpu.async_copy(i_t3_hbm.at[:, :, pl.ds(bi, 128)],
                             ib.at[:, :, dst], sem)

    def drain(ub, ib, sem):
        dummy = u_t3_hbm.at[:, :, pl.ds(0, _CH * 128)]
        pltpu.make_async_copy(dummy, ub, sem).wait()
        pltpu.make_async_copy(dummy, ib, sem).wait()

    def compute_half(j, ub, ib, half):
        iu = uidx_v[0, pl.ds(j * 16, 16)]
        ii = iidx_v[0, pl.ds(j * 16, 16)]
        for k in range(_CH):
            cu = jnp.full((16,), iu[half * _CH + k] % 128 + k * 128, jnp.int32)
            ci = jnp.full((16,), ii[half * _CH + k] % 128 + k * 128, jnp.int32)
            uv = plsc.load_gather(ub, [i_vec, d_vec, cu])
            iv = plsc.load_gather(ib, [i_vec, d_vec, ci])
            prods_v[half * _CH + k, pl.ds(0, 16)] = uv * iv

    fire(0, 0, ub_a, ib_a, sem_a)

    def body(j, carry):
        fire(j, 1, ub_b, ib_b, sem_b)
        drain(ub_a, ib_a, sem_a)
        compute_half(j, ub_a, ib_a, 0)

        @pl.when(j + 1 < _NPAIR)
        def _():
            fire(j + 1, 0, ub_a, ib_a, sem_a)

        drain(ub_b, ib_b, sem_b)
        compute_half(j, ub_b, ib_b, 1)

        acc = jnp.zeros((16,), jnp.float32)
        for d in range(_HID):
            dd = jnp.full((16,), d, jnp.int32)
            acc = acc + plsc.load_gather(prods_v, [lane, dd])
        out_v[0, pl.ds(j * 16, 16)] = acc
        return carry

    lax.fori_loop(0, _NPAIR, body, 0)

    pltpu.sync_copy(out_v, out_hbm.at[wid])


def kernel(user_indices, item_indices, embed_user_w, embed_item_w):
    u_idx = user_indices.astype(jnp.int32).reshape(_NW, 1, _PER_W)
    i_idx = item_indices.astype(jnp.int32).reshape(_NW, 1, _PER_W)
    u_t3 = embed_user_w.T.reshape(2, 8, 1000001)
    i_t3 = embed_item_w.T.reshape(2, 8, 1000001)

    mesh = plsc.VectorSubcoreMesh(core_axis_name="c", subcore_axis_name="s")
    run = pl.kernel(
        _mf_body, mesh=mesh,
        out_type=jax.ShapeDtypeStruct((_NW, 1, _PER_W), jnp.float32),
        scratch_types=[
            pltpu.VMEM((1, _PER_W), jnp.int32),
            pltpu.VMEM((1, _PER_W), jnp.int32),
            pltpu.VMEM((2, 8, _CH * 128), jnp.float32),
            pltpu.VMEM((2, 8, _CH * 128), jnp.float32),
            pltpu.VMEM((2, 8, _CH * 128), jnp.float32),
            pltpu.VMEM((2, 8, _CH * 128), jnp.float32),
            pltpu.VMEM((2 * _CH, 128), jnp.float32),
            pltpu.VMEM((1, _PER_W), jnp.float32),
            pltpu.SemaphoreType.DMA,
            pltpu.SemaphoreType.DMA,
        ],
        compiler_params=pltpu.CompilerParams(needs_layout_passes=False),
    )
    out = run(u_idx, i_idx, u_t3, i_t3)
    return out.reshape(_BATCH)

# --- scband reference (transcript-rebuilt; emitter-appended) ---
"""Pipeline reference for scband-mf-22780506538309 (READ-ONLY COPY).

The authoritative reference and input builder live on the scoring server;
editing this copy changes nothing except your own understanding.
"""

import jax, jax.numpy as jnp
import numpy as np

NUM_USERS = 1000000
NUM_ITEMS = 1000000
HIDDEN_DIM = 16
BATCH = 16384

def setup_inputs(seed: int = 0) -> dict:
    key = jax.random.key(seed)
    k1, k2, k3, k4 = jax.random.split(key, 4)
    user_indices = jax.random.randint(k1, (BATCH,), 0, NUM_USERS, dtype=jnp.int64 if jax.config.jax_enable_x64 else jnp.int32)
    item_indices = jax.random.randint(k2, (BATCH,), 0, NUM_ITEMS, dtype=jnp.int64 if jax.config.jax_enable_x64 else jnp.int32)
    embed_user_w = jax.random.normal(k3, (NUM_USERS + 1, HIDDEN_DIM), dtype=jnp.float32) * 0.01
    embed_item_w = jax.random.normal(k4, (NUM_ITEMS + 1, HIDDEN_DIM), dtype=jnp.float32) * 0.01
    return {
        "user_indices": user_indices,
        "item_indices": item_indices,
        "embed_user_w": embed_user_w,
        "embed_item_w": embed_item_w,
    }

def reference(user_indices, item_indices, embed_user_w, embed_item_w):
    # MF.forward (biased=False, adv=None):
    #   p_u = embed_user(user_indices); q_i = embed_item(item_indices)
    #   return (p_u * q_i).sum(-1)
    p_u = jnp.take(embed_user_w, user_indices, axis=0)
    q_i = jnp.take(embed_item_w, item_indices, axis=0)
    return (p_u * q_i).sum(-1)

if __name__ == "__main__":
    import jax
    _d = setup_inputs()
    print(jax.jit(kernel)(*tuple(_d.values())))

</pallas_src>

<mosaic_0001>
#map = affine_map<(d0, d1) -> (0, 0, 0)>
module attributes {stable_mosaic.version = 14 : i64} {
  func.func @_mf_body(%arg0: i32, %arg1: i32, %arg2: memref<32x1x512xi32, #tpu.memory_space<hbm>>, %arg3: memref<32x1x512xi32, #tpu.memory_space<hbm>>, %arg4: memref<2x8x1000001xf32, #tpu.memory_space<hbm>>, %arg5: memref<2x8x1000001xf32, #tpu.memory_space<hbm>>, %arg6: memref<32x1x512xf32, #tpu.memory_space<hbm>>, %arg7: memref<1x512xi32, #tpu.memory_space<vmem>>, %arg8: memref<1x512xi32, #tpu.memory_space<vmem>>, %arg9: memref<2x8x1024xf32, #tpu.memory_space<vmem>>, %arg10: memref<2x8x1024xf32, #tpu.memory_space<vmem>>, %arg11: memref<2x8x1024xf32, #tpu.memory_space<vmem>>, %arg12: memref<2x8x1024xf32, #tpu.memory_space<vmem>>, %arg13: memref<16x128xf32, #tpu.memory_space<vmem>>, %arg14: memref<1x512xf32, #tpu.memory_space<vmem>>, %arg15: memref<!tpu.dma_semaphore, #tpu.memory_space<semaphore_mem>>, %arg16: memref<!tpu.dma_semaphore, #tpu.memory_space<semaphore_mem>>) attributes {dimension_semantics = [#tpu.dimension_semantics<core_parallel>, #tpu.dimension_semantics<subcore_parallel>], iteration_bounds = array<i64: 2, 16>, scalar_prefetch = 0 : i64, scratch_operands = 10 : i64, tpu.core_type = #tpu.core_type<sc_vector_subcore>, window_params = [{transform_indices = #map}, {transform_indices = #map}, {transform_indices = #map}, {transform_indices = #map}, {transform_indices = #map}]} {
    %mul3A = arith.constant 2 : i32
    %mul3A_0 = arith.muli %arg1, %mul3A : i32
    %add3A = arith.addi %mul3A_0, %arg0 : i32
    "tpu.region"() ({
      %run_scoped3A = tpu.sem_alloc : memref<!tpu.dma_semaphore, #tpu.memory_space<semaphore_mem>>
      %dma_start3A_740 = arith.constant 0 : i32
      %dma_start3A_741 = arith.constant 0 : i32
      %dma_start3A_742 = tpu.memref_slice %arg2[%add3A, %dma_start3A_740, %dma_start3A_741] : memref<32x1x512xi32, #tpu.memory_space<hbm>> -> memref<1x1x512xi32, #tpu.memory_space<hbm>>
      %dma_start3A_743 = tpu.memref_squeeze %dma_start3A_742 : memref<1x1x512xi32, #tpu.memory_space<hbm>> -> memref<1x512xi32, #tpu.memory_space<hbm>>
      %dma_start3A_744 = arith.constant 0 : i32
      %dma_start3A_745 = arith.constant 0 : i32
      %dma_start3A_746 = tpu.memref_slice %arg2[%add3A, %dma_start3A_744, %dma_start3A_745] : memref<32x1x512xi32, #tpu.memory_space<hbm>> -> memref<1x1x512xi32, #tpu.memory_space<hbm>>
      %dma_start3A_747 = tpu.memref_squeeze %dma_start3A_746 : memref<1x1x512xi32, #tpu.memory_space<hbm>> -> memref<1x512xi32, #tpu.memory_space<hbm>>
      tpu.enqueue_dma source(%dma_start3A_747 : memref<1x512xi32, #tpu.memory_space<hbm>>) target(%arg7 : memref<1x512xi32, #tpu.memory_space<vmem>>) target_semaphore(%run_scoped3A : memref<!tpu.dma_semaphore, #tpu.memory_space<semaphore_mem>>)
      %dma_wait3A = arith.constant 0 : i32
      %dma_wait3A_748 = arith.constant 0 : i32
      %dma_wait3A_749 = tpu.memref_slice %arg2[%add3A, %dma_wait3A, %dma_wait3A_748] : memref<32x1x512xi32, #tpu.memory_space<hbm>> -> memref<1x1x512xi32, #tpu.memory_space<hbm>>
      %dma_wait3A_750 = tpu.memref_squeeze %dma_wait3A_749 : memref<1x1x512xi32, #tpu.memory_space<hbm>> -> memref<1x512xi32, #tpu.memory_space<hbm>>
      %dma_wait3A_751 = arith.constant 0 : i32
      %dma_wait3A_752 = arith.constant 0 : i32
      %dma_wait3A_753 = tpu.memref_slice %arg2[%add3A, %dma_wait3A_751, %dma_wait3A_752] : memref<32x1x512xi32, #tpu.memory_space<hbm>> -> memref<1x1x512xi32, #tpu.memory_space<hbm>>
      %dma_wait3A_754 = tpu.memref_squeeze %dma_wait3A_753 : memref<1x1x512xi32, #tpu.memory_space<hbm>> -> memref<1x512xi32, #tpu.memory_space<hbm>>
      tpu.wait_dma2 semaphore(%run_scoped3A : memref<!tpu.dma_semaphore, #tpu.memory_space<semaphore_mem>>) src(%dma_wait3A_754 : memref<1x512xi32, #tpu.memory_space<hbm>>) dst(%arg7 : memref<1x512xi32, #tpu.memory_space<vmem>>)
      tpu.yield
    }) : () -> ()
    "tpu.region"() ({
      %run_scoped3A = tpu.sem_alloc : memref<!tpu.dma_semaphore, #tpu.memory_space<semaphore_mem>>
      %dma_start3A_740 = arith.constant 0 : i32
      %dma_start3A_741 = arith.constant 0 : i32
      %dma_start3A_742 = tpu.memref_slice %arg3[%add3A, %dma_start3A_740, %dma_start3A_741] : memref<32x1x512xi32, #tpu.memory_space<hbm>> -> memref<1x1x512xi32, #tpu.memory_space<hbm>>
      %dma_start3A_743 = tpu.memref_squeeze %dma_start3A_742 : memref<1x1x512xi32, #tpu.memory_space<hbm>> -> memref<1x512xi32, #tpu.memory_space<hbm>>
      %dma_start3A_744 = arith.constant 0 : i32
      %dma_start3A_745 = arith.constant 0 : i32
      %dma_start3A_746 = tpu.memref_slice %arg3[%add3A, %dma_start3A_744, %dma_start3A_745] : memref<32x1x512xi32, #tpu.memory_space<hbm>> -> memref<1x1x512xi32, #tpu.memory_space<hbm>>
      %dma_start3A_747 = tpu.memref_squeeze %dma_start3A_746 : memref<1x1x512xi32, #tpu.memory_space<hbm>> -> memref<1x512xi32, #tpu.memory_space<hbm>>
      tpu.enqueue_dma source(%dma_start3A_747 : memref<1x512xi32, #tpu.memory_space<hbm>>) target(%arg8 : memref<1x512xi32, #tpu.memory_space<vmem>>) target_semaphore(%run_scoped3A : memref<!tpu.dma_semaphore, #tpu.memory_space<semaphore_mem>>)
      %dma_wait3A = arith.constant 0 : i32
      %dma_wait3A_748 = arith.constant 0 : i32
      %dma_wait3A_749 = tpu.memref_slice %arg3[%add3A, %dma_wait3A, %dma_wait3A_748] : memref<32x1x512xi32, #tpu.memory_space<hbm>> -> memref<1x1x512xi32, #tpu.memory_space<hbm>>
      %dma_wait3A_750 = tpu.memref_squeeze %dma_wait3A_749 : memref<1x1x512xi32, #tpu.memory_space<hbm>> -> memref<1x512xi32, #tpu.memory_space<hbm>>
      %dma_wait3A_751 = arith.constant 0 : i32
      %dma_wait3A_752 = arith.constant 0 : i32
      %dma_wait3A_753 = tpu.memref_slice %arg3[%add3A, %dma_wait3A_751, %dma_wait3A_752] : memref<32x1x512xi32, #tpu.memory_space<hbm>> -> memref<1x1x512xi32, #tpu.memory_space<hbm>>
      %dma_wait3A_754 = tpu.memref_squeeze %dma_wait3A_753 : memref<1x1x512xi32, #tpu.memory_space<hbm>> -> memref<1x512xi32, #tpu.memory_space<hbm>>
      tpu.wait_dma2 semaphore(%run_scoped3A : memref<!tpu.dma_semaphore, #tpu.memory_space<semaphore_mem>>) src(%dma_wait3A_754 : memref<1x512xi32, #tpu.memory_space<hbm>>) dst(%arg8 : memref<1x512xi32, #tpu.memory_space<vmem>>)
      tpu.yield
    }) : () -> ()
    %iota3A = tpu.iota {dimensions = array<i32: 0>} : vector<16xi32>
    %jit3A = arith.constant 8 : i32
    %div3A = vector.broadcast %jit3A : i32 to vector<16xi32>
    %div3A_1 = arith.divsi %iota3A, %div3A : vector<16xi32>
    %sign3A = arith.constant 0 : i32
    %sign3A_2 = vector.broadcast %sign3A : i32 to vector<16xi32>
    %sign3A_3 = arith.cmpi sgt, %iota3A, %sign3A_2 : vector<16xi32>
    %sign3A_4 = arith.extui %sign3A_3 : vector<16xi1> to vector<16xi32>
    %sign3A_5 = arith.constant 0 : i32
    %sign3A_6 = vector.broadcast %sign3A_5 : i32 to vector<16xi32>
    %sign3A_7 = arith.cmpi slt, %iota3A, %sign3A_6 : vector<16xi32>
    %sign3A_8 = arith.extui %sign3A_7 : vector<16xi1> to vector<16xi32>
    %sign3A_9 = arith.subi %sign3A_4, %sign3A_8 : vector<16xi32>
    %sign3A_10 = arith.constant 0 : i32
    %sign3A_11 = arith.cmpi sgt, %jit3A, %sign3A_10 : i32
    %sign3A_12 = arith.extui %sign3A_11 : i1 to i32
    %sign3A_13 = arith.constant 0 : i32
    %sign3A_14 = arith.cmpi slt, %jit3A, %sign3A_13 : i32
    %sign3A_15 = arith.extui %sign3A_14 : i1 to i32
    %sign3A_16 = arith.subi %sign3A_12, %sign3A_15 : i32
    %ne3A = vector.broadcast %sign3A_16 : i32 to vector<16xi32>
    %ne3A_17 = arith.cmpi ne, %sign3A_9, %ne3A : vector<16xi32>
    %rem3A = vector.broadcast %jit3A : i32 to vector<16xi32>
    %rem3A_18 = arith.remsi %iota3A, %rem3A : vector<16xi32>
    %ne3A_19 = arith.constant 0 : i32
    %ne3A_20 = vector.broadcast %ne3A_19 : i32 to vector<16xi32>
    %ne3A_21 = arith.cmpi ne, %rem3A_18, %ne3A_20 : vector<16xi32>
    %and3A = arith.andi %ne3A_17, %ne3A_21 : vector<16xi1>
    %sub3A = arith.constant 1 : i32
    %sub3A_22 = vector.broadcast %sub3A : i32 to vector<16xi32>
    %sub3A_23 = arith.subi %div3A_1, %sub3A_22 : vector<16xi32>
    %select_n3A = arith.select %and3A, %sub3A_23, %div3A_1 : vector<16xi1>, vector<16xi32>
    %jit3A_24 = arith.constant 8 : i32
    %eq3A = arith.constant 0 : i32
    %eq3A_25 = arith.cmpi eq, %jit3A_24, %eq3A : i32
    %jit3A_26 = arith.constant 1 : i32
    %select_n3A_27 = arith.select %eq3A_25, %jit3A_26, %jit3A_24 : i32
    %rem3A_28 = vector.broadcast %select_n3A_27 : i32 to vector<16xi32>
    %rem3A_29 = arith.remsi %iota3A, %rem3A_28 : vector<16xi32>
    %ne3A_30 = arith.constant 0 : i32
    %ne3A_31 = vector.broadcast %ne3A_30 : i32 to vector<16xi32>
    %ne3A_32 = arith.cmpi ne, %rem3A_29, %ne3A_31 : vector<16xi32>
    %lt3A = arith.constant 0 : i32
    %lt3A_33 = vector.broadcast %lt3A : i32 to vector<16xi32>
    %lt3A_34 = arith.cmpi slt, %rem3A_29, %lt3A_33 : vector<16xi32>
    %lt3A_35 = arith.constant 0 : i32
    %lt3A_36 = arith.cmpi slt, %select_n3A_27, %lt3A_35 : i32
    %ne3A_37 = vector.broadcast %lt3A_36 : i1 to vector<16xi1>
    %ne3A_38 = vector.broadcast %ne3A_37 : vector<16xi1> to vector<16xi1>
    %ne3A_39 = arith.xori %lt3A_34, %ne3A_38 : vector<16xi1>
    %and3A_40 = arith.andi %ne3A_39, %ne3A_32 : vector<16xi1>
    %add3A_41 = vector.broadcast %select_n3A_27 : i32 to vector<16xi32>
    %add3A_42 = arith.addi %rem3A_29, %add3A_41 : vector<16xi32>
    %select_n3A_43 = arith.select %and3A_40, %add3A_42, %rem3A_29 : vector<16xi1>, vector<16xi32>
    %get3A = arith.constant 0 : i32
    %get3A_44 = arith.index_cast %get3A : i32 to index
    %get3A_45 = arith.constant 0 : index
    %get3A_46 = tpu.vector_load %arg7[%get3A_44, %get3A_45] {strides = array<i32>} : memref<1x512xi32, #tpu.memory_space<vmem>>, vector<16xi32>,
    %get3A_47 = arith.constant 0 : i32
    %get3A_48 = arith.index_cast %get3A_47 : i32 to index
    %get3A_49 = arith.constant 0 : index
    %get3A_50 = tpu.vector_load %arg8[%get3A_48, %get3A_49] {strides = array<i32>} : memref<1x512xi32, #tpu.memory_space<vmem>>, vector<16xi32>,
    %slice3A = vector.extract_strided_slice %get3A_46 {offsets = [0], sizes = [1], strides = [1]} : vector<16xi32> to vector<1xi32>
    %squeeze3A = vector.extract %slice3A[0] : i32 from vector<1xi32>
    %jit3A_51 = arith.constant 128 : i32
    %div3A_52 = arith.divsi %squeeze3A, %jit3A_51 : i32
    %sign3A_53 = arith.constant 0 : i32
    %sign3A_54 = arith.cmpi sgt, %squeeze3A, %sign3A_53 : i32
    %sign3A_55 = arith.extui %sign3A_54 : i1 to i32
    %sign3A_56 = arith.constant 0 : i32
    %sign3A_57 = arith.cmpi slt, %squeeze3A, %sign3A_56 : i32
    %sign3A_58 = arith.extui %sign3A_57 : i1 to i32
    %sign3A_59 = arith.subi %sign3A_55, %sign3A_58 : i32
    %sign3A_60 = arith.constant 0 : i32
    %sign3A_61 = arith.cmpi sgt, %jit3A_51, %sign3A_60 : i32
    %sign3A_62 = arith.extui %sign3A_61 : i1 to i32
    %sign3A_63 = arith.constant 0 : i32
    %sign3A_64 = arith.cmpi slt, %jit3A_51, %sign3A_63 : i32
    %sign3A_65 = arith.extui %sign3A_64 : i1 to i32
    %sign3A_66 = arith.subi %sign3A_62, %sign3A_65 : i32
    %ne3A_67 = arith.cmpi ne, %sign3A_59, %sign3A_66 : i32
    %rem3A_68 = arith.remsi %squeeze3A, %jit3A_51 : i32
    %ne3A_69 = arith.constant 0 : i32
    %ne3A_70 = arith.cmpi ne, %rem3A_68, %ne3A_69 : i32
    %and3A_71 = arith.andi %ne3A_67, %ne3A_70 : i1
    %sub3A_72 = arith.constant 1 : i32
    %sub3A_73 = arith.subi %div3A_52, %sub3A_72 : i32
    %select_n3A_74 = arith.select %and3A_71, %sub3A_73, %div3A_52 : i32
    %mul3A_75 = arith.constant 128 : i32
    %mul3A_76 = arith.muli %select_n3A_74, %mul3A_75 : i32
    %multiple_of3A = tpu.assume_multiple %mul3A_76, 128 : i32
    %slice3A_77 = vector.extract_strided_slice %get3A_50 {offsets = [0], sizes = [1], strides = [1]} : vector<16xi32> to vector<1xi32>
    %squeeze3A_78 = vector.extract %slice3A_77[0] : i32 from vector<1xi32>
    %jit3A_79 = arith.constant 128 : i32
    %div3A_80 = arith.divsi %squeeze3A_78, %jit3A_79 : i32
    %sign3A_81 = arith.constant 0 : i32
    %sign3A_82 = arith.cmpi sgt, %squeeze3A_78, %sign3A_81 : i32
    %sign3A_83 = arith.extui %sign3A_82 : i1 to i32
    %sign3A_84 = arith.constant 0 : i32
    %sign3A_85 = arith.cmpi slt, %squeeze3A_78, %sign3A_84 : i32
    %sign3A_86 = arith.extui %sign3A_85 : i1 to i32
    %sign3A_87 = arith.subi %sign3A_83, %sign3A_86 : i32
    %sign3A_88 = arith.constant 0 : i32
    %sign3A_89 = arith.cmpi sgt, %jit3A_79, %sign3A_88 : i32
    %sign3A_90 = arith.extui %sign3A_89 : i1 to i32
    %sign3A_91 = arith.constant 0 : i32
    %sign3A_92 = arith.cmpi slt, %jit3A_79, %sign3A_91 : i32
    %sign3A_93 = arith.extui %sign3A_92 : i1 to i32
    %sign3A_94 = arith.subi %sign3A_90, %sign3A_93 : i32
    %ne3A_95 = arith.cmpi ne, %sign3A_87, %sign3A_94 : i32
    %rem3A_96 = arith.remsi %squeeze3A_78, %jit3A_79 : i32
    %ne3A_97 = arith.constant 0 : i32
    %ne3A_98 = arith.cmpi ne, %rem3A_96, %ne3A_97 : i32
    %and3A_99 = arith.andi %ne3A_95, %ne3A_98 : i1
    %sub3A_100 = arith.constant 1 : i32
    %sub3A_101 = arith.subi %div3A_80, %sub3A_100 : i32
    %select_n3A_102 = arith.select %and3A_99, %sub3A_101, %div3A_80 : i32
    %mul3A_103 = arith.constant 128 : i32
    %mul3A_104 = arith.muli %select_n3A_102, %mul3A_103 : i32
    %multiple_of3A_105 = tpu.assume_multiple %mul3A_104, 128 : i32
    %dma_start3A = arith.constant 0 : i32
    %dma_start3A_106 = arith.constant 0 : i32
    %dma_start3A_107 = arith.constant 0 : i32
    %dma_start3A_108 = tpu.memref_slice %arg9[%dma_start3A, %dma_start3A_106, %dma_start3A_107] : memref<2x8x1024xf32, #tpu.memory_space<vmem>> -> memref<2x8x128xf32, #tpu.memory_space<vmem>>
    %dma_start3A_109 = arith.constant 0 : i32
    %dma_start3A_110 = arith.constant 0 : i32
    %dma_start3A_111 = tpu.memref_slice %arg4[%dma_start3A_109, %dma_start3A_110, %multiple_of3A] : memref<2x8x1000001xf32, #tpu.memory_space<hbm>> -> memref<2x8x128xf32, #tpu.memory_space<hbm>>
    %dma_start3A_112 = arith.constant 0 : i32
    %dma_start3A_113 = arith.constant 0 : i32
    %dma_start3A_114 = arith.constant 0 : i32
    %dma_start3A_115 = tpu.memref_slice %arg9[%dma_start3A_112, %dma_start3A_113, %dma_start3A_114] : memref<2x8x1024xf32, #tpu.memory_space<vmem>> -> memref<2x8x128xf32, #tpu.memory_space<vmem>>
    %dma_start3A_116 = arith.constant 0 : i32
    %dma_start3A_117 = arith.constant 0 : i32
    %dma_start3A_118 = tpu.memref_slice %arg4[%dma_start3A_116, %dma_start3A_117, %multiple_of3A] : memref<2x8x1000001xf32, #tpu.memory_space<hbm>> -> memref<2x8x128xf32, #tpu.memory_space<hbm>>
    tpu.enqueue_dma source(%dma_start3A_118 : memref<2x8x128xf32, #tpu.memory_space<hbm>>) target(%dma_start3A_115 : memref<2x8x128xf32, #tpu.memory_space<vmem>>) target_semaphore(%arg15 : memref<!tpu.dma_semaphore, #tpu.memory_space<semaphore_mem>>)
    %dma_start3A_119 = arith.constant 0 : i32
    %dma_start3A_120 = arith.constant 0 : i32
    %dma_start3A_121 = arith.constant 0 : i32
    %dma_start3A_122 = tpu.memref_slice %arg10[%dma_start3A_119, %dma_start3A_120, %dma_start3A_121] : memref<2x8x1024xf32, #tpu.memory_space<vmem>> -> memref<2x8x128xf32, #tpu.memory_space<vmem>>
    %dma_start3A_123 = arith.constant 0 : i32
    %dma_start3A_124 = arith.constant 0 : i32
    %dma_start3A_125 = tpu.memref_slice %arg5[%dma_start3A_123, %dma_start3A_124, %multiple_of3A_105] : memref<2x8x1000001xf32, #tpu.memory_space<hbm>> -> memref<2x8x128xf32, #tpu.memory_space<hbm>>
    %dma_start3A_126 = arith.constant 0 : i32
    %dma_start3A_127 = arith.constant 0 : i32
    %dma_start3A_128 = arith.constant 0 : i32
    %dma_start3A_129 = tpu.memref_slice %arg10[%dma_start3A_126, %dma_start3A_127, %dma_start3A_128] : memref<2x8x1024xf32, #tpu.memory_space<vmem>> -> memref<2x8x128xf32, #tpu.memory_space<vmem>>
    %dma_start3A_130 = arith.constant 0 : i32
    %dma_start3A_131 = arith.constant 0 : i32
    %dma_start3A_132 = tpu.memref_slice %arg5[%dma_start3A_130, %dma_start3A_131, %multiple_of3A_105] : memref<2x8x1000001xf32, #tpu.memory_space<hbm>> -> memref<2x8x128xf32, #tpu.memory_space<hbm>>
    tpu.enqueue_dma source(%dma_start3A_132 : memref<2x8x128xf32, #tpu.memory_space<hbm>>) target(%dma_start3A_129 : memref<2x8x128xf32, #tpu.memory_space<vmem>>) target_semaphore(%arg15 : memref<!tpu.dma_semaphore, #tpu.memory_space<semaphore_mem>>)
    %slice3A_133 = vector.extract_strided_slice %get3A_46 {offsets = [1], sizes = [1], strides = [1]} : vector<16xi32> to vector<1xi32>
    %squeeze3A_134 = vector.extract %slice3A_133[0] : i32 from vector<1xi32>
    %jit3A_135 = arith.constant 128 : i32
    %div3A_136 = arith.divsi %squeeze3A_134, %jit3A_135 : i32
    %sign3A_137 = arith.constant 0 : i32
    %sign3A_138 = arith.cmpi sgt, %squeeze3A_134, %sign3A_137 : i32
    %sign3A_139 = arith.extui %sign3A_138 : i1 to i32
    %sign3A_140 = arith.constant 0 : i32
    %sign3A_141 = arith.cmpi slt, %squeeze3A_134, %sign3A_140 : i32
    %sign3A_142 = arith.extui %sign3A_141 : i1 to i32
    %sign3A_143 = arith.subi %sign3A_139, %sign3A_142 : i32
    %sign3A_144 = arith.constant 0 : i32
    %sign3A_145 = arith.cmpi sgt, %jit3A_135, %sign3A_144 : i32
    %sign3A_146 = arith.extui %sign3A_145 : i1 to i32
    %sign3A_147 = arith.constant 0 : i32
    %sign3A_148 = arith.cmpi slt, %jit3A_135, %sign3A_147 : i32
    %sign3A_149 = arith.extui %sign3A_148 : i1 to i32
    %sign3A_150 = arith.subi %sign3A_146, %sign3A_149 : i32
    %ne3A_151 = arith.cmpi ne, %sign3A_143, %sign3A_150 : i32
    %rem3A_152 = arith.remsi %squeeze3A_134, %jit3A_135 : i32
    %ne3A_153 = arith.constant 0 : i32
    %ne3A_154 = arith.cmpi ne, %rem3A_152, %ne3A_153 : i32
    %and3A_155 = arith.andi %ne3A_151, %ne3A_154 : i1
    %sub3A_156 = arith.constant 1 : i32
    %sub3A_157 = arith.subi %div3A_136, %sub3A_156 : i32
    %select_n3A_158 = arith.select %and3A_155, %sub3A_157, %div3A_136 : i32
    %mul3A_159 = arith.constant 128 : i32
    %mul3A_160 = arith.muli %select_n3A_158, %mul3A_159 : i32
    %multiple_of3A_161 = tpu.assume_multiple %mul3A_160, 128 : i32
    %slice3A_162 = vector.extract_strided_slice %get3A_50 {offsets = [1], sizes = [1], strides = [1]} : vector<16xi32> to vector<1xi32>
    %squeeze3A_163 = vector.extract %slice3A_162[0] : i32 from vector<1xi32>
    %jit3A_164 = arith.constant 128 : i32
    %div3A_165 = arith.divsi %squeeze3A_163, %jit3A_164 : i32
    %sign3A_166 = arith.constant 0 : i32
    %sign3A_167 = arith.cmpi sgt, %squeeze3A_163, %sign3A_166 : i32
    %sign3A_168 = arith.extui %sign3A_167 : i1 to i32
    %sign3A_169 = arith.constant 0 : i32
    %sign3A_170 = arith.cmpi slt, %squeeze3A_163, %sign3A_169 : i32
    %sign3A_171 = arith.extui %sign3A_170 : i1 to i32
    %sign3A_172 = arith.subi %sign3A_168, %sign3A_171 : i32
    %sign3A_173 = arith.constant 0 : i32
    %sign3A_174 = arith.cmpi sgt, %jit3A_164, %sign3A_173 : i32
    %sign3A_175 = arith.extui %sign3A_174 : i1 to i32
    %sign3A_176 = arith.constant 0 : i32
    %sign3A_177 = arith.cmpi slt, %jit3A_164, %sign3A_176 : i32
    %sign3A_178 = arith.extui %sign3A_177 : i1 to i32
    %sign3A_179 = arith.subi %sign3A_175, %sign3A_178 : i32
    %ne3A_180 = arith.cmpi ne, %sign3A_172, %sign3A_179 : i32
    %rem3A_181 = arith.remsi %squeeze3A_163, %jit3A_164 : i32
    %ne3A_182 = arith.constant 0 : i32
    %ne3A_183 = arith.cmpi ne, %rem3A_181, %ne3A_182 : i32
    %and3A_184 = arith.andi %ne3A_180, %ne3A_183 : i1
    %sub3A_185 = arith.constant 1 : i32
    %sub3A_186 = arith.subi %div3A_165, %sub3A_185 : i32
    %select_n3A_187 = arith.select %and3A_184, %sub3A_186, %div3A_165 : i32
    %mul3A_188 = arith.constant 128 : i32
    %mul3A_189 = arith.muli %select_n3A_187, %mul3A_188 : i32
    %multiple_of3A_190 = tpu.assume_multiple %mul3A_189, 128 : i32
    %dma_start3A_191 = arith.constant 0 : i32
    %dma_start3A_192 = arith.constant 0 : i32
    %dma_start3A_193 = arith.constant 128 : i32
    %dma_start3A_194 = tpu.memref_slice %arg9[%dma_start3A_191, %dma_start3A_192, %dma_start3A_193] : memref<2x8x1024xf32, #tpu.memory_space<vmem>> -> memref<2x8x128xf32, #tpu.memory_space<vmem>>
    %dma_start3A_195 = arith.constant 0 : i32
    %dma_start3A_196 = arith.constant 0 : i32
    %dma_start3A_197 = tpu.memref_slice %arg4[%dma_start3A_195, %dma_start3A_196, %multiple_of3A_161] : memref<2x8x1000001xf32, #tpu.memory_space<hbm>> -> memref<2x8x128xf32, #tpu.memory_space<hbm>>
    %dma_start3A_198 = arith.constant 0 : i32
    %dma_start3A_199 = arith.constant 0 : i32
    %dma_start3A_200 = arith.constant 128 : i32
    %dma_start3A_201 = tpu.memref_slice %arg9[%dma_start3A_198, %dma_start3A_199, %dma_start3A_200] : memref<2x8x1024xf32, #tpu.memory_space<vmem>> -> memref<2x8x128xf32, #tpu.memory_space<vmem>>
    %dma_start3A_202 = arith.constant 0 : i32
    %dma_start3A_203 = arith.constant 0 : i32
    %dma_start3A_204 = tpu.memref_slice %arg4[%dma_start3A_202, %dma_start3A_203, %multiple_of3A_161] : memref<2x8x1000001xf32, #tpu.memory_space<hbm>> -> memref<2x8x128xf32, #tpu.memory_space<hbm>>
    tpu.enqueue_dma source(%dma_start3A_204 : memref<2x8x128xf32, #tpu.memory_space<hbm>>) target(%dma_start3A_201 : memref<2x8x128xf32, #tpu.memory_space<vmem>>) target_semaphore(%arg15 : memref<!tpu.dma_semaphore, #tpu.memory_space<semaphore_mem>>)
    %dma_start3A_205 = arith.constant 0 : i32
    %dma_start3A_206 = arith.constant 0 : i32
    %dma_start3A_207 = arith.constant 128 : i32
    %dma_start3A_208 = tpu.memref_slice %arg10[%dma_start3A_205, %dma_start3A_206, %dma_start3A_207] : memref<2x8x1024xf32, #tpu.memory_space<vmem>> -> memref<2x8x128xf32, #tpu.memory_space<vmem>>
    %dma_start3A_209 = arith.constant 0 : i32
    %dma_start3A_210 = arith.constant 0 : i32
    %dma_start3A_211 = tpu.memref_slice %arg5[%dma_start3A_209, %dma_start3A_210, %multiple_of3A_190] : memref<2x8x1000001xf32, #tpu.memory_space<hbm>> -> memref<2x8x128xf32, #tpu.memory_space<hbm>>
    %dma_start3A_212 = arith.constant 0 : i32
    %dma_start3A_213 = arith.constant 0 : i32
    %dma_start3A_214 = arith.constant 128 : i32
    %dma_start3A_215 = tpu.memref_slice %arg10[%dma_start3A_212, %dma_start3A_213, %dma_start3A_214] : memref<2x8x1024xf32, #tpu.memory_space<vmem>> -> memref<2x8x128xf32, #tpu.memory_space<vmem>>
    %dma_start3A_216 = arith.constant 0 : i32
    %dma_start3A_217 = arith.constant 0 : i32
    %dma_start3A_218 = tpu.memref_slice %arg5[%dma_start3A_216, %dma_start3A_217, %multiple_of3A_190] : memref<2x8x1000001xf32, #tpu.memory_space<hbm>> -> memref<2x8x128xf32, #tpu.memory_space<hbm>>
    tpu.enqueue_dma source(%dma_start3A_218 : memref<2x8x128xf32, #tpu.memory_space<hbm>>) target(%dma_start3A_215 : memref<2x8x128xf32, #tpu.memory_space<vmem>>) target_semaphore(%arg15 : memref<!tpu.dma_semaphore, #tpu.memory_space<semaphore_mem>>)
    %slice3A_219 = vector.extract_strided_slice %get3A_46 {offsets = [2], sizes = [1], strides = [1]} : vector<16xi32> to vector<1xi32>
    %squeeze3A_220 = vector.extract %slice3A_219[0] : i32 from vector<1xi32>
    %jit3A_221 = arith.constant 128 : i32
    %div3A_222 = arith.divsi %squeeze3A_220, %jit3A_221 : i32
    %sign3A_223 = arith.constant 0 : i32
    %sign3A_224 = arith.cmpi sgt, %squeeze3A_220, %sign3A_223 : i32
    %sign3A_225 = arith.extui %sign3A_224 : i1 to i32
    %sign3A_226 = arith.constant 0 : i32
    %sign3A_227 = arith.cmpi slt, %squeeze3A_220, %sign3A_226 : i32
    %sign3A_228 = arith.extui %sign3A_227 : i1 to i32
    %sign3A_229 = arith.subi %sign3A_225, %sign3A_228 : i32
    %sign3A_230 = arith.constant 0 : i32
    %sign3A_231 = arith.cmpi sgt, %jit3A_221, %sign3A_230 : i32
    %sign3A_232 = arith.extui %sign3A_231 : i1 to i32
    %sign3A_233 = arith.constant 0 : i32
    %sign3A_234 = arith.cmpi slt, %jit3A_221, %sign3A_233 : i32
    %sign3A_235 = arith.extui %sign3A_234 : i1 to i32
    %sign3A_236 = arith.subi %sign3A_232, %sign3A_235 : i32
    %ne3A_237 = arith.cmpi ne, %sign3A_229, %sign3A_236 : i32
    %rem3A_238 = arith.remsi %squeeze3A_220, %jit3A_221 : i32
    %ne3A_239 = arith.constant 0 : i32
    %ne3A_240 = arith.cmpi ne, %rem3A_238, %ne3A_239 : i32
    %and3A_241 = arith.andi %ne3A_237, %ne3A_240 : i1
    %sub3A_242 = arith.constant 1 : i32
    %sub3A_243 = arith.subi %div3A_222, %sub3A_242 : i32
    %select_n3A_244 = arith.select %and3A_241, %sub3A_243, %div3A_222 : i32
    %mul3A_245 = arith.constant 128 : i32
    %mul3A_246 = arith.muli %select_n3A_244, %mul3A_245 : i32
    %multiple_of3A_247 = tpu.assume_multiple %mul3A_246, 128 : i32
    %slice3A_248 = vector.extract_strided_slice %get3A_50 {offsets = [2], sizes = [1], strides = [1]} : vector<16xi32> to vector<1xi32>
    %squeeze3A_249 = vector.extract %slice3A_248[0] : i32 from vector<1xi32>
    %jit3A_250 = arith.constant 128 : i32
    %div3A_251 = arith.divsi %squeeze3A_249, %jit3A_250 : i32
    %sign3A_252 = arith.constant 0 : i32
    %sign3A_253 = arith.cmpi sgt, %squeeze3A_249, %sign3A_252 : i32
    %sign3A_254 = arith.extui %sign3A_253 : i1 to i32
    %sign3A_255 = arith.constant 0 : i32
    %sign3A_256 = arith.cmpi slt, %squeeze3A_249, %sign3A_255 : i32
    %sign3A_257 = arith.extui %sign3A_256 : i1 to i32
    %sign3A_258 = arith.subi %sign3A_254, %sign3A_257 : i32
    %sign3A_259 = arith.constant 0 : i32
    %sign3A_260 = arith.cmpi sgt, %jit3A_250, %sign3A_259 : i32
    %sign3A_261 = arith.extui %sign3A_260 : i1 to i32
    %sign3A_262 = arith.constant 0 : i32
    %sign3A_263 = arith.cmpi slt, %jit3A_250, %sign3A_262 : i32
    %sign3A_264 = arith.extui %sign3A_263 : i1 to i32
    %sign3A_265 = arith.subi %sign3A_261, %sign3A_264 : i32
    %ne3A_266 = arith.cmpi ne, %sign3A_258, %sign3A_265 : i32
    %rem3A_267 = arith.remsi %squeeze3A_249, %jit3A_250 : i32
    %ne3A_268 = arith.constant 0 : i32
    %ne3A_269 = arith.cmpi ne, %rem3A_267, %ne3A_268 : i32
    %and3A_270 = arith.andi %ne3A_266, %ne3A_269 : i1
    %sub3A_271 = arith.constant 1 : i32
    %sub3A_272 = arith.subi %div3A_251, %sub3A_271 : i32
    %select_n3A_273 = arith.select %and3A_270, %sub3A_272, %div3A_251 : i32
    %mul3A_274 = arith.constant 128 : i32
    %mul3A_275 = arith.muli %select_n3A_273, %mul3A_274 : i32
    %multiple_of3A_276 = tpu.assume_multiple %mul3A_275, 128 : i32
    %dma_start3A_277 = arith.constant 0 : i32
    %dma_start3A_278 = arith.constant 0 : i32
    %dma_start3A_279 = arith.constant 256 : i32
    %dma_start3A_280 = tpu.memref_slice %arg9[%dma_start3A_277, %dma_start3A_278, %dma_start3A_279] : memref<2x8x1024xf32, #tpu.memory_space<vmem>> -> memref<2x8x128xf32, #tpu.memory_space<vmem>>
    %dma_start3A_281 = arith.constant 0 : i32
    %dma_start3A_282 = arith.constant 0 : i32
    %dma_start3A_283 = tpu.memref_slice %arg4[%dma_start3A_281, %dma_start3A_282, %multiple_of3A_247] : memref<2x8x1000001xf32, #tpu.memory_space<hbm>> -> memref<2x8x128xf32, #tpu.memory_space<hbm>>
    %dma_start3A_284 = arith.constant 0 : i32
    %dma_start3A_285 = arith.constant 0 : i32
    %dma_start3A_286 = arith.constant 256 : i32
    %dma_start3A_287 = tpu.memref_slice %arg9[%dma_start3A_284, %dma_start3A_285, %dma_start3A_286] : memref<2x8x1024xf32, #tpu.memory_space<vmem>> -> memref<2x8x128xf32, #tpu.memory_space<vmem>>
    %dma_start3A_288 = arith.constant 0 : i32
    %dma_start3A_289 = arith.constant 0 : i32
    %dma_start3A_290 = tpu.memref_slice %arg4[%dma_start3A_288, %dma_start3A_289, %multiple_of3A_247] : memref<2x8x1000001xf32, #tpu.memory_space<hbm>> -> memref<2x8x128xf32, #tpu.memory_space<hbm>>
    tpu.enqueue_dma source(%dma_start3A_290 : memref<2x8x128xf32, #tpu.memory_space<hbm>>) target(%dma_start3A_287 : memref<2x8x128xf32, #tpu.memory_space<vmem>>) target_semaphore(%arg15 : memref<!tpu.dma_semaphore, #tpu.memory_space<semaphore_mem>>)
    %dma_start3A_291 = arith.constant 0 : i32
    %dma_start3A_292 = arith.constant 0 : i32
    %dma_start3A_293 = arith.constant 256 : i32
    %dma_start3A_294 = tpu.memref_slice %arg10[%dma_start3A_291, %dma_start3A_292, %dma_start3A_293] : memref<2x8x1024xf32, #tpu.memory_space<vmem>> -> memref<2x8x128xf32, #tpu.memory_space<vmem>>
    %dma_start3A_295 = arith.constant 0 : i32
    %dma_start3A_296 = arith.constant 0 : i32
    %dma_start3A_297 = tpu.memref_slice %arg5[%dma_start3A_295, %dma_start3A_296, %multiple_of3A_276] : memref<2x8x1000001xf32, #tpu.memory_space<hbm>> -> memref<2x8x128xf32, #tpu.memory_space<hbm>>
    %dma_start3A_298 = arith.constant 0 : i32
    %dma_start3A_299 = arith.constant 0 : i32
    %dma_start3A_300 = arith.constant 256 : i32
    %dma_start3A_301 = tpu.memref_slice %arg10[%dma_start3A_298, %dma_start3A_299, %dma_start3A_300] : memref<2x8x1024xf32, #tpu.memory_space<vmem>> -> memref<2x8x128xf32, #tpu.memory_space<vmem>>
    %dma_start3A_302 = arith.constant 0 : i32
    %dma_start3A_303 = arith.constant 0 : i32
    %dma_start3A_304 = tpu.memref_slice %arg5[%dma_start3A_302, %dma_start3A_303, %multiple_of3A_276] : memref<2x8x1000001xf32, #tpu.memory_space<hbm>> -> memref<2x8x128xf32, #tpu.memory_space<hbm>>
    tpu.enqueue_dma source(%dma_start3A_304 : memref<2x8x128xf32, #tpu.memory_space<hbm>>) target(%dma_start3A_301 : memref<2x8x128xf32, #tpu.memory_space<vmem>>) target_semaphore(%arg15 : memref<!tpu.dma_semaphore, #tpu.memory_space<semaphore_mem>>)
    %slice3A_305 = vector.extract_strided_slice %get3A_46 {offsets = [3], sizes = [1], strides = [1]} : vector<16xi32> to vector<1xi32>
    %squeeze3A_306 = vector.extract %slice3A_305[0] : i32 from vector<1xi32>
    %jit3A_307 = arith.constant 128 : i32
    %div3A_308 = arith.divsi %squeeze3A_306, %jit3A_307 : i32
    %sign3A_309 = arith.constant 0 : i32
    %sign3A_310 = arith.cmpi sgt, %squeeze3A_306, %sign3A_309 : i32
    %sign3A_311 = arith.extui %sign3A_310 : i1 to i32
    %sign3A_312 = arith.constant 0 : i32
    %sign3A_313 = arith.cmpi slt, %squeeze3A_306, %sign3A_312 : i32
    %sign3A_314 = arith.extui %sign3A_313 : i1 to i32
    %sign3A_315 = arith.subi %sign3A_311, %sign3A_314 : i32
    %sign3A_316 = arith.constant 0 : i32
    %sign3A_317 = arith.cmpi sgt, %jit3A_307, %sign3A_316 : i32
    %sign3A_318 = arith.extui %sign3A_317 : i1 to i32
    %sign3A_319 = arith.constant 0 : i32
    %sign3A_320 = arith.cmpi slt, %jit3A_307, %sign3A_319 : i32
    %sign3A_321 = arith.extui %sign3A_320 : i1 to i32
    %sign3A_322 = arith.subi %sign3A_318, %sign3A_321 : i32
    %ne3A_323 = arith.cmpi ne, %sign3A_315, %sign3A_322 : i32
    %rem3A_324 = arith.remsi %squeeze3A_306, %jit3A_307 : i32
    %ne3A_325 = arith.constant 0 : i32
    %ne3A_326 = arith.cmpi ne, %rem3A_324, %ne3A_325 : i32
    %and3A_327 = arith.andi %ne3A_323, %ne3A_326 : i1
    %sub3A_328 = arith.constant 1 : i32
    %sub3A_329 = arith.subi %div3A_308, %sub3A_328 : i32
    %select_n3A_330 = arith.select %and3A_327, %sub3A_329, %div3A_308 : i32
    %mul3A_331 = arith.constant 128 : i32
    %mul3A_332 = arith.muli %select_n3A_330, %mul3A_331 : i32
    %multiple_of3A_333 = tpu.assume_multiple %mul3A_332, 128 : i32
    %slice3A_334 = vector.extract_strided_slice %get3A_50 {offsets = [3], sizes = [1], strides = [1]} : vector<16xi32> to vector<1xi32>
    %squeeze3A_335 = vector.extract %slice3A_334[0] : i32 from vector<1xi32>
    %jit3A_336 = arith.constant 128 : i32
    %div3A_337 = arith.divsi %squeeze3A_335, %jit3A_336 : i32
    %sign3A_338 = arith.constant 0 : i32
    %sign3A_339 = arith.cmpi sgt, %squeeze3A_335, %sign3A_338 : i32
    %sign3A_340 = arith.extui %sign3A_339 : i1 to i32
    %sign3A_341 = arith.constant 0 : i32
    %sign3A_342 = arith.cmpi slt, %squeeze3A_335, %sign3A_341 : i32
    %sign3A_343 = arith.extui %sign3A_342 : i1 to i32
    %sign3A_344 = arith.subi %sign3A_340, %sign3A_343 : i32
    %sign3A_345 = arith.constant 0 : i32
    %sign3A_346 = arith.cmpi sgt, %jit3A_336, %sign3A_345 : i32
    %sign3A_347 = arith.extui %sign3A_346 : i1 to i32
    %sign3A_348 = arith.constant 0 : i32
    %sign3A_349 = arith.cmpi slt, %jit3A_336, %sign3A_348 : i32
    %sign3A_350 = arith.extui %sign3A_349 : i1 to i32
    %sign3A_351 = arith.subi %sign3A_347, %sign3A_350 : i32
    %ne3A_352 = arith.cmpi ne, %sign3A_344, %sign3A_351 : i32
    %rem3A_353 = arith.remsi %squeeze3A_335, %jit3A_336 : i32
    %ne3A_354 = arith.constant 0 : i32
    %ne3A_355 = arith.cmpi ne, %rem3A_353, %ne3A_354 : i32
    %and3A_356 = arith.andi %ne3A_352, %ne3A_355 : i1
    %sub3A_357 = arith.constant 1 : i32
    %sub3A_358 = arith.subi %div3A_337, %sub3A_357 : i32
    %select_n3A_359 = arith.select %and3A_356, %sub3A_358, %div3A_337 : i32
    %mul3A_360 = arith.constant 128 : i32
    %mul3A_361 = arith.muli %select_n3A_359, %mul3A_360 : i32
    %multiple_of3A_362 = tpu.assume_multiple %mul3A_361, 128 : i32
    %dma_start3A_363 = arith.constant 0 : i32
    %dma_start3A_364 = arith.constant 0 : i32
    %dma_start3A_365 = arith.constant 384 : i32
    %dma_start3A_366 = tpu.memref_slice %arg9[%dma_start3A_363, %dma_start3A_364, %dma_start3A_365] : memref<2x8x1024xf32, #tpu.memory_space<vmem>> -> memref<2x8x128xf32, #tpu.memory_space<vmem>>
    %dma_start3A_367 = arith.constant 0 : i32
    %dma_start3A_368 = arith.constant 0 : i32
    %dma_start3A_369 = tpu.memref_slice %arg4[%dma_start3A_367, %dma_start3A_368, %multiple_of3A_333] : memref<2x8x1000001xf32, #tpu.memory_space<hbm>> -> memref<2x8x128xf32, #tpu.memory_space<hbm>>
    %dma_start3A_370 = arith.constant 0 : i32
    %dma_start3A_371 = arith.constant 0 : i32
    %dma_start3A_372 = arith.constant 384 : i32
    %dma_start3A_373 = tpu.memref_slice %arg9[%dma_start3A_370, %dma_start3A_371, %dma_start3A_372] : memref<2x8x1024xf32, #tpu.memory_space<vmem>> -> memref<2x8x128xf32, #tpu.memory_space<vmem>>
    %dma_start3A_374 = arith.constant 0 : i32
    %dma_start3A_375 = arith.constant 0 : i32
    %dma_start3A_376 = tpu.memref_slice %arg4[%dma_start3A_374, %dma_start3A_375, %multiple_of3A_333] : memref<2x8x1000001xf32, #tpu.memory_space<hbm>> -> memref<2x8x128xf32, #tpu.memory_space<hbm>>
    tpu.enqueue_dma source(%dma_start3A_376 : memref<2x8x128xf32, #tpu.memory_space<hbm>>) target(%dma_start3A_373 : memref<2x8x128xf32, #tpu.memory_space<vmem>>) target_semaphore(%arg15 : memref<!tpu.dma_semaphore, #tpu.memory_space<semaphore_mem>>)
    %dma_start3A_377 = arith.constant 0 : i32
    %dma_start3A_378 = arith.constant 0 : i32
    %dma_start3A_379 = arith.constant 384 : i32
    %dma_start3A_380 = tpu.memref_slice %arg10[%dma_start3A_377, %dma_start3A_378, %dma_start3A_379] : memref<2x8x1024xf32, #tpu.memory_space<vmem>> -> memref<2x8x128xf32, #tpu.memory_space<vmem>>
    %dma_start3A_381 = arith.constant 0 : i32
    %dma_start3A_382 = arith.constant 0 : i32
    %dma_start3A_383 = tpu.memref_slice %arg5[%dma_start3A_381, %dma_start3A_382, %multiple_of3A_362] : memref<2x8x1000001xf32, #tpu.memory_space<hbm>> -> memref<2x8x128xf32, #tpu.memory_space<hbm>>
    %dma_start3A_384 = arith.constant 0 : i32
    %dma_start3A_385 = arith.constant 0 : i32
    %dma_start3A_386 = arith.constant 384 : i32
    %dma_start3A_387 = tpu.memref_slice %arg10[%dma_start3A_384, %dma_start3A_385, %dma_start3A_386] : memref<2x8x1024xf32, #tpu.memory_space<vmem>> -> memref<2x8x128xf32, #tpu.memory_space<vmem>>
    %dma_start3A_388 = arith.constant 0 : i32
    %dma_start3A_389 = arith.constant 0 : i32
    %dma_start3A_390 = tpu.memref_slice %arg5[%dma_start3A_388, %dma_start3A_389, %multiple_of3A_362] : memref<2x8x1000001xf32, #tpu.memory_space<hbm>> -> memref<2x8x128xf32, #tpu.memory_space<hbm>>
    tpu.enqueue_dma source(%dma_start3A_390 : memref<2x8x128xf32, #tpu.memory_space<hbm>>) target(%dma_start3A_387 : memref<2x8x128xf32, #tpu.memory_space<vmem>>) target_semaphore(%arg15 : memref<!tpu.dma_semaphore, #tpu.memory_space<semaphore_mem>>)
    %slice3A_391 = vector.extract_strided_slice %get3A_46 {offsets = [4], sizes = [1], strides = [1]} : vector<16xi32> to vector<1xi32>
    %squeeze3A_392 = vector.extract %slice3A_391[0] : i32 from vector<1xi32>
    %jit3A_393 = arith.constant 128 : i32
    %div3A_394 = arith.divsi %squeeze3A_392, %jit3A_393 : i32
    %sign3A_395 = arith.constant 0 : i32
    %sign3A_396 = arith.cmpi sgt, %squeeze3A_392, %sign3A_395 : i32
    %sign3A_397 = arith.extui %sign3A_396 : i1 to i32
    %sign3A_398 = arith.constant 0 : i32
    %sign3A_399 = arith.cmpi slt, %squeeze3A_392, %sign3A_398 : i32
    %sign3A_400 = arith.extui %sign3A_399 : i1 to i32
    %sign3A_401 = arith.subi %sign3A_397, %sign3A_400 : i32
    %sign3A_402 = arith.constant 0 : i32
    %sign3A_403 = arith.cmpi sgt, %jit3A_393, %sign3A_402 : i32
    %sign3A_404 = arith.extui %sign3A_403 : i1 to i32
    %sign3A_405 = arith.constant 0 : i32
    %sign3A_406 = arith.cmpi slt, %jit3A_393, %sign3A_405 : i32
    %sign3A_407 = arith.extui %sign3A_406 : i1 to i32
    %sign3A_408 = arith.subi %sign3A_404, %sign3A_407 : i32
    %ne3A_409 = arith.cmpi ne, %sign3A_401, %sign3A_408 : i32
    %rem3A_410 = arith.remsi %squeeze3A_392, %jit3A_393 : i32
    %ne3A_411 = arith.constant 0 : i32
    %ne3A_412 = arith.cmpi ne, %rem3A_410, %ne3A_411 : i32
    %and3A_413 = arith.andi %ne3A_409, %ne3A_412 : i1
    %sub3A_414 = arith.constant 1 : i32
    %sub3A_415 = arith.subi %div3A_394, %sub3A_414 : i32
    %select_n3A_416 = arith.select %and3A_413, %sub3A_415, %div3A_394 : i32
    %mul3A_417 = arith.constant 128 : i32
    %mul3A_418 = arith.muli %select_n3A_416, %mul3A_417 : i32
    %multiple_of3A_419 = tpu.assume_multiple %mul3A_418, 128 : i32
    %slice3A_420 = vector.extract_strided_slice %get3A_50 {offsets = [4], sizes = [1], strides = [1]} : vector<16xi32> to vector<1xi32>
    %squeeze3A_421 = vector.extract %slice3A_420[0] : i32 from vector<1xi32>
    %jit3A_422 = arith.constant 128 : i32
    %div3A_423 = arith.divsi %squeeze3A_421, %jit3A_422 : i32
    %sign3A_424 = arith.constant 0 : i32
    %sign3A_425 = arith.cmpi sgt, %squeeze3A_421, %sign3A_424 : i32
    %sign3A_426 = arith.extui %sign3A_425 : i1 to i32
    %sign3A_427 = arith.constant 0 : i32
    %sign3A_428 = arith.cmpi slt, %squeeze3A_421, %sign3A_427 : i32
    %sign3A_429 = arith.extui %sign3A_428 : i1 to i32
    %sign3A_430 = arith.subi %sign3A_426, %sign3A_429 : i32
    %sign3A_431 = arith.constant 0 : i32
    %sign3A_432 = arith.cmpi sgt, %jit3A_422, %sign3A_431 : i32
    %sign3A_433 = arith.extui %sign3A_432 : i1 to i32
    %sign3A_434 = arith.constant 0 : i32
    %sign3A_435 = arith.cmpi slt, %jit3A_422, %sign3A_434 : i32
    %sign3A_436 = arith.extui %sign3A_435 : i1 to i32
    %sign3A_437 = arith.subi %sign3A_433, %sign3A_436 : i32
    %ne3A_438 = arith.cmpi ne, %sign3A_430, %sign3A_437 : i32
    %rem3A_439 = arith.remsi %squeeze3A_421, %jit3A_422 : i32
    %ne3A_440 = arith.constant 0 : i32
    %ne3A_441 = arith.cmpi ne, %rem3A_439, %ne3A_440 : i32
    %and3A_442 = arith.andi %ne3A_438, %ne3A_441 : i1
    %sub3A_443 = arith.constant 1 : i32
    %sub3A_444 = arith.subi %div3A_423, %sub3A_443 : i32
    %select_n3A_445 = arith.select %and3A_442, %sub3A_444, %div3A_423 : i32
    %mul3A_446 = arith.constant 128 : i32
    %mul3A_447 = arith.muli %select_n3A_445, %mul3A_446 : i32
    %multiple_of3A_448 = tpu.assume_multiple %mul3A_447, 128 : i32
    %dma_start3A_449 = arith.constant 0 : i32
    %dma_start3A_450 = arith.constant 0 : i32
    %dma_start3A_451 = arith.constant 512 : i32
    %dma_start3A_452 = tpu.memref_slice %arg9[%dma_start3A_449, %dma_start3A_450, %dma_start3A_451] : memref<2x8x1024xf32, #tpu.memory_space<vmem>> -> memref<2x8x128xf32, #tpu.memory_space<vmem>>
    %dma_start3A_453 = arith.constant 0 : i32
    %dma_start3A_454 = arith.constant 0 : i32
    %dma_start3A_455 = tpu.memref_slice %arg4[%dma_start3A_453, %dma_start3A_454, %multiple_of3A_419] : memref<2x8x1000001xf32, #tpu.memory_space<hbm>> -> memref<2x8x128xf32, #tpu.memory_space<hbm>>
    %dma_start3A_456 = arith.constant 0 : i32
    %dma_start3A_457 = arith.constant 0 : i32
    %dma_start3A_458 = arith.constant 512 : i32
    %dma_start3A_459 = tpu.memref_slice %arg9[%dma_start3A_456, %dma_start3A_457, %dma_start3A_458] : memref<2x8x1024xf32, #tpu.memory_space<vmem>> -> memref<2x8x128xf32, #tpu.memory_space<vmem>>
    %dma_start3A_460 = arith.constant 0 : i32
    %dma_start3A_461 = arith.constant 0 : i32
    %dma_start3A_462 = tpu.memref_slice %arg4[%dma_start3A_460, %dma_start3A_461, %multiple_of3A_419] : memref<2x8x1000001xf32, #tpu.memory_space<hbm>> -> memref<2x8x128xf32, #tpu.memory_space<hbm>>
    tpu.enqueue_dma source(%dma_start3A_462 : memref<2x8x128xf32, #tpu.memory_space<hbm>>) target(%dma_start3A_459 : memref<2x8x128xf32, #tpu.memory_space<vmem>>) target_semaphore(%arg15 : memref<!tpu.dma_semaphore, #tpu.memory_space<semaphore_mem>>)
    %dma_start3A_463 = arith.constant 0 : i32
    %dma_start3A_464 = arith.constant 0 : i32
    %dma_start3A_465 = arith.constant 512 : i32
    %dma_start3A_466 = tpu.memref_slice %arg10[%dma_start3A_463, %dma_start3A_464, %dma_start3A_465] : memref<2x8x1024xf32, #tpu.memory_space<vmem>> -> memref<2x8x128xf32, #tpu.memory_space<vmem>>
    %dma_start3A_467 = arith.constant 0 : i32
    %dma_start3A_468 = arith.constant 0 : i32
    %dma_start3A_469 = tpu.memref_slice %arg5[%dma_start3A_467, %dma_start3A_468, %multiple_of3A_448] : memref<2x8x1000001xf32, #tpu.memory_space<hbm>> -> memref<2x8x128xf32, #tpu.memory_space<hbm>>
    %dma_start3A_470 = arith.constant 0 : i32
    %dma_start3A_471 = arith.constant 0 : i32
    %dma_start3A_472 = arith.constant 512 : i32
    %dma_start3A_473 = tpu.memref_slice %arg10[%dma_start3A_470, %dma_start3A_471, %dma_start3A_472] : memref<2x8x1024xf32, #tpu.memory_space<vmem>> -> memref<2x8x128xf32, #tpu.memory_space<vmem>>
    %dma_start3A_474 = arith.constant 0 : i32
    %dma_start3A_475 = arith.constant 0 : i32
    %dma_start3A_476 = tpu.memref_slice %arg5[%dma_start3A_474, %dma_start3A_475, %multiple_of3A_448] : memref<2x8x1000001xf32, #tpu.memory_space<hbm>> -> memref<2x8x128xf32, #tpu.memory_space<hbm>>
    tpu.enqueue_dma source(%dma_start3A_476 : memref<2x8x128xf32, #tpu.memory_space<hbm>>) target(%dma_start3A_473 : memref<2x8x128xf32, #tpu.memory_space<vmem>>) target_semaphore(%arg15 : memref<!tpu.dma_semaphore, #tpu.memory_space<semaphore_mem>>)
    %slice3A_477 = vector.extract_strided_slice %get3A_46 {offsets = [5], sizes = [1], strides = [1]} : vector<16xi32> to vector<1xi32>
    %squeeze3A_478 = vector.extract %slice3A_477[0] : i32 from vector<1xi32>
    %jit3A_479 = arith.constant 128 : i32
    %div3A_480 = arith.divsi %squeeze3A_478, %jit3A_479 : i32
    %sign3A_481 = arith.constant 0 : i32
    %sign3A_482 = arith.cmpi sgt, %squeeze3A_478, %sign3A_481 : i32
    %sign3A_483 = arith.extui %sign3A_482 : i1 to i32
    %sign3A_484 = arith.constant 0 : i32
    %sign3A_485 = arith.cmpi slt, %squeeze3A_478, %sign3A_484 : i32
    %sign3A_486 = arith.extui %sign3A_485 : i1 to i32
    %sign3A_487 = arith.subi %sign3A_483, %sign3A_486 : i32
    %sign3A_488 = arith.constant 0 : i32
    %sign3A_489 = arith.cmpi sgt, %jit3A_479, %sign3A_488 : i32
    %sign3A_490 = arith.extui %sign3A_489 : i1 to i32
    %sign3A_491 = arith.constant 0 : i32
    %sign3A_492 = arith.cmpi slt, %jit3A_479, %sign3A_491 : i32
    %sign3A_493 = arith.extui %sign3A_492 : i1 to i32
    %sign3A_494 = arith.subi %sign3A_490, %sign3A_493 : i32
    %ne3A_495 = arith.cmpi ne, %sign3A_487, %sign3A_494 : i32
    %rem3A_496 = arith.remsi %squeeze3A_478, %jit3A_479 : i32
    %ne3A_497 = arith.constant 0 : i32
    %ne3A_498 = arith.cmpi ne, %rem3A_496, %ne3A_497 : i32
    %and3A_499 = arith.andi %ne3A_495, %ne3A_498 : i1
    %sub3A_500 = arith.constant 1 : i32
    %sub3A_501 = arith.subi %div3A_480, %sub3A_500 : i32
    %select_n3A_502 = arith.select %and3A_499, %sub3A_501, %div3A_480 : i32
    %mul3A_503 = arith.constant 128 : i32
    %mul3A_504 = arith.muli %select_n3A_502, %mul3A_503 : i32
    %multiple_of3A_505 = tpu.assume_multiple %mul3A_504, 128 : i32
    %slice3A_506 = vector.extract_strided_slice %get3A_50 {offsets = [5], sizes = [1], strides = [1]} : vector<16xi32> to vector<1xi32>
    %squeeze3A_507 = vector.extract %slice3A_506[0] : i32 from vector<1xi32>
    %jit3A_508 = arith.constant 128 : i32
    %div3A_509 = arith.divsi %squeeze3A_507, %jit3A_508 : i32
    %sign3A_510 = arith.constant 0 : i32
    %sign3A_511 = arith.cmpi sgt, %squeeze3A_507, %sign3A_510 : i32
    %sign3A_512 = arith.extui %sign3A_511 : i1 to i32
    %sign3A_513 = arith.constant 0 : i32
    %sign3A_514 = arith.cmpi slt, %squeeze3A_507, %sign3A_513 : i32
    %sign3A_515 = arith.extui %sign3A_514 : i1 to i32
    %sign3A_516 = arith.subi %sign3A_512, %sign3A_515 : i32
    %sign3A_517 = arith.constant 0 : i32
    %sign3A_518 = arith.cmpi sgt, %jit3A_508, %sign3A_517 : i32
    %sign3A_519 = arith.extui %sign3A_518 : i1 to i32
    %sign3A_520 = arith.constant 0 : i32
    %sign3A_521 = arith.cmpi slt, %jit3A_508, %sign3A_520 : i32
    %sign3A_522 = arith.extui %sign3A_521 : i1 to i32
    %sign3A_523 = arith.subi %sign3A_519, %sign3A_522 : i32
    %ne3A_524 = arith.cmpi ne, %sign3A_516, %sign3A_523 : i32
    %rem3A_525 = arith.remsi %squeeze3A_507, %jit3A_508 : i32
    %ne3A_526 = arith.constant 0 : i32
    %ne3A_527 = arith.cmpi ne, %rem3A_525, %ne3A_526 : i32
    %and3A_528 = arith.andi %ne3A_524, %ne3A_527 : i1
    %sub3A_529 = arith.constant 1 : i32
    %sub3A_530 = arith.subi %div3A_509, %sub3A_529 : i32
    %select_n3A_531 = arith.select %and3A_528, %sub3A_530, %div3A_509 : i32
    %mul3A_532 = arith.constant 128 : i32
    %mul3A_533 = arith.muli %select_n3A_531, %mul3A_532 : i32
    %multiple_of3A_534 = tpu.assume_multiple %mul3A_533, 128 : i32
    %dma_start3A_535 = arith.constant 0 : i32
    %dma_start3A_536 = arith.constant 0 : i32
    %dma_start3A_537 = arith.constant 640 : i32
    %dma_start3A_538 = tpu.memref_slice %arg9[%dma_start3A_535, %dma_start3A_536, %dma_start3A_537] : memref<2x8x1024xf32, #tpu.memory_space<vmem>> -> memref<2x8x128xf32, #tpu.memory_space<vmem>>
    %dma_start3A_539 = arith.constant 0 : i32
    %dma_start3A_540 = arith.constant 0 : i32
    %dma_start3A_541 = tpu.memref_slice %arg4[%dma_start3A_539, %dma_start3A_540, %multiple_of3A_505] : memref<2x8x1000001xf32, #tpu.memory_space<hbm>> -> memref<2x8x128xf32, #tpu.memory_space<hbm>>
    %dma_start3A_542 = arith.constant 0 : i32
    %dma_start3A_543 = arith.constant 0 : i32
    %dma_start3A_544 = arith.constant 640 : i32
    %dma_start3A_545 = tpu.memref_slice %arg9[%dma_start3A_542, %dma_start3A_543, %dma_start3A_544] : memref<2x8x1024xf32, #tpu.memory_space<vmem>> -> memref<2x8x128xf32, #tpu.memory_space<vmem>>
    %dma_start3A_546 = arith.constant 0 : i32
    %dma_start3A_547 = arith.constant 0 : i32
    %dma_start3A_548 = tpu.memref_slice %arg4[%dma_start3A_546, %dma_start3A_547, %multiple_of3A_505] : memref<2x8x1000001xf32, #tpu.memory_space<hbm>> -> memref<2x8x128xf32, #tpu.memory_space<hbm>>
    tpu.enqueue_dma source(%dma_start3A_548 : memref<2x8x128xf32, #tpu.memory_space<hbm>>) target(%dma_start3A_545 : memref<2x8x128xf32, #tpu.memory_space<vmem>>) target_semaphore(%arg15 : memref<!tpu.dma_semaphore, #tpu.memory_space<semaphore_mem>>)
    %dma_start3A_549 = arith.constant 0 : i32
    %dma_start3A_550 = arith.constant 0 : i32
    %dma_start3A_551 = arith.constant 640 : i32
    %dma_start3A_552 = tpu.memref_slice %arg10[%dma_start3A_549, %dma_start3A_550, %dma_start3A_551] : memref<2x8x1024xf32, #tpu.memory_space<vmem>> -> memref<2x8x128xf32, #tpu.memory_space<vmem>>
    %dma_start3A_553 = arith.constant 0 : i32
    %dma_start3A_554 = arith.constant 0 : i32
    %dma_start3A_555 = tpu.memref_slice %arg5[%dma_start3A_553, %dma_start3A_554, %multiple_of3A_534] : memref<2x8x1000001xf32, #tpu.memory_space<hbm>> -> memref<2x8x128xf32, #tpu.memory_space<hbm>>
    %dma_start3A_556 = arith.constant 0 : i32
    %dma_start3A_557 = arith.constant 0 : i32
    %dma_start3A_558 = arith.constant 640 : i32
    %dma_start3A_559 = tpu.memref_slice %arg10[%dma_start3A_556, %dma_start3A_557, %dma_start3A_558] : memref<2x8x1024xf32, #tpu.memory_space<vmem>> -> memref<2x8x128xf32, #tpu.memory_space<vmem>>
    %dma_start3A_560 = arith.constant 0 : i32
    %dma_start3A_561 = arith.constant 0 : i32
    %dma_start3A_562 = tpu.memref_slice %arg5[%dma_start3A_560, %dma_start3A_561, %multiple_of3A_534] : memref<2x8x1000001xf32, #tpu.memory_space<hbm>> -> memref<2x8x128xf32, #tpu.memory_space<hbm>>
    tpu.enqueue_dma source(%dma_start3A_562 : memref<2x8x128xf32, #tpu.memory_space<hbm>>) target(%dma_start3A_559 : memref<2x8x128xf32, #tpu.memory_space<vmem>>) target_semaphore(%arg15 : memref<!tpu.dma_semaphore, #tpu.memory_space<semaphore_mem>>)
    %slice3A_563 = vector.extract_strided_slice %get3A_46 {offsets = [6], sizes = [1], strides = [1]} : vector<16xi32> to vector<1xi32>
    %squeeze3A_564 = vector.extract %slice3A_563[0] : i32 from vector<1xi32>
    %jit3A_565 = arith.constant 128 : i32
    %div3A_566 = arith.divsi %squeeze3A_564, %jit3A_565 : i32
    %sign3A_567 = arith.constant 0 : i32
    %sign3A_568 = arith.cmpi sgt, %squeeze3A_564, %sign3A_567 : i32
    %sign3A_569 = arith.extui %sign3A_568 : i1 to i32
    %sign3A_570 = arith.constant 0 : i32
    %sign3A_571 = arith.cmpi slt, %squeeze3A_564, %sign3A_570 : i32
    %sign3A_572 = arith.extui %sign3A_571 : i1 to i32
    %sign3A_573 = arith.subi %sign3A_569, %sign3A_572 : i32
    %sign3A_574 = arith.constant 0 : i32
    %sign3A_575 = arith.cmpi sgt, %jit3A_565, %sign3A_574 : i32
    %sign3A_576 = arith.extui %sign3A_575 : i1 to i32
    %sign3A_577 = arith.constant 0 : i32
    %sign3A_578 = arith.cmpi slt, %jit3A_565, %sign3A_577 : i32
    %sign3A_579 = arith.extui %sign3A_578 : i1 to i32
    %sign3A_580 = arith.subi %sign3A_576, %sign3A_579 : i32
    %ne3A_581 = arith.cmpi ne, %sign3A_573, %sign3A_580 : i32
    %rem3A_582 = arith.remsi %squeeze3A_564, %jit3A_565 : i32
    %ne3A_583 = arith.constant 0 : i32
    %ne3A_584 = arith.cmpi ne, %rem3A_582, %ne3A_583 : i32
    %and3A_585 = arith.andi %ne3A_581, %ne3A_584 : i1
    %sub3A_586 = arith.constant 1 : i32
    %sub3A_587 = arith.subi %div3A_566, %sub3A_586 : i32
    %select_n3A_588 = arith.select %and3A_585, %sub3A_587, %div3A_566 : i32
    %mul3A_589 = arith.constant 128 : i32
    %mul3A_590 = arith.muli %select_n3A_588, %mul3A_589 : i32
    %multiple_of3A_591 = tpu.assume_multiple %mul3A_590, 128 : i32
    %slice3A_592 = vector.extract_strided_slice %get3A_50 {offsets = [6], sizes = [1], strides = [1]} : vector<16xi32> to vector<1xi32>
    %squeeze3A_593 = vector.extract %slice3A_592[0] : i32 from vector<1xi32>
    %jit3A_594 = arith.constant 128 : i32
    %div3A_595 = arith.divsi %squeeze3A_593, %jit3A_594 : i32
    %sign3A_596 = arith.constant 0 : i32
    %sign3A_597 = arith.cmpi sgt, %squeeze3A_593, %sign3A_596 : i32
    %sign3A_598 = arith.extui %sign3A_597 : i1 to i32
    %sign3A_599 = arith.constant 0 : i32
    %sign3A_600 = arith.cmpi slt, %squeeze3A_593, %sign3A_599 : i32
    %sign3A_601 = arith.extui %sign3A_600 : i1 to i32
    %sign3A_602 = arith.subi %sign3A_598, %sign3A_601 : i32
    %sign3A_603 = arith.constant 0 : i32
    %sign3A_604 = arith.cmpi sgt, %jit3A_594, %sign3A_603 : i32
    %sign3A_605 = arith.extui %sign3A_604 : i1 to i32
    %sign3A_606 = arith.constant 0 : i32
    %sign3A_607 = arith.cmpi slt, %jit3A_594, %sign3A_606 : i32
    %sign3A_608 = arith.extui %sign3A_607 : i1 to i32
    %sign3A_609 = arith.subi %sign3A_605, %sign3A_608 : i32
    %ne3A_610 = arith.cmpi ne, %sign3A_602, %sign3A_609 : i32
    %rem3A_611 = arith.remsi %squeeze3A_593, %jit3A_594 : i32
    %ne3A_612 = arith.constant 0 : i32
    %ne3A_613 = arith.cmpi ne, %rem3A_611, %ne3A_612 : i32
    %and3A_614 = arith.andi %ne3A_610, %ne3A_613 : i1
    %sub3A_615 = arith.constant 1 : i32
    %sub3A_616 = arith.subi %div3A_595, %sub3A_615 : i32
    %select_n3A_617 = arith.select %and3A_614, %sub3A_616, %div3A_595 : i32
    %mul3A_618 = arith.constant 128 : i32
    %mul3A_619 = arith.muli %select_n3A_617, %mul3A_618 : i32
    %multiple_of3A_620 = tpu.assume_multiple %mul3A_619, 128 : i32
    %dma_start3A_621 = arith.constant 0 : i32
    %dma_start3A_622 = arith.constant 0 : i32
    %dma_start3A_623 = arith.constant 768 : i32
    %dma_start3A_624 = tpu.memref_slice %arg9[%dma_start3A_621, %dma_start3A_622, %dma_start3A_623] : memref<2x8x1024xf32, #tpu.memory_space<vmem>> -> memref<2x8x128xf32, #tpu.memory_space<vmem>>
    %dma_start3A_625 = arith.constant 0 : i32
    %dma_start3A_626 = arith.constant 0 : i32
    %dma_start3A_627 = tpu.memref_slice %arg4[%dma_start3A_625, %dma_start3A_626, %multiple_of3A_591] : memref<2x8x1000001xf32, #tpu.memory_space<hbm>> -> memref<2x8x128xf32, #tpu.memory_space<hbm>>
    %dma_start3A_628 = arith.constant 0 : i32
    %dma_start3A_629 = arith.constant 0 : i32
    %dma_start3A_630 = arith.constant 768 : i32
    %dma_start3A_631 = tpu.memref_slice %arg9[%dma_start3A_628, %dma_start3A_629, %dma_start3A_630] : memref<2x8x1024xf32, #tpu.memory_space<vmem>> -> memref<2x8x128xf32, #tpu.memory_space<vmem>>
    %dma_start3A_632 = arith.constant 0 : i32
    %dma_start3A_633 = arith.constant 0 : i32
    %dma_start3A_634 = tpu.memref_slice %arg4[%dma_start3A_632, %dma_start3A_633, %multiple_of3A_591] : memref<2x8x1000001xf32, #tpu.memory_space<hbm>> -> memref<2x8x128xf32, #tpu.memory_space<hbm>>
    tpu.enqueue_dma source(%dma_start3A_634 : memref<2x8x128xf32, #tpu.memory_space<hbm>>) target(%dma_start3A_631 : memref<2x8x128xf32, #tpu.memory_space<vmem>>) target_semaphore(%arg15 : memref<!tpu.dma_semaphore, #tpu.memory_space<semaphore_mem>>)
    %dma_start3A_635 = arith.constant 0 : i32
    %dma_start3A_636 = arith.constant 0 : i32
    %dma_start3A_637 = arith.constant 768 : i32
    %dma_start3A_638 = tpu.memref_slice %arg10[%dma_start3A_635, %dma_start3A_636, %dma_start3A_637] : memref<2x8x1024xf32, #tpu.memory_space<vmem>> -> memref<2x8x128xf32, #tpu.memory_space<vmem>>
    %dma_start3A_639 = arith.constant 0 : i32
    %dma_start3A_640 = arith.constant 0 : i32
    %dma_start3A_641 = tpu.memref_slice %arg5[%dma_start3A_639, %dma_start3A_640, %multiple_of3A_620] : memref<2x8x1000001xf32, #tpu.memory_space<hbm>> -> memref<2x8x128xf32, #tpu.memory_space<hbm>>
    %dma_start3A_642 = arith.constant 0 : i32
    %dma_start3A_643 = arith.constant 0 : i32
    %dma_start3A_644 = arith.constant 768 : i32
    %dma_start3A_645 = tpu.memref_slice %arg10[%dma_start3A_642, %dma_start3A_643, %dma_start3A_644] : memref<2x8x1024xf32, #tpu.memory_space<vmem>> -> memref<2x8x128xf32, #tpu.memory_space<vmem>>
    %dma_start3A_646 = arith.constant 0 : i32
    %dma_start3A_647 = arith.constant 0 : i32
    %dma_start3A_648 = tpu.memref_slice %arg5[%dma_start3A_646, %dma_start3A_647, %multiple_of3A_620] : memref<2x8x1000001xf32, #tpu.memory_space<hbm>> -> memref<2x8x128xf32, #tpu.memory_space<hbm>>
    tpu.enqueue_dma source(%dma_start3A_648 : memref<2x8x128xf32, #tpu.memory_space<hbm>>) target(%dma_start3A_645 : memref<2x8x128xf32, #tpu.memory_space<vmem>>) target_semaphore(%arg15 : memref<!tpu.dma_semaphore, #tpu.memory_space<semaphore_mem>>)
    %slice3A_649 = vector.extract_strided_slice %get3A_46 {offsets = [7], sizes = [1], strides = [1]} : vector<16xi32> to vector<1xi32>
    %squeeze3A_650 = vector.extract %slice3A_649[0] : i32 from vector<1xi32>
    %jit3A_651 = arith.constant 128 : i32
    %div3A_652 = arith.divsi %squeeze3A_650, %jit3A_651 : i32
    %sign3A_653 = arith.constant 0 : i32
    %sign3A_654 = arith.cmpi sgt, %squeeze3A_650, %sign3A_653 : i32
    %sign3A_655 = arith.extui %sign3A_654 : i1 to i32
    %sign3A_656 = arith.constant 0 : i32
    %sign3A_657 = arith.cmpi slt, %squeeze3A_650, %sign3A_656 : i32
    %sign3A_658 = arith.extui %sign3A_657 : i1 to i32
    %sign3A_659 = arith.subi %sign3A_655, %sign3A_658 : i32
    %sign3A_660 = arith.constant 0 : i32
    %sign3A_661 = arith.cmpi sgt, %jit3A_651, %sign3A_660 : i32
    %sign3A_662 = arith.extui %sign3A_661 : i1 to i32
    %sign3A_663 = arith.constant 0 : i32
    %sign3A_664 = arith.cmpi slt, %jit3A_651, %sign3A_663 : i32
    %sign3A_665 = arith.extui %sign3A_664 : i1 to i32
    %sign3A_666 = arith.subi %sign3A_662, %sign3A_665 : i32
    %ne3A_667 = arith.cmpi ne, %sign3A_659, %sign3A_666 : i32
    %rem3A_668 = arith.remsi %squeeze3A_650, %jit3A_651 : i32
    %ne3A_669 = arith.constant 0 : i32
    %ne3A_670 = arith.cmpi ne, %rem3A_668, %ne3A_669 : i32
    %and3A_671 = arith.andi %ne3A_667, %ne3A_670 : i1
    %sub3A_672 = arith.constant 1 : i32
    %sub3A_673 = arith.subi %div3A_652, %sub3A_672 : i32
    %select_n3A_674 = arith.select %and3A_671, %sub3A_673, %div3A_652 : i32
    %mul3A_675 = arith.constant 128 : i32
    %mul3A_676 = arith.muli %select_n3A_674, %mul3A_675 : i32
    %multiple_of3A_677 = tpu.assume_multiple %mul3A_676, 128 : i32
    %slice3A_678 = vector.extract_strided_slice %get3A_50 {offsets = [7], sizes = [1], strides = [1]} : vector<16xi32> to vector<1xi32>
    %squeeze3A_679 = vector.extract %slice3A_678[0] : i32 from vector<1xi32>
    %jit3A_680 = arith.constant 128 : i32
    %div3A_681 = arith.divsi %squeeze3A_679, %jit3A_680 : i32
    %sign3A_682 = arith.constant 0 : i32
    %sign3A_683 = arith.cmpi sgt, %squeeze3A_679, %sign3A_682 : i32
    %sign3A_684 = arith.extui %sign3A_683 : i1 to i32
    %sign3A_685 = arith.constant 0 : i32
    %sign3A_686 = arith.cmpi slt, %squeeze3A_679, %sign3A_685 : i32
    %sign3A_687 = arith.extui %sign3A_686 : i1 to i32
    %sign3A_688 = arith.subi %sign3A_684, %sign3A_687 : i32
    %sign3A_689 = arith.constant 0 : i32
    %sign3A_690 = arith.cmpi sgt, %jit3A_680, %sign3A_689 : i32
    %sign3A_691 = arith.extui %sign3A_690 : i1 to i32
    %sign3A_692 = arith.constant 0 : i32
    %sign3A_693 = arith.cmpi slt, %jit3A_680, %sign3A_692 : i32
    %sign3A_694 = arith.extui %sign3A_693 : i1 to i32
    %sign3A_695 = arith.subi %sign3A_691, %sign3A_694 : i32
    %ne3A_696 = arith.cmpi ne, %sign3A_688, %sign3A_695 : i32
    %rem3A_697 = arith.remsi %squeeze3A_679, %jit3A_680 : i32
    %ne3A_698 = arith.constant 0 : i32
    %ne3A_699 = arith.cmpi ne, %rem3A_697, %ne3A_698 : i32
    %and3A_700 = arith.andi %ne3A_696, %ne3A_699 : i1
    %sub3A_701 = arith.constant 1 : i32
    %sub3A_702 = arith.subi %div3A_681, %sub3A_701 : i32
    %select_n3A_703 = arith.select %and3A_700, %sub3A_702, %div3A_681 : i32
    %mul3A_704 = arith.constant 128 : i32
    %mul3A_705 = arith.muli %select_n3A_703, %mul3A_704 : i32
    %multiple_of3A_706 = tpu.assume_multiple %mul3A_705, 128 : i32
    %dma_start3A_707 = arith.constant 0 : i32
    %dma_start3A_708 = arith.constant 0 : i32
    %dma_start3A_709 = arith.constant 896 : i32
    %dma_start3A_710 = tpu.memref_slice %arg9[%dma_start3A_707, %dma_start3A_708, %dma_start3A_709] : memref<2x8x1024xf32, #tpu.memory_space<vmem>> -> memref<2x8x128xf32, #tpu.memory_space<vmem>>
    %dma_start3A_711 = arith.constant 0 : i32
    %dma_start3A_712 = arith.constant 0 : i32
    %dma_start3A_713 = tpu.memref_slice %arg4[%dma_start3A_711, %dma_start3A_712, %multiple_of3A_677] : memref<2x8x1000001xf32, #tpu.memory_space<hbm>> -> memref<2x8x128xf32, #tpu.memory_space<hbm>>
    %dma_start3A_714 = arith.constant 0 : i32
    %dma_start3A_715 = arith.constant 0 : i32
    %dma_start3A_716 = arith.constant 896 : i32
    %dma_start3A_717 = tpu.memref_slice %arg9[%dma_start3A_714, %dma_start3A_715, %dma_start3A_716] : memref<2x8x1024xf32, #tpu.memory_space<vmem>> -> memref<2x8x128xf32, #tpu.memory_space<vmem>>
    %dma_start3A_718 = arith.constant 0 : i32
    %dma_start3A_719 = arith.constant 0 : i32
    %dma_start3A_720 = tpu.memref_slice %arg4[%dma_start3A_718, %dma_start3A_719, %multiple_of3A_677] : memref<2x8x1000001xf32, #tpu.memory_space<hbm>> -> memref<2x8x128xf32, #tpu.memory_space<hbm>>
    tpu.enqueue_dma source(%dma_start3A_720 : memref<2x8x128xf32, #tpu.memory_space<hbm>>) target(%dma_start3A_717 : memref<2x8x128xf32, #tpu.memory_space<vmem>>) target_semaphore(%arg15 : memref<!tpu.dma_semaphore, #tpu.memory_space<semaphore_mem>>)
    %dma_start3A_721 = arith.constant 0 : i32
    %dma_start3A_722 = arith.constant 0 : i32
    %dma_start3A_723 = arith.constant 896 : i32
    %dma_start3A_724 = tpu.memref_slice %arg10[%dma_start3A_721, %dma_start3A_722, %dma_start3A_723] : memref<2x8x1024xf32, #tpu.memory_space<vmem>> -> memref<2x8x128xf32, #tpu.memory_space<vmem>>
    %dma_start3A_725 = arith.constant 0 : i32
    %dma_start3A_726 = arith.constant 0 : i32
    %dma_start3A_727 = tpu.memref_slice %arg5[%dma_start3A_725, %dma_start3A_726, %multiple_of3A_706] : memref<2x8x1000001xf32, #tpu.memory_space<hbm>> -> memref<2x8x128xf32, #tpu.memory_space<hbm>>
    %dma_start3A_728 = arith.constant 0 : i32
    %dma_start3A_729 = arith.constant 0 : i32
    %dma_start3A_730 = arith.constant 896 : i32
    %dma_start3A_731 = tpu.memref_slice %arg10[%dma_start3A_728, %dma_start3A_729, %dma_start3A_730] : memref<2x8x1024xf32, #tpu.memory_space<vmem>> -> memref<2x8x128xf32, #tpu.memory_space<vmem>>
    %dma_start3A_732 = arith.constant 0 : i32
    %dma_start3A_733 = arith.constant 0 : i32
    %dma_start3A_734 = tpu.memref_slice %arg5[%dma_start3A_732, %dma_start3A_733, %multiple_of3A_706] : memref<2x8x1000001xf32, #tpu.memory_space<hbm>> -> memref<2x8x128xf32, #tpu.memory_space<hbm>>
    tpu.enqueue_dma source(%dma_start3A_734 : memref<2x8x128xf32, #tpu.memory_space<hbm>>) target(%dma_start3A_731 : memref<2x8x128xf32, #tpu.memory_space<vmem>>) target_semaphore(%arg15 : memref<!tpu.dma_semaphore, #tpu.memory_space<semaphore_mem>>)
    %scan3A = arith.constant 0 : i32
    %scan3A_735 = arith.constant 0 : i32
    %scan3A_736 = arith.constant 32 : i32
    %scan3A_737 = arith.addi %scan3A_735, %scan3A_736 : i32
    %scan3A_738 = arith.constant 1 : i32
    scf.for %scan3A_740 = %scan3A_735 to %scan3A_737 step %scan3A_738  : i32 {
      %mul3A_741 = arith.constant 16 : i32
      %mul3A_742 = arith.muli %scan3A_740, %mul3A_741 : i32
      %get3A_743 = arith.constant 0 : i32
      %get3A_744 = arith.index_cast %get3A_743 : i32 to index
      %get3A_745 = arith.index_cast %mul3A_742 : i32 to index
      %get3A_746 = tpu.vector_load %arg7[%get3A_744, %get3A_745] {strides = array<i32>} : memref<1x512xi32, #tpu.memory_space<vmem>>, vector<16xi32>,
      %mul3A_747 = arith.constant 16 : i32
      %mul3A_748 = arith.muli %scan3A_740, %mul3A_747 : i32
      %get3A_749 = arith.constant 0 : i32
      %get3A_750 = arith.index_cast %get3A_749 : i32 to index
      %get3A_751 = arith.index_cast %mul3A_748 : i32 to index
      %get3A_752 = tpu.vector_load %arg8[%get3A_750, %get3A_751] {strides = array<i32>} : memref<1x512xi32, #tpu.memory_space<vmem>>, vector<16xi32>,
      %slice3A_753 = vector.extract_strided_slice %get3A_746 {offsets = [8], sizes = [1], strides = [1]} : vector<16xi32> to vector<1xi32>
      %squeeze3A_754 = vector.extract %slice3A_753[0] : i32 from vector<1xi32>
      %jit3A_755 = arith.constant 128 : i32
      %div3A_756 = arith.divsi %squeeze3A_754, %jit3A_755 : i32
      %sign3A_757 = arith.constant 0 : i32
      %sign3A_758 = arith.cmpi sgt, %squeeze3A_754, %sign3A_757 : i32
      %sign3A_759 = arith.extui %sign3A_758 : i1 to i32
      %sign3A_760 = arith.constant 0 : i32
      %sign3A_761 = arith.cmpi slt, %squeeze3A_754, %sign3A_760 : i32
      %sign3A_762 = arith.extui %sign3A_761 : i1 to i32
      %sign3A_763 = arith.subi %sign3A_759, %sign3A_762 : i32
      %sign3A_764 = arith.constant 0 : i32
      %sign3A_765 = arith.cmpi sgt, %jit3A_755, %sign3A_764 : i32
      %sign3A_766 = arith.extui %sign3A_765 : i1 to i32
      %sign3A_767 = arith.constant 0 : i32
      %sign3A_768 = arith.cmpi slt, %jit3A_755, %sign3A_767 : i32
      %sign3A_769 = arith.extui %sign3A_768 : i1 to i32
      %sign3A_770 = arith.subi %sign3A_766, %sign3A_769 : i32
      %ne3A_771 = arith.cmpi ne, %sign3A_763, %sign3A_770 : i32
      %rem3A_772 = arith.remsi %squeeze3A_754, %jit3A_755 : i32
      %ne3A_773 = arith.constant 0 : i32
      %ne3A_774 = arith.cmpi ne, %rem3A_772, %ne3A_773 : i32
      %and3A_775 = arith.andi %ne3A_771, %ne3A_774 : i1
      %sub3A_776 = arith.constant 1 : i32
      %sub3A_777 = arith.subi %div3A_756, %sub3A_776 : i32
      %select_n3A_778 = arith.select %and3A_775, %sub3A_777, %div3A_756 : i32
      %mul3A_779 = arith.constant 128 : i32
      %mul3A_780 = arith.muli %select_n3A_778, %mul3A_779 : i32
      %multiple_of3A_781 = tpu.assume_multiple %mul3A_780, 128 : i32
      %slice3A_782 = vector.extract_strided_slice %get3A_752 {offsets = [8], sizes = [1], strides = [1]} : vector<16xi32> to vector<1xi32>
      %squeeze3A_783 = vector.extract %slice3A_782[0] : i32 from vector<1xi32>
      %jit3A_784 = arith.constant 128 : i32
      %div3A_785 = arith.divsi %squeeze3A_783, %jit3A_784 : i32
      %sign3A_786 = arith.constant 0 : i32
      %sign3A_787 = arith.cmpi sgt, %squeeze3A_783, %sign3A_786 : i32
      %sign3A_788 = arith.extui %sign3A_787 : i1 to i32
      %sign3A_789 = arith.constant 0 : i32
      %sign3A_790 = arith.cmpi slt, %squeeze3A_783, %sign3A_789 : i32
      %sign3A_791 = arith.extui %sign3A_790 : i1 to i32
      %sign3A_792 = arith.subi %sign3A_788, %sign3A_791 : i32
      %sign3A_793 = arith.constant 0 : i32
      %sign3A_794 = arith.cmpi sgt, %jit3A_784, %sign3A_793 : i32
      %sign3A_795 = arith.extui %sign3A_794 : i1 to i32
      %sign3A_796 = arith.constant 0 : i32
      %sign3A_797 = arith.cmpi slt, %jit3A_784, %sign3A_796 : i32
      %sign3A_798 = arith.extui %sign3A_797 : i1 to i32
      %sign3A_799 = arith.subi %sign3A_795, %sign3A_798 : i32
      %ne3A_800 = arith.cmpi ne, %sign3A_792, %sign3A_799 : i32
      %rem3A_801 = arith.remsi %squeeze3A_783, %jit3A_784 : i32
      %ne3A_802 = arith.constant 0 : i32
      %ne3A_803 = arith.cmpi ne, %rem3A_801, %ne3A_802 : i32
      %and3A_804 = arith.andi %ne3A_800, %ne3A_803 : i1
      %sub3A_805 = arith.constant 1 : i32
      %sub3A_806 = arith.subi %div3A_785, %sub3A_805 : i32
      %select_n3A_807 = arith.select %and3A_804, %sub3A_806, %div3A_785 : i32
      %mul3A_808 = arith.constant 128 : i32
      %mul3A_809 = arith.muli %select_n3A_807, %mul3A_808 : i32
      %multiple_of3A_810 = tpu.assume_multiple %mul3A_809, 128 : i32
      %dma_start3A_811 = arith.constant 0 : i32
      %dma_start3A_812 = arith.constant 0 : i32
      %dma_start3A_813 = arith.constant 0 : i32
      %dma_start3A_814 = tpu.memref_slice %arg11[%dma_start3A_811, %dma_start3A_812, %dma_start3A_813] : memref<2x8x1024xf32, #tpu.memory_space<vmem>> -> memref<2x8x128xf32, #tpu.memory_space<vmem>>
      %dma_start3A_815 = arith.constant 0 : i32
      %dma_start3A_816 = arith.constant 0 : i32
      %dma_start3A_817 = tpu.memref_slice %arg4[%dma_start3A_815, %dma_start3A_816, %multiple_of3A_781] : memref<2x8x1000001xf32, #tpu.memory_space<hbm>> -> memref<2x8x128xf32, #tpu.memory_space<hbm>>
      %dma_start3A_818 = arith.constant 0 : i32
      %dma_start3A_819 = arith.constant 0 : i32
      %dma_start3A_820 = arith.constant 0 : i32
      %dma_start3A_821 = tpu.memref_slice %arg11[%dma_start3A_818, %dma_start3A_819, %dma_start3A_820] : memref<2x8x1024xf32, #tpu.memory_space<vmem>> -> memref<2x8x128xf32, #tpu.memory_space<vmem>>
      %dma_start3A_822 = arith.constant 0 : i32
      %dma_start3A_823 = arith.constant 0 : i32
      %dma_start3A_824 = tpu.memref_slice %arg4[%dma_start3A_822, %dma_start3A_823, %multiple_of3A_781] : memref<2x8x1000001xf32, #tpu.memory_space<hbm>> -> memref<2x8x128xf32, #tpu.memory_space<hbm>>
      tpu.enqueue_dma source(%dma_start3A_824 : memref<2x8x128xf32, #tpu.memory_space<hbm>>) target(%dma_start3A_821 : memref<2x8x128xf32, #tpu.memory_space<vmem>>) target_semaphore(%arg16 : memref<!tpu.dma_semaphore, #tpu.memory_space<semaphore_mem>>)
      %dma_start3A_825 = arith.constant 0 : i32
      %dma_start3A_826 = arith.constant 0 : i32
      %dma_start3A_827 = arith.constant 0 : i32
      %dma_start3A_828 = tpu.memref_slice %arg12[%dma_start3A_825, %dma_start3A_826, %dma_start3A_827] : memref<2x8x1024xf32, #tpu.memory_space<vmem>> -> memref<2x8x128xf32, #tpu.memory_space<vmem>>
      %dma_start3A_829 = arith.constant 0 : i32
      %dma_start3A_830 = arith.constant 0 : i32
      %dma_start3A_831 = tpu.memref_slice %arg5[%dma_start3A_829, %dma_start3A_830, %multiple_of3A_810] : memref<2x8x1000001xf32, #tpu.memory_space<hbm>> -> memref<2x8x128xf32, #tpu.memory_space<hbm>>
      %dma_start3A_832 = arith.constant 0 : i32
      %dma_start3A_833 = arith.constant 0 : i32
      %dma_start3A_834 = arith.constant 0 : i32
      %dma_start3A_835 = tpu.memref_slice %arg12[%dma_start3A_832, %dma_start3A_833, %dma_start3A_834] : memref<2x8x1024xf32, #tpu.memory_space<vmem>> -> memref<2x8x128xf32, #tpu.memory_space<vmem>>
      %dma_start3A_836 = arith.constant 0 : i32
      %dma_start3A_837 = arith.constant 0 : i32
      %dma_start3A_838 = tpu.memref_slice %arg5[%dma_start3A_836, %dma_start3A_837, %multiple_of3A_810] : memref<2x8x1000001xf32, #tpu.memory_space<hbm>> -> memref<2x8x128xf32, #tpu.memory_space<hbm>>
      tpu.enqueue_dma source(%dma_start3A_838 : memref<2x8x128xf32, #tpu.memory_space<hbm>>) target(%dma_start3A_835 : memref<2x8x128xf32, #tpu.memory_space<vmem>>) target_semaphore(%arg16 : memref<!tpu.dma_semaphore, #tpu.memory_space<semaphore_mem>>)
      %slice3A_839 = vector.extract_strided_slice %get3A_746 {offsets = [9], sizes = [1], strides = [1]} : vector<16xi32> to vector<1xi32>
      %squeeze3A_840 = vector.extract %slice3A_839[0] : i32 from vector<1xi32>
      %jit3A_841 = arith.constant 128 : i32
      %div3A_842 = arith.divsi %squeeze3A_840, %jit3A_841 : i32
      %sign3A_843 = arith.constant 0 : i32
      %sign3A_844 = arith.cmpi sgt, %squeeze3A_840, %sign3A_843 : i32
      %sign3A_845 = arith.extui %sign3A_844 : i1 to i32
      %sign3A_846 = arith.constant 0 : i32
      %sign3A_847 = arith.cmpi slt, %squeeze3A_840, %sign3A_846 : i32
      %sign3A_848 = arith.extui %sign3A_847 : i1 to i32
      %sign3A_849 = arith.subi %sign3A_845, %sign3A_848 : i32
      %sign3A_850 = arith.constant 0 : i32
      %sign3A_851 = arith.cmpi sgt, %jit3A_841, %sign3A_850 : i32
      %sign3A_852 = arith.extui %sign3A_851 : i1 to i32
      %sign3A_853 = arith.constant 0 : i32
      %sign3A_854 = arith.cmpi slt, %jit3A_841, %sign3A_853 : i32
      %sign3A_855 = arith.extui %sign3A_854 : i1 to i32
      %sign3A_856 = arith.subi %sign3A_852, %sign3A_855 : i32
      %ne3A_857 = arith.cmpi ne, %sign3A_849, %sign3A_856 : i32
      %rem3A_858 = arith.remsi %squeeze3A_840, %jit3A_841 : i32
      %ne3A_859 = arith.constant 0 : i32
      %ne3A_860 = arith.cmpi ne, %rem3A_858, %ne3A_859 : i32
      %and3A_861 = arith.andi %ne3A_857, %ne3A_860 : i1
      %sub3A_862 = arith.constant 1 : i32
      %sub3A_863 = arith.subi %div3A_842, %sub3A_862 : i32
      %select_n3A_864 = arith.select %and3A_861, %sub3A_863, %div3A_842 : i32
      %mul3A_865 = arith.constant 128 : i32
      %mul3A_866 = arith.muli %select_n3A_864, %mul3A_865 : i32
      %multiple_of3A_867 = tpu.assume_multiple %mul3A_866, 128 : i32
      %slice3A_868 = vector.extract_strided_slice %get3A_752 {offsets = [9], sizes = [1], strides = [1]} : vector<16xi32> to vector<1xi32>
      %squeeze3A_869 = vector.extract %slice3A_868[0] : i32 from vector<1xi32>
      %jit3A_870 = arith.constant 128 : i32
      %div3A_871 = arith.divsi %squeeze3A_869, %jit3A_870 : i32
      %sign3A_872 = arith.constant 0 : i32
      %sign3A_873 = arith.cmpi sgt, %squeeze3A_869, %sign3A_872 : i32
      %sign3A_874 = arith.extui %sign3A_873 : i1 to i32
      %sign3A_875 = arith.constant 0 : i32
      %sign3A_876 = arith.cmpi slt, %squeeze3A_869, %sign3A_875 : i32
      %sign3A_877 = arith.extui %sign3A_876 : i1 to i32
      %sign3A_878 = arith.subi %sign3A_874, %sign3A_877 : i32
      %sign3A_879 = arith.constant 0 : i32
      %sign3A_880 = arith.cmpi sgt, %jit3A_870, %sign3A_879 : i32
      %sign3A_881 = arith.extui %sign3A_880 : i1 to i32
      %sign3A_882 = arith.constant 0 : i32
      %sign3A_883 = arith.cmpi slt, %jit3A_870, %sign3A_882 : i32
      %sign3A_884 = arith.extui %sign3A_883 : i1 to i32
      %sign3A_885 = arith.subi %sign3A_881, %sign3A_884 : i32
      %ne3A_886 = arith.cmpi ne, %sign3A_878, %sign3A_885 : i32
      %rem3A_887 = arith.remsi %squeeze3A_869, %jit3A_870 : i32
      %ne3A_888 = arith.constant 0 : i32
      %ne3A_889 = arith.cmpi ne, %rem3A_887, %ne3A_888 : i32
      %and3A_890 = arith.andi %ne3A_886, %ne3A_889 : i1
      %sub3A_891 = arith.constant 1 : i32
      %sub3A_892 = arith.subi %div3A_871, %sub3A_891 : i32
      %select_n3A_893 = arith.select %and3A_890, %sub3A_892, %div3A_871 : i32
      %mul3A_894 = arith.constant 128 : i32
      %mul3A_895 = arith.muli %select_n3A_893, %mul3A_894 : i32
      %multiple_of3A_896 = tpu.assume_multiple %mul3A_895, 128 : i32
      %dma_start3A_897 = arith.constant 0 : i32
      %dma_start3A_898 = arith.constant 0 : i32
      %dma_start3A_899 = arith.constant 128 : i32
      %dma_start3A_900 = tpu.memref_slice %arg11[%dma_start3A_897, %dma_start3A_898, %dma_start3A_899] : memref<2x8x1024xf32, #tpu.memory_space<vmem>> -> memref<2x8x128xf32, #tpu.memory_space<vmem>>
      %dma_start3A_901 = arith.constant 0 : i32
      %dma_start3A_902 = arith.constant 0 : i32
      %dma_start3A_903 = tpu.memref_slice %arg4[%dma_start3A_901, %dma_start3A_902, %multiple_of3A_867] : memref<2x8x1000001xf32, #tpu.memory_space<hbm>> -> memref<2x8x128xf32, #tpu.memory_space<hbm>>
      %dma_start3A_904 = arith.constant 0 : i32
      %dma_start3A_905 = arith.constant 0 : i32
      %dma_start3A_906 = arith.constant 128 : i32
      %dma_start3A_907 = tpu.memref_slice %arg11[%dma_start3A_904, %dma_start3A_905, %dma_start3A_906] : memref<2x8x1024xf32, #tpu.memory_space<vmem>> -> memref<2x8x128xf32, #tpu.memory_space<vmem>>
      %dma_start3A_908 = arith.constant 0 : i32
      %dma_start3A_909 = arith.constant 0 : i32
      %dma_start3A_910 = tpu.memref_slice %arg4[%dma_start3A_908, %dma_start3A_909, %multiple_of3A_867] : memref<2x8x1000001xf32, #tpu.memory_space<hbm>> -> memref<2x8x128xf32, #tpu.memory_space<hbm>>
      tpu.enqueue_dma source(%dma_start3A_910 : memref<2x8x128xf32, #tpu.memory_space<hbm>>) target(%dma_start3A_907 : memref<2x8x128xf32, #tpu.memory_space<vmem>>) target_semaphore(%arg16 : memref<!tpu.dma_semaphore, #tpu.memory_space<semaphore_mem>>)
      %dma_start3A_911 = arith.constant 0 : i32
      %dma_start3A_912 = arith.constant 0 : i32
      %dma_start3A_913 = arith.constant 128 : i32
      %dma_start3A_914 = tpu.memref_slice %arg12[%dma_start3A_911, %dma_start3A_912, %dma_start3A_913] : memref<2x8x1024xf32, #tpu.memory_space<vmem>> -> memref<2x8x128xf32, #tpu.memory_space<vmem>>
      %dma_start3A_915 = arith.constant 0 : i32
      %dma_start3A_916 = arith.constant 0 : i32
      %dma_start3A_917 = tpu.memref_slice %arg5[%dma_start3A_915, %dma_start3A_916, %multiple_of3A_896] : memref<2x8x1000001xf32, #tpu.memory_space<hbm>> -> memref<2x8x128xf32, #tpu.memory_space<hbm>>
      %dma_start3A_918 = arith.constant 0 : i32
      %dma_start3A_919 = arith.constant 0 : i32
      %dma_start3A_920 = arith.constant 128 : i32
      %dma_start3A_921 = tpu.memref_slice %arg12[%dma_start3A_918, %dma_start3A_919, %dma_start3A_920] : memref<2x8x1024xf32, #tpu.memory_space<vmem>> -> memref<2x8x128xf32, #tpu.memory_space<vmem>>
      %dma_start3A_922 = arith.constant 0 : i32
      %dma_start3A_923 = arith.constant 0 : i32
      %dma_start3A_924 = tpu.memref_slice %arg5[%dma_start3A_922, %dma_start3A_923, %multiple_of3A_896] : memref<2x8x1000001xf32, #tpu.memory_space<hbm>> -> memref<2x8x128xf32, #tpu.memory_space<hbm>>
      tpu.enqueue_dma source(%dma_start3A_924 : memref<2x8x128xf32, #tpu.memory_space<hbm>>) target(%dma_start3A_921 : memref<2x8x128xf32, #tpu.memory_space<vmem>>) target_semaphore(%arg16 : memref<!tpu.dma_semaphore, #tpu.memory_space<semaphore_mem>>)
      %slice3A_925 = vector.extract_strided_slice %get3A_746 {offsets = [10], sizes = [1], strides = [1]} : vector<16xi32> to vector<1xi32>
      %squeeze3A_926 = vector.extract %slice3A_925[0] : i32 from vector<1xi32>
      %jit3A_927 = arith.constant 128 : i32
      %div3A_928 = arith.divsi %squeeze3A_926, %jit3A_927 : i32
      %sign3A_929 = arith.constant 0 : i32
      %sign3A_930 = arith.cmpi sgt, %squeeze3A_926, %sign3A_929 : i32
      %sign3A_931 = arith.extui %sign3A_930 : i1 to i32
      %sign3A_932 = arith.constant 0 : i32
      %sign3A_933 = arith.cmpi slt, %squeeze3A_926, %sign3A_932 : i32
      %sign3A_934 = arith.extui %sign3A_933 : i1 to i32
      %sign3A_935 = arith.subi %sign3A_931, %sign3A_934 : i32
      %sign3A_936 = arith.constant 0 : i32
      %sign3A_937 = arith.cmpi sgt, %jit3A_927, %sign3A_936 : i32
      %sign3A_938 = arith.extui %sign3A_937 : i1 to i32
      %sign3A_939 = arith.constant 0 : i32
      %sign3A_940 = arith.cmpi slt, %jit3A_927, %sign3A_939 : i32
      %sign3A_941 = arith.extui %sign3A_940 : i1 to i32
      %sign3A_942 = arith.subi %sign3A_938, %sign3A_941 : i32
      %ne3A_943 = arith.cmpi ne, %sign3A_935, %sign3A_942 : i32
      %rem3A_944 = arith.remsi %squeeze3A_926, %jit3A_927 : i32
      %ne3A_945 = arith.constant 0 : i32
      %ne3A_946 = arith.cmpi ne, %rem3A_944, %ne3A_945 : i32
      %and3A_947 = arith.andi %ne3A_943, %ne3A_946 : i1
      %sub3A_948 = arith.constant 1 : i32
      %sub3A_949 = arith.subi %div3A_928, %sub3A_948 : i32
      %select_n3A_950 = arith.select %and3A_947, %sub3A_949, %div3A_928 : i32
      %mul3A_951 = arith.constant 128 : i32
      %mul3A_952 = arith.muli %select_n3A_950, %mul3A_951 : i32
      %multiple_of3A_953 = tpu.assume_multiple %mul3A_952, 128 : i32
      %slice3A_954 = vector.extract_strided_slice %get3A_752 {offsets = [10], sizes = [1], strides = [1]} : vector<16xi32> to vector<1xi32>
      %squeeze3A_955 = vector.extract %slice3A_954[0] : i32 from vector<1xi32>
      %jit3A_956 = arith.constant 128 : i32
      %div3A_957 = arith.divsi %squeeze3A_955, %jit3A_956 : i32
      %sign3A_958 = arith.constant 0 : i32
      %sign3A_959 = arith.cmpi sgt, %squeeze3A_955, %sign3A_958 : i32
      %sign3A_960 = arith.extui %sign3A_959 : i1 to i32
      %sign3A_961 = arith.constant 0 : i32
      %sign3A_962 = arith.cmpi slt, %squeeze3A_955, %sign3A_961 : i32
      %sign3A_963 = arith.extui %sign3A_962 : i1 to i32
      %sign3A_964 = arith.subi %sign3A_960, %sign3A_963 : i32
      %sign3A_965 = arith.constant 0 : i32
      %sign3A_966 = arith.cmpi sgt, %jit3A_956, %sign3A_965 : i32
      %sign3A_967 = arith.extui %sign3A_966 : i1 to i32
      %sign3A_968 = arith.constant 0 : i32
      %sign3A_969 = arith.cmpi slt, %jit3A_956, %sign3A_968 : i32
      %sign3A_970 = arith.extui %sign3A_969 : i1 to i32
      %sign3A_971 = arith.subi %sign3A_967, %sign3A_970 : i32
      %ne3A_972 = arith.cmpi ne, %sign3A_964, %sign3A_971 : i32
      %rem3A_973 = arith.remsi %squeeze3A_955, %jit3A_956 : i32
      %ne3A_974 = arith.constant 0 : i32
      %ne3A_975 = arith.cmpi ne, %rem3A_973, %ne3A_974 : i32
      %and3A_976 = arith.andi %ne3A_972, %ne3A_975 : i1
      %sub3A_977 = arith.constant 1 : i32
      %sub3A_978 = arith.subi %div3A_957, %sub3A_977 : i32
      %select_n3A_979 = arith.select %and3A_976, %sub3A_978, %div3A_957 : i32
      %mul3A_980 = arith.constant 128 : i32
      %mul3A_981 = arith.muli %select_n3A_979, %mul3A_980 : i32
      %multiple_of3A_982 = tpu.assume_multiple %mul3A_981, 128 : i32
      %dma_start3A_983 = arith.constant 0 : i32
      %dma_start3A_984 = arith.constant 0 : i32
      %dma_start3A_985 = arith.constant 256 : i32
      %dma_start3A_986 = tpu.memref_slice %arg11[%dma_start3A_983, %dma_start3A_984, %dma_start3A_985] : memref<2x8x1024xf32, #tpu.memory_space<vmem>> -> memref<2x8x128xf32, #tpu.memory_space<vmem>>
      %dma_start3A_987 = arith.constant 0 : i32
      %dma_start3A_988 = arith.constant 0 : i32
      %dma_start3A_989 = tpu.memref_slice %arg4[%dma_start3A_987, %dma_start3A_988, %multiple_of3A_953] : memref<2x8x1000001xf32, #tpu.memory_space<hbm>> -> memref<2x8x128xf32, #tpu.memory_space<hbm>>
      %dma_start3A_990 = arith.constant 0 : i32
      %dma_start3A_991 = arith.constant 0 : i32
      %dma_start3A_992 = arith.constant 256 : i32
      %dma_start3A_993 = tpu.memref_slice %arg11[%dma_start3A_990, %dma_start3A_991, %dma_start3A_992] : memref<2x8x1024xf32, #tpu.memory_space<vmem>> -> memref<2x8x128xf32, #tpu.memory_space<vmem>>
      %dma_start3A_994 = arith.constant 0 : i32
      %dma_start3A_995 = arith.constant 0 : i32
      %dma_start3A_996 = tpu.memref_slice %arg4[%dma_start3A_994, %dma_start3A_995, %multiple_of3A_953] : memref<2x8x1000001xf32, #tpu.memory_space<hbm>> -> memref<2x8x128xf32, #tpu.memory_space<hbm>>
      tpu.enqueue_dma source(%dma_start3A_996 : memref<2x8x128xf32, #tpu.memory_space<hbm>>) target(%dma_start3A_993 : memref<2x8x128xf32, #tpu.memory_space<vmem>>) target_semaphore(%arg16 : memref<!tpu.dma_semaphore, #tpu.memory_space<semaphore_mem>>)
      %dma_start3A_997 = arith.constant 0 : i32
      %dma_start3A_998 = arith.constant 0 : i32
      %dma_start3A_999 = arith.constant 256 : i32
      %dma_start3A_1000 = tpu.memref_slice %arg12[%dma_start3A_997, %dma_start3A_998, %dma_start3A_999] : memref<2x8x1024xf32, #tpu.memory_space<vmem>> -> memref<2x8x128xf32, #tpu.memory_space<vmem>>
      %dma_start3A_1001 = arith.constant 0 : i32
      %dma_start3A_1002 = arith.constant 0 : i32
      %dma_start3A_1003 = tpu.memref_slice %arg5[%dma_start3A_1001, %dma_start3A_1002, %multiple_of3A_982] : memref<2x8x1000001xf32, #tpu.memory_space<hbm>> -> memref<2x8x128xf32, #tpu.memory_space<hbm>>
      %dma_start3A_1004 = arith.constant 0 : i32
      %dma_start3A_1005 = arith.constant 0 : i32
      %dma_start3A_1006 = arith.constant 256 : i32
      %dma_start3A_1007 = tpu.memref_slice %arg12[%dma_start3A_1004, %dma_start3A_1005, %dma_start3A_1006] : memref<2x8x1024xf32, #tpu.memory_space<vmem>> -> memref<2x8x128xf32, #tpu.memory_space<vmem>>
      %dma_start3A_1008 = arith.constant 0 : i32
      %dma_start3A_1009 = arith.constant 0 : i32
      %dma_start3A_1010 = tpu.memref_slice %arg5[%dma_start3A_1008, %dma_start3A_1009, %multiple_of3A_982] : memref<2x8x1000001xf32, #tpu.memory_space<hbm>> -> memref<2x8x128xf32, #tpu.memory_space<hbm>>
      tpu.enqueue_dma source(%dma_start3A_1010 : memref<2x8x128xf32, #tpu.memory_space<hbm>>) target(%dma_start3A_1007 : memref<2x8x128xf32, #tpu.memory_space<vmem>>) target_semaphore(%arg16 : memref<!tpu.dma_semaphore, #tpu.memory_space<semaphore_mem>>)
      %slice3A_1011 = vector.extract_strided_slice %get3A_746 {offsets = [11], sizes = [1], strides = [1]} : vector<16xi32> to vector<1xi32>
      %squeeze3A_1012 = vector.extract %slice3A_1011[0] : i32 from vector<1xi32>
      %jit3A_1013 = arith.constant 128 : i32
      %div3A_1014 = arith.divsi %squeeze3A_1012, %jit3A_1013 : i32
      %sign3A_1015 = arith.constant 0 : i32
      %sign3A_1016 = arith.cmpi sgt, %squeeze3A_1012, %sign3A_1015 : i32
      %sign3A_1017 = arith.extui %sign3A_1016 : i1 to i32
      %sign3A_1018 = arith.constant 0 : i32
      %sign3A_1019 = arith.cmpi slt, %squeeze3A_1012, %sign3A_1018 : i32
      %sign3A_1020 = arith.extui %sign3A_1019 : i1 to i32
      %sign3A_1021 = arith.subi %sign3A_1017, %sign3A_1020 : i32
      %sign3A_1022 = arith.constant 0 : i32
      %sign3A_1023 = arith.cmpi sgt, %jit3A_1013, %sign3A_1022 : i32
      %sign3A_1024 = arith.extui %sign3A_1023 : i1 to i32
      %sign3A_1025 = arith.constant 0 : i32
      %sign3A_1026 = arith.cmpi slt, %jit3A_1013, %sign3A_1025 : i32
      %sign3A_1027 = arith.extui %sign3A_1026 : i1 to i32
      %sign3A_1028 = arith.subi %sign3A_1024, %sign3A_1027 : i32
      %ne3A_1029 = arith.cmpi ne, %sign3A_1021, %sign3A_1028 : i32
      %rem3A_1030 = arith.remsi %squeeze3A_1012, %jit3A_1013 : i32
      %ne3A_1031 = arith.constant 0 : i32
      %ne3A_1032 = arith.cmpi ne, %rem3A_1030, %ne3A_1031 : i32
      %and3A_1033 = arith.andi %ne3A_1029, %ne3A_1032 : i1
      %sub3A_1034 = arith.constant 1 : i32
      %sub3A_1035 = arith.subi %div3A_1014, %sub3A_1034 : i32
      %select_n3A_1036 = arith.select %and3A_1033, %sub3A_1035, %div3A_1014 : i32
      %mul3A_1037 = arith.constant 128 : i32
      %mul3A_1038 = arith.muli %select_n3A_1036, %mul3A_1037 : i32
      %multiple_of3A_1039 = tpu.assume_multiple %mul3A_1038, 128 : i32
      %slice3A_1040 = vector.extract_strided_slice %get3A_752 {offsets = [11], sizes = [1], strides = [1]} : vector<16xi32> to vector<1xi32>
      %squeeze3A_1041 = vector.extract %slice3A_1040[0] : i32 from vector<1xi32>
      %jit3A_1042 = arith.constant 128 : i32
      %div3A_1043 = arith.divsi %squeeze3A_1041, %jit3A_1042 : i32
      %sign3A_1044 = arith.constant 0 : i32
      %sign3A_1045 = arith.cmpi sgt, %squeeze3A_1041, %sign3A_1044 : i32
      %sign3A_1046 = arith.extui %sign3A_1045 : i1 to i32
      %sign3A_1047 = arith.constant 0 : i32
      %sign3A_1048 = arith.cmpi slt, %squeeze3A_1041, %sign3A_1047 : i32
      %sign3A_1049 = arith.extui %sign3A_1048 : i1 to i32
      %sign3A_1050 = arith.subi %sign3A_1046, %sign3A_1049 : i32
      %sign3A_1051 = arith.constant 0 : i32
      %sign3A_1052 = arith.cmpi sgt, %jit3A_1042, %sign3A_1051 : i32
      %sign3A_1053 = arith.extui %sign3A_1052 : i1 to i32
      %sign3A_1054 = arith.constant 0 : i32
      %sign3A_1055 = arith.cmpi slt, %jit3A_1042, %sign3A_1054 : i32
      %sign3A_1056 = arith.extui %sign3A_1055 : i1 to i32
      %sign3A_1057 = arith.subi %sign3A_1053, %sign3A_1056 : i32
      %ne3A_1058 = arith.cmpi ne, %sign3A_1050, %sign3A_1057 : i32
      %rem3A_1059 = arith.remsi %squeeze3A_1041, %jit3A_1042 : i32
      %ne3A_1060 = arith.constant 0 : i32
      %ne3A_1061 = arith.cmpi ne, %rem3A_1059, %ne3A_1060 : i32
      %and3A_1062 = arith.andi %ne3A_1058, %ne3A_1061 : i1
      %sub3A_1063 = arith.constant 1 : i32
      %sub3A_1064 = arith.subi %div3A_1043, %sub3A_1063 : i32
      %select_n3A_1065 = arith.select %and3A_1062, %sub3A_1064, %div3A_1043 : i32
      %mul3A_1066 = arith.constant 128 : i32
      %mul3A_1067 = arith.muli %select_n3A_1065, %mul3A_1066 : i32
      %multiple_of3A_1068 = tpu.assume_multiple %mul3A_1067, 128 : i32
      %dma_start3A_1069 = arith.constant 0 : i32
      %dma_start3A_1070 = arith.constant 0 : i32
      %dma_start3A_1071 = arith.constant 384 : i32
      %dma_start3A_1072 = tpu.memref_slice %arg11[%dma_start3A_1069, %dma_start3A_1070, %dma_start3A_1071] : memref<2x8x1024xf32, #tpu.memory_space<vmem>> -> memref<2x8x128xf32, #tpu.memory_space<vmem>>
      %dma_start3A_1073 = arith.constant 0 : i32
      %dma_start3A_1074 = arith.constant 0 : i32
      %dma_start3A_1075 = tpu.memref_slice %arg4[%dma_start3A_1073, %dma_start3A_1074, %multiple_of3A_1039] : memref<2x8x1000001xf32, #tpu.memory_space<hbm>> -> memref<2x8x128xf32, #tpu.memory_space<hbm>>
      %dma_start3A_1076 = arith.constant 0 : i32
      %dma_start3A_1077 = arith.constant 0 : i32
      %dma_start3A_1078 = arith.constant 384 : i32
      %dma_start3A_1079 = tpu.memref_slice %arg11[%dma_start3A_1076, %dma_start3A_1077, %dma_start3A_1078] : memref<2x8x1024xf32, #tpu.memory_space<vmem>> -> memref<2x8x128xf32, #tpu.memory_space<vmem>>
      %dma_start3A_1080 = arith.constant 0 : i32
      %dma_start3A_1081 = arith.constant 0 : i32
      %dma_start3A_1082 = tpu.memref_slice %arg4[%dma_start3A_1080, %dma_start3A_1081, %multiple_of3A_1039] : memref<2x8x1000001xf32, #tpu.memory_space<hbm>> -> memref<2x8x128xf32, #tpu.memory_space<hbm>>
      tpu.enqueue_dma source(%dma_start3A_1082 : memref<2x8x128xf32, #tpu.memory_space<hbm>>) target(%dma_start3A_1079 : memref<2x8x128xf32, #tpu.memory_space<vmem>>) target_semaphore(%arg16 : memref<!tpu.dma_semaphore, #tpu.memory_space<semaphore_mem>>)
      %dma_start3A_1083 = arith.constant 0 : i32
      %dma_start3A_1084 = arith.constant 0 : i32
      %dma_start3A_1085 = arith.constant 384 : i32
      %dma_start3A_1086 = tpu.memref_slice %arg12[%dma_start3A_1083, %dma_start3A_1084, %dma_start3A_1085] : memref<2x8x1024xf32, #tpu.memory_space<vmem>> -> memref<2x8x128xf32, #tpu.memory_space<vmem>>
      %dma_start3A_1087 = arith.constant 0 : i32
      %dma_start3A_1088 = arith.constant 0 : i32
      %dma_start3A_1089 = tpu.memref_slice %arg5[%dma_start3A_1087, %dma_start3A_1088, %multiple_of3A_1068] : memref<2x8x1000001xf32, #tpu.memory_space<hbm>> -> memref<2x8x128xf32, #tpu.memory_space<hbm>>
      %dma_start3A_1090 = arith.constant 0 : i32
      %dma_start3A_1091 = arith.constant 0 : i32
      %dma_start3A_1092 = arith.constant 384 : i32
      %dma_start3A_1093 = tpu.memref_slice %arg12[%dma_start3A_1090, %dma_start3A_1091, %dma_start3A_1092] : memref<2x8x1024xf32, #tpu.memory_space<vmem>> -> memref<2x8x128xf32, #tpu.memory_space<vmem>>
      %dma_start3A_1094 = arith.constant 0 : i32
      %dma_start3A_1095 = arith.constant 0 : i32
      %dma_start3A_1096 = tpu.memref_slice %arg5[%dma_start3A_1094, %dma_start3A_1095, %multiple_of3A_1068] : memref<2x8x1000001xf32, #tpu.memory_space<hbm>> -> memref<2x8x128xf32, #tpu.memory_space<hbm>>
      tpu.enqueue_dma source(%dma_start3A_1096 : memref<2x8x128xf32, #tpu.memory_space<hbm>>) target(%dma_start3A_1093 : memref<2x8x128xf32, #tpu.memory_space<vmem>>) target_semaphore(%arg16 : memref<!tpu.dma_semaphore, #tpu.memory_space<semaphore_mem>>)
      %slice3A_1097 = vector.extract_strided_slice %get3A_746 {offsets = [12], sizes = [1], strides = [1]} : vector<16xi32> to vector<1xi32>
      %squeeze3A_1098 = vector.extract %slice3A_1097[0] : i32 from vector<1xi32>
      %jit3A_1099 = arith.constant 128 : i32
      %div3A_1100 = arith.divsi %squeeze3A_1098, %jit3A_1099 : i32
      %sign3A_1101 = arith.constant 0 : i32
      %sign3A_1102 = arith.cmpi sgt, %squeeze3A_1098, %sign3A_1101 : i32
      %sign3A_1103 = arith.extui %sign3A_1102 : i1 to i32
      %sign3A_1104 = arith.constant 0 : i32
      %sign3A_1105 = arith.cmpi slt, %squeeze3A_1098, %sign3A_1104 : i32
      %sign3A_1106 = arith.extui %sign3A_1105 : i1 to i32
      %sign3A_1107 = arith.subi %sign3A_1103, %sign3A_1106 : i32
      %sign3A_1108 = arith.constant 0 : i32
      %sign3A_1109 = arith.cmpi sgt, %jit3A_1099, %sign3A_1108 : i32
      %sign3A_1110 = arith.extui %sign3A_1109 : i1 to i32
      %sign3A_1111 = arith.constant 0 : i32
      %sign3A_1112 = arith.cmpi slt, %jit3A_1099, %sign3A_1111 : i32
      %sign3A_1113 = arith.extui %sign3A_1112 : i1 to i32
      %sign3A_1114 = arith.subi %sign3A_1110, %sign3A_1113 : i32
      %ne3A_1115 = arith.cmpi ne, %sign3A_1107, %sign3A_1114 : i32
      %rem3A_1116 = arith.remsi %squeeze3A_1098, %jit3A_1099 : i32
      %ne3A_1117 = arith.constant 0 : i32
      %ne3A_1118 = arith.cmpi ne, %rem3A_1116, %ne3A_1117 : i32
      %and3A_1119 = arith.andi %ne3A_1115, %ne3A_1118 : i1
      %sub3A_1120 = arith.constant 1 : i32
      %sub3A_1121 = arith.subi %div3A_1100, %sub3A_1120 : i32
      %select_n3A_1122 = arith.select %and3A_1119, %sub3A_1121, %div3A_1100 : i32
      %mul3A_1123 = arith.constant 128 : i32
      %mul3A_1124 = arith.muli %select_n3A_1122, %mul3A_1123 : i32
      %multiple_of3A_1125 = tpu.assume_multiple %mul3A_1124, 128 : i32
      %slice3A_1126 = vector.extract_strided_slice %get3A_752 {offsets = [12], sizes = [1], strides = [1]} : vector<16xi32> to vector<1xi32>
      %squeeze3A_1127 = vector.extract %slice3A_1126[0] : i32 from vector<1xi32>
      %jit3A_1128 = arith.constant 128 : i32
      %div3A_1129 = arith.divsi %squeeze3A_1127, %jit3A_1128 : i32
      %sign3A_1130 = arith.constant 0 : i32
      %sign3A_1131 = arith.cmpi sgt, %squeeze3A_1127, %sign3A_1130 : i32
      %sign3A_1132 = arith.extui %sign3A_1131 : i1 to i32
      %sign3A_1133 = arith.constant 0 : i32
      %sign3A_1134 = arith.cmpi slt, %squeeze3A_1127, %sign3A_1133 : i32
      %sign3A_1135 = arith.extui %sign3A_1134 : i1 to i32
      %sign3A_1136 = arith.subi %sign3A_1132, %sign3A_1135 : i32
      %sign3A_1137 = arith.constant 0 : i32
      %sign3A_1138 = arith.cmpi sgt, %jit3A_1128, %sign3A_1137 : i32
      %sign3A_1139 = arith.extui %sign3A_1138 : i1 to i32
      %sign3A_1140 = arith.constant 0 : i32
      %sign3A_1141 = arith.cmpi slt, %jit3A_1128, %sign3A_1140 : i32
      %sign3A_1142 = arith.extui %sign3A_1141 : i1 to i32
      %sign3A_1143 = arith.subi %sign3A_1139, %sign3A_1142 : i32
      %ne3A_1144 = arith.cmpi ne, %sign3A_1136, %sign3A_1143 : i32
      %rem3A_1145 = arith.remsi %squeeze3A_1127, %jit3A_1128 : i32
      %ne3A_1146 = arith.constant 0 : i32
      %ne3A_1147 = arith.cmpi ne, %rem3A_1145, %ne3A_1146 : i32
      %and3A_1148 = arith.andi %ne3A_1144, %ne3A_1147 : i1
      %sub3A_1149 = arith.constant 1 : i32
      %sub3A_1150 = arith.subi %div3A_1129, %sub3A_1149 : i32
      %select_n3A_1151 = arith.select %and3A_1148, %sub3A_1150, %div3A_1129 : i32
      %mul3A_1152 = arith.constant 128 : i32
      %mul3A_1153 = arith.muli %select_n3A_1151, %mul3A_1152 : i32
      %multiple_of3A_1154 = tpu.assume_multiple %mul3A_1153, 128 : i32
      %dma_start3A_1155 = arith.constant 0 : i32
      %dma_start3A_1156 = arith.constant 0 : i32
      %dma_start3A_1157 = arith.constant 512 : i32
      %dma_start3A_1158 = tpu.memref_slice %arg11[%dma_start3A_1155, %dma_start3A_1156, %dma_start3A_1157] : memref<2x8x1024xf32, #tpu.memory_space<vmem>> -> memref<2x8x128xf32, #tpu.memory_space<vmem>>
      %dma_start3A_1159 = arith.constant 0 : i32
      %dma_start3A_1160 = arith.constant 0 : i32
      %dma_start3A_1161 = tpu.memref_slice %arg4[%dma_start3A_1159, %dma_start3A_1160, %multiple_of3A_1125] : memref<2x8x1000001xf32, #tpu.memory_space<hbm>> -> memref<2x8x128xf32, #tpu.memory_space<hbm>>
      %dma_start3A_1162 = arith.constant 0 : i32
      %dma_start3A_1163 = arith.constant 0 : i32
      %dma_start3A_1164 = arith.constant 512 : i32
      %dma_start3A_1165 = tpu.memref_slice %arg11[%dma_start3A_1162, %dma_start3A_1163, %dma_start3A_1164] : memref<2x8x1024xf32, #tpu.memory_space<vmem>> -> memref<2x8x128xf32, #tpu.memory_space<vmem>>
      %dma_start3A_1166 = arith.constant 0 : i32
      %dma_start3A_1167 = arith.constant 0 : i32
      %dma_start3A_1168 = tpu.memref_slice %arg4[%dma_start3A_1166, %dma_start3A_1167, %multiple_of3A_1125] : memref<2x8x1000001xf32, #tpu.memory_space<hbm>> -> memref<2x8x128xf32, #tpu.memory_space<hbm>>
      tpu.enqueue_dma source(%dma_start3A_1168 : memref<2x8x128xf32, #tpu.memory_space<hbm>>) target(%dma_start3A_1165 : memref<2x8x128xf32, #tpu.memory_space<vmem>>) target_semaphore(%arg16 : memref<!tpu.dma_semaphore, #tpu.memory_space<semaphore_mem>>)
      %dma_start3A_1169 = arith.constant 0 : i32
      %dma_start3A_1170 = arith.constant 0 : i32
      %dma_start3A_1171 = arith.constant 512 : i32
      %dma_start3A_1172 = tpu.memref_slice %arg12[%dma_start3A_1169, %dma_start3A_1170, %dma_start3A_1171] : memref<2x8x1024xf32, #tpu.memory_space<vmem>> -> memref<2x8x128xf32, #tpu.memory_space<vmem>>
      %dma_start3A_1173 = arith.constant 0 : i32
      %dma_start3A_1174 = arith.constant 0 : i32
      %dma_start3A_1175 = tpu.memref_slice %arg5[%dma_start3A_1173, %dma_start3A_1174, %multiple_of3A_1154] : memref<2x8x1000001xf32, #tpu.memory_space<hbm>> -> memref<2x8x128xf32, #tpu.memory_space<hbm>>
      %dma_start3A_1176 = arith.constant 0 : i32
      %dma_start3A_1177 = arith.constant 0 : i32
      %dma_start3A_1178 = arith.constant 512 : i32
      %dma_start3A_1179 = tpu.memref_slice %arg12[%dma_start3A_1176, %dma_start3A_1177, %dma_start3A_1178] : memref<2x8x1024xf32, #tpu.memory_space<vmem>> -> memref<2x8x128xf32, #tpu.memory_space<vmem>>
      %dma_start3A_1180 = arith.constant 0 : i32
      %dma_start3A_1181 = arith.constant 0 : i32
      %dma_start3A_1182 = tpu.memref_slice %arg5[%dma_start3A_1180, %dma_start3A_1181, %multiple_of3A_1154] : memref<2x8x1000001xf32, #tpu.memory_space<hbm>> -> memref<2x8x128xf32, #tpu.memory_space<hbm>>
      tpu.enqueue_dma source(%dma_start3A_1182 : memref<2x8x128xf32, #tpu.memory_space<hbm>>) target(%dma_start3A_1179 : memref<2x8x128xf32, #tpu.memory_space<vmem>>) target_semaphore(%arg16 : memref<!tpu.dma_semaphore, #tpu.memory_space<semaphore_mem>>)
      %slice3A_1183 = vector.extract_strided_slice %get3A_746 {offsets = [13], sizes = [1], strides = [1]} : vector<16xi32> to vector<1xi32>
      %squeeze3A_1184 = vector.extract %slice3A_1183[0] : i32 from vector<1xi32>
      %jit3A_1185 = arith.constant 128 : i32
      %div3A_1186 = arith.divsi %squeeze3A_1184, %jit3A_1185 : i32
      %sign3A_1187 = arith.constant 0 : i32
      %sign3A_1188 = arith.cmpi sgt, %squeeze3A_1184, %sign3A_1187 : i32
      %sign3A_1189 = arith.extui %sign3A_1188 : i1 to i32
      %sign3A_1190 = arith.constant 0 : i32
      %sign3A_1191 = arith.cmpi slt, %squeeze3A_1184, %sign3A_1190 : i32
      %sign3A_1192 = arith.extui %sign3A_1191 : i1 to i32
      %sign3A_1193 = arith.subi %sign3A_1189, %sign3A_1192 : i32
      %sign3A_1194 = arith.constant 0 : i32
      %sign3A_1195 = arith.cmpi sgt, %jit3A_1185, %sign3A_1194 : i32
      %sign3A_1196 = arith.extui %sign3A_1195 : i1 to i32
      %sign3A_1197 = arith.constant 0 : i32
      %sign3A_1198 = arith.cmpi slt, %jit3A_1185, %sign3A_1197 : i32
      %sign3A_1199 = arith.extui %sign3A_1198 : i1 to i32
      %sign3A_1200 = arith.subi %sign3A_1196, %sign3A_1199 : i32
      %ne3A_1201 = arith.cmpi ne, %sign3A_1193, %sign3A_1200 : i32
      %rem3A_1202 = arith.remsi %squeeze3A_1184, %jit3A_1185 : i32
      %ne3A_1203 = arith.constant 0 : i32
      %ne3A_1204 = arith.cmpi ne, %rem3A_1202, %ne3A_1203 : i32
      %and3A_1205 = arith.andi %ne3A_1201, %ne3A_1204 : i1
      %sub3A_1206 = arith.constant 1 : i32
      %sub3A_1207 = arith.subi %div3A_1186, %sub3A_1206 : i32
      %select_n3A_1208 = arith.select %and3A_1205, %sub3A_1207, %div3A_1186 : i32
      %mul3A_1209 = arith.constant 128 : i32
      %mul3A_1210 = arith.muli %select_n3A_1208, %mul3A_1209 : i32
      %multiple_of3A_1211 = tpu.assume_multiple %mul3A_1210, 128 : i32
      %slice3A_1212 = vector.extract_strided_slice %get3A_752 {offsets = [13], sizes = [1], strides = [1]} : vector<16xi32> to vector<1xi32>
      %squeeze3A_1213 = vector.extract %slice3A_1212[0] : i32 from vector<1xi32>
      %jit3A_1214 = arith.constant 128 : i32
      %div3A_1215 = arith.divsi %squeeze3A_1213, %jit3A_1214 : i32
      %sign3A_1216 = arith.constant 0 : i32
      %sign3A_1217 = arith.cmpi sgt, %squeeze3A_1213, %sign3A_1216 : i32
      %sign3A_1218 = arith.extui %sign3A_1217 : i1 to i32
      %sign3A_1219 = arith.constant 0 : i32
      %sign3A_1220 = arith.cmpi slt, %squeeze3A_1213, %sign3A_1219 : i32
      %sign3A_1221 = arith.extui %sign3A_1220 : i1 to i32
      %sign3A_1222 = arith.subi %sign3A_1218, %sign3A_1221 : i32
      %sign3A_1223 = arith.constant 0 : i32
      %sign3A_1224 = arith.cmpi sgt, %jit3A_1214, %sign3A_1223 : i32
      %sign3A_1225 = arith.extui %sign3A_1224 : i1 to i32
      %sign3A_1226 = arith.constant 0 : i32
      %sign3A_1227 = arith.cmpi slt, %jit3A_1214, %sign3A_1226 : i32
      %sign3A_1228 = arith.extui %sign3A_1227 : i1 to i32
      %sign3A_1229 = arith.subi %sign3A_1225, %sign3A_1228 : i32
      %ne3A_1230 = arith.cmpi ne, %sign3A_1222, %sign3A_1229 : i32
      %rem3A_1231 = arith.remsi %squeeze3A_1213, %jit3A_1214 : i32
      %ne3A_1232 = arith.constant 0 : i32
      %ne3A_1233 = arith.cmpi ne, %rem3A_1231, %ne3A_1232 : i32
      %and3A_1234 = arith.andi %ne3A_1230, %ne3A_1233 : i1
      %sub3A_1235 = arith.constant 1 : i32
      %sub3A_1236 = arith.subi %div3A_1215, %sub3A_1235 : i32
      %select_n3A_1237 = arith.select %and3A_1234, %sub3A_1236, %div3A_1215 : i32
      %mul3A_1238 = arith.constant 128 : i32
      %mul3A_1239 = arith.muli %select_n3A_1237, %mul3A_1238 : i32
      %multiple_of3A_1240 = tpu.assume_multiple %mul3A_1239, 128 : i32
      %dma_start3A_1241 = arith.constant 0 : i32
      %dma_start3A_1242 = arith.constant 0 : i32
      %dma_start3A_1243 = arith.constant 640 : i32
      %dma_start3A_1244 = tpu.memref_slice %arg11[%dma_start3A_1241, %dma_start3A_1242, %dma_start3A_1243] : memref<2x8x1024xf32, #tpu.memory_space<vmem>> -> memref<2x8x128xf32, #tpu.memory_space<vmem>>
      %dma_start3A_1245 = arith.constant 0 : i32
      %dma_start3A_1246 = arith.constant 0 : i32
      %dma_start3A_1247 = tpu.memref_slice %arg4[%dma_start3A_1245, %dma_start3A_1246, %multiple_of3A_1211] : memref<2x8x1000001xf32, #tpu.memory_space<hbm>> -> memref<2x8x128xf32, #tpu.memory_space<hbm>>
      %dma_start3A_1248 = arith.constant 0 : i32
      %dma_start3A_1249 = arith.constant 0 : i32
      %dma_start3A_1250 = arith.constant 640 : i32
      %dma_start3A_1251 = tpu.memref_slice %arg11[%dma_start3A_1248, %dma_start3A_1249, %dma_start3A_1250] : memref<2x8x1024xf32, #tpu.memory_space<vmem>> -> memref<2x8x128xf32, #tpu.memory_space<vmem>>
      %dma_start3A_1252 = arith.constant 0 : i32
      %dma_start3A_1253 = arith.constant 0 : i32
      %dma_start3A_1254 = tpu.memref_slice %arg4[%dma_start3A_1252, %dma_start3A_1253, %multiple_of3A_1211] : memref<2x8x1000001xf32, #tpu.memory_space<hbm>> -> memref<2x8x128xf32, #tpu.memory_space<hbm>>
      tpu.enqueue_dma source(%dma_start3A_1254 : memref<2x8x128xf32, #tpu.memory_space<hbm>>) target(%dma_start3A_1251 : memref<2x8x128xf32, #tpu.memory_space<vmem>>) target_semaphore(%arg16 : memref<!tpu.dma_semaphore, #tpu.memory_space<semaphore_mem>>)
      %dma_start3A_1255 = arith.constant 0 : i32
      %dma_start3A_1256 = arith.constant 0 : i32
      %dma_start3A_1257 = arith.constant 640 : i32
      %dma_start3A_1258 = tpu.memref_slice %arg12[%dma_start3A_1255, %dma_start3A_1256, %dma_start3A_1257] : memref<2x8x1024xf32, #tpu.memory_space<vmem>> -> memref<2x8x128xf32, #tpu.memory_space<vmem>>
      %dma_start3A_1259 = arith.constant 0 : i32
      %dma_start3A_1260 = arith.constant 0 : i32
      %dma_start3A_1261 = tpu.memref_slice %arg5[%dma_start3A_1259, %dma_start3A_1260, %multiple_of3A_1240] : memref<2x8x1000001xf32, #tpu.memory_space<hbm>> -> memref<2x8x128xf32, #tpu.memory_space<hbm>>
      %dma_start3A_1262 = arith.constant 0 : i32
      %dma_start3A_1263 = arith.constant 0 : i32
      %dma_start3A_1264 = arith.constant 640 : i32
      %dma_start3A_1265 = tpu.memref_slice %arg12[%dma_start3A_1262, %dma_start3A_1263, %dma_start3A_1264] : memref<2x8x1024xf32, #tpu.memory_space<vmem>> -> memref<2x8x128xf32, #tpu.memory_space<vmem>>
      %dma_start3A_1266 = arith.constant 0 : i32
      %dma_start3A_1267 = arith.constant 0 : i32
      %dma_start3A_1268 = tpu.memref_slice %arg5[%dma_start3A_1266, %dma_start3A_1267, %multiple_of3A_1240] : memref<2x8x1000001xf32, #tpu.memory_space<hbm>> -> memref<2x8x128xf32, #tpu.memory_space<hbm>>
      tpu.enqueue_dma source(%dma_start3A_1268 : memref<2x8x128xf32, #tpu.memory_space<hbm>>) target(%dma_start3A_1265 : memref<2x8x128xf32, #tpu.memory_space<vmem>>) target_semaphore(%arg16 : memref<!tpu.dma_semaphore, #tpu.memory_space<semaphore_mem>>)
      %slice3A_1269 = vector.extract_strided_slice %get3A_746 {offsets = [14], sizes = [1], strides = [1]} : vector<16xi32> to vector<1xi32>
      %squeeze3A_1270 = vector.extract %slice3A_1269[0] : i32 from vector<1xi32>
      %jit3A_1271 = arith.constant 128 : i32
      %div3A_1272 = arith.divsi %squeeze3A_1270, %jit3A_1271 : i32
      %sign3A_1273 = arith.constant 0 : i32
      %sign3A_1274 = arith.cmpi sgt, %squeeze3A_1270, %sign3A_1273 : i32
      %sign3A_1275 = arith.extui %sign3A_1274 : i1 to i32
      %sign3A_1276 = arith.constant 0 : i32
      %sign3A_1277 = arith.cmpi slt, %squeeze3A_1270, %sign3A_1276 : i32
      %sign3A_1278 = arith.extui %sign3A_1277 : i1 to i32
      %sign3A_1279 = arith.subi %sign3A_1275, %sign3A_1278 : i32
      %sign3A_1280 = arith.constant 0 : i32
      %sign3A_1281 = arith.cmpi sgt, %jit3A_1271, %sign3A_1280 : i32
      %sign3A_1282 = arith.extui %sign3A_1281 : i1 to i32
      %sign3A_1283 = arith.constant 0 : i32
      %sign3A_1284 = arith.cmpi slt, %jit3A_1271, %sign3A_1283 : i32
      %sign3A_1285 = arith.extui %sign3A_1284 : i1 to i32
      %sign3A_1286 = arith.subi %sign3A_1282, %sign3A_1285 : i32
      %ne3A_1287 = arith.cmpi ne, %sign3A_1279, %sign3A_1286 : i32
      %rem3A_1288 = arith.remsi %squeeze3A_1270, %jit3A_1271 : i32
      %ne3A_1289 = arith.constant 0 : i32
      %ne3A_1290 = arith.cmpi ne, %rem3A_1288, %ne3A_1289 : i32
      %and3A_1291 = arith.andi %ne3A_1287, %ne3A_1290 : i1
      %sub3A_1292 = arith.constant 1 : i32
      %sub3A_1293 = arith.subi %div3A_1272, %sub3A_1292 : i32
      %select_n3A_1294 = arith.select %and3A_1291, %sub3A_1293, %div3A_1272 : i32
      %mul3A_1295 = arith.constant 128 : i32
      %mul3A_1296 = arith.muli %select_n3A_1294, %mul3A_1295 : i32
      %multiple_of3A_1297 = tpu.assume_multiple %mul3A_1296, 128 : i32
      %slice3A_1298 = vector.extract_strided_slice %get3A_752 {offsets = [14], sizes = [1], strides = [1]} : vector<16xi32> to vector<1xi32>
      %squeeze3A_1299 = vector.extract %slice3A_1298[0] : i32 from vector<1xi32>
      %jit3A_1300 = arith.constant 128 : i32
      %div3A_1301 = arith.divsi %squeeze3A_1299, %jit3A_1300 : i32
      %sign3A_1302 = arith.constant 0 : i32
      %sign3A_1303 = arith.cmpi sgt, %squeeze3A_1299, %sign3A_1302 : i32
      %sign3A_1304 = arith.extui %sign3A_1303 : i1 to i32
      %sign3A_1305 = arith.constant 0 : i32
      %sign3A_1306 = arith.cmpi slt, %squeeze3A_1299, %sign3A_1305 : i32
      %sign3A_1307 = arith.extui %sign3A_1306 : i1 to i32
      %sign3A_1308 = arith.subi %sign3A_1304, %sign3A_1307 : i32
      %sign3A_1309 = arith.constant 0 : i32
      %sign3A_1310 = arith.cmpi sgt, %jit3A_1300, %sign3A_1309 : i32
      %sign3A_1311 = arith.extui %sign3A_1310 : i1 to i32
      %sign3A_1312 = arith.constant 0 : i32
      %sign3A_1313 = arith.cmpi slt, %jit3A_1300, %sign3A_1312 : i32
      %sign3A_1314 = arith.extui %sign3A_1313 : i1 to i32
      %sign3A_1315 = arith.subi %sign3A_1311, %sign3A_1314 : i32
      %ne3A_1316 = arith.cmpi ne, %sign3A_1308, %sign3A_1315 : i32
      %rem3A_1317 = arith.remsi %squeeze3A_1299, %jit3A_1300 : i32
      %ne3A_1318 = arith.constant 0 : i32
      %ne3A_1319 = arith.cmpi ne, %rem3A_1317, %ne3A_1318 : i32
      %and3A_1320 = arith.andi %ne3A_1316, %ne3A_1319 : i1
      %sub3A_1321 = arith.constant 1 : i32
      %sub3A_1322 = arith.subi %div3A_1301, %sub3A_1321 : i32
      %select_n3A_1323 = arith.select %and3A_1320, %sub3A_1322, %div3A_1301 : i32
      %mul3A_1324 = arith.constant 128 : i32
      %mul3A_1325 = arith.muli %select_n3A_1323, %mul3A_1324 : i32
      %multiple_of3A_1326 = tpu.assume_multiple %mul3A_1325, 128 : i32
      %dma_start3A_1327 = arith.constant 0 : i32
      %dma_start3A_1328 = arith.constant 0 : i32
      %dma_start3A_1329 = arith.constant 768 : i32
      %dma_start3A_1330 = tpu.memref_slice %arg11[%dma_start3A_1327, %dma_start3A_1328, %dma_start3A_1329] : memref<2x8x1024xf32, #tpu.memory_space<vmem>> -> memref<2x8x128xf32, #tpu.memory_space<vmem>>
      %dma_start3A_1331 = arith.constant 0 : i32
      %dma_start3A_1332 = arith.constant 0 : i32
      %dma_start3A_1333 = tpu.memref_slice %arg4[%dma_start3A_1331, %dma_start3A_1332, %multiple_of3A_1297] : memref<2x8x1000001xf32, #tpu.memory_space<hbm>> -> memref<2x8x128xf32, #tpu.memory_space<hbm>>
      %dma_start3A_1334 = arith.constant 0 : i32
      %dma_start3A_1335 = arith.constant 0 : i32
      %dma_start3A_1336 = arith.constant 768 : i32
      %dma_start3A_1337 = tpu.memref_slice %arg11[%dma_start3A_1334, %dma_start3A_1335, %dma_start3A_1336] : memref<2x8x1024xf32, #tpu.memory_space<vmem>> -> memref<2x8x128xf32, #tpu.memory_space<vmem>>
      %dma_start3A_1338 = arith.constant 0 : i32
      %dma_start3A_1339 = arith.constant 0 : i32
      %dma_start3A_1340 = tpu.memref_slice %arg4[%dma_start3A_1338, %dma_start3A_1339, %multiple_of3A_1297] : memref<2x8x1000001xf32, #tpu.memory_space<hbm>> -> memref<2x8x128xf32, #tpu.memory_space<hbm>>
      tpu.enqueue_dma source(%dma_start3A_1340 : memref<2x8x128xf32, #tpu.memory_space<hbm>>) target(%dma_start3A_1337 : memref<2x8x128xf32, #tpu.memory_space<vmem>>) target_semaphore(%arg16 : memref<!tpu.dma_semaphore, #tpu.memory_space<semaphore_mem>>)
      %dma_start3A_1341 = arith.constant 0 : i32
      %dma_start3A_1342 = arith.constant 0 : i32
      %dma_start3A_1343 = arith.constant 768 : i32
      %dma_start3A_1344 = tpu.memref_slice %arg12[%dma_start3A_1341, %dma_start3A_1342, %dma_start3A_1343] : memref<2x8x1024xf32, #tpu.memory_space<vmem>> -> memref<2x8x128xf32, #tpu.memory_space<vmem>>
      %dma_start3A_1345 = arith.constant 0 : i32
      %dma_start3A_1346 = arith.constant 0 : i32
      %dma_start3A_1347 = tpu.memref_slice %arg5[%dma_start3A_1345, %dma_start3A_1346, %multiple_of3A_1326] : memref<2x8x1000001xf32, #tpu.memory_space<hbm>> -> memref<2x8x128xf32, #tpu.memory_space<hbm>>
      %dma_start3A_1348 = arith.constant 0 : i32
      %dma_start3A_1349 = arith.constant 0 : i32
      %dma_start3A_1350 = arith.constant 768 : i32
      %dma_start3A_1351 = tpu.memref_slice %arg12[%dma_start3A_1348, %dma_start3A_1349, %dma_start3A_1350] : memref<2x8x1024xf32, #tpu.memory_space<vmem>> -> memref<2x8x128xf32, #tpu.memory_space<vmem>>
      %dma_start3A_1352 = arith.constant 0 : i32
      %dma_start3A_1353 = arith.constant 0 : i32
      %dma_start3A_1354 = tpu.memref_slice %arg5[%dma_start3A_1352, %dma_start3A_1353, %multiple_of3A_1326] : memref<2x8x1000001xf32, #tpu.memory_space<hbm>> -> memref<2x8x128xf32, #tpu.memory_space<hbm>>
      tpu.enqueue_dma source(%dma_start3A_1354 : memref<2x8x128xf32, #tpu.memory_space<hbm>>) target(%dma_start3A_1351 : memref<2x8x128xf32, #tpu.memory_space<vmem>>) target_semaphore(%arg16 : memref<!tpu.dma_semaphore, #tpu.memory_space<semaphore_mem>>)
      %slice3A_1355 = vector.extract_strided_slice %get3A_746 {offsets = [15], sizes = [1], strides = [1]} : vector<16xi32> to vector<1xi32>
      %squeeze3A_1356 = vector.extract %slice3A_1355[0] : i32 from vector<1xi32>
      %jit3A_1357 = arith.constant 128 : i32
      %div3A_1358 = arith.divsi %squeeze3A_1356, %jit3A_1357 : i32
      %sign3A_1359 = arith.constant 0 : i32
      %sign3A_1360 = arith.cmpi sgt, %squeeze3A_1356, %sign3A_1359 : i32
      %sign3A_1361 = arith.extui %sign3A_1360 : i1 to i32
      %sign3A_1362 = arith.constant 0 : i32
      %sign3A_1363 = arith.cmpi slt, %squeeze3A_1356, %sign3A_1362 : i32
      %sign3A_1364 = arith.extui %sign3A_1363 : i1 to i32
      %sign3A_1365 = arith.subi %sign3A_1361, %sign3A_1364 : i32
      %sign3A_1366 = arith.constant 0 : i32
      %sign3A_1367 = arith.cmpi sgt, %jit3A_1357, %sign3A_1366 : i32
      %sign3A_1368 = arith.extui %sign3A_1367 : i1 to i32
      %sign3A_1369 = arith.constant 0 : i32
      %sign3A_1370 = arith.cmpi slt, %jit3A_1357, %sign3A_1369 : i32
      %sign3A_1371 = arith.extui %sign3A_1370 : i1 to i32
      %sign3A_1372 = arith.subi %sign3A_1368, %sign3A_1371 : i32
      %ne3A_1373 = arith.cmpi ne, %sign3A_1365, %sign3A_1372 : i32
      %rem3A_1374 = arith.remsi %squeeze3A_1356, %jit3A_1357 : i32
      %ne3A_1375 = arith.constant 0 : i32
      %ne3A_1376 = arith.cmpi ne, %rem3A_1374, %ne3A_1375 : i32
      %and3A_1377 = arith.andi %ne3A_1373, %ne3A_1376 : i1
      %sub3A_1378 = arith.constant 1 : i32
      %sub3A_1379 = arith.subi %div3A_1358, %sub3A_1378 : i32
      %select_n3A_1380 = arith.select %and3A_1377, %sub3A_1379, %div3A_1358 : i32
      %mul3A_1381 = arith.constant 128 : i32
      %mul3A_1382 = arith.muli %select_n3A_1380, %mul3A_1381 : i32
      %multiple_of3A_1383 = tpu.assume_multiple %mul3A_1382, 128 : i32
      %slice3A_1384 = vector.extract_strided_slice %get3A_752 {offsets = [15], sizes = [1], strides = [1]} : vector<16xi32> to vector<1xi32>
      %squeeze3A_1385 = vector.extract %slice3A_1384[0] : i32 from vector<1xi32>
      %jit3A_1386 = arith.constant 128 : i32
      %div3A_1387 = arith.divsi %squeeze3A_1385, %jit3A_1386 : i32
      %sign3A_1388 = arith.constant 0 : i32
      %sign3A_1389 = arith.cmpi sgt, %squeeze3A_1385, %sign3A_1388 : i32
      %sign3A_1390 = arith.extui %sign3A_1389 : i1 to i32
      %sign3A_1391 = arith.constant 0 : i32
      %sign3A_1392 = arith.cmpi slt, %squeeze3A_1385, %sign3A_1391 : i32
      %sign3A_1393 = arith.extui %sign3A_1392 : i1 to i32
      %sign3A_1394 = arith.subi %sign3A_1390, %sign3A_1393 : i32
      %sign3A_1395 = arith.constant 0 : i32
      %sign3A_1396 = arith.cmpi sgt, %jit3A_1386, %sign3A_1395 : i32
      %sign3A_1397 = arith.extui %sign3A_1396 : i1 to i32
      %sign3A_1398 = arith.constant 0 : i32
      %sign3A_1399 = arith.cmpi slt, %jit3A_1386, %sign3A_1398 : i32
      %sign3A_1400 = arith.extui %sign3A_1399 : i1 to i32
      %sign3A_1401 = arith.subi %sign3A_1397, %sign3A_1400 : i32
      %ne3A_1402 = arith.cmpi ne, %sign3A_1394, %sign3A_1401 : i32
      %rem3A_1403 = arith.remsi %squeeze3A_1385, %jit3A_1386 : i32
      %ne3A_1404 = arith.constant 0 : i32
      %ne3A_1405 = arith.cmpi ne, %rem3A_1403, %ne3A_1404 : i32
      %and3A_1406 = arith.andi %ne3A_1402, %ne3A_1405 : i1
      %sub3A_1407 = arith.constant 1 : i32
      %sub3A_1408 = arith.subi %div3A_1387, %sub3A_1407 : i32
      %select_n3A_1409 = arith.select %and3A_1406, %sub3A_1408, %div3A_1387 : i32
      %mul3A_1410 = arith.constant 128 : i32
      %mul3A_1411 = arith.muli %select_n3A_1409, %mul3A_1410 : i32
      %multiple_of3A_1412 = tpu.assume_multiple %mul3A_1411, 128 : i32
      %dma_start3A_1413 = arith.constant 0 : i32
      %dma_start3A_1414 = arith.constant 0 : i32
      %dma_start3A_1415 = arith.constant 896 : i32
      %dma_start3A_1416 = tpu.memref_slice %arg11[%dma_start3A_1413, %dma_start3A_1414, %dma_start3A_1415] : memref<2x8x1024xf32, #tpu.memory_space<vmem>> -> memref<2x8x128xf32, #tpu.memory_space<vmem>>
      %dma_start3A_1417 = arith.constant 0 : i32
      %dma_start3A_1418 = arith.constant 0 : i32
      %dma_start3A_1419 = tpu.memref_slice %arg4[%dma_start3A_1417, %dma_start3A_1418, %multiple_of3A_1383] : memref<2x8x1000001xf32, #tpu.memory_space<hbm>> -> memref<2x8x128xf32, #tpu.memory_space<hbm>>
      %dma_start3A_1420 = arith.constant 0 : i32
      %dma_start3A_1421 = arith.constant 0 : i32
      %dma_start3A_1422 = arith.constant 896 : i32
      %dma_start3A_1423 = tpu.memref_slice %arg11[%dma_start3A_1420, %dma_start3A_1421, %dma_start3A_1422] : memref<2x8x1024xf32, #tpu.memory_space<vmem>> -> memref<2x8x128xf32, #tpu.memory_space<vmem>>
      %dma_start3A_1424 = arith.constant 0 : i32
      %dma_start3A_1425 = arith.constant 0 : i32
      %dma_start3A_1426 = tpu.memref_slice %arg4[%dma_start3A_1424, %dma_start3A_1425, %multiple_of3A_1383] : memref<2x8x1000001xf32, #tpu.memory_space<hbm>> -> memref<2x8x128xf32, #tpu.memory_space<hbm>>
      tpu.enqueue_dma source(%dma_start3A_1426 : memref<2x8x128xf32, #tpu.memory_space<hbm>>) target(%dma_start3A_1423 : memref<2x8x128xf32, #tpu.memory_space<vmem>>) target_semaphore(%arg16 : memref<!tpu.dma_semaphore, #tpu.memory_space<semaphore_mem>>)
      %dma_start3A_1427 = arith.constant 0 : i32
      %dma_start3A_1428 = arith.constant 0 : i32
      %dma_start3A_1429 = arith.constant 896 : i32
      %dma_start3A_1430 = tpu.memref_slice %arg12[%dma_start3A_1427, %dma_start3A_1428, %dma_start3A_1429] : memref<2x8x1024xf32, #tpu.memory_space<vmem>> -> memref<2x8x128xf32, #tpu.memory_space<vmem>>
      %dma_start3A_1431 = arith.constant 0 : i32
      %dma_start3A_1432 = arith.constant 0 : i32
      %dma_start3A_1433 = tpu.memref_slice %arg5[%dma_start3A_1431, %dma_start3A_1432, %multiple_of3A_1412] : memref<2x8x1000001xf32, #tpu.memory_space<hbm>> -> memref<2x8x128xf32, #tpu.memory_space<hbm>>
      %dma_start3A_1434 = arith.constant 0 : i32
      %dma_start3A_1435 = arith.constant 0 : i32
      %dma_start3A_1436 = arith.constant 896 : i32
      %dma_start3A_1437 = tpu.memref_slice %arg12[%dma_start3A_1434, %dma_start3A_1435, %dma_start3A_1436] : memref<2x8x1024xf32, #tpu.memory_space<vmem>> -> memref<2x8x128xf32, #tpu.memory_space<vmem>>
      %dma_start3A_1438 = arith.constant 0 : i32
      %dma_start3A_1439 = arith.constant 0 : i32
      %dma_start3A_1440 = tpu.memref_slice %arg5[%dma_start3A_1438, %dma_start3A_1439, %multiple_of3A_1412] : memref<2x8x1000001xf32, #tpu.memory_space<hbm>> -> memref<2x8x128xf32, #tpu.memory_space<hbm>>
      tpu.enqueue_dma source(%dma_start3A_1440 : memref<2x8x128xf32, #tpu.memory_space<hbm>>) target(%dma_start3A_1437 : memref<2x8x128xf32, #tpu.memory_space<vmem>>) target_semaphore(%arg16 : memref<!tpu.dma_semaphore, #tpu.memory_space<semaphore_mem>>)
      %dma_wait3A = arith.constant 0 : i32
      %dma_wait3A_1441 = arith.constant 0 : i32
      %dma_wait3A_1442 = arith.constant 0 : i32
      %dma_wait3A_1443 = tpu.memref_slice %arg4[%dma_wait3A, %dma_wait3A_1441, %dma_wait3A_1442] : memref<2x8x1000001xf32, #tpu.memory_space<hbm>> -> memref<2x8x1024xf32, #tpu.memory_space<hbm>>
      %dma_wait3A_1444 = arith.constant 0 : i32
      %dma_wait3A_1445 = arith.constant 0 : i32
      %dma_wait3A_1446 = arith.constant 0 : i32
      %dma_wait3A_1447 = tpu.memref_slice %arg4[%dma_wait3A_1444, %dma_wait3A_1445, %dma_wait3A_1446] : memref<2x8x1000001xf32, #tpu.memory_space<hbm>> -> memref<2x8x1024xf32, #tpu.memory_space<hbm>>
      tpu.wait_dma2 semaphore(%arg15 : memref<!tpu.dma_semaphore, #tpu.memory_space<semaphore_mem>>) src(%dma_wait3A_1447 : memref<2x8x1024xf32, #tpu.memory_space<hbm>>) dst(%arg9 : memref<2x8x1024xf32, #tpu.memory_space<vmem>>)
      %dma_wait3A_1448 = arith.constant 0 : i32
      %dma_wait3A_1449 = arith.constant 0 : i32
      %dma_wait3A_1450 = arith.constant 0 : i32
      %dma_wait3A_1451 = tpu.memref_slice %arg4[%dma_wait3A_1448, %dma_wait3A_1449, %dma_wait3A_1450] : memref<2x8x1000001xf32, #tpu.memory_space<hbm>> -> memref<2x8x1024xf32, #tpu.memory_space<hbm>>
      %dma_wait3A_1452 = arith.constant 0 : i32
      %dma_wait3A_1453 = arith.constant 0 : i32
      %dma_wait3A_1454 = arith.constant 0 : i32
      %dma_wait3A_1455 = tpu.memref_slice %arg4[%dma_wait3A_1452, %dma_wait3A_1453, %dma_wait3A_1454] : memref<2x8x1000001xf32, #tpu.memory_space<hbm>> -> memref<2x8x1024xf32, #tpu.memory_space<hbm>>
      tpu.wait_dma2 semaphore(%arg15 : memref<!tpu.dma_semaphore, #tpu.memory_space<semaphore_mem>>) src(%dma_wait3A_1455 : memref<2x8x1024xf32, #tpu.memory_space<hbm>>) dst(%arg10 : memref<2x8x1024xf32, #tpu.memory_space<vmem>>)
      %mul3A_1456 = arith.constant 16 : i32
      %mul3A_1457 = arith.muli %scan3A_740, %mul3A_1456 : i32
      %get3A_1458 = arith.constant 0 : i32
      %get3A_1459 = arith.index_cast %get3A_1458 : i32 to index
      %get3A_1460 = arith.index_cast %mul3A_1457 : i32 to index
      %get3A_1461 = tpu.vector_load %arg7[%get3A_1459, %get3A_1460] {strides = array<i32>} : memref<1x512xi32, #tpu.memory_space<vmem>>, vector<16xi32>,
      %mul3A_1462 = arith.constant 16 : i32
      %mul3A_1463 = arith.muli %scan3A_740, %mul3A_1462 : i32
      %get3A_1464 = arith.constant 0 : i32
      %get3A_1465 = arith.index_cast %get3A_1464 : i32 to index
      %get3A_1466 = arith.index_cast %mul3A_1463 : i32 to index
      %get3A_1467 = tpu.vector_load %arg8[%get3A_1465, %get3A_1466] {strides = array<i32>} : memref<1x512xi32, #tpu.memory_space<vmem>>, vector<16xi32>,
      %slice3A_1468 = vector.extract_strided_slice %get3A_1461 {offsets = [0], sizes = [1], strides = [1]} : vector<16xi32> to vector<1xi32>
      %squeeze3A_1469 = vector.extract %slice3A_1468[0] : i32 from vector<1xi32>
      %jit3A_1470 = arith.constant 128 : i32
      %eq3A_1471 = arith.constant 0 : i32
      %eq3A_1472 = arith.cmpi eq, %jit3A_1470, %eq3A_1471 : i32
      %jit3A_1473 = arith.constant 1 : i32
      %select_n3A_1474 = arith.select %eq3A_1472, %jit3A_1473, %jit3A_1470 : i32
      %rem3A_1475 = arith.remsi %squeeze3A_1469, %select_n3A_1474 : i32
      %ne3A_1476 = arith.constant 0 : i32
      %ne3A_1477 = arith.cmpi ne, %rem3A_1475, %ne3A_1476 : i32
      %lt3A_1478 = arith.constant 0 : i32
      %lt3A_1479 = arith.cmpi slt, %rem3A_1475, %lt3A_1478 : i32
      %lt3A_1480 = arith.constant 0 : i32
      %lt3A_1481 = arith.cmpi slt, %select_n3A_1474, %lt3A_1480 : i32
      %ne3A_1482 = arith.xori %lt3A_1479, %lt3A_1481 : i1
      %and3A_1483 = arith.andi %ne3A_1482, %ne3A_1477 : i1
      %add3A_1484 = arith.addi %rem3A_1475, %select_n3A_1474 : i32
      %select_n3A_1485 = arith.select %and3A_1483, %add3A_1484, %rem3A_1475 : i32
      %add3A_1486 = arith.constant 0 : i32
      %add3A_1487 = arith.addi %select_n3A_1485, %add3A_1486 : i32
      %broadcast_in_dim3A = vector.broadcast %add3A_1487 : i32 to vector<16xi32>
      %slice3A_1488 = vector.extract_strided_slice %get3A_1467 {offsets = [0], sizes = [1], strides = [1]} : vector<16xi32> to vector<1xi32>
      %squeeze3A_1489 = vector.extract %slice3A_1488[0] : i32 from vector<1xi32>
      %jit3A_1490 = arith.constant 128 : i32
      %eq3A_1491 = arith.constant 0 : i32
      %eq3A_1492 = arith.cmpi eq, %jit3A_1490, %eq3A_1491 : i32
      %jit3A_1493 = arith.constant 1 : i32
      %select_n3A_1494 = arith.select %eq3A_1492, %jit3A_1493, %jit3A_1490 : i32
      %rem3A_1495 = arith.remsi %squeeze3A_1489, %select_n3A_1494 : i32
      %ne3A_1496 = arith.constant 0 : i32
      %ne3A_1497 = arith.cmpi ne, %rem3A_1495, %ne3A_1496 : i32
      %lt3A_1498 = arith.constant 0 : i32
      %lt3A_1499 = arith.cmpi slt, %rem3A_1495, %lt3A_1498 : i32
      %lt3A_1500 = arith.constant 0 : i32
      %lt3A_1501 = arith.cmpi slt, %select_n3A_1494, %lt3A_1500 : i32
      %ne3A_1502 = arith.xori %lt3A_1499, %lt3A_1501 : i1
      %and3A_1503 = arith.andi %ne3A_1502, %ne3A_1497 : i1
      %add3A_1504 = arith.addi %rem3A_1495, %select_n3A_1494 : i32
      %select_n3A_1505 = arith.select %and3A_1503, %add3A_1504, %rem3A_1495 : i32
      %add3A_1506 = arith.constant 0 : i32
      %add3A_1507 = arith.addi %select_n3A_1505, %add3A_1506 : i32
      %broadcast_in_dim3A_1508 = vector.broadcast %add3A_1507 : i32 to vector<16xi32>
      %gather3A = tpu.vector_load_idx %arg9[%select_n3A, %select_n3A_43, %broadcast_in_dim3A] : memref<2x8x1024xf32, #tpu.memory_space<vmem>>[vector<16xi32>, vector<16xi32>, vector<16xi32>], vector<16xf32>,
      %gather3A_1509 = tpu.vector_load_idx %arg10[%select_n3A, %select_n3A_43, %broadcast_in_dim3A_1508] : memref<2x8x1024xf32, #tpu.memory_space<vmem>>[vector<16xi32>, vector<16xi32>, vector<16xi32>], vector<16xf32>,
      %mul3A_1510 = arith.mulf %gather3A, %gather3A_1509 : vector<16xf32>
      %swap3A = arith.constant 0 : i32
      %swap3A_1511 = arith.index_cast %swap3A : i32 to index
      %swap3A_1512 = arith.constant 0 : index
      %swap3A_1513 = tpu.vector_load %arg13[%swap3A_1511, %swap3A_1512] {strides = array<i32>} : memref<16x128xf32, #tpu.memory_space<vmem>>, vector<16xf32>,
      tpu.vector_store %arg13[%swap3A_1511, %swap3A_1512], %mul3A_1510 {strides = array<i32>} : memref<16x128xf32, #tpu.memory_space<vmem>>, vector<16xf32>,
      %slice3A_1514 = vector.extract_strided_slice %get3A_1461 {offsets = [1], sizes = [1], strides = [1]} : vector<16xi32> to vector<1xi32>
      %squeeze3A_1515 = vector.extract %slice3A_1514[0] : i32 from vector<1xi32>
      %jit3A_1516 = arith.constant 128 : i32
      %eq3A_1517 = arith.constant 0 : i32
      %eq3A_1518 = arith.cmpi eq, %jit3A_1516, %eq3A_1517 : i32
      %jit3A_1519 = arith.constant 1 : i32
      %select_n3A_1520 = arith.select %eq3A_1518, %jit3A_1519, %jit3A_1516 : i32
      %rem3A_1521 = arith.remsi %squeeze3A_1515, %select_n3A_1520 : i32
      %ne3A_1522 = arith.constant 0 : i32
      %ne3A_1523 = arith.cmpi ne, %rem3A_1521, %ne3A_1522 : i32
      %lt3A_1524 = arith.constant 0 : i32
      %lt3A_1525 = arith.cmpi slt, %rem3A_1521, %lt3A_1524 : i32
      %lt3A_1526 = arith.constant 0 : i32
      %lt3A_1527 = arith.cmpi slt, %select_n3A_1520, %lt3A_1526 : i32
      %ne3A_1528 = arith.xori %lt3A_1525, %lt3A_1527 : i1
      %and3A_1529 = arith.andi %ne3A_1528, %ne3A_1523 : i1
      %add3A_1530 = arith.addi %rem3A_1521, %select_n3A_1520 : i32
      %select_n3A_1531 = arith.select %and3A_1529, %add3A_1530, %rem3A_1521 : i32
      %add3A_1532 = arith.constant 128 : i32
      %add3A_1533 = arith.addi %select_n3A_1531, %add3A_1532 : i32
      %broadcast_in_dim3A_1534 = vector.broadcast %add3A_1533 : i32 to vector<16xi32>
      %slice3A_1535 = vector.extract_strided_slice %get3A_1467 {offsets = [1], sizes = [1], strides = [1]} : vector<16xi32> to vector<1xi32>
      %squeeze3A_1536 = vector.extract %slice3A_1535[0] : i32 from vector<1xi32>
      %jit3A_1537 = arith.constant 128 : i32
      %eq3A_1538 = arith.constant 0 : i32
      %eq3A_1539 = arith.cmpi eq, %jit3A_1537, %eq3A_1538 : i32
      %jit3A_1540 = arith.constant 1 : i32
      %select_n3A_1541 = arith.select %eq3A_1539, %jit3A_1540, %jit3A_1537 : i32
      %rem3A_1542 = arith.remsi %squeeze3A_1536, %select_n3A_1541 : i32
      %ne3A_1543 = arith.constant 0 : i32
      %ne3A_1544 = arith.cmpi ne, %rem3A_1542, %ne3A_1543 : i32
      %lt3A_1545 = arith.constant 0 : i32
      %lt3A_1546 = arith.cmpi slt, %rem3A_1542, %lt3A_1545 : i32
      %lt3A_1547 = arith.constant 0 : i32
      %lt3A_1548 = arith.cmpi slt, %select_n3A_1541, %lt3A_1547 : i32
      %ne3A_1549 = arith.xori %lt3A_1546, %lt3A_1548 : i1
      %and3A_1550 = arith.andi %ne3A_1549, %ne3A_1544 : i1
      %add3A_1551 = arith.addi %rem3A_1542, %select_n3A_1541 : i32
      %select_n3A_1552 = arith.select %and3A_1550, %add3A_1551, %rem3A_1542 : i32
      %add3A_1553 = arith.constant 128 : i32
      %add3A_1554 = arith.addi %select_n3A_1552, %add3A_1553 : i32
      %broadcast_in_dim3A_1555 = vector.broadcast %add3A_1554 : i32 to vector<16xi32>
      %gather3A_1556 = tpu.vector_load_idx %arg9[%select_n3A, %select_n3A_43, %broadcast_in_dim3A_1534] : memref<2x8x1024xf32, #tpu.memory_space<vmem>>[vector<16xi32>, vector<16xi32>, vector<16xi32>], vector<16xf32>,
      %gather3A_1557 = tpu.vector_load_idx %arg10[%select_n3A, %select_n3A_43, %broadcast_in_dim3A_1555] : memref<2x8x1024xf32, #tpu.memory_space<vmem>>[vector<16xi32>, vector<16xi32>, vector<16xi32>], vector<16xf32>,
      %mul3A_1558 = arith.mulf %gather3A_1556, %gather3A_1557 : vector<16xf32>
      %swap3A_1559 = arith.constant 1 : i32
      %swap3A_1560 = arith.index_cast %swap3A_1559 : i32 to index
      %swap3A_1561 = arith.constant 0 : index
      %swap3A_1562 = tpu.vector_load %arg13[%swap3A_1560, %swap3A_1561] {strides = array<i32>} : memref<16x128xf32, #tpu.memory_space<vmem>>, vector<16xf32>,
      tpu.vector_store %arg13[%swap3A_1560, %swap3A_1561], %mul3A_1558 {strides = array<i32>} : memref<16x128xf32, #tpu.memory_space<vmem>>, vector<16xf32>,
      %slice3A_1563 = vector.extract_strided_slice %get3A_1461 {offsets = [2], sizes = [1], strides = [1]} : vector<16xi32> to vector<1xi32>
      %squeeze3A_1564 = vector.extract %slice3A_1563[0] : i32 from vector<1xi32>
      %jit3A_1565 = arith.constant 128 : i32
      %eq3A_1566 = arith.constant 0 : i32
      %eq3A_1567 = arith.cmpi eq, %jit3A_1565, %eq3A_1566 : i32
      %jit3A_1568 = arith.constant 1 : i32
      %select_n3A_1569 = arith.select %eq3A_1567, %jit3A_1568, %jit3A_1565 : i32
      %rem3A_1570 = arith.remsi %squeeze3A_1564, %select_n3A_1569 : i32
      %ne3A_1571 = arith.constant 0 : i32
      %ne3A_1572 = arith.cmpi ne, %rem3A_1570, %ne3A_1571 : i32
      %lt3A_1573 = arith.constant 0 : i32
      %lt3A_1574 = arith.cmpi slt, %rem3A_1570, %lt3A_1573 : i32
      %lt3A_1575 = arith.constant 0 : i32
      %lt3A_1576 = arith.cmpi slt, %select_n3A_1569, %lt3A_1575 : i32
      %ne3A_1577 = arith.xori %lt3A_1574, %lt3A_1576 : i1
      %and3A_1578 = arith.andi %ne3A_1577, %ne3A_1572 : i1
      %add3A_1579 = arith.addi %rem3A_1570, %select_n3A_1569 : i32
      %select_n3A_1580 = arith.select %and3A_1578, %add3A_1579, %rem3A_1570 : i32
      %add3A_1581 = arith.constant 256 : i32
      %add3A_1582 = arith.addi %select_n3A_1580, %add3A_1581 : i32
      %broadcast_in_dim3A_1583 = vector.broadcast %add3A_1582 : i32 to vector<16xi32>
      %slice3A_1584 = vector.extract_strided_slice %get3A_1467 {offsets = [2], sizes = [1], strides = [1]} : vector<16xi32> to vector<1xi32>
      %squeeze3A_1585 = vector.extract %slice3A_1584[0] : i32 from vector<1xi32>
      %jit3A_1586 = arith.constant 128 : i32
      %eq3A_1587 = arith.constant 0 : i32
      %eq3A_1588 = arith.cmpi eq, %jit3A_1586, %eq3A_1587 : i32
      %jit3A_1589 = arith.constant 1 : i32
      %select_n3A_1590 = arith.select %eq3A_1588, %jit3A_1589, %jit3A_1586 : i32
      %rem3A_1591 = arith.remsi %squeeze3A_1585, %select_n3A_1590 : i32
      %ne3A_1592 = arith.constant 0 : i32
      %ne3A_1593 = arith.cmpi ne, %rem3A_1591, %ne3A_1592 : i32
      %lt3A_1594 = arith.constant 0 : i32
      %lt3A_1595 = arith.cmpi slt, %rem3A_1591, %lt3A_1594 : i32
      %lt3A_1596 = arith.constant 0 : i32
      %lt3A_1597 = arith.cmpi slt, %select_n3A_1590, %lt3A_1596 : i32
      %ne3A_1598 = arith.xori %lt3A_1595, %lt3A_1597 : i1
      %and3A_1599 = arith.andi %ne3A_1598, %ne3A_1593 : i1
      %add3A_1600 = arith.addi %rem3A_1591, %select_n3A_1590 : i32
      %select_n3A_1601 = arith.select %and3A_1599, %add3A_1600, %rem3A_1591 : i32
      %add3A_1602 = arith.constant 256 : i32
      %add3A_1603 = arith.addi %select_n3A_1601, %add3A_1602 : i32
      %broadcast_in_dim3A_1604 = vector.broadcast %add3A_1603 : i32 to vector<16xi32>
      %gather3A_1605 = tpu.vector_load_idx %arg9[%select_n3A, %select_n3A_43, %broadcast_in_dim3A_1583] : memref<2x8x1024xf32, #tpu.memory_space<vmem>>[vector<16xi32>, vector<16xi32>, vector<16xi32>], vector<16xf32>,
      %gather3A_1606 = tpu.vector_load_idx %arg10[%select_n3A, %select_n3A_43, %broadcast_in_dim3A_1604] : memref<2x8x1024xf32, #tpu.memory_space<vmem>>[vector<16xi32>, vector<16xi32>, vector<16xi32>], vector<16xf32>,
      %mul3A_1607 = arith.mulf %gather3A_1605, %gather3A_1606 : vector<16xf32>
      %swap3A_1608 = arith.constant 2 : i32
      %swap3A_1609 = arith.index_cast %swap3A_1608 : i32 to index
      %swap3A_1610 = arith.constant 0 : index
      %swap3A_1611 = tpu.vector_load %arg13[%swap3A_1609, %swap3A_1610] {strides = array<i32>} : memref<16x128xf32, #tpu.memory_space<vmem>>, vector<16xf32>,
      tpu.vector_store %arg13[%swap3A_1609, %swap3A_1610], %mul3A_1607 {strides = array<i32>} : memref<16x128xf32, #tpu.memory_space<vmem>>, vector<16xf32>,
      %slice3A_1612 = vector.extract_strided_slice %get3A_1461 {offsets = [3], sizes = [1], strides = [1]} : vector<16xi32> to vector<1xi32>
      %squeeze3A_1613 = vector.extract %slice3A_1612[0] : i32 from vector<1xi32>
      %jit3A_1614 = arith.constant 128 : i32
      %eq3A_1615 = arith.constant 0 : i32
      %eq3A_1616 = arith.cmpi eq, %jit3A_1614, %eq3A_1615 : i32
      %jit3A_1617 = arith.constant 1 : i32
      %select_n3A_1618 = arith.select %eq3A_1616, %jit3A_1617, %jit3A_1614 : i32
      %rem3A_1619 = arith.remsi %squeeze3A_1613, %select_n3A_1618 : i32
      %ne3A_1620 = arith.constant 0 : i32
      %ne3A_1621 = arith.cmpi ne, %rem3A_1619, %ne3A_1620 : i32
      %lt3A_1622 = arith.constant 0 : i32
      %lt3A_1623 = arith.cmpi slt, %rem3A_1619, %lt3A_1622 : i32
      %lt3A_1624 = arith.constant 0 : i32
      %lt3A_1625 = arith.cmpi slt, %select_n3A_1618, %lt3A_1624 : i32
      %ne3A_1626 = arith.xori %lt3A_1623, %lt3A_1625 : i1
      %and3A_1627 = arith.andi %ne3A_1626, %ne3A_1621 : i1
      %add3A_1628 = arith.addi %rem3A_1619, %select_n3A_1618 : i32
      %select_n3A_1629 = arith.select %and3A_1627, %add3A_1628, %rem3A_1619 : i32
      %add3A_1630 = arith.constant 384 : i32
      %add3A_1631 = arith.addi %select_n3A_1629, %add3A_1630 : i32
      %broadcast_in_dim3A_1632 = vector.broadcast %add3A_1631 : i32 to vector<16xi32>
      %slice3A_1633 = vector.extract_strided_slice %get3A_1467 {offsets = [3], sizes = [1], strides = [1]} : vector<16xi32> to vector<1xi32>
      %squeeze3A_1634 = vector.extract %slice3A_1633[0] : i32 from vector<1xi32>
      %jit3A_1635 = arith.constant 128 : i32
      %eq3A_1636 = arith.constant 0 : i32
      %eq3A_1637 = arith.cmpi eq, %jit3A_1635, %eq3A_1636 : i32
      %jit3A_1638 = arith.constant 1 : i32
      %select_n3A_1639 = arith.select %eq3A_1637, %jit3A_1638, %jit3A_1635 : i32
      %rem3A_1640 = arith.remsi %squeeze3A_1634, %select_n3A_1639 : i32
      %ne3A_1641 = arith.constant 0 : i32
      %ne3A_1642 = arith.cmpi ne, %rem3A_1640, %ne3A_1641 : i32
      %lt3A_1643 = arith.constant 0 : i32
      %lt3A_1644 = arith.cmpi slt, %rem3A_1640, %lt3A_1643 : i32
      %lt3A_1645 = arith.constant 0 : i32
      %lt3A_1646 = arith.cmpi slt, %select_n3A_1639, %lt3A_1645 : i32
      %ne3A_1647 = arith.xori %lt3A_1644, %lt3A_1646 : i1
      %and3A_1648 = arith.andi %ne3A_1647, %ne3A_1642 : i1
      %add3A_1649 = arith.addi %rem3A_1640, %select_n3A_1639 : i32
      %select_n3A_1650 = arith.select %and3A_1648, %add3A_1649, %rem3A_1640 : i32
      %add3A_1651 = arith.constant 384 : i32
      %add3A_1652 = arith.addi %select_n3A_1650, %add3A_1651 : i32
      %broadcast_in_dim3A_1653 = vector.broadcast %add3A_1652 : i32 to vector<16xi32>
      %gather3A_1654 = tpu.vector_load_idx %arg9[%select_n3A, %select_n3A_43, %broadcast_in_dim3A_1632] : memref<2x8x1024xf32, #tpu.memory_space<vmem>>[vector<16xi32>, vector<16xi32>, vector<16xi32>], vector<16xf32>,
      %gather3A_1655 = tpu.vector_load_idx %arg10[%select_n3A, %select_n3A_43, %broadcast_in_dim3A_1653] : memref<2x8x1024xf32, #tpu.memory_space<vmem>>[vector<16xi32>, vector<16xi32>, vector<16xi32>], vector<16xf32>,
      %mul3A_1656 = arith.mulf %gather3A_1654, %gather3A_1655 : vector<16xf32>
      %swap3A_1657 = arith.constant 3 : i32
      %swap3A_1658 = arith.index_cast %swap3A_1657 : i32 to index
      %swap3A_1659 = arith.constant 0 : index
      %swap3A_1660 = tpu.vector_load %arg13[%swap3A_1658, %swap3A_1659] {strides = array<i32>} : memref<16x128xf32, #tpu.memory_space<vmem>>, vector<16xf32>,
      tpu.vector_store %arg13[%swap3A_1658, %swap3A_1659], %mul3A_1656 {strides = array<i32>} : memref<16x128xf32, #tpu.memory_space<vmem>>, vector<16xf32>,
      %slice3A_1661 = vector.extract_strided_slice %get3A_1461 {offsets = [4], sizes = [1], strides = [1]} : vector<16xi32> to vector<1xi32>
      %squeeze3A_1662 = vector.extract %slice3A_1661[0] : i32 from vector<1xi32>
      %jit3A_1663 = arith.constant 128 : i32
      %eq3A_1664 = arith.constant 0 : i32
      %eq3A_1665 = arith.cmpi eq, %jit3A_1663, %eq3A_1664 : i32
      %jit3A_1666 = arith.constant 1 : i32
      %select_n3A_1667 = arith.select %eq3A_1665, %jit3A_1666, %jit3A_1663 : i32
      %rem3A_1668 = arith.remsi %squeeze3A_1662, %select_n3A_1667 : i32
      %ne3A_1669 = arith.constant 0 : i32
      %ne3A_1670 = arith.cmpi ne, %rem3A_1668, %ne3A_1669 : i32
      %lt3A_1671 = arith.constant 0 : i32
      %lt3A_1672 = arith.cmpi slt, %rem3A_1668, %lt3A_1671 : i32
      %lt3A_1673 = arith.constant 0 : i32
      %lt3A_1674 = arith.cmpi slt, %select_n3A_1667, %lt3A_1673 : i32
      %ne3A_1675 = arith.xori %lt3A_1672, %lt3A_1674 : i1
      %and3A_1676 = arith.andi %ne3A_1675, %ne3A_1670 : i1
      %add3A_1677 = arith.addi %rem3A_1668, %select_n3A_1667 : i32
      %select_n3A_1678 = arith.select %and3A_1676, %add3A_1677, %rem3A_1668 : i32
      %add3A_1679 = arith.constant 512 : i32
      %add3A_1680 = arith.addi %select_n3A_1678, %add3A_1679 : i32
      %broadcast_in_dim3A_1681 = vector.broadcast %add3A_1680 : i32 to vector<16xi32>
      %slice3A_1682 = vector.extract_strided_slice %get3A_1467 {offsets = [4], sizes = [1], strides = [1]} : vector<16xi32> to vector<1xi32>
      %squeeze3A_1683 = vector.extract %slice3A_1682[0] : i32 from vector<1xi32>
      %jit3A_1684 = arith.constant 128 : i32
      %eq3A_1685 = arith.constant 0 : i32
      %eq3A_1686 = arith.cmpi eq, %jit3A_1684, %eq3A_1685 : i32
      %jit3A_1687 = arith.constant 1 : i32
      %select_n3A_1688 = arith.select %eq3A_1686, %jit3A_1687, %jit3A_1684 : i32
      %rem3A_1689 = arith.remsi %squeeze3A_1683, %select_n3A_1688 : i32
      %ne3A_1690 = arith.constant 0 : i32
      %ne3A_1691 = arith.cmpi ne, %rem3A_1689, %ne3A_1690 : i32
      %lt3A_1692 = arith.constant 0 : i32
      %lt3A_1693 = arith.cmpi slt, %rem3A_1689, %lt3A_1692 : i32
      %lt3A_1694 = arith.constant 0 : i32
      %lt3A_1695 = arith.cmpi slt, %select_n3A_1688, %lt3A_1694 : i32
      %ne3A_1696 = arith.xori %lt3A_1693, %lt3A_1695 : i1
      %and3A_1697 = arith.andi %ne3A_1696, %ne3A_1691 : i1
      %add3A_1698 = arith.addi %rem3A_1689, %select_n3A_1688 : i32
      %select_n3A_1699 = arith.select %and3A_1697, %add3A_1698, %rem3A_1689 : i32
      %add3A_1700 = arith.constant 512 : i32
      %add3A_1701 = arith.addi %select_n3A_1699, %add3A_1700 : i32
      %broadcast_in_dim3A_1702 = vector.broadcast %add3A_1701 : i32 to vector<16xi32>
      %gather3A_1703 = tpu.vector_load_idx %arg9[%select_n3A, %select_n3A_43, %broadcast_in_dim3A_1681] : memref<2x8x1024xf32, #tpu.memory_space<vmem>>[vector<16xi32>, vector<16xi32>, vector<16xi32>], vector<16xf32>,
      %gather3A_1704 = tpu.vector_load_idx %arg10[%select_n3A, %select_n3A_43, %broadcast_in_dim3A_1702] : memref<2x8x1024xf32, #tpu.memory_space<vmem>>[vector<16xi32>, vector<16xi32>, vector<16xi32>], vector<16xf32>,
      %mul3A_1705 = arith.mulf %gather3A_1703, %gather3A_1704 : vector<16xf32>
      %swap3A_1706 = arith.constant 4 : i32
      %swap3A_1707 = arith.index_cast %swap3A_1706 : i32 to index
      %swap3A_1708 = arith.constant 0 : index
      %swap3A_1709 = tpu.vector_load %arg13[%swap3A_1707, %swap3A_1708] {strides = array<i32>} : memref<16x128xf32, #tpu.memory_space<vmem>>, vector<16xf32>,
      tpu.vector_store %arg13[%swap3A_1707, %swap3A_1708], %mul3A_1705 {strides = array<i32>} : memref<16x128xf32, #tpu.memory_space<vmem>>, vector<16xf32>,
      %slice3A_1710 = vector.extract_strided_slice %get3A_1461 {offsets = [5], sizes = [1], strides = [1]} : vector<16xi32> to vector<1xi32>
      %squeeze3A_1711 = vector.extract %slice3A_1710[0] : i32 from vector<1xi32>
      %jit3A_1712 = arith.constant 128 : i32
      %eq3A_1713 = arith.constant 0 : i32
      %eq3A_1714 = arith.cmpi eq, %jit3A_1712, %eq3A_1713 : i32
      %jit3A_1715 = arith.constant 1 : i32
      %select_n3A_1716 = arith.select %eq3A_1714, %jit3A_1715, %jit3A_1712 : i32
      %rem3A_1717 = arith.remsi %squeeze3A_1711, %select_n3A_1716 : i32
      %ne3A_1718 = arith.constant 0 : i32
      %ne3A_1719 = arith.cmpi ne, %rem3A_1717, %ne3A_1718 : i32
      %lt3A_1720 = arith.constant 0 : i32
      %lt3A_1721 = arith.cmpi slt, %rem3A_1717, %lt3A_1720 : i32
      %lt3A_1722 = arith.constant 0 : i32
      %lt3A_1723 = arith.cmpi slt, %select_n3A_1716, %lt3A_1722 : i32
      %ne3A_1724 = arith.xori %lt3A_1721, %lt3A_1723 : i1
      %and3A_1725 = arith.andi %ne3A_1724, %ne3A_1719 : i1
      %add3A_1726 = arith.addi %rem3A_1717, %select_n3A_1716 : i32
      %select_n3A_1727 = arith.select %and3A_1725, %add3A_1726, %rem3A_1717 : i32
      %add3A_1728 = arith.constant 640 : i32
      %add3A_1729 = arith.addi %select_n3A_1727, %add3A_1728 : i32
      %broadcast_in_dim3A_1730 = vector.broadcast %add3A_1729 : i32 to vector<16xi32>
      %slice3A_1731 = vector.extract_strided_slice %get3A_1467 {offsets = [5], sizes = [1], strides = [1]} : vector<16xi32> to vector<1xi32>
      %squeeze3A_1732 = vector.extract %slice3A_1731[0] : i32 from vector<1xi32>
      %jit3A_1733 = arith.constant 128 : i32
      %eq3A_1734 = arith.constant 0 : i32
      %eq3A_1735 = arith.cmpi eq, %jit3A_1733, %eq3A_1734 : i32
      %jit3A_1736 = arith.constant 1 : i32
      %select_n3A_1737 = arith.select %eq3A_1735, %jit3A_1736, %jit3A_1733 : i32
      %rem3A_1738 = arith.remsi %squeeze3A_1732, %select_n3A_1737 : i32
      %ne3A_1739 = arith.constant 0 : i32
      %ne3A_1740 = arith.cmpi ne, %rem3A_1738, %ne3A_1739 : i32
      %lt3A_1741 = arith.constant 0 : i32
      %lt3A_1742 = arith.cmpi slt, %rem3A_1738, %lt3A_1741 : i32
      %lt3A_1743 = arith.constant 0 : i32
      %lt3A_1744 = arith.cmpi slt, %select_n3A_1737, %lt3A_1743 : i32
      %ne3A_1745 = arith.xori %lt3A_1742, %lt3A_1744 : i1
      %and3A_1746 = arith.andi %ne3A_1745, %ne3A_1740 : i1
      %add3A_1747 = arith.addi %rem3A_1738, %select_n3A_1737 : i32
      %select_n3A_1748 = arith.select %and3A_1746, %add3A_1747, %rem3A_1738 : i32
      %add3A_1749 = arith.constant 640 : i32
      %add3A_1750 = arith.addi %select_n3A_1748, %add3A_1749 : i32
      %broadcast_in_dim3A_1751 = vector.broadcast %add3A_1750 : i32 to vector<16xi32>
      %gather3A_1752 = tpu.vector_load_idx %arg9[%select_n3A, %select_n3A_43, %broadcast_in_dim3A_1730] : memref<2x8x1024xf32, #tpu.memory_space<vmem>>[vector<16xi32>, vector<16xi32>, vector<16xi32>], vector<16xf32>,
      %gather3A_1753 = tpu.vector_load_idx %arg10[%select_n3A, %select_n3A_43, %broadcast_in_dim3A_1751] : memref<2x8x1024xf32, #tpu.memory_space<vmem>>[vector<16xi32>, vector<16xi32>, vector<16xi32>], vector<16xf32>,
      %mul3A_1754 = arith.mulf %gather3A_1752, %gather3A_1753 : vector<16xf32>
      %swap3A_1755 = arith.constant 5 : i32
      %swap3A_1756 = arith.index_cast %swap3A_1755 : i32 to index
      %swap3A_1757 = arith.constant 0 : index
      %swap3A_1758 = tpu.vector_load %arg13[%swap3A_1756, %swap3A_1757] {strides = array<i32>} : memref<16x128xf32, #tpu.memory_space<vmem>>, vector<16xf32>,
      tpu.vector_store %arg13[%swap3A_1756, %swap3A_1757], %mul3A_1754 {strides = array<i32>} : memref<16x128xf32, #tpu.memory_space<vmem>>, vector<16xf32>,
      %slice3A_1759 = vector.extract_strided_slice %get3A_1461 {offsets = [6], sizes = [1], strides = [1]} : vector<16xi32> to vector<1xi32>
      %squeeze3A_1760 = vector.extract %slice3A_1759[0] : i32 from vector<1xi32>
      %jit3A_1761 = arith.constant 128 : i32
      %eq3A_1762 = arith.constant 0 : i32
      %eq3A_1763 = arith.cmpi eq, %jit3A_1761, %eq3A_1762 : i32
      %jit3A_1764 = arith.constant 1 : i32
      %select_n3A_1765 = arith.select %eq3A_1763, %jit3A_1764, %jit3A_1761 : i32
      %rem3A_1766 = arith.remsi %squeeze3A_1760, %select_n3A_1765 : i32
      %ne3A_1767 = arith.constant 0 : i32
      %ne3A_1768 = arith.cmpi ne, %rem3A_1766, %ne3A_1767 : i32
      %lt3A_1769 = arith.constant 0 : i32
      %lt3A_1770 = arith.cmpi slt, %rem3A_1766, %lt3A_1769 : i32
      %lt3A_1771 = arith.constant 0 : i32
      %lt3A_1772 = arith.cmpi slt, %select_n3A_1765, %lt3A_1771 : i32
      %ne3A_1773 = arith.xori %lt3A_1770, %lt3A_1772 : i1
      %and3A_1774 = arith.andi %ne3A_1773, %ne3A_1768 : i1
      %add3A_1775 = arith.addi %rem3A_1766, %select_n3A_1765 : i32
      %select_n3A_1776 = arith.select %and3A_1774, %add3A_1775, %rem3A_1766 : i32
      %add3A_1777 = arith.constant 768 : i32
      %add3A_1778 = arith.addi %select_n3A_1776, %add3A_1777 : i32
      %broadcast_in_dim3A_1779 = vector.broadcast %add3A_1778 : i32 to vector<16xi32>
      %slice3A_1780 = vector.extract_strided_slice %get3A_1467 {offsets = [6], sizes = [1], strides = [1]} : vector<16xi32> to vector<1xi32>
      %squeeze3A_1781 = vector.extract %slice3A_1780[0] : i32 from vector<1xi32>
      %jit3A_1782 = arith.constant 128 : i32
      %eq3A_1783 = arith.constant 0 : i32
      %eq3A_1784 = arith.cmpi eq, %jit3A_1782, %eq3A_1783 : i32
      %jit3A_1785 = arith.constant 1 : i32
      %select_n3A_1786 = arith.select %eq3A_1784, %jit3A_1785, %jit3A_1782 : i32
      %rem3A_1787 = arith.remsi %squeeze3A_1781, %select_n3A_1786 : i32
      %ne3A_1788 = arith.constant 0 : i32
      %ne3A_1789 = arith.cmpi ne, %rem3A_1787, %ne3A_1788 : i32
      %lt3A_1790 = arith.constant 0 : i32
      %lt3A_1791 = arith.cmpi slt, %rem3A_1787, %lt3A_1790 : i32
      %lt3A_1792 = arith.constant 0 : i32
      %lt3A_1793 = arith.cmpi slt, %select_n3A_1786, %lt3A_1792 : i32
      %ne3A_1794 = arith.xori %lt3A_1791, %lt3A_1793 : i1
      %and3A_1795 = arith.andi %ne3A_1794, %ne3A_1789 : i1
      %add3A_1796 = arith.addi %rem3A_1787, %select_n3A_1786 : i32
      %select_n3A_1797 = arith.select %and3A_1795, %add3A_1796, %rem3A_1787 : i32
      %add3A_1798 = arith.constant 768 : i32
      %add3A_1799 = arith.addi %select_n3A_1797, %add3A_1798 : i32
      %broadcast_in_dim3A_1800 = vector.broadcast %add3A_1799 : i32 to vector<16xi32>
      %gather3A_1801 = tpu.vector_load_idx %arg9[%select_n3A, %select_n3A_43, %broadcast_in_dim3A_1779] : memref<2x8x1024xf32, #tpu.memory_space<vmem>>[vector<16xi32>, vector<16xi32>, vector<16xi32>], vector<16xf32>,
      %gather3A_1802 = tpu.vector_load_idx %arg10[%select_n3A, %select_n3A_43, %broadcast_in_dim3A_1800] : memref<2x8x1024xf32, #tpu.memory_space<vmem>>[vector<16xi32>, vector<16xi32>, vector<16xi32>], vector<16xf32>,
      %mul3A_1803 = arith.mulf %gather3A_1801, %gather3A_1802 : vector<16xf32>
      %swap3A_1804 = arith.constant 6 : i32
      %swap3A_1805 = arith.index_cast %swap3A_1804 : i32 to index
      %swap3A_1806 = arith.constant 0 : index
      %swap3A_1807 = tpu.vector_load %arg13[%swap3A_1805, %swap3A_1806] {strides = array<i32>} : memref<16x128xf32, #tpu.memory_space<vmem>>, vector<16xf32>,
      tpu.vector_store %arg13[%swap3A_1805, %swap3A_1806], %mul3A_1803 {strides = array<i32>} : memref<16x128xf32, #tpu.memory_space<vmem>>, vector<16xf32>,
      %slice3A_1808 = vector.extract_strided_slice %get3A_1461 {offsets = [7], sizes = [1], strides = [1]} : vector<16xi32> to vector<1xi32>
      %squeeze3A_1809 = vector.extract %slice3A_1808[0] : i32 from vector<1xi32>
      %jit3A_1810 = arith.constant 128 : i32
      %eq3A_1811 = arith.constant 0 : i32
      %eq3A_1812 = arith.cmpi eq, %jit3A_1810, %eq3A_1811 : i32
      %jit3A_1813 = arith.constant 1 : i32
      %select_n3A_1814 = arith.select %eq3A_1812, %jit3A_1813, %jit3A_1810 : i32
      %rem3A_1815 = arith.remsi %squeeze3A_1809, %select_n3A_1814 : i32
      %ne3A_1816 = arith.constant 0 : i32
      %ne3A_1817 = arith.cmpi ne, %rem3A_1815, %ne3A_1816 : i32
      %lt3A_1818 = arith.constant 0 : i32
      %lt3A_1819 = arith.cmpi slt, %rem3A_1815, %lt3A_1818 : i32
      %lt3A_1820 = arith.constant 0 : i32
      %lt3A_1821 = arith.cmpi slt, %select_n3A_1814, %lt3A_1820 : i32
      %ne3A_1822 = arith.xori %lt3A_1819, %lt3A_1821 : i1
      %and3A_1823 = arith.andi %ne3A_1822, %ne3A_1817 : i1
      %add3A_1824 = arith.addi %rem3A_1815, %select_n3A_1814 : i32
      %select_n3A_1825 = arith.select %and3A_1823, %add3A_1824, %rem3A_1815 : i32
      %add3A_1826 = arith.constant 896 : i32
      %add3A_1827 = arith.addi %select_n3A_1825, %add3A_1826 : i32
      %broadcast_in_dim3A_1828 = vector.broadcast %add3A_1827 : i32 to vector<16xi32>
      %slice3A_1829 = vector.extract_strided_slice %get3A_1467 {offsets = [7], sizes = [1], strides = [1]} : vector<16xi32> to vector<1xi32>
      %squeeze3A_1830 = vector.extract %slice3A_1829[0] : i32 from vector<1xi32>
      %jit3A_1831 = arith.constant 128 : i32
      %eq3A_1832 = arith.constant 0 : i32
      %eq3A_1833 = arith.cmpi eq, %jit3A_1831, %eq3A_1832 : i32
      %jit3A_1834 = arith.constant 1 : i32
      %select_n3A_1835 = arith.select %eq3A_1833, %jit3A_1834, %jit3A_1831 : i32
      %rem3A_1836 = arith.remsi %squeeze3A_1830, %select_n3A_1835 : i32
      %ne3A_1837 = arith.constant 0 : i32
      %ne3A_1838 = arith.cmpi ne, %rem3A_1836, %ne3A_1837 : i32
      %lt3A_1839 = arith.constant 0 : i32
      %lt3A_1840 = arith.cmpi slt, %rem3A_1836, %lt3A_1839 : i32
      %lt3A_1841 = arith.constant 0 : i32
      %lt3A_1842 = arith.cmpi slt, %select_n3A_1835, %lt3A_1841 : i32
      %ne3A_1843 = arith.xori %lt3A_1840, %lt3A_1842 : i1
      %and3A_1844 = arith.andi %ne3A_1843, %ne3A_1838 : i1
      %add3A_1845 = arith.addi %rem3A_1836, %select_n3A_1835 : i32
      %select_n3A_1846 = arith.select %and3A_1844, %add3A_1845, %rem3A_1836 : i32
      %add3A_1847 = arith.constant 896 : i32
      %add3A_1848 = arith.addi %select_n3A_1846, %add3A_1847 : i32
      %broadcast_in_dim3A_1849 = vector.broadcast %add3A_1848 : i32 to vector<16xi32>
      %gather3A_1850 = tpu.vector_load_idx %arg9[%select_n3A, %select_n3A_43, %broadcast_in_dim3A_1828] : memref<2x8x1024xf32, #tpu.memory_space<vmem>>[vector<16xi32>, vector<16xi32>, vector<16xi32>], vector<16xf32>,
      %gather3A_1851 = tpu.vector_load_idx %arg10[%select_n3A, %select_n3A_43, %broadcast_in_dim3A_1849] : memref<2x8x1024xf32, #tpu.memory_space<vmem>>[vector<16xi32>, vector<16xi32>, vector<16xi32>], vector<16xf32>,
      %mul3A_1852 = arith.mulf %gather3A_1850, %gather3A_1851 : vector<16xf32>
      %swap3A_1853 = arith.constant 7 : i32
      %swap3A_1854 = arith.index_cast %swap3A_1853 : i32 to index
      %swap3A_1855 = arith.constant 0 : index
      %swap3A_1856 = tpu.vector_load %arg13[%swap3A_1854, %swap3A_1855] {strides = array<i32>} : memref<16x128xf32, #tpu.memory_space<vmem>>, vector<16xf32>,
      tpu.vector_store %arg13[%swap3A_1854, %swap3A_1855], %mul3A_1852 {strides = array<i32>} : memref<16x128xf32, #tpu.memory_space<vmem>>, vector<16xf32>,
      %add3A_1857 = arith.constant 1 : i32
      %add3A_1858 = arith.addi %scan3A_740, %add3A_1857 : i32
      %lt3A_1859 = arith.constant 32 : i32
      %lt3A_1860 = arith.cmpi slt, %add3A_1858, %lt3A_1859 : i32
      %convert_element_type3A = arith.extui %lt3A_1860 : i1 to i32
      %cond3A = arith.constant 0 : i32
      %cond3A_1861 = arith.cmpi ne, %convert_element_type3A, %cond3A : i32
      scf.if %cond3A_1861 {
        %add3A_2354 = arith.constant 1 : i32
        %add3A_2355 = arith.addi %scan3A_740, %add3A_2354 : i32
        %mul3A_2356 = arith.constant 16 : i32
        %mul3A_2357 = arith.muli %add3A_2355, %mul3A_2356 : i32
        %get3A_2358 = arith.constant 0 : i32
        %get3A_2359 = arith.index_cast %get3A_2358 : i32 to index
        %get3A_2360 = arith.index_cast %mul3A_2357 : i32 to index
        %get3A_2361 = tpu.vector_load %arg7[%get3A_2359, %get3A_2360] {strides = array<i32>} : memref<1x512xi32, #tpu.memory_space<vmem>>, vector<16xi32>,
        %mul3A_2362 = arith.constant 16 : i32
        %mul3A_2363 = arith.muli %add3A_2355, %mul3A_2362 : i32
        %get3A_2364 = arith.constant 0 : i32
        %get3A_2365 = arith.index_cast %get3A_2364 : i32 to index
        %get3A_2366 = arith.index_cast %mul3A_2363 : i32 to index
        %get3A_2367 = tpu.vector_load %arg8[%get3A_2365, %get3A_2366] {strides = array<i32>} : memref<1x512xi32, #tpu.memory_space<vmem>>, vector<16xi32>,
        %slice3A_2368 = vector.extract_strided_slice %get3A_2361 {offsets = [0], sizes = [1], strides = [1]} : vector<16xi32> to vector<1xi32>
        %squeeze3A_2369 = vector.extract %slice3A_2368[0] : i32 from vector<1xi32>
        %jit3A_2370 = arith.constant 128 : i32
        %div3A_2371 = arith.divsi %squeeze3A_2369, %jit3A_2370 : i32
        %sign3A_2372 = arith.constant 0 : i32
        %sign3A_2373 = arith.cmpi sgt, %squeeze3A_2369, %sign3A_2372 : i32
        %sign3A_2374 = arith.extui %sign3A_2373 : i1 to i32
        %sign3A_2375 = arith.constant 0 : i32
        %sign3A_2376 = arith.cmpi slt, %squeeze3A_2369, %sign3A_2375 : i32
        %sign3A_2377 = arith.extui %sign3A_2376 : i1 to i32
        %sign3A_2378 = arith.subi %sign3A_2374, %sign3A_2377 : i32
        %sign3A_2379 = arith.constant 0 : i32
        %sign3A_2380 = arith.cmpi sgt, %jit3A_2370, %sign3A_2379 : i32
        %sign3A_2381 = arith.extui %sign3A_2380 : i1 to i32
        %sign3A_2382 = arith.constant 0 : i32
        %sign3A_2383 = arith.cmpi slt, %jit3A_2370, %sign3A_2382 : i32
        %sign3A_2384 = arith.extui %sign3A_2383 : i1 to i32
        %sign3A_2385 = arith.subi %sign3A_2381, %sign3A_2384 : i32
        %ne3A_2386 = arith.cmpi ne, %sign3A_2378, %sign3A_2385 : i32
        %rem3A_2387 = arith.remsi %squeeze3A_2369, %jit3A_2370 : i32
        %ne3A_2388 = arith.constant 0 : i32
        %ne3A_2389 = arith.cmpi ne, %rem3A_2387, %ne3A_2388 : i32
        %and3A_2390 = arith.andi %ne3A_2386, %ne3A_2389 : i1
        %sub3A_2391 = arith.constant 1 : i32
        %sub3A_2392 = arith.subi %div3A_2371, %sub3A_2391 : i32
        %select_n3A_2393 = arith.select %and3A_2390, %sub3A_2392, %div3A_2371 : i32
        %mul3A_2394 = arith.constant 128 : i32
        %mul3A_2395 = arith.muli %select_n3A_2393, %mul3A_2394 : i32
        %multiple_of3A_2396 = tpu.assume_multiple %mul3A_2395, 128 : i32
        %slice3A_2397 = vector.extract_strided_slice %get3A_2367 {offsets = [0], sizes = [1], strides = [1]} : vector<16xi32> to vector<1xi32>
        %squeeze3A_2398 = vector.extract %slice3A_2397[0] : i32 from vector<1xi32>
        %jit3A_2399 = arith.constant 128 : i32
        %div3A_2400 = arith.divsi %squeeze3A_2398, %jit3A_2399 : i32
        %sign3A_2401 = arith.constant 0 : i32
        %sign3A_2402 = arith.cmpi sgt, %squeeze3A_2398, %sign3A_2401 : i32
        %sign3A_2403 = arith.extui %sign3A_2402 : i1 to i32
        %sign3A_2404 = arith.constant 0 : i32
        %sign3A_2405 = arith.cmpi slt, %squeeze3A_2398, %sign3A_2404 : i32
        %sign3A_2406 = arith.extui %sign3A_2405 : i1 to i32
        %sign3A_2407 = arith.subi %sign3A_2403, %sign3A_2406 : i32
        %sign3A_2408 = arith.constant 0 : i32
        %sign3A_2409 = arith.cmpi sgt, %jit3A_2399, %sign3A_2408 : i32
        %sign3A_2410 = arith.extui %sign3A_2409 : i1 to i32
        %sign3A_2411 = arith.constant 0 : i32
        %sign3A_2412 = arith.cmpi slt, %jit3A_2399, %sign3A_2411 : i32
        %sign3A_2413 = arith.extui %sign3A_2412 : i1 to i32
        %sign3A_2414 = arith.subi %sign3A_2410, %sign3A_2413 : i32
        %ne3A_2415 = arith.cmpi ne, %sign3A_2407, %sign3A_2414 : i32
        %rem3A_2416 = arith.remsi %squeeze3A_2398, %jit3A_2399 : i32
        %ne3A_2417 = arith.constant 0 : i32
        %ne3A_2418 = arith.cmpi ne, %rem3A_2416, %ne3A_2417 : i32
        %and3A_2419 = arith.andi %ne3A_2415, %ne3A_2418 : i1
        %sub3A_2420 = arith.constant 1 : i32
        %sub3A_2421 = arith.subi %div3A_2400, %sub3A_2420 : i32
        %select_n3A_2422 = arith.select %and3A_2419, %sub3A_2421, %div3A_2400 : i32
        %mul3A_2423 = arith.constant 128 : i32
        %mul3A_2424 = arith.muli %select_n3A_2422, %mul3A_2423 : i32
        %multiple_of3A_2425 = tpu.assume_multiple %mul3A_2424, 128 : i32
        %dma_start3A_2426 = arith.constant 0 : i32
        %dma_start3A_2427 = arith.constant 0 : i32
        %dma_start3A_2428 = arith.constant 0 : i32
        %dma_start3A_2429 = tpu.memref_slice %arg9[%dma_start3A_2426, %dma_start3A_2427, %dma_start3A_2428] : memref<2x8x1024xf32, #tpu.memory_space<vmem>> -> memref<2x8x128xf32, #tpu.memory_space<vmem>>
        %dma_start3A_2430 = arith.constant 0 : i32
        %dma_start3A_2431 = arith.constant 0 : i32
        %dma_start3A_2432 = tpu.memref_slice %arg4[%dma_start3A_2430, %dma_start3A_2431, %multiple_of3A_2396] : memref<2x8x1000001xf32, #tpu.memory_space<hbm>> -> memref<2x8x128xf32, #tpu.memory_space<hbm>>
        %dma_start3A_2433 = arith.constant 0 : i32
        %dma_start3A_2434 = arith.constant 0 : i32
        %dma_start3A_2435 = arith.constant 0 : i32
        %dma_start3A_2436 = tpu.memref_slice %arg9[%dma_start3A_2433, %dma_start3A_2434, %dma_start3A_2435] : memref<2x8x1024xf32, #tpu.memory_space<vmem>> -> memref<2x8x128xf32, #tpu.memory_space<vmem>>
        %dma_start3A_2437 = arith.constant 0 : i32
        %dma_start3A_2438 = arith.constant 0 : i32
        %dma_start3A_2439 = tpu.memref_slice %arg4[%dma_start3A_2437, %dma_start3A_2438, %multiple_of3A_2396] : memref<2x8x1000001xf32, #tpu.memory_space<hbm>> -> memref<2x8x128xf32, #tpu.memory_space<hbm>>
        tpu.enqueue_dma source(%dma_start3A_2439 : memref<2x8x128xf32, #tpu.memory_space<hbm>>) target(%dma_start3A_2436 : memref<2x8x128xf32, #tpu.memory_space<vmem>>) target_semaphore(%arg15 : memref<!tpu.dma_semaphore, #tpu.memory_space<semaphore_mem>>)
        %dma_start3A_2440 = arith.constant 0 : i32
        %dma_start3A_2441 = arith.constant 0 : i32
        %dma_start3A_2442 = arith.constant 0 : i32
        %dma_start3A_2443 = tpu.memref_slice %arg10[%dma_start3A_2440, %dma_start3A_2441, %dma_start3A_2442] : memref<2x8x1024xf32, #tpu.memory_space<vmem>> -> memref<2x8x128xf32, #tpu.memory_space<vmem>>
        %dma_start3A_2444 = arith.constant 0 : i32
        %dma_start3A_2445 = arith.constant 0 : i32
        %dma_start3A_2446 = tpu.memref_slice %arg5[%dma_start3A_2444, %dma_start3A_2445, %multiple_of3A_2425] : memref<2x8x1000001xf32, #tpu.memory_space<hbm>> -> memref<2x8x128xf32, #tpu.memory_space<hbm>>
        %dma_start3A_2447 = arith.constant 0 : i32
        %dma_start3A_2448 = arith.constant 0 : i32
        %dma_start3A_2449 = arith.constant 0 : i32
        %dma_start3A_2450 = tpu.memref_slice %arg10[%dma_start3A_2447, %dma_start3A_2448, %dma_start3A_2449] : memref<2x8x1024xf32, #tpu.memory_space<vmem>> -> memref<2x8x128xf32, #tpu.memory_space<vmem>>
        %dma_start3A_2451 = arith.constant 0 : i32
        %dma_start3A_2452 = arith.constant 0 : i32
        %dma_start3A_2453 = tpu.memref_slice %arg5[%dma_start3A_2451, %dma_start3A_2452, %multiple_of3A_2425] : memref<2x8x1000001xf32, #tpu.memory_space<hbm>> -> memref<2x8x128xf32, #tpu.memory_space<hbm>>
        tpu.enqueue_dma source(%dma_start3A_2453 : memref<2x8x128xf32, #tpu.memory_space<hbm>>) target(%dma_start3A_2450 : memref<2x8x128xf32, #tpu.memory_space<vmem>>) target_semaphore(%arg15 : memref<!tpu.dma_semaphore, #tpu.memory_space<semaphore_mem>>)
        %slice3A_2454 = vector.extract_strided_slice %get3A_2361 {offsets = [1], sizes = [1], strides = [1]} : vector<16xi32> to vector<1xi32>
        %squeeze3A_2455 = vector.extract %slice3A_2454[0] : i32 from vector<1xi32>
        %jit3A_2456 = arith.constant 128 : i32
        %div3A_2457 = arith.divsi %squeeze3A_2455, %jit3A_2456 : i32
        %sign3A_2458 = arith.constant 0 : i32
        %sign3A_2459 = arith.cmpi sgt, %squeeze3A_2455, %sign3A_2458 : i32
        %sign3A_2460 = arith.extui %sign3A_2459 : i1 to i32
        %sign3A_2461 = arith.constant 0 : i32
        %sign3A_2462 = arith.cmpi slt, %squeeze3A_2455, %sign3A_2461 : i32
        %sign3A_2463 = arith.extui %sign3A_2462 : i1 to i32
        %sign3A_2464 = arith.subi %sign3A_2460, %sign3A_2463 : i32
        %sign3A_2465 = arith.constant 0 : i32
        %sign3A_2466 = arith.cmpi sgt, %jit3A_2456, %sign3A_2465 : i32
        %sign3A_2467 = arith.extui %sign3A_2466 : i1 to i32
        %sign3A_2468 = arith.constant 0 : i32
        %sign3A_2469 = arith.cmpi slt, %jit3A_2456, %sign3A_2468 : i32
        %sign3A_2470 = arith.extui %sign3A_2469 : i1 to i32
        %sign3A_2471 = arith.subi %sign3A_2467, %sign3A_2470 : i32
        %ne3A_2472 = arith.cmpi ne, %sign3A_2464, %sign3A_2471 : i32
        %rem3A_2473 = arith.remsi %squeeze3A_2455, %jit3A_2456 : i32
        %ne3A_2474 = arith.constant 0 : i32
        %ne3A_2475 = arith.cmpi ne, %rem3A_2473, %ne3A_2474 : i32
        %and3A_2476 = arith.andi %ne3A_2472, %ne3A_2475 : i1
        %sub3A_2477 = arith.constant 1 : i32
        %sub3A_2478 = arith.subi %div3A_2457, %sub3A_2477 : i32
        %select_n3A_2479 = arith.select %and3A_2476, %sub3A_2478, %div3A_2457 : i32
        %mul3A_2480 = arith.constant 128 : i32
        %mul3A_2481 = arith.muli %select_n3A_2479, %mul3A_2480 : i32
        %multiple_of3A_2482 = tpu.assume_multiple %mul3A_2481, 128 : i32
        %slice3A_2483 = vector.extract_strided_slice %get3A_2367 {offsets = [1], sizes = [1], strides = [1]} : vector<16xi32> to vector<1xi32>
        %squeeze3A_2484 = vector.extract %slice3A_2483[0] : i32 from vector<1xi32>
        %jit3A_2485 = arith.constant 128 : i32
        %div3A_2486 = arith.divsi %squeeze3A_2484, %jit3A_2485 : i32
        %sign3A_2487 = arith.constant 0 : i32
        %sign3A_2488 = arith.cmpi sgt, %squeeze3A_2484, %sign3A_2487 : i32
        %sign3A_2489 = arith.extui %sign3A_2488 : i1 to i32
        %sign3A_2490 = arith.constant 0 : i32
        %sign3A_2491 = arith.cmpi slt, %squeeze3A_2484, %sign3A_2490 : i32
        %sign3A_2492 = arith.extui %sign3A_2491 : i1 to i32
        %sign3A_2493 = arith.subi %sign3A_2489, %sign3A_2492 : i32
        %sign3A_2494 = arith.constant 0 : i32
        %sign3A_2495 = arith.cmpi sgt, %jit3A_2485, %sign3A_2494 : i32
        %sign3A_2496 = arith.extui %sign3A_2495 : i1 to i32
        %sign3A_2497 = arith.constant 0 : i32
        %sign3A_2498 = arith.cmpi slt, %jit3A_2485, %sign3A_2497 : i32
        %sign3A_2499 = arith.extui %sign3A_2498 : i1 to i32
        %sign3A_2500 = arith.subi %sign3A_2496, %sign3A_2499 : i32
        %ne3A_2501 = arith.cmpi ne, %sign3A_2493, %sign3A_2500 : i32
        %rem3A_2502 = arith.remsi %squeeze3A_2484, %jit3A_2485 : i32
        %ne3A_2503 = arith.constant 0 : i32
        %ne3A_2504 = arith.cmpi ne, %rem3A_2502, %ne3A_2503 : i32
        %and3A_2505 = arith.andi %ne3A_2501, %ne3A_2504 : i1
        %sub3A_2506 = arith.constant 1 : i32
        %sub3A_2507 = arith.subi %div3A_2486, %sub3A_2506 : i32
        %select_n3A_2508 = arith.select %and3A_2505, %sub3A_2507, %div3A_2486 : i32
        %mul3A_2509 = arith.constant 128 : i32
        %mul3A_2510 = arith.muli %select_n3A_2508, %mul3A_2509 : i32
        %multiple_of3A_2511 = tpu.assume_multiple %mul3A_2510, 128 : i32
        %dma_start3A_2512 = arith.constant 0 : i32
        %dma_start3A_2513 = arith.constant 0 : i32
        %dma_start3A_2514 = arith.constant 128 : i32
        %dma_start3A_2515 = tpu.memref_slice %arg9[%dma_start3A_2512, %dma_start3A_2513, %dma_start3A_2514] : memref<2x8x1024xf32, #tpu.memory_space<vmem>> -> memref<2x8x128xf32, #tpu.memory_space<vmem>>
        %dma_start3A_2516 = arith.constant 0 : i32
        %dma_start3A_2517 = arith.constant 0 : i32
        %dma_start3A_2518 = tpu.memref_slice %arg4[%dma_start3A_2516, %dma_start3A_2517, %multiple_of3A_2482] : memref<2x8x1000001xf32, #tpu.memory_space<hbm>> -> memref<2x8x128xf32, #tpu.memory_space<hbm>>
        %dma_start3A_2519 = arith.constant 0 : i32
        %dma_start3A_2520 = arith.constant 0 : i32
        %dma_start3A_2521 = arith.constant 128 : i32
        %dma_start3A_2522 = tpu.memref_slice %arg9[%dma_start3A_2519, %dma_start3A_2520, %dma_start3A_2521] : memref<2x8x1024xf32, #tpu.memory_space<vmem>> -> memref<2x8x128xf32, #tpu.memory_space<vmem>>
        %dma_start3A_2523 = arith.constant 0 : i32
        %dma_start3A_2524 = arith.constant 0 : i32
        %dma_start3A_2525 = tpu.memref_slice %arg4[%dma_start3A_2523, %dma_start3A_2524, %multiple_of3A_2482] : memref<2x8x1000001xf32, #tpu.memory_space<hbm>> -> memref<2x8x128xf32, #tpu.memory_space<hbm>>
        tpu.enqueue_dma source(%dma_start3A_2525 : memref<2x8x128xf32, #tpu.memory_space<hbm>>) target(%dma_start3A_2522 : memref<2x8x128xf32, #tpu.memory_space<vmem>>) target_semaphore(%arg15 : memref<!tpu.dma_semaphore, #tpu.memory_space<semaphore_mem>>)
        %dma_start3A_2526 = arith.constant 0 : i32
        %dma_start3A_2527 = arith.constant 0 : i32
        %dma_start3A_2528 = arith.constant 128 : i32
        %dma_start3A_2529 = tpu.memref_slice %arg10[%dma_start3A_2526, %dma_start3A_2527, %dma_start3A_2528] : memref<2x8x1024xf32, #tpu.memory_space<vmem>> -> memref<2x8x128xf32, #tpu.memory_space<vmem>>
        %dma_start3A_2530 = arith.constant 0 : i32
        %dma_start3A_2531 = arith.constant 0 : i32
        %dma_start3A_2532 = tpu.memref_slice %arg5[%dma_start3A_2530, %dma_start3A_2531, %multiple_of3A_2511] : memref<2x8x1000001xf32, #tpu.memory_space<hbm>> -> memref<2x8x128xf32, #tpu.memory_space<hbm>>
        %dma_start3A_2533 = arith.constant 0 : i32
        %dma_start3A_2534 = arith.constant 0 : i32
        %dma_start3A_2535 = arith.constant 128 : i32
        %dma_start3A_2536 = tpu.memref_slice %arg10[%dma_start3A_2533, %dma_start3A_2534, %dma_start3A_2535] : memref<2x8x1024xf32, #tpu.memory_space<vmem>> -> memref<2x8x128xf32, #tpu.memory_space<vmem>>
        %dma_start3A_2537 = arith.constant 0 : i32
        %dma_start3A_2538 = arith.constant 0 : i32
        %dma_start3A_2539 = tpu.memref_slice %arg5[%dma_start3A_2537, %dma_start3A_2538, %multiple_of3A_2511] : memref<2x8x1000001xf32, #tpu.memory_space<hbm>> -> memref<2x8x128xf32, #tpu.memory_space<hbm>>
        tpu.enqueue_dma source(%dma_start3A_2539 : memref<2x8x128xf32, #tpu.memory_space<hbm>>) target(%dma_start3A_2536 : memref<2x8x128xf32, #tpu.memory_space<vmem>>) target_semaphore(%arg15 : memref<!tpu.dma_semaphore, #tpu.memory_space<semaphore_mem>>)
        %slice3A_2540 = vector.extract_strided_slice %get3A_2361 {offsets = [2], sizes = [1], strides = [1]} : vector<16xi32> to vector<1xi32>
        %squeeze3A_2541 = vector.extract %slice3A_2540[0] : i32 from vector<1xi32>
        %jit3A_2542 = arith.constant 128 : i32
        %div3A_2543 = arith.divsi %squeeze3A_2541, %jit3A_2542 : i32
        %sign3A_2544 = arith.constant 0 : i32
        %sign3A_2545 = arith.cmpi sgt, %squeeze3A_2541, %sign3A_2544 : i32
        %sign3A_2546 = arith.extui %sign3A_2545 : i1 to i32
        %sign3A_2547 = arith.constant 0 : i32
        %sign3A_2548 = arith.cmpi slt, %squeeze3A_2541, %sign3A_2547 : i32
        %sign3A_2549 = arith.extui %sign3A_2548 : i1 to i32
        %sign3A_2550 = arith.subi %sign3A_2546, %sign3A_2549 : i32
        %sign3A_2551 = arith.constant 0 : i32
        %sign3A_2552 = arith.cmpi sgt, %jit3A_2542, %sign3A_2551 : i32
        %sign3A_2553 = arith.extui %sign3A_2552 : i1 to i32
        %sign3A_2554 = arith.constant 0 : i32
        %sign3A_2555 = arith.cmpi slt, %jit3A_2542, %sign3A_2554 : i32
        %sign3A_2556 = arith.extui %sign3A_2555 : i1 to i32
        %sign3A_2557 = arith.subi %sign3A_2553, %sign3A_2556 : i32
        %ne3A_2558 = arith.cmpi ne, %sign3A_2550, %sign3A_2557 : i32
        %rem3A_2559 = arith.remsi %squeeze3A_2541, %jit3A_2542 : i32
        %ne3A_2560 = arith.constant 0 : i32
        %ne3A_2561 = arith.cmpi ne, %rem3A_2559, %ne3A_2560 : i32
        %and3A_2562 = arith.andi %ne3A_2558, %ne3A_2561 : i1
        %sub3A_2563 = arith.constant 1 : i32
        %sub3A_2564 = arith.subi %div3A_2543, %sub3A_2563 : i32
        %select_n3A_2565 = arith.select %and3A_2562, %sub3A_2564, %div3A_2543 : i32
        %mul3A_2566 = arith.constant 128 : i32
        %mul3A_2567 = arith.muli %select_n3A_2565, %mul3A_2566 : i32
        %multiple_of3A_2568 = tpu.assume_multiple %mul3A_2567, 128 : i32
        %slice3A_2569 = vector.extract_strided_slice %get3A_2367 {offsets = [2], sizes = [1], strides = [1]} : vector<16xi32> to vector<1xi32>
        %squeeze3A_2570 = vector.extract %slice3A_2569[0] : i32 from vector<1xi32>
        %jit3A_2571 = arith.constant 128 : i32
        %div3A_2572 = arith.divsi %squeeze3A_2570, %jit3A_2571 : i32
        %sign3A_2573 = arith.constant 0 : i32
        %sign3A_2574 = arith.cmpi sgt, %squeeze3A_2570, %sign3A_2573 : i32
        %sign3A_2575 = arith.extui %sign3A_2574 : i1 to i32
        %sign3A_2576 = arith.constant 0 : i32
        %sign3A_2577 = arith.cmpi slt, %squeeze3A_2570, %sign3A_2576 : i32
        %sign3A_2578 = arith.extui %sign3A_2577 : i1 to i32
        %sign3A_2579 = arith.subi %sign3A_2575, %sign3A_2578 : i32
        %sign3A_2580 = arith.constant 0 : i32
        %sign3A_2581 = arith.cmpi sgt, %jit3A_2571, %sign3A_2580 : i32
        %sign3A_2582 = arith.extui %sign3A_2581 : i1 to i32
        %sign3A_2583 = arith.constant 0 : i32
        %sign3A_2584 = arith.cmpi slt, %jit3A_2571, %sign3A_2583 : i32
        %sign3A_2585 = arith.extui %sign3A_2584 : i1 to i32
        %sign3A_2586 = arith.subi %sign3A_2582, %sign3A_2585 : i32
        %ne3A_2587 = arith.cmpi ne, %sign3A_2579, %sign3A_2586 : i32
        %rem3A_2588 = arith.remsi %squeeze3A_2570, %jit3A_2571 : i32
        %ne3A_2589 = arith.constant 0 : i32
        %ne3A_2590 = arith.cmpi ne, %rem3A_2588, %ne3A_2589 : i32
        %and3A_2591 = arith.andi %ne3A_2587, %ne3A_2590 : i1
        %sub3A_2592 = arith.constant 1 : i32
        %sub3A_2593 = arith.subi %div3A_2572, %sub3A_2592 : i32
        %select_n3A_2594 = arith.select %and3A_2591, %sub3A_2593, %div3A_2572 : i32
        %mul3A_2595 = arith.constant 128 : i32
        %mul3A_2596 = arith.muli %select_n3A_2594, %mul3A_2595 : i32
        %multiple_of3A_2597 = tpu.assume_multiple %mul3A_2596, 128 : i32
        %dma_start3A_2598 = arith.constant 0 : i32
        %dma_start3A_2599 = arith.constant 0 : i32
        %dma_start3A_2600 = arith.constant 256 : i32
        %dma_start3A_2601 = tpu.memref_slice %arg9[%dma_start3A_2598, %dma_start3A_2599, %dma_start3A_2600] : memref<2x8x1024xf32, #tpu.memory_space<vmem>> -> memref<2x8x128xf32, #tpu.memory_space<vmem>>
        %dma_start3A_2602 = arith.constant 0 : i32
        %dma_start3A_2603 = arith.constant 0 : i32
        %dma_start3A_2604 = tpu.memref_slice %arg4[%dma_start3A_2602, %dma_start3A_2603, %multiple_of3A_2568] : memref<2x8x1000001xf32, #tpu.memory_space<hbm>> -> memref<2x8x128xf32, #tpu.memory_space<hbm>>
        %dma_start3A_2605 = arith.constant 0 : i32
        %dma_start3A_2606 = arith.constant 0 : i32
        %dma_start3A_2607 = arith.constant 256 : i32
        %dma_start3A_2608 = tpu.memref_slice %arg9[%dma_start3A_2605, %dma_start3A_2606, %dma_start3A_2607] : memref<2x8x1024xf32, #tpu.memory_space<vmem>> -> memref<2x8x128xf32, #tpu.memory_space<vmem>>
        %dma_start3A_2609 = arith.constant 0 : i32
        %dma_start3A_2610 = arith.constant 0 : i32
        %dma_start3A_2611 = tpu.memref_slice %arg4[%dma_start3A_2609, %dma_start3A_2610, %multiple_of3A_2568] : memref<2x8x1000001xf32, #tpu.memory_space<hbm>> -> memref<2x8x128xf32, #tpu.memory_space<hbm>>
        tpu.enqueue_dma source(%dma_start3A_2611 : memref<2x8x128xf32, #tpu.memory_space<hbm>>) target(%dma_start3A_2608 : memref<2x8x128xf32, #tpu.memory_space<vmem>>) target_semaphore(%arg15 : memref<!tpu.dma_semaphore, #tpu.memory_space<semaphore_mem>>)
        %dma_start3A_2612 = arith.constant 0 : i32
        %dma_start3A_2613 = arith.constant 0 : i32
        %dma_start3A_2614 = arith.constant 256 : i32
        %dma_start3A_2615 = tpu.memref_slice %arg10[%dma_start3A_2612, %dma_start3A_2613, %dma_start3A_2614] : memref<2x8x1024xf32, #tpu.memory_space<vmem>> -> memref<2x8x128xf32, #tpu.memory_space<vmem>>
        %dma_start3A_2616 = arith.constant 0 : i32
        %dma_start3A_2617 = arith.constant 0 : i32
        %dma_start3A_2618 = tpu.memref_slice %arg5[%dma_start3A_2616, %dma_start3A_2617, %multiple_of3A_2597] : memref<2x8x1000001xf32, #tpu.memory_space<hbm>> -> memref<2x8x128xf32, #tpu.memory_space<hbm>>
        %dma_start3A_2619 = arith.constant 0 : i32
        %dma_start3A_2620 = arith.constant 0 : i32
        %dma_start3A_2621 = arith.constant 256 : i32
        %dma_start3A_2622 = tpu.memref_slice %arg10[%dma_start3A_2619, %dma_start3A_2620, %dma_start3A_2621] : memref<2x8x1024xf32, #tpu.memory_space<vmem>> -> memref<2x8x128xf32, #tpu.memory_space<vmem>>
        %dma_start3A_2623 = arith.constant 0 : i32
        %dma_start3A_2624 = arith.constant 0 : i32
        %dma_start3A_2625 = tpu.memref_slice %arg5[%dma_start3A_2623, %dma_start3A_2624, %multiple_of3A_2597] : memref<2x8x1000001xf32, #tpu.memory_space<hbm>> -> memref<2x8x128xf32, #tpu.memory_space<hbm>>
        tpu.enqueue_dma source(%dma_start3A_2625 : memref<2x8x128xf32, #tpu.memory_space<hbm>>) target(%dma_start3A_2622 : memref<2x8x128xf32, #tpu.memory_space<vmem>>) target_semaphore(%arg15 : memref<!tpu.dma_semaphore, #tpu.memory_space<semaphore_mem>>)
        %slice3A_2626 = vector.extract_strided_slice %get3A_2361 {offsets = [3], sizes = [1], strides = [1]} : vector<16xi32> to vector<1xi32>
        %squeeze3A_2627 = vector.extract %slice3A_2626[0] : i32 from vector<1xi32>
        %jit3A_2628 = arith.constant 128 : i32
        %div3A_2629 = arith.divsi %squeeze3A_2627, %jit3A_2628 : i32
        %sign3A_2630 = arith.constant 0 : i32
        %sign3A_2631 = arith.cmpi sgt, %squeeze3A_2627, %sign3A_2630 : i32
        %sign3A_2632 = arith.extui %sign3A_2631 : i1 to i32
        %sign3A_2633 = arith.constant 0 : i32
        %sign3A_2634 = arith.cmpi slt, %squeeze3A_2627, %sign3A_2633 : i32
        %sign3A_2635 = arith.extui %sign3A_2634 : i1 to i32
        %sign3A_2636 = arith.subi %sign3A_2632, %sign3A_2635 : i32
        %sign3A_2637 = arith.constant 0 : i32
        %sign3A_2638 = arith.cmpi sgt, %jit3A_2628, %sign3A_2637 : i32
        %sign3A_2639 = arith.extui %sign3A_2638 : i1 to i32
        %sign3A_2640 = arith.constant 0 : i32
        %sign3A_2641 = arith.cmpi slt, %jit3A_2628, %sign3A_2640 : i32
        %sign3A_2642 = arith.extui %sign3A_2641 : i1 to i32
        %sign3A_2643 = arith.subi %sign3A_2639, %sign3A_2642 : i32
        %ne3A_2644 = arith.cmpi ne, %sign3A_2636, %sign3A_2643 : i32
        %rem3A_2645 = arith.remsi %squeeze3A_2627, %jit3A_2628 : i32
        %ne3A_2646 = arith.constant 0 : i32
        %ne3A_2647 = arith.cmpi ne, %rem3A_2645, %ne3A_2646 : i32
        %and3A_2648 = arith.andi %ne3A_2644, %ne3A_2647 : i1
        %sub3A_2649 = arith.constant 1 : i32
        %sub3A_2650 = arith.subi %div3A_2629, %sub3A_2649 : i32
        %select_n3A_2651 = arith.select %and3A_2648, %sub3A_2650, %div3A_2629 : i32
        %mul3A_2652 = arith.constant 128 : i32
        %mul3A_2653 = arith.muli %select_n3A_2651, %mul3A_2652 : i32
        %multiple_of3A_2654 = tpu.assume_multiple %mul3A_2653, 128 : i32
        %slice3A_2655 = vector.extract_strided_slice %get3A_2367 {offsets = [3], sizes = [1], strides = [1]} : vector<16xi32> to vector<1xi32>
        %squeeze3A_2656 = vector.extract %slice3A_2655[0] : i32 from vector<1xi32>
        %jit3A_2657 = arith.constant 128 : i32
        %div3A_2658 = arith.divsi %squeeze3A_2656, %jit3A_2657 : i32
        %sign3A_2659 = arith.constant 0 : i32
        %sign3A_2660 = arith.cmpi sgt, %squeeze3A_2656, %sign3A_2659 : i32
        %sign3A_2661 = arith.extui %sign3A_2660 : i1 to i32
        %sign3A_2662 = arith.constant 0 : i32
        %sign3A_2663 = arith.cmpi slt, %squeeze3A_2656, %sign3A_2662 : i32
        %sign3A_2664 = arith.extui %sign3A_2663 : i1 to i32
        %sign3A_2665 = arith.subi %sign3A_2661, %sign3A_2664 : i32
        %sign3A_2666 = arith.constant 0 : i32
        %sign3A_2667 = arith.cmpi sgt, %jit3A_2657, %sign3A_2666 : i32
        %sign3A_2668 = arith.extui %sign3A_2667 : i1 to i32
        %sign3A_2669 = arith.constant 0 : i32
        %sign3A_2670 = arith.cmpi slt, %jit3A_2657, %sign3A_2669 : i32
        %sign3A_2671 = arith.extui %sign3A_2670 : i1 to i32
        %sign3A_2672 = arith.subi %sign3A_2668, %sign3A_2671 : i32
        %ne3A_2673 = arith.cmpi ne, %sign3A_2665, %sign3A_2672 : i32
        %rem3A_2674 = arith.remsi %squeeze3A_2656, %jit3A_2657 : i32
        %ne3A_2675 = arith.constant 0 : i32
        %ne3A_2676 = arith.cmpi ne, %rem3A_2674, %ne3A_2675 : i32
        %and3A_2677 = arith.andi %ne3A_2673, %ne3A_2676 : i1
        %sub3A_2678 = arith.constant 1 : i32
        %sub3A_2679 = arith.subi %div3A_2658, %sub3A_2678 : i32
        %select_n3A_2680 = arith.select %and3A_2677, %sub3A_2679, %div3A_2658 : i32
        %mul3A_2681 = arith.constant 128 : i32
        %mul3A_2682 = arith.muli %select_n3A_2680, %mul3A_2681 : i32
        %multiple_of3A_2683 = tpu.assume_multiple %mul3A_2682, 128 : i32
        %dma_start3A_2684 = arith.constant 0 : i32
        %dma_start3A_2685 = arith.constant 0 : i32
        %dma_start3A_2686 = arith.constant 384 : i32
        %dma_start3A_2687 = tpu.memref_slice %arg9[%dma_start3A_2684, %dma_start3A_2685, %dma_start3A_2686] : memref<2x8x1024xf32, #tpu.memory_space<vmem>> -> memref<2x8x128xf32, #tpu.memory_space<vmem>>
        %dma_start3A_2688 = arith.constant 0 : i32
        %dma_start3A_2689 = arith.constant 0 : i32
        %dma_start3A_2690 = tpu.memref_slice %arg4[%dma_start3A_2688, %dma_start3A_2689, %multiple_of3A_2654] : memref<2x8x1000001xf32, #tpu.memory_space<hbm>> -> memref<2x8x128xf32, #tpu.memory_space<hbm>>
        %dma_start3A_2691 = arith.constant 0 : i32
        %dma_start3A_2692 = arith.constant 0 : i32
        %dma_start3A_2693 = arith.constant 384 : i32
        %dma_start3A_2694 = tpu.memref_slice %arg9[%dma_start3A_2691, %dma_start3A_2692, %dma_start3A_2693] : memref<2x8x1024xf32, #tpu.memory_space<vmem>> -> memref<2x8x128xf32, #tpu.memory_space<vmem>>
        %dma_start3A_2695 = arith.constant 0 : i32
        %dma_start3A_2696 = arith.constant 0 : i32
        %dma_start3A_2697 = tpu.memref_slice %arg4[%dma_start3A_2695, %dma_start3A_2696, %multiple_of3A_2654] : memref<2x8x1000001xf32, #tpu.memory_space<hbm>> -> memref<2x8x128xf32, #tpu.memory_space<hbm>>
        tpu.enqueue_dma source(%dma_start3A_2697 : memref<2x8x128xf32, #tpu.memory_space<hbm>>) target(%dma_start3A_2694 : memref<2x8x128xf32, #tpu.memory_space<vmem>>) target_semaphore(%arg15 : memref<!tpu.dma_semaphore, #tpu.memory_space<semaphore_mem>>)
        %dma_start3A_2698 = arith.constant 0 : i32
        %dma_start3A_2699 = arith.constant 0 : i32
        %dma_start3A_2700 = arith.constant 384 : i32
        %dma_start3A_2701 = tpu.memref_slice %arg10[%dma_start3A_2698, %dma_start3A_2699, %dma_start3A_2700] : memref<2x8x1024xf32, #tpu.memory_space<vmem>> -> memref<2x8x128xf32, #tpu.memory_space<vmem>>
        %dma_start3A_2702 = arith.constant 0 : i32
        %dma_start3A_2703 = arith.constant 0 : i32
        %dma_start3A_2704 = tpu.memref_slice %arg5[%dma_start3A_2702, %dma_start3A_2703, %multiple_of3A_2683] : memref<2x8x1000001xf32, #tpu.memory_space<hbm>> -> memref<2x8x128xf32, #tpu.memory_space<hbm>>
        %dma_start3A_2705 = arith.constant 0 : i32
        %dma_start3A_2706 = arith.constant 0 : i32
        %dma_start3A_2707 = arith.constant 384 : i32
        %dma_start3A_2708 = tpu.memref_slice %arg10[%dma_start3A_2705, %dma_start3A_2706, %dma_start3A_2707] : memref<2x8x1024xf32, #tpu.memory_space<vmem>> -> memref<2x8x128xf32, #tpu.memory_space<vmem>>
        %dma_start3A_2709 = arith.constant 0 : i32
        %dma_start3A_2710 = arith.constant 0 : i32
        %dma_start3A_2711 = tpu.memref_slice %arg5[%dma_start3A_2709, %dma_start3A_2710, %multiple_of3A_2683] : memref<2x8x1000001xf32, #tpu.memory_space<hbm>> -> memref<2x8x128xf32, #tpu.memory_space<hbm>>
        tpu.enqueue_dma source(%dma_start3A_2711 : memref<2x8x128xf32, #tpu.memory_space<hbm>>) target(%dma_start3A_2708 : memref<2x8x128xf32, #tpu.memory_space<vmem>>) target_semaphore(%arg15 : memref<!tpu.dma_semaphore, #tpu.memory_space<semaphore_mem>>)
        %slice3A_2712 = vector.extract_strided_slice %get3A_2361 {offsets = [4], sizes = [1], strides = [1]} : vector<16xi32> to vector<1xi32>
        %squeeze3A_2713 = vector.extract %slice3A_2712[0] : i32 from vector<1xi32>
        %jit3A_2714 = arith.constant 128 : i32
        %div3A_2715 = arith.divsi %squeeze3A_2713, %jit3A_2714 : i32
        %sign3A_2716 = arith.constant 0 : i32
        %sign3A_2717 = arith.cmpi sgt, %squeeze3A_2713, %sign3A_2716 : i32
        %sign3A_2718 = arith.extui %sign3A_2717 : i1 to i32
        %sign3A_2719 = arith.constant 0 : i32
        %sign3A_2720 = arith.cmpi slt, %squeeze3A_2713, %sign3A_2719 : i32
        %sign3A_2721 = arith.extui %sign3A_2720 : i1 to i32
        %sign3A_2722 = arith.subi %sign3A_2718, %sign3A_2721 : i32
        %sign3A_2723 = arith.constant 0 : i32
        %sign3A_2724 = arith.cmpi sgt, %jit3A_2714, %sign3A_2723 : i32
        %sign3A_2725 = arith.extui %sign3A_2724 : i1 to i32
        %sign3A_2726 = arith.constant 0 : i32
        %sign3A_2727 = arith.cmpi slt, %jit3A_2714, %sign3A_2726 : i32
        %sign3A_2728 = arith.extui %sign3A_2727 : i1 to i32
        %sign3A_2729 = arith.subi %sign3A_2725, %sign3A_2728 : i32
        %ne3A_2730 = arith.cmpi ne, %sign3A_2722, %sign3A_2729 : i32
        %rem3A_2731 = arith.remsi %squeeze3A_2713, %jit3A_2714 : i32
        %ne3A_2732 = arith.constant 0 : i32
        %ne3A_2733 = arith.cmpi ne, %rem3A_2731, %ne3A_2732 : i32
        %and3A_2734 = arith.andi %ne3A_2730, %ne3A_2733 : i1
        %sub3A_2735 = arith.constant 1 : i32
        %sub3A_2736 = arith.subi %div3A_2715, %sub3A_2735 : i32
        %select_n3A_2737 = arith.select %and3A_2734, %sub3A_2736, %div3A_2715 : i32
        %mul3A_2738 = arith.constant 128 : i32
        %mul3A_2739 = arith.muli %select_n3A_2737, %mul3A_2738 : i32
        %multiple_of3A_2740 = tpu.assume_multiple %mul3A_2739, 128 : i32
        %slice3A_2741 = vector.extract_strided_slice %get3A_2367 {offsets = [4], sizes = [1], strides = [1]} : vector<16xi32> to vector<1xi32>
        %squeeze3A_2742 = vector.extract %slice3A_2741[0] : i32 from vector<1xi32>
        %jit3A_2743 = arith.constant 128 : i32
        %div3A_2744 = arith.divsi %squeeze3A_2742, %jit3A_2743 : i32
        %sign3A_2745 = arith.constant 0 : i32
        %sign3A_2746 = arith.cmpi sgt, %squeeze3A_2742, %sign3A_2745 : i32
        %sign3A_2747 = arith.extui %sign3A_2746 : i1 to i32
        %sign3A_2748 = arith.constant 0 : i32
        %sign3A_2749 = arith.cmpi slt, %squeeze3A_2742, %sign3A_2748 : i32
        %sign3A_2750 = arith.extui %sign3A_2749 : i1 to i32
        %sign3A_2751 = arith.subi %sign3A_2747, %sign3A_2750 : i32
        %sign3A_2752 = arith.constant 0 : i32
        %sign3A_2753 = arith.cmpi sgt, %jit3A_2743, %sign3A_2752 : i32
        %sign3A_2754 = arith.extui %sign3A_2753 : i1 to i32
        %sign3A_2755 = arith.constant 0 : i32
        %sign3A_2756 = arith.cmpi slt, %jit3A_2743, %sign3A_2755 : i32
        %sign3A_2757 = arith.extui %sign3A_2756 : i1 to i32
        %sign3A_2758 = arith.subi %sign3A_2754, %sign3A_2757 : i32
        %ne3A_2759 = arith.cmpi ne, %sign3A_2751, %sign3A_2758 : i32
        %rem3A_2760 = arith.remsi %squeeze3A_2742, %jit3A_2743 : i32
        %ne3A_2761 = arith.constant 0 : i32
        %ne3A_2762 = arith.cmpi ne, %rem3A_2760, %ne3A_2761 : i32
        %and3A_2763 = arith.andi %ne3A_2759, %ne3A_2762 : i1
        %sub3A_2764 = arith.constant 1 : i32
        %sub3A_2765 = arith.subi %div3A_2744, %sub3A_2764 : i32
        %select_n3A_2766 = arith.select %and3A_2763, %sub3A_2765, %div3A_2744 : i32
        %mul3A_2767 = arith.constant 128 : i32
        %mul3A_2768 = arith.muli %select_n3A_2766, %mul3A_2767 : i32
        %multiple_of3A_2769 = tpu.assume_multiple %mul3A_2768, 128 : i32
        %dma_start3A_2770 = arith.constant 0 : i32
        %dma_start3A_2771 = arith.constant 0 : i32
        %dma_start3A_2772 = arith.constant 512 : i32
        %dma_start3A_2773 = tpu.memref_slice %arg9[%dma_start3A_2770, %dma_start3A_2771, %dma_start3A_2772] : memref<2x8x1024xf32, #tpu.memory_space<vmem>> -> memref<2x8x128xf32, #tpu.memory_space<vmem>>
        %dma_start3A_2774 = arith.constant 0 : i32
        %dma_start3A_2775 = arith.constant 0 : i32
        %dma_start3A_2776 = tpu.memref_slice %arg4[%dma_start3A_2774, %dma_start3A_2775, %multiple_of3A_2740] : memref<2x8x1000001xf32, #tpu.memory_space<hbm>> -> memref<2x8x128xf32, #tpu.memory_space<hbm>>
        %dma_start3A_2777 = arith.constant 0 : i32
        %dma_start3A_2778 = arith.constant 0 : i32
        %dma_start3A_2779 = arith.constant 512 : i32
        %dma_start3A_2780 = tpu.memref_slice %arg9[%dma_start3A_2777, %dma_start3A_2778, %dma_start3A_2779] : memref<2x8x1024xf32, #tpu.memory_space<vmem>> -> memref<2x8x128xf32, #tpu.memory_space<vmem>>
        %dma_start3A_2781 = arith.constant 0 : i32
        %dma_start3A_2782 = arith.constant 0 : i32
        %dma_start3A_2783 = tpu.memref_slice %arg4[%dma_start3A_2781, %dma_start3A_2782, %multiple_of3A_2740] : memref<2x8x1000001xf32, #tpu.memory_space<hbm>> -> memref<2x8x128xf32, #tpu.memory_space<hbm>>
        tpu.enqueue_dma source(%dma_start3A_2783 : memref<2x8x128xf32, #tpu.memory_space<hbm>>) target(%dma_start3A_2780 : memref<2x8x128xf32, #tpu.memory_space<vmem>>) target_semaphore(%arg15 : memref<!tpu.dma_semaphore, #tpu.memory_space<semaphore_mem>>)
        %dma_start3A_2784 = arith.constant 0 : i32
        %dma_start3A_2785 = arith.constant 0 : i32
        %dma_start3A_2786 = arith.constant 512 : i32
        %dma_start3A_2787 = tpu.memref_slice %arg10[%dma_start3A_2784, %dma_start3A_2785, %dma_start3A_2786] : memref<2x8x1024xf32, #tpu.memory_space<vmem>> -> memref<2x8x128xf32, #tpu.memory_space<vmem>>
        %dma_start3A_2788 = arith.constant 0 : i32
        %dma_start3A_2789 = arith.constant 0 : i32
        %dma_start3A_2790 = tpu.memref_slice %arg5[%dma_start3A_2788, %dma_start3A_2789, %multiple_of3A_2769] : memref<2x8x1000001xf32, #tpu.memory_space<hbm>> -> memref<2x8x128xf32, #tpu.memory_space<hbm>>
        %dma_start3A_2791 = arith.constant 0 : i32
        %dma_start3A_2792 = arith.constant 0 : i32
        %dma_start3A_2793 = arith.constant 512 : i32
        %dma_start3A_2794 = tpu.memref_slice %arg10[%dma_start3A_2791, %dma_start3A_2792, %dma_start3A_2793] : memref<2x8x1024xf32, #tpu.memory_space<vmem>> -> memref<2x8x128xf32, #tpu.memory_space<vmem>>
        %dma_start3A_2795 = arith.constant 0 : i32
        %dma_start3A_2796 = arith.constant 0 : i32
        %dma_start3A_2797 = tpu.memref_slice %arg5[%dma_start3A_2795, %dma_start3A_2796, %multiple_of3A_2769] : memref<2x8x1000001xf32, #tpu.memory_space<hbm>> -> memref<2x8x128xf32, #tpu.memory_space<hbm>>
        tpu.enqueue_dma source(%dma_start3A_2797 : memref<2x8x128xf32, #tpu.memory_space<hbm>>) target(%dma_start3A_2794 : memref<2x8x128xf32, #tpu.memory_space<vmem>>) target_semaphore(%arg15 : memref<!tpu.dma_semaphore, #tpu.memory_space<semaphore_mem>>)
        %slice3A_2798 = vector.extract_strided_slice %get3A_2361 {offsets = [5], sizes = [1], strides = [1]} : vector<16xi32> to vector<1xi32>
        %squeeze3A_2799 = vector.extract %slice3A_2798[0] : i32 from vector<1xi32>
        %jit3A_2800 = arith.constant 128 : i32
        %div3A_2801 = arith.divsi %squeeze3A_2799, %jit3A_2800 : i32
        %sign3A_2802 = arith.constant 0 : i32
        %sign3A_2803 = arith.cmpi sgt, %squeeze3A_2799, %sign3A_2802 : i32
        %sign3A_2804 = arith.extui %sign3A_2803 : i1 to i32
        %sign3A_2805 = arith.constant 0 : i32
        %sign3A_2806 = arith.cmpi slt, %squeeze3A_2799, %sign3A_2805 : i32
        %sign3A_2807 = arith.extui %sign3A_2806 : i1 to i32
        %sign3A_2808 = arith.subi %sign3A_2804, %sign3A_2807 : i32
        %sign3A_2809 = arith.constant 0 : i32
        %sign3A_2810 = arith.cmpi sgt, %jit3A_2800, %sign3A_2809 : i32
        %sign3A_2811 = arith.extui %sign3A_2810 : i1 to i32
        %sign3A_2812 = arith.constant 0 : i32
        %sign3A_2813 = arith.cmpi slt, %jit3A_2800, %sign3A_2812 : i32
        %sign3A_2814 = arith.extui %sign3A_2813 : i1 to i32
        %sign3A_2815 = arith.subi %sign3A_2811, %sign3A_2814 : i32
        %ne3A_2816 = arith.cmpi ne, %sign3A_2808, %sign3A_2815 : i32
        %rem3A_2817 = arith.remsi %squeeze3A_2799, %jit3A_2800 : i32
        %ne3A_2818 = arith.constant 0 : i32
        %ne3A_2819 = arith.cmpi ne, %rem3A_2817, %ne3A_2818 : i32
        %and3A_2820 = arith.andi %ne3A_2816, %ne3A_2819 : i1
        %sub3A_2821 = arith.constant 1 : i32
        %sub3A_2822 = arith.subi %div3A_2801, %sub3A_2821 : i32
        %select_n3A_2823 = arith.select %and3A_2820, %sub3A_2822, %div3A_2801 : i32
        %mul3A_2824 = arith.constant 128 : i32
        %mul3A_2825 = arith.muli %select_n3A_2823, %mul3A_2824 : i32
        %multiple_of3A_2826 = tpu.assume_multiple %mul3A_2825, 128 : i32
        %slice3A_2827 = vector.extract_strided_slice %get3A_2367 {offsets = [5], sizes = [1], strides = [1]} : vector<16xi32> to vector<1xi32>
        %squeeze3A_2828 = vector.extract %slice3A_2827[0] : i32 from vector<1xi32>
        %jit3A_2829 = arith.constant 128 : i32
        %div3A_2830 = arith.divsi %squeeze3A_2828, %jit3A_2829 : i32
        %sign3A_2831 = arith.constant 0 : i32
        %sign3A_2832 = arith.cmpi sgt, %squeeze3A_2828, %sign3A_2831 : i32
        %sign3A_2833 = arith.extui %sign3A_2832 : i1 to i32
        %sign3A_2834 = arith.constant 0 : i32
        %sign3A_2835 = arith.cmpi slt, %squeeze3A_2828, %sign3A_2834 : i32
        %sign3A_2836 = arith.extui %sign3A_2835 : i1 to i32
        %sign3A_2837 = arith.subi %sign3A_2833, %sign3A_2836 : i32
        %sign3A_2838 = arith.constant 0 : i32
        %sign3A_2839 = arith.cmpi sgt, %jit3A_2829, %sign3A_2838 : i32
        %sign3A_2840 = arith.extui %sign3A_2839 : i1 to i32
        %sign3A_2841 = arith.constant 0 : i32
        %sign3A_2842 = arith.cmpi slt, %jit3A_2829, %sign3A_2841 : i32
        %sign3A_2843 = arith.extui %sign3A_2842 : i1 to i32
        %sign3A_2844 = arith.subi %sign3A_2840, %sign3A_2843 : i32
        %ne3A_2845 = arith.cmpi ne, %sign3A_2837, %sign3A_2844 : i32
        %rem3A_2846 = arith.remsi %squeeze3A_2828, %jit3A_2829 : i32
        %ne3A_2847 = arith.constant 0 : i32
        %ne3A_2848 = arith.cmpi ne, %rem3A_2846, %ne3A_2847 : i32
        %and3A_2849 = arith.andi %ne3A_2845, %ne3A_2848 : i1
        %sub3A_2850 = arith.constant 1 : i32
        %sub3A_2851 = arith.subi %div3A_2830, %sub3A_2850 : i32
        %select_n3A_2852 = arith.select %and3A_2849, %sub3A_2851, %div3A_2830 : i32
        %mul3A_2853 = arith.constant 128 : i32
        %mul3A_2854 = arith.muli %select_n3A_2852, %mul3A_2853 : i32
        %multiple_of3A_2855 = tpu.assume_multiple %mul3A_2854, 128 : i32
        %dma_start3A_2856 = arith.constant 0 : i32
        %dma_start3A_2857 = arith.constant 0 : i32
        %dma_start3A_2858 = arith.constant 640 : i32
        %dma_start3A_2859 = tpu.memref_slice %arg9[%dma_start3A_2856, %dma_start3A_2857, %dma_start3A_2858] : memref<2x8x1024xf32, #tpu.memory_space<vmem>> -> memref<2x8x128xf32, #tpu.memory_space<vmem>>
        %dma_start3A_2860 = arith.constant 0 : i32
        %dma_start3A_2861 = arith.constant 0 : i32
        %dma_start3A_2862 = tpu.memref_slice %arg4[%dma_start3A_2860, %dma_start3A_2861, %multiple_of3A_2826] : memref<2x8x1000001xf32, #tpu.memory_space<hbm>> -> memref<2x8x128xf32, #tpu.memory_space<hbm>>
        %dma_start3A_2863 = arith.constant 0 : i32
        %dma_start3A_2864 = arith.constant 0 : i32
        %dma_start3A_2865 = arith.constant 640 : i32
        %dma_start3A_2866 = tpu.memref_slice %arg9[%dma_start3A_2863, %dma_start3A_2864, %dma_start3A_2865] : memref<2x8x1024xf32, #tpu.memory_space<vmem>> -> memref<2x8x128xf32, #tpu.memory_space<vmem>>
        %dma_start3A_2867 = arith.constant 0 : i32
        %dma_start3A_2868 = arith.constant 0 : i32
        %dma_start3A_2869 = tpu.memref_slice %arg4[%dma_start3A_2867, %dma_start3A_2868, %multiple_of3A_2826] : memref<2x8x1000001xf32, #tpu.memory_space<hbm>> -> memref<2x8x128xf32, #tpu.memory_space<hbm>>
        tpu.enqueue_dma source(%dma_start3A_2869 : memref<2x8x128xf32, #tpu.memory_space<hbm>>) target(%dma_start3A_2866 : memref<2x8x128xf32, #tpu.memory_space<vmem>>) target_semaphore(%arg15 : memref<!tpu.dma_semaphore, #tpu.memory_space<semaphore_mem>>)
        %dma_start3A_2870 = arith.constant 0 : i32
        %dma_start3A_2871 = arith.constant 0 : i32
        %dma_start3A_2872 = arith.constant 640 : i32
        %dma_start3A_2873 = tpu.memref_slice %arg10[%dma_start3A_2870, %dma_start3A_2871, %dma_start3A_2872] : memref<2x8x1024xf32, #tpu.memory_space<vmem>> -> memref<2x8x128xf32, #tpu.memory_space<vmem>>
        %dma_start3A_2874 = arith.constant 0 : i32
        %dma_start3A_2875 = arith.constant 0 : i32
        %dma_start3A_2876 = tpu.memref_slice %arg5[%dma_start3A_2874, %dma_start3A_2875, %multiple_of3A_2855] : memref<2x8x1000001xf32, #tpu.memory_space<hbm>> -> memref<2x8x128xf32, #tpu.memory_space<hbm>>
        %dma_start3A_2877 = arith.constant 0 : i32
        %dma_start3A_2878 = arith.constant 0 : i32
        %dma_start3A_2879 = arith.constant 640 : i32
        %dma_start3A_2880 = tpu.memref_slice %arg10[%dma_start3A_2877, %dma_start3A_2878, %dma_start3A_2879] : memref<2x8x1024xf32, #tpu.memory_space<vmem>> -> memref<2x8x128xf32, #tpu.memory_space<vmem>>
        %dma_start3A_2881 = arith.constant 0 : i32
        %dma_start3A_2882 = arith.constant 0 : i32
        %dma_start3A_2883 = tpu.memref_slice %arg5[%dma_start3A_2881, %dma_start3A_2882, %multiple_of3A_2855] : memref<2x8x1000001xf32, #tpu.memory_space<hbm>> -> memref<2x8x128xf32, #tpu.memory_space<hbm>>
        tpu.enqueue_dma source(%dma_start3A_2883 : memref<2x8x128xf32, #tpu.memory_space<hbm>>) target(%dma_start3A_2880 : memref<2x8x128xf32, #tpu.memory_space<vmem>>) target_semaphore(%arg15 : memref<!tpu.dma_semaphore, #tpu.memory_space<semaphore_mem>>)
        %slice3A_2884 = vector.extract_strided_slice %get3A_2361 {offsets = [6], sizes = [1], strides = [1]} : vector<16xi32> to vector<1xi32>
        %squeeze3A_2885 = vector.extract %slice3A_2884[0] : i32 from vector<1xi32>
        %jit3A_2886 = arith.constant 128 : i32
        %div3A_2887 = arith.divsi %squeeze3A_2885, %jit3A_2886 : i32
        %sign3A_2888 = arith.constant 0 : i32
        %sign3A_2889 = arith.cmpi sgt, %squeeze3A_2885, %sign3A_2888 : i32
        %sign3A_2890 = arith.extui %sign3A_2889 : i1 to i32
        %sign3A_2891 = arith.constant 0 : i32
        %sign3A_2892 = arith.cmpi slt, %squeeze3A_2885, %sign3A_2891 : i32
        %sign3A_2893 = arith.extui %sign3A_2892 : i1 to i32
        %sign3A_2894 = arith.subi %sign3A_2890, %sign3A_2893 : i32
        %sign3A_2895 = arith.constant 0 : i32
        %sign3A_2896 = arith.cmpi sgt, %jit3A_2886, %sign3A_2895 : i32
        %sign3A_2897 = arith.extui %sign3A_2896 : i1 to i32
        %sign3A_2898 = arith.constant 0 : i32
        %sign3A_2899 = arith.cmpi slt, %jit3A_2886, %sign3A_2898 : i32
        %sign3A_2900 = arith.extui %sign3A_2899 : i1 to i32
        %sign3A_2901 = arith.subi %sign3A_2897, %sign3A_2900 : i32
        %ne3A_2902 = arith.cmpi ne, %sign3A_2894, %sign3A_2901 : i32
        %rem3A_2903 = arith.remsi %squeeze3A_2885, %jit3A_2886 : i32
        %ne3A_2904 = arith.constant 0 : i32
        %ne3A_2905 = arith.cmpi ne, %rem3A_2903, %ne3A_2904 : i32
        %and3A_2906 = arith.andi %ne3A_2902, %ne3A_2905 : i1
        %sub3A_2907 = arith.constant 1 : i32
        %sub3A_2908 = arith.subi %div3A_2887, %sub3A_2907 : i32
        %select_n3A_2909 = arith.select %and3A_2906, %sub3A_2908, %div3A_2887 : i32
        %mul3A_2910 = arith.constant 128 : i32
        %mul3A_2911 = arith.muli %select_n3A_2909, %mul3A_2910 : i32
        %multiple_of3A_2912 = tpu.assume_multiple %mul3A_2911, 128 : i32
        %slice3A_2913 = vector.extract_strided_slice %get3A_2367 {offsets = [6], sizes = [1], strides = [1]} : vector<16xi32> to vector<1xi32>
        %squeeze3A_2914 = vector.extract %slice3A_2913[0] : i32 from vector<1xi32>
        %jit3A_2915 = arith.constant 128 : i32
        %div3A_2916 = arith.divsi %squeeze3A_2914, %jit3A_2915 : i32
        %sign3A_2917 = arith.constant 0 : i32
        %sign3A_2918 = arith.cmpi sgt, %squeeze3A_2914, %sign3A_2917 : i32
        %sign3A_2919 = arith.extui %sign3A_2918 : i1 to i32
        %sign3A_2920 = arith.constant 0 : i32
        %sign3A_2921 = arith.cmpi slt, %squeeze3A_2914, %sign3A_2920 : i32
        %sign3A_2922 = arith.extui %sign3A_2921 : i1 to i32
        %sign3A_2923 = arith.subi %sign3A_2919, %sign3A_2922 : i32
        %sign3A_2924 = arith.constant 0 : i32
        %sign3A_2925 = arith.cmpi sgt, %jit3A_2915, %sign3A_2924 : i32
        %sign3A_2926 = arith.extui %sign3A_2925 : i1 to i32
        %sign3A_2927 = arith.constant 0 : i32
        %sign3A_2928 = arith.cmpi slt, %jit3A_2915, %sign3A_2927 : i32
        %sign3A_2929 = arith.extui %sign3A_2928 : i1 to i32
        %sign3A_2930 = arith.subi %sign3A_2926, %sign3A_2929 : i32
        %ne3A_2931 = arith.cmpi ne, %sign3A_2923, %sign3A_2930 : i32
        %rem3A_2932 = arith.remsi %squeeze3A_2914, %jit3A_2915 : i32
        %ne3A_2933 = arith.constant 0 : i32
        %ne3A_2934 = arith.cmpi ne, %rem3A_2932, %ne3A_2933 : i32
        %and3A_2935 = arith.andi %ne3A_2931, %ne3A_2934 : i1
        %sub3A_2936 = arith.constant 1 : i32
        %sub3A_2937 = arith.subi %div3A_2916, %sub3A_2936 : i32
        %select_n3A_2938 = arith.select %and3A_2935, %sub3A_2937, %div3A_2916 : i32
        %mul3A_2939 = arith.constant 128 : i32
        %mul3A_2940 = arith.muli %select_n3A_2938, %mul3A_2939 : i32
        %multiple_of3A_2941 = tpu.assume_multiple %mul3A_2940, 128 : i32
        %dma_start3A_2942 = arith.constant 0 : i32
        %dma_start3A_2943 = arith.constant 0 : i32
        %dma_start3A_2944 = arith.constant 768 : i32
        %dma_start3A_2945 = tpu.memref_slice %arg9[%dma_start3A_2942, %dma_start3A_2943, %dma_start3A_2944] : memref<2x8x1024xf32, #tpu.memory_space<vmem>> -> memref<2x8x128xf32, #tpu.memory_space<vmem>>
        %dma_start3A_2946 = arith.constant 0 : i32
        %dma_start3A_2947 = arith.constant 0 : i32
        %dma_start3A_2948 = tpu.memref_slice %arg4[%dma_start3A_2946, %dma_start3A_2947, %multiple_of3A_2912] : memref<2x8x1000001xf32, #tpu.memory_space<hbm>> -> memref<2x8x128xf32, #tpu.memory_space<hbm>>
        %dma_start3A_2949 = arith.constant 0 : i32
        %dma_start3A_2950 = arith.constant 0 : i32
        %dma_start3A_2951 = arith.constant 768 : i32
        %dma_start3A_2952 = tpu.memref_slice %arg9[%dma_start3A_2949, %dma_start3A_2950, %dma_start3A_2951] : memref<2x8x1024xf32, #tpu.memory_space<vmem>> -> memref<2x8x128xf32, #tpu.memory_space<vmem>>
        %dma_start3A_2953 = arith.constant 0 : i32
        %dma_start3A_2954 = arith.constant 0 : i32
        %dma_start3A_2955 = tpu.memref_slice %arg4[%dma_start3A_2953, %dma_start3A_2954, %multiple_of3A_2912] : memref<2x8x1000001xf32, #tpu.memory_space<hbm>> -> memref<2x8x128xf32, #tpu.memory_space<hbm>>
        tpu.enqueue_dma source(%dma_start3A_2955 : memref<2x8x128xf32, #tpu.memory_space<hbm>>) target(%dma_start3A_2952 : memref<2x8x128xf32, #tpu.memory_space<vmem>>) target_semaphore(%arg15 : memref<!tpu.dma_semaphore, #tpu.memory_space<semaphore_mem>>)
        %dma_start3A_2956 = arith.constant 0 : i32
        %dma_start3A_2957 = arith.constant 0 : i32
        %dma_start3A_2958 = arith.constant 768 : i32
        %dma_start3A_2959 = tpu.memref_slice %arg10[%dma_start3A_2956, %dma_start3A_2957, %dma_start3A_2958] : memref<2x8x1024xf32, #tpu.memory_space<vmem>> -> memref<2x8x128xf32, #tpu.memory_space<vmem>>
        %dma_start3A_2960 = arith.constant 0 : i32
        %dma_start3A_2961 = arith.constant 0 : i32
        %dma_start3A_2962 = tpu.memref_slice %arg5[%dma_start3A_2960, %dma_start3A_2961, %multiple_of3A_2941] : memref<2x8x1000001xf32, #tpu.memory_space<hbm>> -> memref<2x8x128xf32, #tpu.memory_space<hbm>>
        %dma_start3A_2963 = arith.constant 0 : i32
        %dma_start3A_2964 = arith.constant 0 : i32
        %dma_start3A_2965 = arith.constant 768 : i32
        %dma_start3A_2966 = tpu.memref_slice %arg10[%dma_start3A_2963, %dma_start3A_2964, %dma_start3A_2965] : memref<2x8x1024xf32, #tpu.memory_space<vmem>> -> memref<2x8x128xf32, #tpu.memory_space<vmem>>
        %dma_start3A_2967 = arith.constant 0 : i32
        %dma_start3A_2968 = arith.constant 0 : i32
        %dma_start3A_2969 = tpu.memref_slice %arg5[%dma_start3A_2967, %dma_start3A_2968, %multiple_of3A_2941] : memref<2x8x1000001xf32, #tpu.memory_space<hbm>> -> memref<2x8x128xf32, #tpu.memory_space<hbm>>
        tpu.enqueue_dma source(%dma_start3A_2969 : memref<2x8x128xf32, #tpu.memory_space<hbm>>) target(%dma_start3A_2966 : memref<2x8x128xf32, #tpu.memory_space<vmem>>) target_semaphore(%arg15 : memref<!tpu.dma_semaphore, #tpu.memory_space<semaphore_mem>>)
        %slice3A_2970 = vector.extract_strided_slice %get3A_2361 {offsets = [7], sizes = [1], strides = [1]} : vector<16xi32> to vector<1xi32>
        %squeeze3A_2971 = vector.extract %slice3A_2970[0] : i32 from vector<1xi32>
        %jit3A_2972 = arith.constant 128 : i32
        %div3A_2973 = arith.divsi %squeeze3A_2971, %jit3A_2972 : i32
        %sign3A_2974 = arith.constant 0 : i32
        %sign3A_2975 = arith.cmpi sgt, %squeeze3A_2971, %sign3A_2974 : i32
        %sign3A_2976 = arith.extui %sign3A_2975 : i1 to i32
        %sign3A_2977 = arith.constant 0 : i32
        %sign3A_2978 = arith.cmpi slt, %squeeze3A_2971, %sign3A_2977 : i32
        %sign3A_2979 = arith.extui %sign3A_2978 : i1 to i32
        %sign3A_2980 = arith.subi %sign3A_2976, %sign3A_2979 : i32
        %sign3A_2981 = arith.constant 0 : i32
        %sign3A_2982 = arith.cmpi sgt, %jit3A_2972, %sign3A_2981 : i32
        %sign3A_2983 = arith.extui %sign3A_2982 : i1 to i32
        %sign3A_2984 = arith.constant 0 : i32
        %sign3A_2985 = arith.cmpi slt, %jit3A_2972, %sign3A_2984 : i32
        %sign3A_2986 = arith.extui %sign3A_2985 : i1 to i32
        %sign3A_2987 = arith.subi %sign3A_2983, %sign3A_2986 : i32
        %ne3A_2988 = arith.cmpi ne, %sign3A_2980, %sign3A_2987 : i32
        %rem3A_2989 = arith.remsi %squeeze3A_2971, %jit3A_2972 : i32
        %ne3A_2990 = arith.constant 0 : i32
        %ne3A_2991 = arith.cmpi ne, %rem3A_2989, %ne3A_2990 : i32
        %and3A_2992 = arith.andi %ne3A_2988, %ne3A_2991 : i1
        %sub3A_2993 = arith.constant 1 : i32
        %sub3A_2994 = arith.subi %div3A_2973, %sub3A_2993 : i32
        %select_n3A_2995 = arith.select %and3A_2992, %sub3A_2994, %div3A_2973 : i32
        %mul3A_2996 = arith.constant 128 : i32
        %mul3A_2997 = arith.muli %select_n3A_2995, %mul3A_2996 : i32
        %multiple_of3A_2998 = tpu.assume_multiple %mul3A_2997, 128 : i32
        %slice3A_2999 = vector.extract_strided_slice %get3A_2367 {offsets = [7], sizes = [1], strides = [1]} : vector<16xi32> to vector<1xi32>
        %squeeze3A_3000 = vector.extract %slice3A_2999[0] : i32 from vector<1xi32>
        %jit3A_3001 = arith.constant 128 : i32
        %div3A_3002 = arith.divsi %squeeze3A_3000, %jit3A_3001 : i32
        %sign3A_3003 = arith.constant 0 : i32
        %sign3A_3004 = arith.cmpi sgt, %squeeze3A_3000, %sign3A_3003 : i32
        %sign3A_3005 = arith.extui %sign3A_3004 : i1 to i32
        %sign3A_3006 = arith.constant 0 : i32
        %sign3A_3007 = arith.cmpi slt, %squeeze3A_3000, %sign3A_3006 : i32
        %sign3A_3008 = arith.extui %sign3A_3007 : i1 to i32
        %sign3A_3009 = arith.subi %sign3A_3005, %sign3A_3008 : i32
        %sign3A_3010 = arith.constant 0 : i32
        %sign3A_3011 = arith.cmpi sgt, %jit3A_3001, %sign3A_3010 : i32
        %sign3A_3012 = arith.extui %sign3A_3011 : i1 to i32
        %sign3A_3013 = arith.constant 0 : i32
        %sign3A_3014 = arith.cmpi slt, %jit3A_3001, %sign3A_3013 : i32
        %sign3A_3015 = arith.extui %sign3A_3014 : i1 to i32
        %sign3A_3016 = arith.subi %sign3A_3012, %sign3A_3015 : i32
        %ne3A_3017 = arith.cmpi ne, %sign3A_3009, %sign3A_3016 : i32
        %rem3A_3018 = arith.remsi %squeeze3A_3000, %jit3A_3001 : i32
        %ne3A_3019 = arith.constant 0 : i32
        %ne3A_3020 = arith.cmpi ne, %rem3A_3018, %ne3A_3019 : i32
        %and3A_3021 = arith.andi %ne3A_3017, %ne3A_3020 : i1
        %sub3A_3022 = arith.constant 1 : i32
        %sub3A_3023 = arith.subi %div3A_3002, %sub3A_3022 : i32
        %select_n3A_3024 = arith.select %and3A_3021, %sub3A_3023, %div3A_3002 : i32
        %mul3A_3025 = arith.constant 128 : i32
        %mul3A_3026 = arith.muli %select_n3A_3024, %mul3A_3025 : i32
        %multiple_of3A_3027 = tpu.assume_multiple %mul3A_3026, 128 : i32
        %dma_start3A_3028 = arith.constant 0 : i32
        %dma_start3A_3029 = arith.constant 0 : i32
        %dma_start3A_3030 = arith.constant 896 : i32
        %dma_start3A_3031 = tpu.memref_slice %arg9[%dma_start3A_3028, %dma_start3A_3029, %dma_start3A_3030] : memref<2x8x1024xf32, #tpu.memory_space<vmem>> -> memref<2x8x128xf32, #tpu.memory_space<vmem>>
        %dma_start3A_3032 = arith.constant 0 : i32
        %dma_start3A_3033 = arith.constant 0 : i32
        %dma_start3A_3034 = tpu.memref_slice %arg4[%dma_start3A_3032, %dma_start3A_3033, %multiple_of3A_2998] : memref<2x8x1000001xf32, #tpu.memory_space<hbm>> -> memref<2x8x128xf32, #tpu.memory_space<hbm>>
        %dma_start3A_3035 = arith.constant 0 : i32
        %dma_start3A_3036 = arith.constant 0 : i32
        %dma_start3A_3037 = arith.constant 896 : i32
        %dma_start3A_3038 = tpu.memref_slice %arg9[%dma_start3A_3035, %dma_start3A_3036, %dma_start3A_3037] : memref<2x8x1024xf32, #tpu.memory_space<vmem>> -> memref<2x8x128xf32, #tpu.memory_space<vmem>>
        %dma_start3A_3039 = arith.constant 0 : i32
        %dma_start3A_3040 = arith.constant 0 : i32
        %dma_start3A_3041 = tpu.memref_slice %arg4[%dma_start3A_3039, %dma_start3A_3040, %multiple_of3A_2998] : memref<2x8x1000001xf32, #tpu.memory_space<hbm>> -> memref<2x8x128xf32, #tpu.memory_space<hbm>>
        tpu.enqueue_dma source(%dma_start3A_3041 : memref<2x8x128xf32, #tpu.memory_space<hbm>>) target(%dma_start3A_3038 : memref<2x8x128xf32, #tpu.memory_space<vmem>>) target_semaphore(%arg15 : memref<!tpu.dma_semaphore, #tpu.memory_space<semaphore_mem>>)
        %dma_start3A_3042 = arith.constant 0 : i32
        %dma_start3A_3043 = arith.constant 0 : i32
        %dma_start3A_3044 = arith.constant 896 : i32
        %dma_start3A_3045 = tpu.memref_slice %arg10[%dma_start3A_3042, %dma_start3A_3043, %dma_start3A_3044] : memref<2x8x1024xf32, #tpu.memory_space<vmem>> -> memref<2x8x128xf32, #tpu.memory_space<vmem>>
        %dma_start3A_3046 = arith.constant 0 : i32
        %dma_start3A_3047 = arith.constant 0 : i32
        %dma_start3A_3048 = tpu.memref_slice %arg5[%dma_start3A_3046, %dma_start3A_3047, %multiple_of3A_3027] : memref<2x8x1000001xf32, #tpu.memory_space<hbm>> -> memref<2x8x128xf32, #tpu.memory_space<hbm>>
        %dma_start3A_3049 = arith.constant 0 : i32
        %dma_start3A_3050 = arith.constant 0 : i32
        %dma_start3A_3051 = arith.constant 896 : i32
        %dma_start3A_3052 = tpu.memref_slice %arg10[%dma_start3A_3049, %dma_start3A_3050, %dma_start3A_3051] : memref<2x8x1024xf32, #tpu.memory_space<vmem>> -> memref<2x8x128xf32, #tpu.memory_space<vmem>>
        %dma_start3A_3053 = arith.constant 0 : i32
        %dma_start3A_3054 = arith.constant 0 : i32
        %dma_start3A_3055 = tpu.memref_slice %arg5[%dma_start3A_3053, %dma_start3A_3054, %multiple_of3A_3027] : memref<2x8x1000001xf32, #tpu.memory_space<hbm>> -> memref<2x8x128xf32, #tpu.memory_space<hbm>>
        tpu.enqueue_dma source(%dma_start3A_3055 : memref<2x8x128xf32, #tpu.memory_space<hbm>>) target(%dma_start3A_3052 : memref<2x8x128xf32, #tpu.memory_space<vmem>>) target_semaphore(%arg15 : memref<!tpu.dma_semaphore, #tpu.memory_space<semaphore_mem>>)
      } else {
      }
      %dma_wait3A_1862 = arith.constant 0 : i32
      %dma_wait3A_1863 = arith.constant 0 : i32
      %dma_wait3A_1864 = arith.constant 0 : i32
      %dma_wait3A_1865 = tpu.memref_slice %arg4[%dma_wait3A_1862, %dma_wait3A_1863, %dma_wait3A_1864] : memref<2x8x1000001xf32, #tpu.memory_space<hbm>> -> memref<2x8x1024xf32, #tpu.memory_space<hbm>>
      %dma_wait3A_1866 = arith.constant 0 : i32
      %dma_wait3A_1867 = arith.constant 0 : i32
      %dma_wait3A_1868 = arith.constant 0 : i32
      %dma_wait3A_1869 = tpu.memref_slice %arg4[%dma_wait3A_1866, %dma_wait3A_1867, %dma_wait3A_1868] : memref<2x8x1000001xf32, #tpu.memory_space<hbm>> -> memref<2x8x1024xf32, #tpu.memory_space<hbm>>
      tpu.wait_dma2 semaphore(%arg16 : memref<!tpu.dma_semaphore, #tpu.memory_space<semaphore_mem>>) src(%dma_wait3A_1869 : memref<2x8x1024xf32, #tpu.memory_space<hbm>>) dst(%arg11 : memref<2x8x1024xf32, #tpu.memory_space<vmem>>)
      %dma_wait3A_1870 = arith.constant 0 : i32
      %dma_wait3A_1871 = arith.constant 0 : i32
      %dma_wait3A_1872 = arith.constant 0 : i32
      %dma_wait3A_1873 = tpu.memref_slice %arg4[%dma_wait3A_1870, %dma_wait3A_1871, %dma_wait3A_1872] : memref<2x8x1000001xf32, #tpu.memory_space<hbm>> -> memref<2x8x1024xf32, #tpu.memory_space<hbm>>
      %dma_wait3A_1874 = arith.constant 0 : i32
      %dma_wait3A_1875 = arith.constant 0 : i32
      %dma_wait3A_1876 = arith.constant 0 : i32
      %dma_wait3A_1877 = tpu.memref_slice %arg4[%dma_wait3A_1874, %dma_wait3A_1875, %dma_wait3A_1876] : memref<2x8x1000001xf32, #tpu.memory_space<hbm>> -> memref<2x8x1024xf32, #tpu.memory_space<hbm>>
      tpu.wait_dma2 semaphore(%arg16 : memref<!tpu.dma_semaphore, #tpu.memory_space<semaphore_mem>>) src(%dma_wait3A_1877 : memref<2x8x1024xf32, #tpu.memory_space<hbm>>) dst(%arg12 : memref<2x8x1024xf32, #tpu.memory_space<vmem>>)
      %mul3A_1878 = arith.constant 16 : i32
      %mul3A_1879 = arith.muli %scan3A_740, %mul3A_1878 : i32
      %get3A_1880 = arith.constant 0 : i32
      %get3A_1881 = arith.index_cast %get3A_1880 : i32 to index
      %get3A_1882 = arith.index_cast %mul3A_1879 : i32 to index
      %get3A_1883 = tpu.vector_load %arg7[%get3A_1881, %get3A_1882] {strides = array<i32>} : memref<1x512xi32, #tpu.memory_space<vmem>>, vector<16xi32>,
      %mul3A_1884 = arith.constant 16 : i32
      %mul3A_1885 = arith.muli %scan3A_740, %mul3A_1884 : i32
      %get3A_1886 = arith.constant 0 : i32
      %get3A_1887 = arith.index_cast %get3A_1886 : i32 to index
      %get3A_1888 = arith.index_cast %mul3A_1885 : i32 to index
      %get3A_1889 = tpu.vector_load %arg8[%get3A_1887, %get3A_1888] {strides = array<i32>} : memref<1x512xi32, #tpu.memory_space<vmem>>, vector<16xi32>,
      %slice3A_1890 = vector.extract_strided_slice %get3A_1883 {offsets = [8], sizes = [1], strides = [1]} : vector<16xi32> to vector<1xi32>
      %squeeze3A_1891 = vector.extract %slice3A_1890[0] : i32 from vector<1xi32>
      %jit3A_1892 = arith.constant 128 : i32
      %eq3A_1893 = arith.constant 0 : i32
      %eq3A_1894 = arith.cmpi eq, %jit3A_1892, %eq3A_1893 : i32
      %jit3A_1895 = arith.constant 1 : i32
      %select_n3A_1896 = arith.select %eq3A_1894, %jit3A_1895, %jit3A_1892 : i32
      %rem3A_1897 = arith.remsi %squeeze3A_1891, %select_n3A_1896 : i32
      %ne3A_1898 = arith.constant 0 : i32
      %ne3A_1899 = arith.cmpi ne, %rem3A_1897, %ne3A_1898 : i32
      %lt3A_1900 = arith.constant 0 : i32
      %lt3A_1901 = arith.cmpi slt, %rem3A_1897, %lt3A_1900 : i32
      %lt3A_1902 = arith.constant 0 : i32
      %lt3A_1903 = arith.cmpi slt, %select_n3A_1896, %lt3A_1902 : i32
      %ne3A_1904 = arith.xori %lt3A_1901, %lt3A_1903 : i1
      %and3A_1905 = arith.andi %ne3A_1904, %ne3A_1899 : i1
      %add3A_1906 = arith.addi %rem3A_1897, %select_n3A_1896 : i32
      %select_n3A_1907 = arith.select %and3A_1905, %add3A_1906, %rem3A_1897 : i32
      %add3A_1908 = arith.constant 0 : i32
      %add3A_1909 = arith.addi %select_n3A_1907, %add3A_1908 : i32
      %broadcast_in_dim3A_1910 = vector.broadcast %add3A_1909 : i32 to vector<16xi32>
      %slice3A_1911 = vector.extract_strided_slice %get3A_1889 {offsets = [8], sizes = [1], strides = [1]} : vector<16xi32> to vector<1xi32>
      %squeeze3A_1912 = vector.extract %slice3A_1911[0] : i32 from vector<1xi32>
      %jit3A_1913 = arith.constant 128 : i32
      %eq3A_1914 = arith.constant 0 : i32
      %eq3A_1915 = arith.cmpi eq, %jit3A_1913, %eq3A_1914 : i32
      %jit3A_1916 = arith.constant 1 : i32
      %select_n3A_1917 = arith.select %eq3A_1915, %jit3A_1916, %jit3A_1913 : i32
      %rem3A_1918 = arith.remsi %squeeze3A_1912, %select_n3A_1917 : i32
      %ne3A_1919 = arith.constant 0 : i32
      %ne3A_1920 = arith.cmpi ne, %rem3A_1918, %ne3A_1919 : i32
      %lt3A_1921 = arith.constant 0 : i32
      %lt3A_1922 = arith.cmpi slt, %rem3A_1918, %lt3A_1921 : i32
      %lt3A_1923 = arith.constant 0 : i32
      %lt3A_1924 = arith.cmpi slt, %select_n3A_1917, %lt3A_1923 : i32
      %ne3A_1925 = arith.xori %lt3A_1922, %lt3A_1924 : i1
      %and3A_1926 = arith.andi %ne3A_1925, %ne3A_1920 : i1
      %add3A_1927 = arith.addi %rem3A_1918, %select_n3A_1917 : i32
      %select_n3A_1928 = arith.select %and3A_1926, %add3A_1927, %rem3A_1918 : i32
      %add3A_1929 = arith.constant 0 : i32
      %add3A_1930 = arith.addi %select_n3A_1928, %add3A_1929 : i32
      %broadcast_in_dim3A_1931 = vector.broadcast %add3A_1930 : i32 to vector<16xi32>
      %gather3A_1932 = tpu.vector_load_idx %arg11[%select_n3A, %select_n3A_43, %broadcast_in_dim3A_1910] : memref<2x8x1024xf32, #tpu.memory_space<vmem>>[vector<16xi32>, vector<16xi32>, vector<16xi32>], vector<16xf32>,
      %gather3A_1933 = tpu.vector_load_idx %arg12[%select_n3A, %select_n3A_43, %broadcast_in_dim3A_1931] : memref<2x8x1024xf32, #tpu.memory_space<vmem>>[vector<16xi32>, vector<16xi32>, vector<16xi32>], vector<16xf32>,
      %mul3A_1934 = arith.mulf %gather3A_1932, %gather3A_1933 : vector<16xf32>
      %swap3A_1935 = arith.constant 8 : i32
      %swap3A_1936 = arith.index_cast %swap3A_1935 : i32 to index
      %swap3A_1937 = arith.constant 0 : index
      %swap3A_1938 = tpu.vector_load %arg13[%swap3A_1936, %swap3A_1937] {strides = array<i32>} : memref<16x128xf32, #tpu.memory_space<vmem>>, vector<16xf32>,
      tpu.vector_store %arg13[%swap3A_1936, %swap3A_1937], %mul3A_1934 {strides = array<i32>} : memref<16x128xf32, #tpu.memory_space<vmem>>, vector<16xf32>,
      %slice3A_1939 = vector.extract_strided_slice %get3A_1883 {offsets = [9], sizes = [1], strides = [1]} : vector<16xi32> to vector<1xi32>
      %squeeze3A_1940 = vector.extract %slice3A_1939[0] : i32 from vector<1xi32>
      %jit3A_1941 = arith.constant 128 : i32
      %eq3A_1942 = arith.constant 0 : i32
      %eq3A_1943 = arith.cmpi eq, %jit3A_1941, %eq3A_1942 : i32
      %jit3A_1944 = arith.constant 1 : i32
      %select_n3A_1945 = arith.select %eq3A_1943, %jit3A_1944, %jit3A_1941 : i32
      %rem3A_1946 = arith.remsi %squeeze3A_1940, %select_n3A_1945 : i32
      %ne3A_1947 = arith.constant 0 : i32
      %ne3A_1948 = arith.cmpi ne, %rem3A_1946, %ne3A_1947 : i32
      %lt3A_1949 = arith.constant 0 : i32
      %lt3A_1950 = arith.cmpi slt, %rem3A_1946, %lt3A_1949 : i32
      %lt3A_1951 = arith.constant 0 : i32
      %lt3A_1952 = arith.cmpi slt, %select_n3A_1945, %lt3A_1951 : i32
      %ne3A_1953 = arith.xori %lt3A_1950, %lt3A_1952 : i1
      %and3A_1954 = arith.andi %ne3A_1953, %ne3A_1948 : i1
      %add3A_1955 = arith.addi %rem3A_1946, %select_n3A_1945 : i32
      %select_n3A_1956 = arith.select %and3A_1954, %add3A_1955, %rem3A_1946 : i32
      %add3A_1957 = arith.constant 128 : i32
      %add3A_1958 = arith.addi %select_n3A_1956, %add3A_1957 : i32
      %broadcast_in_dim3A_1959 = vector.broadcast %add3A_1958 : i32 to vector<16xi32>
      %slice3A_1960 = vector.extract_strided_slice %get3A_1889 {offsets = [9], sizes = [1], strides = [1]} : vector<16xi32> to vector<1xi32>
      %squeeze3A_1961 = vector.extract %slice3A_1960[0] : i32 from vector<1xi32>
      %jit3A_1962 = arith.constant 128 : i32
      %eq3A_1963 = arith.constant 0 : i32
      %eq3A_1964 = arith.cmpi eq, %jit3A_1962, %eq3A_1963 : i32
      %jit3A_1965 = arith.constant 1 : i32
      %select_n3A_1966 = arith.select %eq3A_1964, %jit3A_1965, %jit3A_1962 : i32
      %rem3A_1967 = arith.remsi %squeeze3A_1961, %select_n3A_1966 : i32
      %ne3A_1968 = arith.constant 0 : i32
      %ne3A_1969 = arith.cmpi ne, %rem3A_1967, %ne3A_1968 : i32
      %lt3A_1970 = arith.constant 0 : i32
      %lt3A_1971 = arith.cmpi slt, %rem3A_1967, %lt3A_1970 : i32
      %lt3A_1972 = arith.constant 0 : i32
      %lt3A_1973 = arith.cmpi slt, %select_n3A_1966, %lt3A_1972 : i32
      %ne3A_1974 = arith.xori %lt3A_1971, %lt3A_1973 : i1
      %and3A_1975 = arith.andi %ne3A_1974, %ne3A_1969 : i1
      %add3A_1976 = arith.addi %rem3A_1967, %select_n3A_1966 : i32
      %select_n3A_1977 = arith.select %and3A_1975, %add3A_1976, %rem3A_1967 : i32
      %add3A_1978 = arith.constant 128 : i32
      %add3A_1979 = arith.addi %select_n3A_1977, %add3A_1978 : i32
      %broadcast_in_dim3A_1980 = vector.broadcast %add3A_1979 : i32 to vector<16xi32>
      %gather3A_1981 = tpu.vector_load_idx %arg11[%select_n3A, %select_n3A_43, %broadcast_in_dim3A_1959] : memref<2x8x1024xf32, #tpu.memory_space<vmem>>[vector<16xi32>, vector<16xi32>, vector<16xi32>], vector<16xf32>,
      %gather3A_1982 = tpu.vector_load_idx %arg12[%select_n3A, %select_n3A_43, %broadcast_in_dim3A_1980] : memref<2x8x1024xf32, #tpu.memory_space<vmem>>[vector<16xi32>, vector<16xi32>, vector<16xi32>], vector<16xf32>,
      %mul3A_1983 = arith.mulf %gather3A_1981, %gather3A_1982 : vector<16xf32>
      %swap3A_1984 = arith.constant 9 : i32
      %swap3A_1985 = arith.index_cast %swap3A_1984 : i32 to index
      %swap3A_1986 = arith.constant 0 : index
      %swap3A_1987 = tpu.vector_load %arg13[%swap3A_1985, %swap3A_1986] {strides = array<i32>} : memref<16x128xf32, #tpu.memory_space<vmem>>, vector<16xf32>,
      tpu.vector_store %arg13[%swap3A_1985, %swap3A_1986], %mul3A_1983 {strides = array<i32>} : memref<16x128xf32, #tpu.memory_space<vmem>>, vector<16xf32>,
      %slice3A_1988 = vector.extract_strided_slice %get3A_1883 {offsets = [10], sizes = [1], strides = [1]} : vector<16xi32> to vector<1xi32>
      %squeeze3A_1989 = vector.extract %slice3A_1988[0] : i32 from vector<1xi32>
      %jit3A_1990 = arith.constant 128 : i32
      %eq3A_1991 = arith.constant 0 : i32
      %eq3A_1992 = arith.cmpi eq, %jit3A_1990, %eq3A_1991 : i32
      %jit3A_1993 = arith.constant 1 : i32
      %select_n3A_1994 = arith.select %eq3A_1992, %jit3A_1993, %jit3A_1990 : i32
      %rem3A_1995 = arith.remsi %squeeze3A_1989, %select_n3A_1994 : i32
      %ne3A_1996 = arith.constant 0 : i32
      %ne3A_1997 = arith.cmpi ne, %rem3A_1995, %ne3A_1996 : i32
      %lt3A_1998 = arith.constant 0 : i32
      %lt3A_1999 = arith.cmpi slt, %rem3A_1995, %lt3A_1998 : i32
      %lt3A_2000 = arith.constant 0 : i32
      %lt3A_2001 = arith.cmpi slt, %select_n3A_1994, %lt3A_2000 : i32
      %ne3A_2002 = arith.xori %lt3A_1999, %lt3A_2001 : i1
      %and3A_2003 = arith.andi %ne3A_2002, %ne3A_1997 : i1
      %add3A_2004 = arith.addi %rem3A_1995, %select_n3A_1994 : i32
      %select_n3A_2005 = arith.select %and3A_2003, %add3A_2004, %rem3A_1995 : i32
      %add3A_2006 = arith.constant 256 : i32
      %add3A_2007 = arith.addi %select_n3A_2005, %add3A_2006 : i32
      %broadcast_in_dim3A_2008 = vector.broadcast %add3A_2007 : i32 to vector<16xi32>
      %slice3A_2009 = vector.extract_strided_slice %get3A_1889 {offsets = [10], sizes = [1], strides = [1]} : vector<16xi32> to vector<1xi32>
      %squeeze3A_2010 = vector.extract %slice3A_2009[0] : i32 from vector<1xi32>
      %jit3A_2011 = arith.constant 128 : i32
      %eq3A_2012 = arith.constant 0 : i32
      %eq3A_2013 = arith.cmpi eq, %jit3A_2011, %eq3A_2012 : i32
      %jit3A_2014 = arith.constant 1 : i32
      %select_n3A_2015 = arith.select %eq3A_2013, %jit3A_2014, %jit3A_2011 : i32
      %rem3A_2016 = arith.remsi %squeeze3A_2010, %select_n3A_2015 : i32
      %ne3A_2017 = arith.constant 0 : i32
      %ne3A_2018 = arith.cmpi ne, %rem3A_2016, %ne3A_2017 : i32
      %lt3A_2019 = arith.constant 0 : i32
      %lt3A_2020 = arith.cmpi slt, %rem3A_2016, %lt3A_2019 : i32
      %lt3A_2021 = arith.constant 0 : i32
      %lt3A_2022 = arith.cmpi slt, %select_n3A_2015, %lt3A_2021 : i32
      %ne3A_2023 = arith.xori %lt3A_2020, %lt3A_2022 : i1
      %and3A_2024 = arith.andi %ne3A_2023, %ne3A_2018 : i1
      %add3A_2025 = arith.addi %rem3A_2016, %select_n3A_2015 : i32
      %select_n3A_2026 = arith.select %and3A_2024, %add3A_2025, %rem3A_2016 : i32
      %add3A_2027 = arith.constant 256 : i32
      %add3A_2028 = arith.addi %select_n3A_2026, %add3A_2027 : i32
      %broadcast_in_dim3A_2029 = vector.broadcast %add3A_2028 : i32 to vector<16xi32>
      %gather3A_2030 = tpu.vector_load_idx %arg11[%select_n3A, %select_n3A_43, %broadcast_in_dim3A_2008] : memref<2x8x1024xf32, #tpu.memory_space<vmem>>[vector<16xi32>, vector<16xi32>, vector<16xi32>], vector<16xf32>,
      %gather3A_2031 = tpu.vector_load_idx %arg12[%select_n3A, %select_n3A_43, %broadcast_in_dim3A_2029] : memref<2x8x1024xf32, #tpu.memory_space<vmem>>[vector<16xi32>, vector<16xi32>, vector<16xi32>], vector<16xf32>,
      %mul3A_2032 = arith.mulf %gather3A_2030, %gather3A_2031 : vector<16xf32>
      %swap3A_2033 = arith.constant 10 : i32
      %swap3A_2034 = arith.index_cast %swap3A_2033 : i32 to index
      %swap3A_2035 = arith.constant 0 : index
      %swap3A_2036 = tpu.vector_load %arg13[%swap3A_2034, %swap3A_2035] {strides = array<i32>} : memref<16x128xf32, #tpu.memory_space<vmem>>, vector<16xf32>,
      tpu.vector_store %arg13[%swap3A_2034, %swap3A_2035], %mul3A_2032 {strides = array<i32>} : memref<16x128xf32, #tpu.memory_space<vmem>>, vector<16xf32>,
      %slice3A_2037 = vector.extract_strided_slice %get3A_1883 {offsets = [11], sizes = [1], strides = [1]} : vector<16xi32> to vector<1xi32>
      %squeeze3A_2038 = vector.extract %slice3A_2037[0] : i32 from vector<1xi32>
      %jit3A_2039 = arith.constant 128 : i32
      %eq3A_2040 = arith.constant 0 : i32
      %eq3A_2041 = arith.cmpi eq, %jit3A_2039, %eq3A_2040 : i32
      %jit3A_2042 = arith.constant 1 : i32
      %select_n3A_2043 = arith.select %eq3A_2041, %jit3A_2042, %jit3A_2039 : i32
      %rem3A_2044 = arith.remsi %squeeze3A_2038, %select_n3A_2043 : i32
      %ne3A_2045 = arith.constant 0 : i32
      %ne3A_2046 = arith.cmpi ne, %rem3A_2044, %ne3A_2045 : i32
      %lt3A_2047 = arith.constant 0 : i32
      %lt3A_2048 = arith.cmpi slt, %rem3A_2044, %lt3A_2047 : i32
      %lt3A_2049 = arith.constant 0 : i32
      %lt3A_2050 = arith.cmpi slt, %select_n3A_2043, %lt3A_2049 : i32
      %ne3A_2051 = arith.xori %lt3A_2048, %lt3A_2050 : i1
      %and3A_2052 = arith.andi %ne3A_2051, %ne3A_2046 : i1
      %add3A_2053 = arith.addi %rem3A_2044, %select_n3A_2043 : i32
      %select_n3A_2054 = arith.select %and3A_2052, %add3A_2053, %rem3A_2044 : i32
      %add3A_2055 = arith.constant 384 : i32
      %add3A_2056 = arith.addi %select_n3A_2054, %add3A_2055 : i32
      %broadcast_in_dim3A_2057 = vector.broadcast %add3A_2056 : i32 to vector<16xi32>
      %slice3A_2058 = vector.extract_strided_slice %get3A_1889 {offsets = [11], sizes = [1], strides = [1]} : vector<16xi32> to vector<1xi32>
      %squeeze3A_2059 = vector.extract %slice3A_2058[0] : i32 from vector<1xi32>
      %jit3A_2060 = arith.constant 128 : i32
      %eq3A_2061 = arith.constant 0 : i32
      %eq3A_2062 = arith.cmpi eq, %jit3A_2060, %eq3A_2061 : i32
      %jit3A_2063 = arith.constant 1 : i32
      %select_n3A_2064 = arith.select %eq3A_2062, %jit3A_2063, %jit3A_2060 : i32
      %rem3A_2065 = arith.remsi %squeeze3A_2059, %select_n3A_2064 : i32
      %ne3A_2066 = arith.constant 0 : i32
      %ne3A_2067 = arith.cmpi ne, %rem3A_2065, %ne3A_2066 : i32
      %lt3A_2068 = arith.constant 0 : i32
      %lt3A_2069 = arith.cmpi slt, %rem3A_2065, %lt3A_2068 : i32
      %lt3A_2070 = arith.constant 0 : i32
      %lt3A_2071 = arith.cmpi slt, %select_n3A_2064, %lt3A_2070 : i32
      %ne3A_2072 = arith.xori %lt3A_2069, %lt3A_2071 : i1
      %and3A_2073 = arith.andi %ne3A_2072, %ne3A_2067 : i1
      %add3A_2074 = arith.addi %rem3A_2065, %select_n3A_2064 : i32
      %select_n3A_2075 = arith.select %and3A_2073, %add3A_2074, %rem3A_2065 : i32
      %add3A_2076 = arith.constant 384 : i32
      %add3A_2077 = arith.addi %select_n3A_2075, %add3A_2076 : i32
      %broadcast_in_dim3A_2078 = vector.broadcast %add3A_2077 : i32 to vector<16xi32>
      %gather3A_2079 = tpu.vector_load_idx %arg11[%select_n3A, %select_n3A_43, %broadcast_in_dim3A_2057] : memref<2x8x1024xf32, #tpu.memory_space<vmem>>[vector<16xi32>, vector<16xi32>, vector<16xi32>], vector<16xf32>,
      %gather3A_2080 = tpu.vector_load_idx %arg12[%select_n3A, %select_n3A_43, %broadcast_in_dim3A_2078] : memref<2x8x1024xf32, #tpu.memory_space<vmem>>[vector<16xi32>, vector<16xi32>, vector<16xi32>], vector<16xf32>,
      %mul3A_2081 = arith.mulf %gather3A_2079, %gather3A_2080 : vector<16xf32>
      %swap3A_2082 = arith.constant 11 : i32
      %swap3A_2083 = arith.index_cast %swap3A_2082 : i32 to index
      %swap3A_2084 = arith.constant 0 : index
      %swap3A_2085 = tpu.vector_load %arg13[%swap3A_2083, %swap3A_2084] {strides = array<i32>} : memref<16x128xf32, #tpu.memory_space<vmem>>, vector<16xf32>,
      tpu.vector_store %arg13[%swap3A_2083, %swap3A_2084], %mul3A_2081 {strides = array<i32>} : memref<16x128xf32, #tpu.memory_space<vmem>>, vector<16xf32>,
      %slice3A_2086 = vector.extract_strided_slice %get3A_1883 {offsets = [12], sizes = [1], strides = [1]} : vector<16xi32> to vector<1xi32>
      %squeeze3A_2087 = vector.extract %slice3A_2086[0] : i32 from vector<1xi32>
      %jit3A_2088 = arith.constant 128 : i32
      %eq3A_2089 = arith.constant 0 : i32
      %eq3A_2090 = arith.cmpi eq, %jit3A_2088, %eq3A_2089 : i32
      %jit3A_2091 = arith.constant 1 : i32
      %select_n3A_2092 = arith.select %eq3A_2090, %jit3A_2091, %jit3A_2088 : i32
      %rem3A_2093 = arith.remsi %squeeze3A_2087, %select_n3A_2092 : i32
      %ne3A_2094 = arith.constant 0 : i32
      %ne3A_2095 = arith.cmpi ne, %rem3A_2093, %ne3A_2094 : i32
      %lt3A_2096 = arith.constant 0 : i32
      %lt3A_2097 = arith.cmpi slt, %rem3A_2093, %lt3A_2096 : i32
      %lt3A_2098 = arith.constant 0 : i32
      %lt3A_2099 = arith.cmpi slt, %select_n3A_2092, %lt3A_2098 : i32
      %ne3A_2100 = arith.xori %lt3A_2097, %lt3A_2099 : i1
      %and3A_2101 = arith.andi %ne3A_2100, %ne3A_2095 : i1
      %add3A_2102 = arith.addi %rem3A_2093, %select_n3A_2092 : i32
      %select_n3A_2103 = arith.select %and3A_2101, %add3A_2102, %rem3A_2093 : i32
      %add3A_2104 = arith.constant 512 : i32
      %add3A_2105 = arith.addi %select_n3A_2103, %add3A_2104 : i32
      %broadcast_in_dim3A_2106 = vector.broadcast %add3A_2105 : i32 to vector<16xi32>
      %slice3A_2107 = vector.extract_strided_slice %get3A_1889 {offsets = [12], sizes = [1], strides = [1]} : vector<16xi32> to vector<1xi32>
      %squeeze3A_2108 = vector.extract %slice3A_2107[0] : i32 from vector<1xi32>
      %jit3A_2109 = arith.constant 128 : i32
      %eq3A_2110 = arith.constant 0 : i32
      %eq3A_2111 = arith.cmpi eq, %jit3A_2109, %eq3A_2110 : i32
      %jit3A_2112 = arith.constant 1 : i32
      %select_n3A_2113 = arith.select %eq3A_2111, %jit3A_2112, %jit3A_2109 : i32
      %rem3A_2114 = arith.remsi %squeeze3A_2108, %select_n3A_2113 : i32
      %ne3A_2115 = arith.constant 0 : i32
      %ne3A_2116 = arith.cmpi ne, %rem3A_2114, %ne3A_2115 : i32
      %lt3A_2117 = arith.constant 0 : i32
      %lt3A_2118 = arith.cmpi slt, %rem3A_2114, %lt3A_2117 : i32
      %lt3A_2119 = arith.constant 0 : i32
      %lt3A_2120 = arith.cmpi slt, %select_n3A_2113, %lt3A_2119 : i32
      %ne3A_2121 = arith.xori %lt3A_2118, %lt3A_2120 : i1
      %and3A_2122 = arith.andi %ne3A_2121, %ne3A_2116 : i1
      %add3A_2123 = arith.addi %rem3A_2114, %select_n3A_2113 : i32
      %select_n3A_2124 = arith.select %and3A_2122, %add3A_2123, %rem3A_2114 : i32
      %add3A_2125 = arith.constant 512 : i32
      %add3A_2126 = arith.addi %select_n3A_2124, %add3A_2125 : i32
      %broadcast_in_dim3A_2127 = vector.broadcast %add3A_2126 : i32 to vector<16xi32>
      %gather3A_2128 = tpu.vector_load_idx %arg11[%select_n3A, %select_n3A_43, %broadcast_in_dim3A_2106] : memref<2x8x1024xf32, #tpu.memory_space<vmem>>[vector<16xi32>, vector<16xi32>, vector<16xi32>], vector<16xf32>,
      %gather3A_2129 = tpu.vector_load_idx %arg12[%select_n3A, %select_n3A_43, %broadcast_in_dim3A_2127] : memref<2x8x1024xf32, #tpu.memory_space<vmem>>[vector<16xi32>, vector<16xi32>, vector<16xi32>], vector<16xf32>,
      %mul3A_2130 = arith.mulf %gather3A_2128, %gather3A_2129 : vector<16xf32>
      %swap3A_2131 = arith.constant 12 : i32
      %swap3A_2132 = arith.index_cast %swap3A_2131 : i32 to index
      %swap3A_2133 = arith.constant 0 : index
      %swap3A_2134 = tpu.vector_load %arg13[%swap3A_2132, %swap3A_2133] {strides = array<i32>} : memref<16x128xf32, #tpu.memory_space<vmem>>, vector<16xf32>,
      tpu.vector_store %arg13[%swap3A_2132, %swap3A_2133], %mul3A_2130 {strides = array<i32>} : memref<16x128xf32, #tpu.memory_space<vmem>>, vector<16xf32>,
      %slice3A_2135 = vector.extract_strided_slice %get3A_1883 {offsets = [13], sizes = [1], strides = [1]} : vector<16xi32> to vector<1xi32>
      %squeeze3A_2136 = vector.extract %slice3A_2135[0] : i32 from vector<1xi32>
      %jit3A_2137 = arith.constant 128 : i32
      %eq3A_2138 = arith.constant 0 : i32
      %eq3A_2139 = arith.cmpi eq, %jit3A_2137, %eq3A_2138 : i32
      %jit3A_2140 = arith.constant 1 : i32
      %select_n3A_2141 = arith.select %eq3A_2139, %jit3A_2140, %jit3A_2137 : i32
      %rem3A_2142 = arith.remsi %squeeze3A_2136, %select_n3A_2141 : i32
      %ne3A_2143 = arith.constant 0 : i32
      %ne3A_2144 = arith.cmpi ne, %rem3A_2142, %ne3A_2143 : i32
      %lt3A_2145 = arith.constant 0 : i32
      %lt3A_2146 = arith.cmpi slt, %rem3A_2142, %lt3A_2145 : i32
      %lt3A_2147 = arith.constant 0 : i32
      %lt3A_2148 = arith.cmpi slt, %select_n3A_2141, %lt3A_2147 : i32
      %ne3A_2149 = arith.xori %lt3A_2146, %lt3A_2148 : i1
      %and3A_2150 = arith.andi %ne3A_2149, %ne3A_2144 : i1
      %add3A_2151 = arith.addi %rem3A_2142, %select_n3A_2141 : i32
      %select_n3A_2152 = arith.select %and3A_2150, %add3A_2151, %rem3A_2142 : i32
      %add3A_2153 = arith.constant 640 : i32
      %add3A_2154 = arith.addi %select_n3A_2152, %add3A_2153 : i32
      %broadcast_in_dim3A_2155 = vector.broadcast %add3A_2154 : i32 to vector<16xi32>
      %slice3A_2156 = vector.extract_strided_slice %get3A_1889 {offsets = [13], sizes = [1], strides = [1]} : vector<16xi32> to vector<1xi32>
      %squeeze3A_2157 = vector.extract %slice3A_2156[0] : i32 from vector<1xi32>
      %jit3A_2158 = arith.constant 128 : i32
      %eq3A_2159 = arith.constant 0 : i32
      %eq3A_2160 = arith.cmpi eq, %jit3A_2158, %eq3A_2159 : i32
      %jit3A_2161 = arith.constant 1 : i32
      %select_n3A_2162 = arith.select %eq3A_2160, %jit3A_2161, %jit3A_2158 : i32
      %rem3A_2163 = arith.remsi %squeeze3A_2157, %select_n3A_2162 : i32
      %ne3A_2164 = arith.constant 0 : i32
      %ne3A_2165 = arith.cmpi ne, %rem3A_2163, %ne3A_2164 : i32
      %lt3A_2166 = arith.constant 0 : i32
      %lt3A_2167 = arith.cmpi slt, %rem3A_2163, %lt3A_2166 : i32
      %lt3A_2168 = arith.constant 0 : i32
      %lt3A_2169 = arith.cmpi slt, %select_n3A_2162, %lt3A_2168 : i32
      %ne3A_2170 = arith.xori %lt3A_2167, %lt3A_2169 : i1
      %and3A_2171 = arith.andi %ne3A_2170, %ne3A_2165 : i1
      %add3A_2172 = arith.addi %rem3A_2163, %select_n3A_2162 : i32
      %select_n3A_2173 = arith.select %and3A_2171, %add3A_2172, %rem3A_2163 : i32
      %add3A_2174 = arith.constant 640 : i32
      %add3A_2175 = arith.addi %select_n3A_2173, %add3A_2174 : i32
      %broadcast_in_dim3A_2176 = vector.broadcast %add3A_2175 : i32 to vector<16xi32>
      %gather3A_2177 = tpu.vector_load_idx %arg11[%select_n3A, %select_n3A_43, %broadcast_in_dim3A_2155] : memref<2x8x1024xf32, #tpu.memory_space<vmem>>[vector<16xi32>, vector<16xi32>, vector<16xi32>], vector<16xf32>,
      %gather3A_2178 = tpu.vector_load_idx %arg12[%select_n3A, %select_n3A_43, %broadcast_in_dim3A_2176] : memref<2x8x1024xf32, #tpu.memory_space<vmem>>[vector<16xi32>, vector<16xi32>, vector<16xi32>], vector<16xf32>,
      %mul3A_2179 = arith.mulf %gather3A_2177, %gather3A_2178 : vector<16xf32>
      %swap3A_2180 = arith.constant 13 : i32
      %swap3A_2181 = arith.index_cast %swap3A_2180 : i32 to index
      %swap3A_2182 = arith.constant 0 : index
      %swap3A_2183 = tpu.vector_load %arg13[%swap3A_2181, %swap3A_2182] {strides = array<i32>} : memref<16x128xf32, #tpu.memory_space<vmem>>, vector<16xf32>,
      tpu.vector_store %arg13[%swap3A_2181, %swap3A_2182], %mul3A_2179 {strides = array<i32>} : memref<16x128xf32, #tpu.memory_space<vmem>>, vector<16xf32>,
      %slice3A_2184 = vector.extract_strided_slice %get3A_1883 {offsets = [14], sizes = [1], strides = [1]} : vector<16xi32> to vector<1xi32>
      %squeeze3A_2185 = vector.extract %slice3A_2184[0] : i32 from vector<1xi32>
      %jit3A_2186 = arith.constant 128 : i32
      %eq3A_2187 = arith.constant 0 : i32
      %eq3A_2188 = arith.cmpi eq, %jit3A_2186, %eq3A_2187 : i32
      %jit3A_2189 = arith.constant 1 : i32
      %select_n3A_2190 = arith.select %eq3A_2188, %jit3A_2189, %jit3A_2186 : i32
      %rem3A_2191 = arith.remsi %squeeze3A_2185, %select_n3A_2190 : i32
      %ne3A_2192 = arith.constant 0 : i32
      %ne3A_2193 = arith.cmpi ne, %rem3A_2191, %ne3A_2192 : i32
      %lt3A_2194 = arith.constant 0 : i32
      %lt3A_2195 = arith.cmpi slt, %rem3A_2191, %lt3A_2194 : i32
      %lt3A_2196 = arith.constant 0 : i32
      %lt3A_2197 = arith.cmpi slt, %select_n3A_2190, %lt3A_2196 : i32
      %ne3A_2198 = arith.xori %lt3A_2195, %lt3A_2197 : i1
      %and3A_2199 = arith.andi %ne3A_2198, %ne3A_2193 : i1
      %add3A_2200 = arith.addi %rem3A_2191, %select_n3A_2190 : i32
      %select_n3A_2201 = arith.select %and3A_2199, %add3A_2200, %rem3A_2191 : i32
      %add3A_2202 = arith.constant 768 : i32
      %add3A_2203 = arith.addi %select_n3A_2201, %add3A_2202 : i32
      %broadcast_in_dim3A_2204 = vector.broadcast %add3A_2203 : i32 to vector<16xi32>
      %slice3A_2205 = vector.extract_strided_slice %get3A_1889 {offsets = [14], sizes = [1], strides = [1]} : vector<16xi32> to vector<1xi32>
      %squeeze3A_2206 = vector.extract %slice3A_2205[0] : i32 from vector<1xi32>
      %jit3A_2207 = arith.constant 128 : i32
      %eq3A_2208 = arith.constant 0 : i32
      %eq3A_2209 = arith.cmpi eq, %jit3A_2207, %eq3A_2208 : i32
      %jit3A_2210 = arith.constant 1 : i32
      %select_n3A_2211 = arith.select %eq3A_2209, %jit3A_2210, %jit3A_2207 : i32
      %rem3A_2212 = arith.remsi %squeeze3A_2206, %select_n3A_2211 : i32
      %ne3A_2213 = arith.constant 0 : i32
      %ne3A_2214 = arith.cmpi ne, %rem3A_2212, %ne3A_2213 : i32
      %lt3A_2215 = arith.constant 0 : i32
      %lt3A_2216 = arith.cmpi slt, %rem3A_2212, %lt3A_2215 : i32
      %lt3A_2217 = arith.constant 0 : i32
      %lt3A_2218 = arith.cmpi slt, %select_n3A_2211, %lt3A_2217 : i32
      %ne3A_2219 = arith.xori %lt3A_2216, %lt3A_2218 : i1
      %and3A_2220 = arith.andi %ne3A_2219, %ne3A_2214 : i1
      %add3A_2221 = arith.addi %rem3A_2212, %select_n3A_2211 : i32
      %select_n3A_2222 = arith.select %and3A_2220, %add3A_2221, %rem3A_2212 : i32
      %add3A_2223 = arith.constant 768 : i32
      %add3A_2224 = arith.addi %select_n3A_2222, %add3A_2223 : i32
      %broadcast_in_dim3A_2225 = vector.broadcast %add3A_2224 : i32 to vector<16xi32>
      %gather3A_2226 = tpu.vector_load_idx %arg11[%select_n3A, %select_n3A_43, %broadcast_in_dim3A_2204] : memref<2x8x1024xf32, #tpu.memory_space<vmem>>[vector<16xi32>, vector<16xi32>, vector<16xi32>], vector<16xf32>,
      %gather3A_2227 = tpu.vector_load_idx %arg12[%select_n3A, %select_n3A_43, %broadcast_in_dim3A_2225] : memref<2x8x1024xf32, #tpu.memory_space<vmem>>[vector<16xi32>, vector<16xi32>, vector<16xi32>], vector<16xf32>,
      %mul3A_2228 = arith.mulf %gather3A_2226, %gather3A_2227 : vector<16xf32>
      %swap3A_2229 = arith.constant 14 : i32
      %swap3A_2230 = arith.index_cast %swap3A_2229 : i32 to index
      %swap3A_2231 = arith.constant 0 : index
      %swap3A_2232 = tpu.vector_load %arg13[%swap3A_2230, %swap3A_2231] {strides = array<i32>} : memref<16x128xf32, #tpu.memory_space<vmem>>, vector<16xf32>,
      tpu.vector_store %arg13[%swap3A_2230, %swap3A_2231], %mul3A_2228 {strides = array<i32>} : memref<16x128xf32, #tpu.memory_space<vmem>>, vector<16xf32>,
      %slice3A_2233 = vector.extract_strided_slice %get3A_1883 {offsets = [15], sizes = [1], strides = [1]} : vector<16xi32> to vector<1xi32>
      %squeeze3A_2234 = vector.extract %slice3A_2233[0] : i32 from vector<1xi32>
      %jit3A_2235 = arith.constant 128 : i32
      %eq3A_2236 = arith.constant 0 : i32
      %eq3A_2237 = arith.cmpi eq, %jit3A_2235, %eq3A_2236 : i32
      %jit3A_2238 = arith.constant 1 : i32
      %select_n3A_2239 = arith.select %eq3A_2237, %jit3A_2238, %jit3A_2235 : i32
      %rem3A_2240 = arith.remsi %squeeze3A_2234, %select_n3A_2239 : i32
      %ne3A_2241 = arith.constant 0 : i32
      %ne3A_2242 = arith.cmpi ne, %rem3A_2240, %ne3A_2241 : i32
      %lt3A_2243 = arith.constant 0 : i32
      %lt3A_2244 = arith.cmpi slt, %rem3A_2240, %lt3A_2243 : i32
      %lt3A_2245 = arith.constant 0 : i32
      %lt3A_2246 = arith.cmpi slt, %select_n3A_2239, %lt3A_2245 : i32
      %ne3A_2247 = arith.xori %lt3A_2244, %lt3A_2246 : i1
      %and3A_2248 = arith.andi %ne3A_2247, %ne3A_2242 : i1
      %add3A_2249 = arith.addi %rem3A_2240, %select_n3A_2239 : i32
      %select_n3A_2250 = arith.select %and3A_2248, %add3A_2249, %rem3A_2240 : i32
      %add3A_2251 = arith.constant 896 : i32
      %add3A_2252 = arith.addi %select_n3A_2250, %add3A_2251 : i32
      %broadcast_in_dim3A_2253 = vector.broadcast %add3A_2252 : i32 to vector<16xi32>
      %slice3A_2254 = vector.extract_strided_slice %get3A_1889 {offsets = [15], sizes = [1], strides = [1]} : vector<16xi32> to vector<1xi32>
      %squeeze3A_2255 = vector.extract %slice3A_2254[0] : i32 from vector<1xi32>
      %jit3A_2256 = arith.constant 128 : i32
      %eq3A_2257 = arith.constant 0 : i32
      %eq3A_2258 = arith.cmpi eq, %jit3A_2256, %eq3A_2257 : i32
      %jit3A_2259 = arith.constant 1 : i32
      %select_n3A_2260 = arith.select %eq3A_2258, %jit3A_2259, %jit3A_2256 : i32
      %rem3A_2261 = arith.remsi %squeeze3A_2255, %select_n3A_2260 : i32
      %ne3A_2262 = arith.constant 0 : i32
      %ne3A_2263 = arith.cmpi ne, %rem3A_2261, %ne3A_2262 : i32
      %lt3A_2264 = arith.constant 0 : i32
      %lt3A_2265 = arith.cmpi slt, %rem3A_2261, %lt3A_2264 : i32
      %lt3A_2266 = arith.constant 0 : i32
      %lt3A_2267 = arith.cmpi slt, %select_n3A_2260, %lt3A_2266 : i32
      %ne3A_2268 = arith.xori %lt3A_2265, %lt3A_2267 : i1
      %and3A_2269 = arith.andi %ne3A_2268, %ne3A_2263 : i1
      %add3A_2270 = arith.addi %rem3A_2261, %select_n3A_2260 : i32
      %select_n3A_2271 = arith.select %and3A_2269, %add3A_2270, %rem3A_2261 : i32
      %add3A_2272 = arith.constant 896 : i32
      %add3A_2273 = arith.addi %select_n3A_2271, %add3A_2272 : i32
      %broadcast_in_dim3A_2274 = vector.broadcast %add3A_2273 : i32 to vector<16xi32>
      %gather3A_2275 = tpu.vector_load_idx %arg11[%select_n3A, %select_n3A_43, %broadcast_in_dim3A_2253] : memref<2x8x1024xf32, #tpu.memory_space<vmem>>[vector<16xi32>, vector<16xi32>, vector<16xi32>], vector<16xf32>,
      %gather3A_2276 = tpu.vector_load_idx %arg12[%select_n3A, %select_n3A_43, %broadcast_in_dim3A_2274] : memref<2x8x1024xf32, #tpu.memory_space<vmem>>[vector<16xi32>, vector<16xi32>, vector<16xi32>], vector<16xf32>,
      %mul3A_2277 = arith.mulf %gather3A_2275, %gather3A_2276 : vector<16xf32>
      %swap3A_2278 = arith.constant 15 : i32
      %swap3A_2279 = arith.index_cast %swap3A_2278 : i32 to index
      %swap3A_2280 = arith.constant 0 : index
      %swap3A_2281 = tpu.vector_load %arg13[%swap3A_2279, %swap3A_2280] {strides = array<i32>} : memref<16x128xf32, #tpu.memory_space<vmem>>, vector<16xf32>,
      tpu.vector_store %arg13[%swap3A_2279, %swap3A_2280], %mul3A_2277 {strides = array<i32>} : memref<16x128xf32, #tpu.memory_space<vmem>>, vector<16xf32>,
      %broadcast_in_dim3A_2282 = arith.constant 0.000000e+00 : f32
      %broadcast_in_dim3A_2283 = vector.broadcast %broadcast_in_dim3A_2282 : f32 to vector<16xf32>
      %broadcast_in_dim3A_2284 = arith.constant 0 : i32
      %broadcast_in_dim3A_2285 = vector.broadcast %broadcast_in_dim3A_2284 : i32 to vector<16xi32>
      %gather3A_2286 = tpu.vector_load_idx %arg13[%iota3A, %broadcast_in_dim3A_2285] : memref<16x128xf32, #tpu.memory_space<vmem>>[vector<16xi32>, vector<16xi32>], vector<16xf32>,
      %add3A_2287 = arith.addf %broadcast_in_dim3A_2283, %gather3A_2286 : vector<16xf32>
      %broadcast_in_dim3A_2288 = arith.constant 1 : i32
      %broadcast_in_dim3A_2289 = vector.broadcast %broadcast_in_dim3A_2288 : i32 to vector<16xi32>
      %gather3A_2290 = tpu.vector_load_idx %arg13[%iota3A, %broadcast_in_dim3A_2289] : memref<16x128xf32, #tpu.memory_space<vmem>>[vector<16xi32>, vector<16xi32>], vector<16xf32>,
      %add3A_2291 = arith.addf %add3A_2287, %gather3A_2290 : vector<16xf32>
      %broadcast_in_dim3A_2292 = arith.constant 2 : i32
      %broadcast_in_dim3A_2293 = vector.broadcast %broadcast_in_dim3A_2292 : i32 to vector<16xi32>
      %gather3A_2294 = tpu.vector_load_idx %arg13[%iota3A, %broadcast_in_dim3A_2293] : memref<16x128xf32, #tpu.memory_space<vmem>>[vector<16xi32>, vector<16xi32>], vector<16xf32>,
      %add3A_2295 = arith.addf %add3A_2291, %gather3A_2294 : vector<16xf32>
      %broadcast_in_dim3A_2296 = arith.constant 3 : i32
      %broadcast_in_dim3A_2297 = vector.broadcast %broadcast_in_dim3A_2296 : i32 to vector<16xi32>
      %gather3A_2298 = tpu.vector_load_idx %arg13[%iota3A, %broadcast_in_dim3A_2297] : memref<16x128xf32, #tpu.memory_space<vmem>>[vector<16xi32>, vector<16xi32>], vector<16xf32>,
      %add3A_2299 = arith.addf %add3A_2295, %gather3A_2298 : vector<16xf32>
      %broadcast_in_dim3A_2300 = arith.constant 4 : i32
      %broadcast_in_dim3A_2301 = vector.broadcast %broadcast_in_dim3A_2300 : i32 to vector<16xi32>
      %gather3A_2302 = tpu.vector_load_idx %arg13[%iota3A, %broadcast_in_dim3A_2301] : memref<16x128xf32, #tpu.memory_space<vmem>>[vector<16xi32>, vector<16xi32>], vector<16xf32>,
      %add3A_2303 = arith.addf %add3A_2299, %gather3A_2302 : vector<16xf32>
      %broadcast_in_dim3A_2304 = arith.constant 5 : i32
      %broadcast_in_dim3A_2305 = vector.broadcast %broadcast_in_dim3A_2304 : i32 to vector<16xi32>
      %gather3A_2306 = tpu.vector_load_idx %arg13[%iota3A, %broadcast_in_dim3A_2305] : memref<16x128xf32, #tpu.memory_space<vmem>>[vector<16xi32>, vector<16xi32>], vector<16xf32>,
      %add3A_2307 = arith.addf %add3A_2303, %gather3A_2306 : vector<16xf32>
      %broadcast_in_dim3A_2308 = arith.constant 6 : i32
      %broadcast_in_dim3A_2309 = vector.broadcast %broadcast_in_dim3A_2308 : i32 to vector<16xi32>
      %gather3A_2310 = tpu.vector_load_idx %arg13[%iota3A, %broadcast_in_dim3A_2309] : memref<16x128xf32, #tpu.memory_space<vmem>>[vector<16xi32>, vector<16xi32>], vector<16xf32>,
      %add3A_2311 = arith.addf %add3A_2307, %gather3A_2310 : vector<16xf32>
      %broadcast_in_dim3A_2312 = arith.constant 7 : i32
      %broadcast_in_dim3A_2313 = vector.broadcast %broadcast_in_dim3A_2312 : i32 to vector<16xi32>
      %gather3A_2314 = tpu.vector_load_idx %arg13[%iota3A, %broadcast_in_dim3A_2313] : memref<16x128xf32, #tpu.memory_space<vmem>>[vector<16xi32>, vector<16xi32>], vector<16xf32>,
      %add3A_2315 = arith.addf %add3A_2311, %gather3A_2314 : vector<16xf32>
      %broadcast_in_dim3A_2316 = arith.constant 8 : i32
      %broadcast_in_dim3A_2317 = vector.broadcast %broadcast_in_dim3A_2316 : i32 to vector<16xi32>
      %gather3A_2318 = tpu.vector_load_idx %arg13[%iota3A, %broadcast_in_dim3A_2317] : memref<16x128xf32, #tpu.memory_space<vmem>>[vector<16xi32>, vector<16xi32>], vector<16xf32>,
      %add3A_2319 = arith.addf %add3A_2315, %gather3A_2318 : vector<16xf32>
      %broadcast_in_dim3A_2320 = arith.constant 9 : i32
      %broadcast_in_dim3A_2321 = vector.broadcast %broadcast_in_dim3A_2320 : i32 to vector<16xi32>
      %gather3A_2322 = tpu.vector_load_idx %arg13[%iota3A, %broadcast_in_dim3A_2321] : memref<16x128xf32, #tpu.memory_space<vmem>>[vector<16xi32>, vector<16xi32>], vector<16xf32>,
      %add3A_2323 = arith.addf %add3A_2319, %gather3A_2322 : vector<16xf32>
      %broadcast_in_dim3A_2324 = arith.constant 10 : i32
      %broadcast_in_dim3A_2325 = vector.broadcast %broadcast_in_dim3A_2324 : i32 to vector<16xi32>
      %gather3A_2326 = tpu.vector_load_idx %arg13[%iota3A, %broadcast_in_dim3A_2325] : memref<16x128xf32, #tpu.memory_space<vmem>>[vector<16xi32>, vector<16xi32>], vector<16xf32>,
      %add3A_2327 = arith.addf %add3A_2323, %gather3A_2326 : vector<16xf32>
      %broadcast_in_dim3A_2328 = arith.constant 11 : i32
      %broadcast_in_dim3A_2329 = vector.broadcast %broadcast_in_dim3A_2328 : i32 to vector<16xi32>
      %gather3A_2330 = tpu.vector_load_idx %arg13[%iota3A, %broadcast_in_dim3A_2329] : memref<16x128xf32, #tpu.memory_space<vmem>>[vector<16xi32>, vector<16xi32>], vector<16xf32>,
      %add3A_2331 = arith.addf %add3A_2327, %gather3A_2330 : vector<16xf32>
      %broadcast_in_dim3A_2332 = arith.constant 12 : i32
      %broadcast_in_dim3A_2333 = vector.broadcast %broadcast_in_dim3A_2332 : i32 to vector<16xi32>
      %gather3A_2334 = tpu.vector_load_idx %arg13[%iota3A, %broadcast_in_dim3A_2333] : memref<16x128xf32, #tpu.memory_space<vmem>>[vector<16xi32>, vector<16xi32>], vector<16xf32>,
      %add3A_2335 = arith.addf %add3A_2331, %gather3A_2334 : vector<16xf32>
      %broadcast_in_dim3A_2336 = arith.constant 13 : i32
      %broadcast_in_dim3A_2337 = vector.broadcast %broadcast_in_dim3A_2336 : i32 to vector<16xi32>
      %gather3A_2338 = tpu.vector_load_idx %arg13[%iota3A, %broadcast_in_dim3A_2337] : memref<16x128xf32, #tpu.memory_space<vmem>>[vector<16xi32>, vector<16xi32>], vector<16xf32>,
      %add3A_2339 = arith.addf %add3A_2335, %gather3A_2338 : vector<16xf32>
      %broadcast_in_dim3A_2340 = arith.constant 14 : i32
      %broadcast_in_dim3A_2341 = vector.broadcast %broadcast_in_dim3A_2340 : i32 to vector<16xi32>
      %gather3A_2342 = tpu.vector_load_idx %arg13[%iota3A, %broadcast_in_dim3A_2341] : memref<16x128xf32, #tpu.memory_space<vmem>>[vector<16xi32>, vector<16xi32>], vector<16xf32>,
      %add3A_2343 = arith.addf %add3A_2339, %gather3A_2342 : vector<16xf32>
      %broadcast_in_dim3A_2344 = arith.constant 15 : i32
      %broadcast_in_dim3A_2345 = vector.broadcast %broadcast_in_dim3A_2344 : i32 to vector<16xi32>
      %gather3A_2346 = tpu.vector_load_idx %arg13[%iota3A, %broadcast_in_dim3A_2345] : memref<16x128xf32, #tpu.memory_space<vmem>>[vector<16xi32>, vector<16xi32>], vector<16xf32>,
      %add3A_2347 = arith.addf %add3A_2343, %gather3A_2346 : vector<16xf32>
      %mul3A_2348 = arith.constant 16 : i32
      %mul3A_2349 = arith.muli %scan3A_740, %mul3A_2348 : i32
      %swap3A_2350 = arith.constant 0 : i32
      %swap3A_2351 = arith.index_cast %swap3A_2350 : i32 to index
      %swap3A_2352 = arith.index_cast %mul3A_2349 : i32 to index
      %swap3A_2353 = tpu.vector_load %arg14[%swap3A_2351, %swap3A_2352] {strides = array<i32>} : memref<1x512xf32, #tpu.memory_space<vmem>>, vector<16xf32>,
      tpu.vector_store %arg14[%swap3A_2351, %swap3A_2352], %add3A_2347 {strides = array<i32>} : memref<1x512xf32, #tpu.memory_space<vmem>>, vector<16xf32>,
    }
    %scan3A_739 = arith.constant 32 : i32
    "tpu.region"() ({
      %run_scoped3A = tpu.sem_alloc : memref<!tpu.dma_semaphore, #tpu.memory_space<semaphore_mem>>
      %dma_start3A_740 = arith.constant 0 : i32
      %dma_start3A_741 = arith.constant 0 : i32
      %dma_start3A_742 = tpu.memref_slice %arg6[%add3A, %dma_start3A_740, %dma_start3A_741] : memref<32x1x512xf32, #tpu.memory_space<hbm>> -> memref<1x1x512xf32, #tpu.memory_space<hbm>>
      %dma_start3A_743 = tpu.memref_squeeze %dma_start3A_742 : memref<1x1x512xf32, #tpu.memory_space<hbm>> -> memref<1x512xf32, #tpu.memory_space<hbm>>
      %dma_start3A_744 = arith.constant 0 : i32
      %dma_start3A_745 = arith.constant 0 : i32
      %dma_start3A_746 = tpu.memref_slice %arg6[%add3A, %dma_start3A_744, %dma_start3A_745] : memref<32x1x512xf32, #tpu.memory_space<hbm>> -> memref<1x1x512xf32, #tpu.memory_space<hbm>>
      %dma_start3A_747 = tpu.memref_squeeze %dma_start3A_746 : memref<1x1x512xf32, #tpu.memory_space<hbm>> -> memref<1x512xf32, #tpu.memory_space<hbm>>
      tpu.enqueue_dma source(%arg14 : memref<1x512xf32, #tpu.memory_space<vmem>>) target(%dma_start3A_747 : memref<1x512xf32, #tpu.memory_space<hbm>>) target_semaphore(%run_scoped3A : memref<!tpu.dma_semaphore, #tpu.memory_space<semaphore_mem>>)
      %dma_wait3A = arith.constant 0 : i32
      %dma_wait3A_748 = arith.constant 0 : i32
      %dma_wait3A_749 = tpu.memref_slice %arg6[%add3A, %dma_wait3A, %dma_wait3A_748] : memref<32x1x512xf32, #tpu.memory_space<hbm>> -> memref<1x1x512xf32, #tpu.memory_space<hbm>>
      %dma_wait3A_750 = tpu.memref_squeeze %dma_wait3A_749 : memref<1x1x512xf32, #tpu.memory_space<hbm>> -> memref<1x512xf32, #tpu.memory_space<hbm>>
      %dma_wait3A_751 = arith.constant 0 : i32
      %dma_wait3A_752 = arith.constant 0 : i32
      %dma_wait3A_753 = tpu.memref_slice %arg6[%add3A, %dma_wait3A_751, %dma_wait3A_752] : memref<32x1x512xf32, #tpu.memory_space<hbm>> -> memref<1x1x512xf32, #tpu.memory_space<hbm>>
      %dma_wait3A_754 = tpu.memref_squeeze %dma_wait3A_753 : memref<1x1x512xf32, #tpu.memory_space<hbm>> -> memref<1x512xf32, #tpu.memory_space<hbm>>
      tpu.wait_dma2 semaphore(%run_scoped3A : memref<!tpu.dma_semaphore, #tpu.memory_space<semaphore_mem>>) src(%arg14 : memref<1x512xf32, #tpu.memory_space<vmem>>) dst(%dma_wait3A_754 : memref<1x512xf32, #tpu.memory_space<hbm>>)
      tpu.yield
    }) : () -> ()
    return
  }
}

</mosaic_0001>

<sc_bundles>
// kernel: kernel.3.cloned.1.call-start
scs
__scs_entry_jumppad:
0x0: {  	(pc) =	sbr.rel $0x88, $3  }
0x1: {  	(tag) =	ssettag $0x0;
	lr =	simm.s32 $0x1  }
0x2: {  	[smem:$0x3F9D] =	sst lr;
	_ =	strace $0xD0000000  }
0x3: {  	_ = 	snop  }
0x4: {  	_ = 	snop  }
0x5: {  	_ = 	snop  }
0x6: {  	_ = 	snop  }
0x7: {  	_ = 	snop  }
__scs_overlays_trampoline_lowered:
0x8: {  	[smem:$0x3FAC] =	sst s0  }
0x9: {  	[smem:$0x3FAD] =	sst s1  }
0xa: {  	[smem:$0x3FAE] =	sst s2  }
0xb: {  	[smem:$0x3FAF] =	sst s3  }
0xc: {  	[smem:$0x3FB0] =	sst s4  }
0xd: {  	[smem:$0x3FB1] =	sst s5  }
0xe: {  	[smem:$0x3FB2] =	sst s6  }
0xf: {  	[smem:$0x3FB3] =	sst s7  }
0x10: {  	[smem:$0x3FB4] =	sst s8  }
0x11: {  	[smem:$0x3FB5] =	sst s9;
	s0 =	simm.s32 @!p0 $0x0  }
0x12: {  	s1 =	sld [smem:$0x3F9B];
	s0 =	simm.s32 @p0 $0x1  }
0x13: {  	[smem:$0x3FB6] =	sst s0;
	s0 =	simm.s32 @!p1 $0x0  }
0x14: {  	s2 =	sld [smem:$0x3F9A];
	s0 =	simm.s32 @p1 $0x1  }
0x15: {  	[smem:$0x3FB7] =	sst s0;
	s0 =	simm.s32 @!p2 $0x0  }
0x16: {  	s3 =	sld [smem:$0x3FDB];
	s0 =	simm.s32 @p2 $0x1  }
0x17: {  	s4 =	simm.s32 $0x1BF5;
	[smem:$0x3FB9] =	sst s0  }
0x18: {  	s0 =	sld [smem:$0x3F9C];
	_ =	swait.ge [sflag:s4], $0x0  }
0x19: {  	s7 =	sld [smem:$0x3F9D]  }
0x1a: {  	s8 =	sadd.s32 $0xFFFFE003, lr  }
0x1b: {  	s9 =	sadd.s32 $0xFFFFFEF7, lr;
	s5 =	simm.s32 $0xFFFFFFFF;
	p2 =	slt.u32 s8, $0xFFFFF086  }
0x1c: {  	p1 =	slt.u32 s9, $0xF7A;
	s5 =	simm.s32 @!p2 $0x0  }
0x1d: {  	s5 =	simm.s32 @p1 $0x1;
	p0 =	seq.s32 s7, s2  }
0x1e: {  	s7 =	smul.u32 @!p0 $0xF7A, s2;
	p2 =	seq.s32 @!p0 s5, $0x0  }
0x1f: {  	s9 =	smul.u32 $0xF7A, s1;
	s8 =	simm.s32 @!p0 $0x1BF5;
	p2 =	por !p2, p0  }
0x20: {  	[sflag:s8] =	ssyncset.s32 @!p0 $0xFFFFF086;
	s6 =	sadd.s32 @!p0 s3, s7;
	s7 =	simm.s32 @!p0 $0x108  }
0x21: {  	s3 =	sadd.s32 s3, s9;
	s6 =	sadd.s32 @!p0 $0x88, s6;
	s7 =	simm.s32 @p2 $0x1082  }
0x22: {  	[simem:s7], [sflag:s8] =	dma.local @!p0 [hbm:s6], $0xF7A  }
0x23: {  	s9 =	sor.u32 $0xD0000000, s2;
	s6 =	simm.s32 $0x108;
	_ =	swait.ge @!p0 [sflag:s8], $0x0  }
0x24: {  	s3 =	sadd.s32 $0x88, s3;
	s6 =	simm.s32 @!p1 $0x1082;
	[sflag:s4] =	ssyncset.s32 $0xFFFFF086  }
0x25: {  	[simem:s6], [sflag:s4] =	dma.local [hbm:s3], $0xF7A  }
0x26: {  	[smem:$0x3F9D] =	sst s1;
	(tag) =	ssettag s2;
	_ =	strace s9  }
0x27: {  	s1 =	sld [smem:$0x3FAD]  }
0x28: {  	s2 =	sld [smem:$0x3FAE]  }
0x29: {  	s4 =	sld [smem:$0x3FB0]  }
0x2a: {  	p0 =	seq.s32 s5, $0x0;
	s5 =	sld [smem:$0x3FB1]  }
0x2b: {  	s6 =	sld [smem:$0x3FB2]  }
0x2c: {  	s7 =	sld [smem:$0x3FB3]  }
0x2d: {  	s3 =	simm.s32 $0x108;
	s8 =	sld [smem:$0x3FB4]  }
0x2e: {  	s3 =	simm.s32 @!p0 $0x1082;
	s9 =	sld [smem:$0x3FB5]  }
0x2f: {  	lr =	sadd.s32 s0, s3;
	s0 =	sld [smem:$0x3FAC]  }
0x30: {  	s3 =	sld [smem:$0x3FAF]  }
0x31: {  	[smem:$0x3FB8] =	sst s10  }
0x32: {  	s10 =	sld [smem:$0x3FB6];
	_ =	sdelay $0x3  }
0x33: {  	p0 =	seq.s32 s10, $0x1;
	s10 =	sld [smem:$0x3FB8];
	_ =	sdelay $0x3  }
0x34: {  	[smem:$0x3FB8] =	sst s10  }
0x35: {  	s10 =	sld [smem:$0x3FB7];
	_ =	sdelay $0x3  }
0x36: {  	p1 =	seq.s32 s10, $0x1;
	s10 =	sld [smem:$0x3FB8];
	_ =	sdelay $0x3  }
0x37: {  	[smem:$0x3FB8] =	sst s10  }
0x38: {  	s10 =	sld [smem:$0x3FB9]  }
0x39: {  	_ = 	snop;
	(pc) =	sbr.ind lr, $3  }
0x3a: {  	_ = 	snop  }
0x3b: {  	_ = 	snop  }
0x3c: {  	p2 =	seq.s32 s10, $0x1;
	s10 =	sld [smem:$0x3FB8]  }
0x3d: {  	_ =	shalt  }
0x3e: {  	_ =	shalt  }
0x3f: {  	_ =	shalt  }
0x40: {  	_ =	shalt  }
0x41: {  	_ =	shalt  }
0x42: {  	_ =	shalt  }
0x43: {  	_ =	shalt  }
0x44: {  	_ =	shalt  }
0x45: {  	_ =	shalt  }
0x46: {  	_ =	shalt  }
0x47: {  	_ =	shalt  }
0x48: {  	_ =	shalt  }
0x49: {  	_ =	shalt  }
0x4a: {  	_ =	shalt  }
0x4b: {  	_ =	shalt  }
0x4c: {  	_ =	shalt  }
0x4d: {  	_ =	shalt  }
0x4e: {  	_ =	shalt  }
0x4f: {  	_ =	shalt  }
0x50: {  	_ =	shalt  }
0x51: {  	_ =	shalt  }
0x52: {  	_ =	shalt  }
0x53: {  	_ =	shalt  }
0x54: {  	_ =	shalt  }
0x55: {  	_ =	shalt  }
0x56: {  	_ =	shalt  }
0x57: {  	_ =	shalt  }
0x58: {  	_ =	shalt  }
0x59: {  	_ =	shalt  }
0x5a: {  	_ =	shalt  }
0x5b: {  	_ =	shalt  }
0x5c: {  	_ =	shalt  }
0x5d: {  	_ =	shalt  }
0x5e: {  	_ =	shalt  }
0x5f: {  	_ =	shalt  }
0x60: {  	_ =	shalt  }
0x61: {  	_ =	shalt  }
0x62: {  	_ =	shalt  }
0x63: {  	_ =	shalt  }
0x64: {  	_ =	shalt  }
0x65: {  	_ =	shalt  }
0x66: {  	_ =	shalt  }
0x67: {  	_ =	shalt  }
0x68: {  	_ =	shalt  }
0x69: {  	_ =	shalt  }
0x6a: {  	_ =	shalt  }
0x6b: {  	_ =	shalt  }
0x6c: {  	_ =	shalt  }
0x6d: {  	_ =	shalt  }
0x6e: {  	_ =	shalt  }
0x6f: {  	_ =	shalt  }
0x70: {  	_ =	shalt  }
0x71: {  	_ =	shalt  }
0x72: {  	_ =	shalt  }
0x73: {  	_ =	shalt  }
0x74: {  	_ =	shalt  }
0x75: {  	_ =	shalt  }
0x76: {  	_ =	shalt  }
0x77: {  	_ =	shalt  }
0x78: {  	_ =	shalt  }
0x79: {  	_ =	shalt  }
0x7a: {  	_ =	shalt  }
0x7b: {  	_ =	shalt  }
0x7c: {  	_ =	shalt  }
0x7d: {  	_ =	shalt  }
0x7e: {  	_ =	shalt  }
0x7f: {  	_ =	shalt  }
0x80: {  	_ =	shalt  }
0x81: {  	_ =	shalt  }
0x82: {  	_ =	shalt  }
0x83: {  	_ =	shalt  }
0x84: {  	_ =	shalt  }
0x85: {  	_ =	shalt  }
0x86: {  	_ =	shalt  }
0x87: {  	_ =	shalt  }
.Lfunc_end0:
.L_simem_size_0:
called_computation_lowered:
.L_overlay_start_0:
0x88: {  	s2 =	sld [smem:$0x3FD9]  }
0x89: {  	s3 =	sld [smem:$0x3FFE];
	_ =	sdelay $0x1  }
0x8a: {  	s1 =	srdreg.scid  }
0x8b: {  	s0 =	sand.u32 $0x1, s1  }
0x8c: {  	s18 =	sshll.u32 s0, $0xA;
	s2 =	sadd.s32 s3, s2  }
0x8d: {  	s2 =	sadd.s32 s2, s18  }
0x8e: {  	[smem:$0x3FC4] =	sst s2  }
0x8f: {  	_ = 	snop  }
0x90: {  	s2 =	sld [smem:$0x3FC9]  }
0x91: {  	s19 =	sld [smem:$0x3FC8]  }
0x92: {  	s4 =	sld [smem:$0x3FC7]  }
0x93: {  	s5 =	sld [smem:$0x3FC6]  }
0x94: {  	s6 =	sld [smem:$0x3FD0];
	(tm) =	ssettm $0x1  }
0x95: {  	s7 =	sld [smem:$0x3FFB];
	_ =	sdelay $0x3  }
0x96: {  	_ =	strace s7  }
0x97: {  	s7 =	sld [smem:$0x3FFC];
	_ =	sdelay $0x3  }
0x98: {  	_ =	strace s7  }
0x99: {  	s7 =	sld [smem:$0x3FFD];
	_ =	sdelay $0x3  }
0x9a: {  	_ =	strace s7  }
0x9b: {  	_ =	strace $0x8FFFFFFF  }
0x9c: {  	s20 =	sld [smem:$0x3FDB];
	_ =	sdelay $0x1  }
0x9d: {  	s8 =	simm.s32 $_scs_section_size  }
0x9e: {  	s9 =	simm.s32 $_size__tile_overlayer_lowered;
	s10 =	simm.s32 $_tile_overlayer_lowered  }
0x9f: {  	s23 =	simm.s32 $0x1BFF;
	s22 =	sshll.u32 s10, $0x1;
	s7 =	sadd.s32 s8, s20  }
0xa0: {  	s11 =	simm.s32 $0x0;
	s21 =	sshll.u32 s9, $0x1;
	s9 =	sadd.s32 s22, s7  }
0xa1: {  	[timem:s11], [sflag:s23] =	dma.local [hbm:s9], s21  }
0xa2: {  	_ =	swait.ge [sflag:s23], s21  }
0xa3: {  	s8 =	ssub.s32 $0x0, s21;
	[sflag:s23] =	ssyncset.done $0x0  }
0xa4: {  	[sflag:s23] =	ssyncadd.s32 s8;
	_ =	sdelay $0x1  }
0xa5: {  	s24 =	simm.s32 $0x1B8B  }
0xa6: {  	_ =	swait.ge [sflag:s24], $0x1  }
0xa7: {  	[sflag:s24] =	ssyncset.done $0x0  }
0xa8: {  	s25 =	simm.s32 $0x1B8E;
	[sflag:s24] =	ssyncadd.s32 $0xFFFFFFFF  }
0xa9: {  	s26 =	simm.s32 $execute0_lowered;
	[smem:$0x3FD2] =	sst s25  }
0xaa: {  	s8 =	sshll.u32 s26, $0x1;
	_ =	strace $0x80000046;
	[dreg:$0x1] =	wrdreg $0xFFFFFFFF  }
0xab: {  	s28 =	simm.s32 $_size_execute0_lowered;
	s7 =	sadd.s32 s7, s8;
	[dreg:$0x0] =	wrdreg $0x0  }
0xac: {  	s8 =	sshll.u32 s28, $0x1;
	[dreg:$0x2] =	wrdreg s7  }
0xad: {  	[dreg:$0x3] =	wrdreg s8  }
0xae: {  	[dreg:$0x4] =	wrdreg $0xC0  }
0xaf: {  	_ =	task [dreg:s11], $0x5FFFF  }
0xb0: {  	[dreg:$0x1] =	wrdreg $0xFFFFFFFF  }
0xb1: {  	[dreg:$0x0] =	wrdreg $0x60  }
0xb2: {  	[dreg:$0x2] =	wrdreg s2  }
0xb3: {  	[dreg:$0x3] =	wrdreg s19  }
0xb4: {  	[dreg:$0x4] =	wrdreg s4  }
0xb5: {  	[dreg:$0x5] =	wrdreg s5  }
0xb6: {  	[dreg:$0x6] =	wrdreg s6  }
0xb7: {  	[dreg:$0x7] =	wrdreg $0x9  }
0xb8: {  	_ =	task.clear_ibuf [dreg:s11], $0x8FFFF;
	_ =	strace $0x90000046  }
0xb9: {  	s29 =	simm.s32 $0x9;
	_ =	strace $0x80000048  }
0xba: {  	_ =	swait.ge [sflag:s29], $0x1  }
0xbb: {  	[sflag:s29] =	ssyncadd.s32 $0xFFFFFFFF  }
0xbc: {  	_ =	strace $0x90000048  }
0xbd: {  	_ =	sfence  }
0xbe: {  	s30 =	sld [smem:$0x0];
	_ =	sdelay $0x2  }
0xbf: {  	s31 =	sshll.u32 s1, $0xD;
	s1 =	sshrl.u32 s1, $0x2  }
0xc0: {  	s3 =	sand.u32 $0x4000, s31;
	s1 =	sadd.s32 s1, s30  }
0xc1: {  	s0 =	sor.u32 s3, s0;
	s1 =	sshll.u32 s1, $0x11  }
0xc2: {  	s0 =	sor.u32 s1, s0  }
0xc3: {  	s0 =	sadd.s32 $0x8F2B, s0  }
0xc4: {  	[sflag:s0] =	ssyncadd.remote.s32 $0x1  }
0xc5: {  	_ =	sfence.sel $0xFFFF  }
0xc6: {  	[dreg:$0x0] =	wrdreg $0xFFFFFFFF;
	(pc) =	sbr.abs _section_cstart, $3  }
0xc7: {  	[dreg:$0x1] =	wrdreg $0xFFFFFFFF  }
0xc8: {  	_ =	task.clear_ibuf [dreg:s11], $0x2FFFF;
	_ =	strace $0x9FFFFFFF  }
0xc9: {  	(tm) =	ssettm $0x7FFFFFFF  }
tec
execute0_lowered:
.L_overlay_start_1:
0x0: {  	(tag) =	ssettag $0x1  }
0x1: {  	v0 =	vimm.s32 $0x2380  }
0x2: {  	vm14 =	vcmask $0x300;
	vm12 =	vcmask $0x704;
	v1 =	vimm.s32 $0x2780  }
0x3: {  	vm13 =	vcmask $0xB08;
	vm11 =	vcmask $0xF0C;
	vm10 =	vcmask $0x1310  }
0x4: {  	vm9 =	vcmask $0x1714;
	vm8 =	vcmask $0x1B18;
	vm7 =	vcmask $0x1F1C  }
0x5: {  	vm6 =	vcmask $0x2320;
	vm5 =	vcmask $0x2724;
	vm4 =	vcmask $0x2B28  }
0x6: {  	vm3 =	vcmask $0x2F2C;
	vm2 =	vcmask $0x3330;
	vm1 =	vcmask $0x3734  }
0x7: {  	vm0 =	vcmask $0x3B38;
	v2 =	vimm.s32 $0x2B80;
	v3 =	vimm.s32 $0x2F80  }
0x8: {  	v4 =	vimm.s32 $0x3380;
	v5 =	vimm.s32 $0x3780;
	v6 =	vimm.s32 $0x3B80  }
0x9: {  	v7 =	vimm.s32 $0x3F80;
	v0 =	vsel vm14, $0x0, v0;
	v1 =	vsel vm14, $0x400, v1  }
0xa: {  	v2 =	vsel vm14, $0x800, v2;
	v3 =	vsel vm14, $0xC00, v3;
	v4 =	vsel vm14, $0x1000, v4  }
0xb: {  	v5 =	vsel vm14, $0x1400, v5;
	v6 =	vsel vm14, $0x1800, v6;
	v7 =	vsel vm14, $0x1C00, v7  }
0xc: {  	v0 =	vsel vm12, $0x80, v0;
	v1 =	vsel vm12, $0x480, v1;
	v2 =	vsel vm12, $0x880, v2  }
0xd: {  	v3 =	vsel vm12, $0xC80, v3;
	v4 =	vsel vm12, $0x1080, v4;
	v5 =	vsel vm12, $0x1480, v5  }
0xe: {  	v6 =	vsel vm12, $0x1880, v6;
	v7 =	vsel vm12, $0x1C80, v7;
	v0 =	vsel vm13, $0x100, v0  }
0xf: {  	v1 =	vsel vm13, $0x500, v1;
	v2 =	vsel vm13, $0x900, v2;
	v3 =	vsel vm13, $0xD00, v3  }
0x10: {  	v4 =	vsel vm13, $0x1100, v4;
	v5 =	vsel vm13, $0x1500, v5;
	v6 =	vsel vm13, $0x1900, v6  }
0x11: {  	v7 =	vsel vm13, $0x1D00, v7;
	v0 =	vsel vm11, $0x180, v0;
	v1 =	vsel vm11, $0x580, v1  }
0x12: {  	v2 =	vsel vm11, $0x980, v2;
	v3 =	vsel vm11, $0xD80, v3;
	v4 =	vsel vm11, $0x1180, v4  }
0x13: {  	v5 =	vsel vm11, $0x1580, v5;
	v6 =	vsel vm11, $0x1980, v6;
	v7 =	vsel vm11, $0x1D80, v7  }
0x14: {  	v0 =	vsel vm10, $0x200, v0;
	v1 =	vsel vm10, $0x600, v1;
	v2 =	vsel vm10, $0xA00, v2  }
0x15: {  	v3 =	vsel vm10, $0xE00, v3;
	v4 =	vsel vm10, $0x1200, v4;
	v5 =	vsel vm10, $0x1600, v5  }
0x16: {  	v6 =	vsel vm10, $0x1A00, v6;
	v7 =	vsel vm10, $0x1E00, v7;
	v0 =	vsel vm9, $0x280, v0  }
0x17: {  	v1 =	vsel vm9, $0x680, v1;
	v2 =	vsel vm9, $0xA80, v2;
	v3 =	vsel vm9, $0xE80, v3  }
0x18: {  	v4 =	vsel vm9, $0x1280, v4;
	v5 =	vsel vm9, $0x1680, v5;
	v6 =	vsel vm9, $0x1A80, v6  }
0x19: {  	v7 =	vsel vm9, $0x1E80, v7;
	v0 =	vsel vm8, $0x300, v0;
	v1 =	vsel vm8, $0x700, v1  }
0x1a: {  	v2 =	vsel vm8, $0xB00, v2;
	v3 =	vsel vm8, $0xF00, v3;
	v4 =	vsel vm8, $0x1300, v4  }
0x1b: {  	v5 =	vsel vm8, $0x1700, v5;
	v6 =	vsel vm8, $0x1B00, v6;
	v7 =	vsel vm8, $0x1F00, v7  }
0x1c: {  	v0 =	vsel vm7, $0x380, v0;
	v1 =	vsel vm7, $0x780, v1;
	v2 =	vsel vm7, $0xB80, v2  }
0x1d: {  	v3 =	vsel vm7, $0xF80, v3;
	v4 =	vsel vm7, $0x1380, v4;
	v5 =	vsel vm7, $0x1780, v5  }
0x1e: {  	v6 =	vsel vm7, $0x1B80, v6;
	v7 =	vsel vm7, $0x1F80, v7;
	v0 =	vsel vm6, $0x2000, v0  }
0x1f: {  	v1 =	vsel vm6, $0x2400, v1;
	v2 =	vsel vm6, $0x2800, v2;
	v3 =	vsel vm6, $0x2C00, v3  }
0x20: {  	v4 =	vsel vm6, $0x3000, v4;
	v5 =	vsel vm6, $0x3400, v5;
	v6 =	vsel vm6, $0x3800, v6  }
0x21: {  	v7 =	vsel vm6, $0x3C00, v7;
	v0 =	vsel vm5, $0x2080, v0;
	v1 =	vsel vm5, $0x2480, v1  }
0x22: {  	v2 =	vsel vm5, $0x2880, v2;
	v3 =	vsel vm5, $0x2C80, v3;
	v4 =	vsel vm5, $0x3080, v4  }
0x23: {  	s2 =	rddreg [dreg:$0x0];
	v5 =	vsel vm5, $0x3480, v5;
	v6 =	vsel vm5, $0x3880, v6;
	v7 =	vsel vm5, $0x3C80, v7  }
0x24: {  	s4 =	rddreg [dreg:$0x1];
	v0 =	vsel vm4, $0x2100, v0;
	v1 =	vsel vm4, $0x2500, v1;
	v2 =	vsel vm4, $0x2900, v2  }
0x25: {  	s0 =	rddreg [dreg:$0x2];
	v3 =	vsel vm4, $0x2D00, v3;
	v4 =	vsel vm4, $0x3100, v4;
	v5 =	vsel vm4, $0x3500, v5  }
0x26: {  	s1 =	rddreg [dreg:$0x3];
	v6 =	vsel vm4, $0x3900, v6;
	v7 =	vsel vm4, $0x3D00, v7;
	v0 =	vsel vm3, $0x2180, v0  }
0x27: {  	s5 =	rddreg [dreg:$0x4];
	s6 =	srdreg.scid;
	s3 =	simm.s32 $0x0;
	v1 =	vsel vm3, $0x2580, v1;
	v2 =	vsel vm3, $0x2980, v2;
	v3 =	vsel vm3, $0x2D80, v3  }
0x28: {  	s9 =	stileid.u32;
	s11 =	simm.s32 $0x1;
	s12 =	simm.s32 $0x400;
	v4 =	vsel vm3, $0x3180, v4;
	v5 =	vsel vm3, $0x3580, v5;
	v0 =	vsel vm2, $0x2200, v0  }
0x29: {  	s14 =	simm.s32 $0x4400;
	s19 =	simm.s32 $0x8400;
	s21 =	simm.s32 $0xC400;
	v1 =	vsel vm2, $0x2600, v1;
	v2 =	vsel vm2, $0x2A00, v2;
	v3 =	vsel vm2, $0x2E00, v3  }
0x2a: {  	s13 =	simm.s32 $0x9800;
	s15 =	simm.s32 $0xB800;
	s16 =	simm.s32 $0xD800;
	v4 =	vsel vm2, $0x3200, v4;
	v5 =	vsel vm2, $0x3600, v5;
	v0 =	vsel vm1, $0x2280, v0  }
0x2b: {  	s17 =	simm.s32 $0xF800;
	s18 =	simm.s32 $0x9C00;
	s20 =	simm.s32 $0xBC00;
	v1 =	vsel vm1, $0x2680, v1;
	v2 =	vsel vm1, $0x2A80, v2;
	v3 =	vsel vm1, $0x2E80, v3  }
0x2c: {  	s22 =	simm.s32 $0xDC00;
	s23 =	simm.s32 $0xFC00;
	s24 =	simm.s32 $0xA000;
	v4 =	vsel vm1, $0x3280, v4;
	v8 =	vsel vm1, $0x3680, v5;
	v5 =	vsel vm3, $0x3980, v6  }
0x2d: {  	s28 =	simm.s32 $0x10000;
	s29 =	simm.s32 $0x2;
	s30 =	simm.s32 $0x10400;
	v6 =	vsel vm3, $0x3D80, v7;
	v7 =	vlaneseq.u32;
	v0 =	vsel vm0, $0x2300, v0  }
0x2e: {  	s10 =	simm.s32 $0x0;
	s6 =	sand.u32 $0x1, s6;
	[smem:$0x7FF] =	sst s3;
	v1 =	vsel vm0, $0x2700, v1;
	v2 =	vsel vm0, $0x2B00, v2;
	v3 =	vsel vm0, $0x2F00, v3  }
0x2f: {  	s9 =	sshll.u32 s9, $0x7;
	s7 =	ssub.s32 $0x2, s6;
	s6 =	sshll.u32 s6, $0x6;
	v4 =	vsel vm0, $0x3300, v4;
	v5 =	vsel vm2, $0x3A00, v5;
	v6 =	vsel vm2, $0x3E00, v6  }
0x30: {  	_ =	strace $0x80000047;
	s8 =	sshrl.u32 s7, $0x1;
	s6 =	sor.u32 s6, s9;
	v9 =	vsel vm1, $0x3A80, v5;
	v10 =	vsel vm1, $0x3E80, v6;
	v5 =	vmul.u32 $0x80, v7  }
0x31: {  	s9 =	simm.s32 $0xF400;
	s7 =	ssub.s32 s7, s8;
	s2 =	sadd.s32 s2, s6;
	v6 =	vsel vm0, $0x3700, v8;
	v7 =	vsel vm0, $0x3B00, v9;
	v8 =	vsel vm0, $0x3F00, v10  }
.Ltmp0:
0x32: {  	s25 =	sadd.s32 s4, s6;
	s26 =	sadd.s32 s5, s6;
	v9 =	vor.u32 $0x1, v5;
	v10 =	vor.u32 $0x2, v5;
	v11 =	vor.u32 $0x3, v5;
	(pc) =	sbr.rel .LBB2_1-.Ltmp0, $4  }
0x33: {  	s4 =	simm.s32 $0x3;
	s5 =	simm.s32 $0xA400;
	[dreg:$0x6] =	wrdreg s2;
	v12 =	vor.u32 $0x4, v5;
	v13 =	vor.u32 $0x5, v5;
	v14 =	vor.u32 $0x6, v5  }
0x34: {  	s6 =	simm.s32 $0x9400;
	s8 =	simm.s32 $0xD400;
	[dreg:$0x7] =	wrdreg s25;
	v15 =	vor.u32 $0x7, v5;
	v16 =	vor.u32 $0x8, v5;
	v17 =	vor.u32 $0x9, v5  }
0x35: {  	[dreg:$0x8] =	wrdreg s26;
	s31 =	smax.u32 s7, $0x1;
	s7 =	simm.s32 $0xB400;
	v18 =	vor.u32 $0xA, v5;
	v19 =	vor.u32 $0xB, v5;
	v20 =	vor.u32 $0xC, v5  }
0x36: {  	s25 =	simm.s32 $0xC000;
	s26 =	simm.s32 $0xE000;
	[dreg:$0x9] =	wrdreg s31;
	v21 =	vor.u32 $0xD, v5;
	v22 =	vor.u32 $0xE, v5;
	v23 =	vor.u32 $0xF, v5  }
.LBB2_5:
0x37: {  	s2 =	rddreg [dreg:$0x8];
	s4 =	simm.s32 $0x10C00  }
0x38: {  	[hbm4b:s2+s3] =	stream.linear.scatter [tilespmem:s4], [sflag:$0x3], $0x200, $0x38;
	[tilespmem:$0x10E00] =	vst v63  }
0x39: {  	s4 =	simm.s32 $0x3  }
0x3a: {  	_ =	swait.ge [sflag:s4], $0x200  }
0x3b: {  	s10 =	rddreg [dreg:$0xa]  }
0x3c: {  	s31 =	rddreg [dreg:$0x9];
	s10 =	sadd.s32 $0x1, s10  }
0x3d: {  	p0 =	sne.s32 s10, s31  }
.Ltmp1:
0x3e: {  	_ = 	snop;
	(pc) =	sbr.rel @!p0 .LBB2_6-.Ltmp1, $3  }
0x3f: {  	_ =	sdelay $0x1  }
0x40: {  	[sflag:s4] =	ssyncset.done $0x0  }
0x41: {  	[sflag:s4] =	ssyncadd.s32 $0xFFFFFE00  }
.LBB2_1:
0x42: {  	[dreg:$0xa] =	wrdreg s10  }
0x43: {  	s2 =	rddreg [dreg:$0x6]  }
0x44: {  	[tilespmem:s3], [sflag:$0x3] =	stream.linear.gather [hbm4b:s2+s3], $0x200, $0x38;
	[tilespmem:$0x10E00] =	vst v63  }
0x45: {  	_ =	swait.ge [sflag:s4], $0x200  }
0x46: {  	[sflag:s4] =	ssyncset.done $0x0  }
0x47: {  	s10 =	simm.s32 $0x200;
	s2 =	rddreg [dreg:$0x7];
	[sflag:s4] =	ssyncadd.s32 $0xFFFFFE00  }
0x48: {  	[tilespmem:s10], [sflag:$0x3] =	stream.linear.gather [hbm4b:s2+s3], $0x200, $0x38;
	[tilespmem:$0x10E00] =	vst v63  }
0x49: {  	_ =	swait.ge [sflag:s4], $0x200  }
0x4a: {  	[sflag:s4] =	ssyncset.done $0x0  }
0x4b: {  	[sflag:s4] =	ssyncadd.s32 $0xFFFFFE00  }
0x4c: {  	v25 =	vld [tilespmem:$0x0];
	_ =	sdelay $0x4  }
0x4d: {  	(v2sf) =	vpush v25, $0x0;
	_ =	sdelay $0x1  }
0x4e: {  	v24 =	vld [tilespmem:$0x200];
	_ =	sdelay $0x4  }
0x4f: {  	(v2sf) =	vpush v24, $0x0;
	_ =	sdelay $0x7  }
0x50: {  	s4 =	spop (v2sf)  }
0x51: {  	(v2sf) =	vpush v25, $0x1;
	s31 =	sand.u32 $0x7F, s4  }
0x52: {  	p1 =	slt.s32 s4, $0x1;
	p0 =	sne.s32 s31, $0x0;
	s31 =	sshra.s32 s4, $0x1F  }
0x53: {  	s31 =	sshrl.u32 s31, $0x19;
	p0 =	por !p1, !p0  }
0x54: {  	s2 =	sadd.s32 s31, s4;
	p0 =	por !p0, !p0;
	s31 =	simm.s32 $0x1  }
0x55: {  	s2 =	sshrl.u32 s2, $0x7;
	s31 =	simm.s32 @!p0 $0x0  }
0x56: {  	s2 =	ssub.s32 s2, s31  }
0x57: {  	s10 =	simm.s32 $0x2400;
	s4 =	spop (v2sf);
	s2 =	sshll.u32 s2, $0x7  }
0x58: {  	p2 =	slt.s32 s4, $0x1;
	s31 =	sand.u32 $0x7F, s4;
	s2 =	sand.u32 $0x1FFFFF80, s2  }
0x59: {  	(v2sf) =	vpush v24, $0x1;
	p1 =	sne.s32 s31, $0x0;
	s31 =	sshra.s32 s4, $0x1F;
	s2 =	sadd.s32 s0, s2  }
0x5a: {  	[tilespmem:s12], [sflag:$0x1] =	stream.linear.gather [hbm4b:s2+s3], $0x400, $0x38;
	[tilespmem:$0x10E00] =	vst v63  }
0x5b: {  	s31 =	sshrl.u32 s31, $0x19;
	p0 =	por !p2, !p1;
	s2 =	sadd.s32 $0xF4280, s2  }
0x5c: {  	[tilespmem:s10], [sflag:$0x1] =	stream.linear.gather [hbm4b:s2+s3], $0x400, $0x38;
	[tilespmem:$0x10E00] =	vst v63  }
0x5d: {  	p0 =	por !p0, !p0;
	s2 =	sadd.s32 s31, s4;
	s31 =	simm.s32 $0x1  }
0x5e: {  	s2 =	sshrl.u32 s2, $0x7;
	s31 =	simm.s32 @!p0 $0x0  }
0x5f: {  	s2 =	ssub.s32 s2, s31  }
0x60: {  	s10 =	simm.s32 $0x6400;
	s2 =	sshll.u32 s2, $0x7;
	s4 =	spop (v2sf)  }
0x61: {  	s2 =	sand.u32 $0x1FFFFF80, s2;
	s31 =	sand.u32 $0x7F, s4;
	p4 =	slt.s32 s4, $0x1  }
0x62: {  	(v2sf) =	vpush v25, $0x2;
	s2 =	sadd.s32 s1, s2;
	p3 =	sne.s32 s31, $0x0;
	s31 =	sshra.s32 s4, $0x1F  }
0x63: {  	[tilespmem:s14], [sflag:$0x1] =	stream.linear.gather [hbm4b:s2+s3], $0x400, $0x38;
	[tilespmem:$0x10E00] =	vst v63  }
0x64: {  	s2 =	sadd.s32 $0xF4280, s2;
	s31 =	sshrl.u32 s31, $0x19;
	p0 =	por !p4, !p3  }
0x65: {  	[tilespmem:s10], [sflag:$0x1] =	stream.linear.gather [hbm4b:s2+s3], $0x400, $0x38;
	[tilespmem:$0x10E00] =	vst v63  }
0x66: {  	p0 =	por !p0, !p0;
	s2 =	sadd.s32 s31, s4;
	s31 =	simm.s32 $0x1  }
0x67: {  	s2 =	sshrl.u32 s2, $0x7;
	s31 =	simm.s32 @!p0 $0x0  }
0x68: {  	s4 =	spop (v2sf);
	s2 =	ssub.s32 s2, s31  }
0x69: {  	s10 =	simm.s32 $0x800;
	s31 =	sand.u32 $0x7F, s4;
	s2 =	sshll.u32 s2, $0x7  }
0x6a: {  	p5 =	sne.s32 s31, $0x0;
	s31 =	sshra.s32 s4, $0x1F;
	s2 =	sand.u32 $0x1FFFFF80, s2  }
0x6b: {  	(v2sf) =	vpush v24, $0x2;
	p6 =	slt.s32 s4, $0x1;
	s31 =	sshrl.u32 s31, $0x19;
	s2 =	sadd.s32 s0, s2  }
0x6c: {  	[tilespmem:s10], [sflag:$0x1] =	stream.linear.gather [hbm4b:s2+s3], $0x400, $0x38;
	[tilespmem:$0x10E00] =	vst v63  }
0x6d: {  	p0 =	por !p6, !p5;
	s2 =	sadd.s32 $0xF4280, s2;
	s10 =	simm.s32 $0x2800  }
0x6e: {  	[tilespmem:s10], [sflag:$0x1] =	stream.linear.gather [hbm4b:s2+s3], $0x400, $0x38;
	[tilespmem:$0x10E00] =	vst v63  }
0x6f: {  	p0 =	por !p0, !p0;
	s2 =	sadd.s32 s31, s4;
	s31 =	simm.s32 $0x1  }
0x70: {  	s2 =	sshrl.u32 s2, $0x7;
	s31 =	simm.s32 @!p0 $0x0  }
0x71: {  	s2 =	ssub.s32 s2, s31;
	s4 =	spop (v2sf)  }
0x72: {  	s10 =	simm.s32 $0x4800;
	s2 =	sshll.u32 s2, $0x7;
	s31 =	sand.u32 $0x7F, s4  }
0x73: {  	s2 =	sand.u32 $0x1FFFFF80, s2;
	p1 =	sne.s32 s31, $0x0;
	s31 =	sshra.s32 s4, $0x1F  }
0x74: {  	(v2sf) =	vpush v25, $0x3;
	p2 =	slt.s32 s4, $0x1;
	s2 =	sadd.s32 s1, s2;
	s31 =	sshrl.u32 s31, $0x19  }
0x75: {  	[tilespmem:s10], [sflag:$0x1] =	stream.linear.gather [hbm4b:s2+s3], $0x400, $0x38;
	[tilespmem:$0x10E00] =	vst v63  }
0x76: {  	p0 =	por !p2, !p1;
	s2 =	sadd.s32 $0xF4280, s2;
	s10 =	simm.s32 $0x6800  }
0x77: {  	[tilespmem:s10], [sflag:$0x1] =	stream.linear.gather [hbm4b:s2+s3], $0x400, $0x38;
	[tilespmem:$0x10E00] =	vst v63  }
0x78: {  	p0 =	por !p0, !p0;
	s2 =	sadd.s32 s31, s4;
	s31 =	simm.s32 $0x1  }
0x79: {  	s2 =	sshrl.u32 s2, $0x7;
	s31 =	simm.s32 @!p0 $0x0  }
0x7a: {  	s4 =	spop (v2sf);
	s2 =	ssub.s32 s2, s31  }
0x7b: {  	s10 =	simm.s32 $0xC00;
	s31 =	sand.u32 $0x7F, s4;
	s2 =	sshll.u32 s2, $0x7  }
0x7c: {  	p3 =	sne.s32 s31, $0x0;
	s31 =	sshra.s32 s4, $0x1F;
	s2 =	sand.u32 $0x1FFFFF80, s2  }
0x7d: {  	(v2sf) =	vpush v24, $0x3;
	p4 =	slt.s32 s4, $0x1;
	s31 =	sshrl.u32 s31, $0x19;
	s2 =	sadd.s32 s0, s2  }
0x7e: {  	[tilespmem:s10], [sflag:$0x1] =	stream.linear.gather [hbm4b:s2+s3], $0x400, $0x38;
	[tilespmem:$0x10E00] =	vst v63  }
0x7f: {  	p0 =	por !p4, !p3;
	s2 =	sadd.s32 $0xF4280, s2;
	s10 =	simm.s32 $0x2C00  }
0x80: {  	[tilespmem:s10], [sflag:$0x1] =	stream.linear.gather [hbm4b:s2+s3], $0x400, $0x38;
	[tilespmem:$0x10E00] =	vst v63  }
0x81: {  	p0 =	por !p0, !p0;
	s2 =	sadd.s32 s31, s4;
	s31 =	simm.s32 $0x1  }
0x82: {  	s2 =	sshrl.u32 s2, $0x7;
	s31 =	simm.s32 @!p0 $0x0  }
0x83: {  	s4 =	spop (v2sf);
	s2 =	ssub.s32 s2, s31  }
0x84: {  	s10 =	simm.s32 $0x4C00;
	s31 =	sand.u32 $0x7F, s4;
	s2 =	sshll.u32 s2, $0x7  }
0x85: {  	p5 =	sne.s32 s31, $0x0;
	s31 =	sshra.s32 s4, $0x1F;
	s2 =	sand.u32 $0x1FFFFF80, s2  }
0x86: {  	(v2sf) =	vpush v25, $0x4;
	p6 =	slt.s32 s4, $0x1;
	s31 =	sshrl.u32 s31, $0x19;
	s2 =	sadd.s32 s1, s2  }
0x87: {  	[tilespmem:s10], [sflag:$0x1] =	stream.linear.gather [hbm4b:s2+s3], $0x400, $0x38;
	[tilespmem:$0x10E00] =	vst v63  }
0x88: {  	p0 =	por !p6, !p5;
	s2 =	sadd.s32 $0xF4280, s2;
	s10 =	simm.s32 $0x6C00  }
0x89: {  	[tilespmem:s10], [sflag:$0x1] =	stream.linear.gather [hbm4b:s2+s3], $0x400, $0x38;
	[tilespmem:$0x10E00] =	vst v63  }
0x8a: {  	p0 =	por !p0, !p0;
	s2 =	sadd.s32 s31, s4;
	s31 =	simm.s32 $0x1  }
0x8b: {  	s2 =	sshrl.u32 s2, $0x7;
	s31 =	simm.s32 @!p0 $0x0  }
0x8c: {  	s4 =	spop (v2sf);
	s2 =	ssub.s32 s2, s31  }
0x8d: {  	s10 =	simm.s32 $0x1000;
	s31 =	sand.u32 $0x7F, s4;
	s2 =	sshll.u32 s2, $0x7  }
0x8e: {  	p1 =	sne.s32 s31, $0x0;
	s31 =	sshra.s32 s4, $0x1F;
	s2 =	sand.u32 $0x1FFFFF80, s2  }
0x8f: {  	(v2sf) =	vpush v24, $0x4;
	p2 =	slt.s32 s4, $0x1;
	s31 =	sshrl.u32 s31, $0x19;
	s2 =	sadd.s32 s0, s2  }
0x90: {  	[tilespmem:s10], [sflag:$0x1] =	stream.linear.gather [hbm4b:s2+s3], $0x400, $0x38;
	[tilespmem:$0x10E00] =	vst v63  }
0x91: {  	p0 =	por !p2, !p1;
	s2 =	sadd.s32 $0xF4280, s2;
	s10 =	simm.s32 $0x3000  }
0x92: {  	[tilespmem:s10], [sflag:$0x1] =	stream.linear.gather [hbm4b:s2+s3], $0x400, $0x38;
	[tilespmem:$0x10E00] =	vst v63  }
0x93: {  	p0 =	por !p0, !p0;
	s2 =	sadd.s32 s31, s4;
	s31 =	simm.s32 $0x1  }
0x94: {  	s2 =	sshrl.u32 s2, $0x7;
	s31 =	simm.s32 @!p0 $0x0  }
0x95: {  	s4 =	spop (v2sf);
	s2 =	ssub.s32 s2, s31  }
0x96: {  	s10 =	simm.s32 $0x5000;
	s31 =	sand.u32 $0x7F, s4;
	s2 =	sshll.u32 s2, $0x7  }
0x97: {  	p3 =	sne.s32 s31, $0x0;
	s31 =	sshra.s32 s4, $0x1F;
	s2 =	sand.u32 $0x1FFFFF80, s2  }
0x98: {  	(v2sf) =	vpush v25, $0x5;
	p4 =	slt.s32 s4, $0x1;
	s31 =	sshrl.u32 s31, $0x19;
	s2 =	sadd.s32 s1, s2  }
0x99: {  	[tilespmem:s10], [sflag:$0x1] =	stream.linear.gather [hbm4b:s2+s3], $0x400, $0x38;
	[tilespmem:$0x10E00] =	vst v63  }
0x9a: {  	p0 =	por !p4, !p3;
	s2 =	sadd.s32 $0xF4280, s2;
	s10 =	simm.s32 $0x7000  }
0x9b: {  	[tilespmem:s10], [sflag:$0x1] =	stream.linear.gather [hbm4b:s2+s3], $0x400, $0x38;
	[tilespmem:$0x10E00] =	vst v63  }
0x9c: {  	p0 =	por !p0, !p0;
	s2 =	sadd.s32 s31, s4;
	s31 =	simm.s32 $0x1  }
0x9d: {  	s2 =	sshrl.u32 s2, $0x7;
	s31 =	simm.s32 @!p0 $0x0  }
0x9e: {  	s4 =	spop (v2sf);
	s2 =	ssub.s32 s2, s31  }
0x9f: {  	s10 =	simm.s32 $0x1400;
	s31 =	sand.u32 $0x7F, s4;
	s2 =	sshll.u32 s2, $0x7  }
0xa0: {  	p5 =	sne.s32 s31, $0x0;
	s31 =	sshra.s32 s4, $0x1F;
	s2 =	sand.u32 $0x1FFFFF80, s2  }
0xa1: {  	(v2sf) =	vpush v24, $0x5;
	p6 =	slt.s32 s4, $0x1;
	s31 =	sshrl.u32 s31, $0x19;
	s2 =	sadd.s32 s0, s2  }
0xa2: {  	[tilespmem:s10], [sflag:$0x1] =	stream.linear.gather [hbm4b:s2+s3], $0x400, $0x38;
	[tilespmem:$0x10E00] =	vst v63  }
0xa3: {  	p0 =	por !p6, !p5;
	s2 =	sadd.s32 $0xF4280, s2;
	s10 =	simm.s32 $0x3400  }
0xa4: {  	[tilespmem:s10], [sflag:$0x1] =	stream.linear.gather [hbm4b:s2+s3], $0x400, $0x38;
	[tilespmem:$0x10E00] =	vst v63  }
0xa5: {  	p0 =	por !p0, !p0;
	s2 =	sadd.s32 s31, s4;
	s31 =	simm.s32 $0x1  }
0xa6: {  	s2 =	sshrl.u32 s2, $0x7;
	s31 =	simm.s32 @!p0 $0x0  }
0xa7: {  	s4 =	spop (v2sf);
	s2 =	ssub.s32 s2, s31  }
0xa8: {  	s10 =	simm.s32 $0x5400;
	s31 =	sand.u32 $0x7F, s4;
	s2 =	sshll.u32 s2, $0x7  }
0xa9: {  	p1 =	sne.s32 s31, $0x0;
	s31 =	sshra.s32 s4, $0x1F;
	s2 =	sand.u32 $0x1FFFFF80, s2  }
0xaa: {  	(v2sf) =	vpush v25, $0x6;
	p2 =	slt.s32 s4, $0x1;
	s31 =	sshrl.u32 s31, $0x19;
	s2 =	sadd.s32 s1, s2  }
0xab: {  	[tilespmem:s10], [sflag:$0x1] =	stream.linear.gather [hbm4b:s2+s3], $0x400, $0x38;
	[tilespmem:$0x10E00] =	vst v63  }
0xac: {  	p0 =	por !p2, !p1;
	s2 =	sadd.s32 $0xF4280, s2;
	s10 =	simm.s32 $0x7400  }
0xad: {  	[tilespmem:s10], [sflag:$0x1] =	stream.linear.gather [hbm4b:s2+s3], $0x400, $0x38;
	[tilespmem:$0x10E00] =	vst v63  }
0xae: {  	p0 =	por !p0, !p0;
	s2 =	sadd.s32 s31, s4;
	s31 =	simm.s32 $0x1  }
0xaf: {  	s2 =	sshrl.u32 s2, $0x7;
	s31 =	simm.s32 @!p0 $0x0  }
0xb0: {  	s4 =	spop (v2sf);
	s2 =	ssub.s32 s2, s31  }
0xb1: {  	s10 =	simm.s32 $0x1800;
	s31 =	sand.u32 $0x7F, s4;
	s2 =	sshll.u32 s2, $0x7  }
0xb2: {  	p3 =	sne.s32 s31, $0x0;
	s31 =	sshra.s32 s4, $0x1F;
	s2 =	sand.u32 $0x1FFFFF80, s2  }
0xb3: {  	(v2sf) =	vpush v24, $0x6;
	p4 =	slt.s32 s4, $0x1;
	s31 =	sshrl.u32 s31, $0x19;
	s2 =	sadd.s32 s0, s2  }
0xb4: {  	[tilespmem:s10], [sflag:$0x1] =	stream.linear.gather [hbm4b:s2+s3], $0x400, $0x38;
	[tilespmem:$0x10E00] =	vst v63  }
0xb5: {  	p0 =	por !p4, !p3;
	s2 =	sadd.s32 $0xF4280, s2;
	s10 =	simm.s32 $0x3800  }
0xb6: {  	[tilespmem:s10], [sflag:$0x1] =	stream.linear.gather [hbm4b:s2+s3], $0x400, $0x38;
	[tilespmem:$0x10E00] =	vst v63  }
0xb7: {  	p0 =	por !p0, !p0;
	s2 =	sadd.s32 s31, s4;
	s31 =	simm.s32 $0x1  }
0xb8: {  	s2 =	sshrl.u32 s2, $0x7;
	s31 =	simm.s32 @!p0 $0x0  }
0xb9: {  	s4 =	spop (v2sf);
	s2 =	ssub.s32 s2, s31  }
0xba: {  	s10 =	simm.s32 $0x5800;
	s31 =	sand.u32 $0x7F, s4;
	s2 =	sshll.u32 s2, $0x7  }
0xbb: {  	p5 =	sne.s32 s31, $0x0;
	s31 =	sshra.s32 s4, $0x1F;
	s2 =	sand.u32 $0x1FFFFF80, s2  }
0xbc: {  	p6 =	slt.s32 s4, $0x1;
	s31 =	sshrl.u32 s31, $0x19;
	s2 =	sadd.s32 s1, s2  }
0xbd: {  	[tilespmem:s10], [sflag:$0x1] =	stream.linear.gather [hbm4b:s2+s3], $0x400, $0x38;
	[tilespmem:$0x10E00] =	vst v63  }
0xbe: {  	p0 =	por !p6, !p5;
	s2 =	sadd.s32 $0xF4280, s2;
	s10 =	simm.s32 $0x7800  }
0xbf: {  	[tilespmem:s10], [sflag:$0x1] =	stream.linear.gather [hbm4b:s2+s3], $0x400, $0x38;
	[tilespmem:$0x10E00] =	vst v63  }
0xc0: {  	p0 =	por !p0, !p0;
	s2 =	sadd.s32 s31, s4;
	s31 =	simm.s32 $0x1  }
0xc1: {  	(v2sf) =	vpush v25, $0x7;
	s2 =	sshrl.u32 s2, $0x7;
	s31 =	simm.s32 @!p0 $0x0  }
0xc2: {  	s4 =	spop (v2sf);
	s2 =	ssub.s32 s2, s31  }
0xc3: {  	s10 =	simm.s32 $0x1C00;
	s31 =	sand.u32 $0x7F, s4;
	s2 =	sshll.u32 s2, $0x7  }
0xc4: {  	p1 =	sne.s32 s31, $0x0;
	s31 =	sshra.s32 s4, $0x1F;
	s2 =	sand.u32 $0x1FFFFF80, s2  }
0xc5: {  	p2 =	slt.s32 s4, $0x1;
	s31 =	sshrl.u32 s31, $0x19;
	s2 =	sadd.s32 s0, s2  }
0xc6: {  	[tilespmem:s10], [sflag:$0x1] =	stream.linear.gather [hbm4b:s2+s3], $0x400, $0x38;
	[tilespmem:$0x10E00] =	vst v63  }
0xc7: {  	p0 =	por !p2, !p1;
	s2 =	sadd.s32 $0xF4280, s2;
	s10 =	simm.s32 $0x3C00  }
0xc8: {  	(v2sf) =	vpush v24, $0x7;
	[tilespmem:s10], [sflag:$0x1] =	stream.linear.gather [hbm4b:s2+s3], $0x400, $0x38;
	[tilespmem:$0x10E00] =	vst v63  }
0xc9: {  	p0 =	por !p0, !p0;
	s2 =	sadd.s32 s31, s4;
	s31 =	simm.s32 $0x1  }
0xca: {  	s2 =	sshrl.u32 s2, $0x7;
	s31 =	simm.s32 @!p0 $0x0  }
0xcb: {  	s2 =	ssub.s32 s2, s31  }
0xcc: {  	s2 =	sshll.u32 s2, $0x7  }
0xcd: {  	s2 =	sand.u32 $0x1FFFFF80, s2  }
0xce: {  	s10 =	simm.s32 $0x5C00;
	s2 =	sadd.s32 s1, s2  }
0xcf: {  	[tilespmem:s10], [sflag:$0x1] =	stream.linear.gather [hbm4b:s2+s3], $0x400, $0x38;
	[tilespmem:$0x10E00] =	vst v63  }
0xd0: {  	s31 =	spop (v2sf);
	s2 =	sadd.s32 $0xF4280, s2;
	s10 =	simm.s32 $0x7C00  }
0xd1: {  	[tilespmem:s10], [sflag:$0x1] =	stream.linear.gather [hbm4b:s2+s3], $0x400, $0x38;
	[tilespmem:$0x10E00] =	vst v63  }
0xd2: {  	s10 =	sand.u32 $0x7F, s31  }
0xd3: {  	s4 =	sshra.s32 s31, $0x1F;
	p4 =	slt.s32 s31, $0x1;
	p3 =	sne.s32 s10, $0x0  }
0xd4: {  	s2 =	sshrl.u32 s4, $0x19;
	p0 =	por !p4, !p3  }
0xd5: {  	s2 =	sadd.s32 s2, s31;
	s31 =	simm.s32 $0x1;
	p0 =	por !p0, !p0  }
0xd6: {  	s2 =	sshrl.u32 s2, $0x7;
	s31 =	simm.s32 @!p0 $0x0  }
0xd7: {  	s4 =	spop (v2sf);
	s2 =	ssub.s32 s2, s31  }
0xd8: {  	s10 =	simm.s32 $0x2000;
	s31 =	sand.u32 $0x7F, s4;
	s2 =	sshll.u32 s2, $0x7  }
0xd9: {  	p5 =	sne.s32 s31, $0x0;
	s31 =	sshra.s32 s4, $0x1F;
	s2 =	sand.u32 $0x1FFFFF80, s2  }
0xda: {  	p6 =	slt.s32 s4, $0x1;
	s31 =	sshrl.u32 s31, $0x19;
	s2 =	sadd.s32 s0, s2  }
0xdb: {  	[tilespmem:s10], [sflag:$0x1] =	stream.linear.gather [hbm4b:s2+s3], $0x400, $0x38;
	[tilespmem:$0x10E00] =	vst v63  }
0xdc: {  	p0 =	por !p6, !p5;
	s2 =	sadd.s32 $0xF4280, s2;
	s10 =	simm.s32 $0x4000  }
0xdd: {  	[tilespmem:s10], [sflag:$0x1] =	stream.linear.gather [hbm4b:s2+s3], $0x400, $0x38;
	[tilespmem:$0x10E00] =	vst v63  }
0xde: {  	p0 =	por !p0, !p0;
	s2 =	sadd.s32 s31, s4;
	s31 =	simm.s32 $0x1  }
0xdf: {  	s2 =	sshrl.u32 s2, $0x7;
	s31 =	simm.s32 @!p0 $0x0  }
0xe0: {  	s2 =	ssub.s32 s2, s31  }
0xe1: {  	s2 =	sshll.u32 s2, $0x7  }
.Ltmp2:
0xe2: {  	s2 =	sand.u32 $0x1FFFFF80, s2;
	(pc) =	sbr.rel .LBB2_2-.Ltmp2, $4  }
0xe3: {  	s10 =	simm.s32 $0x6000;
	s2 =	sadd.s32 s1, s2  }
0xe4: {  	[tilespmem:s10], [sflag:$0x1] =	stream.linear.gather [hbm4b:s2+s3], $0x400, $0x38;
	[tilespmem:$0x10E00] =	vst v63  }
0xe5: {  	s31 =	simm.s32 $0x0;
	s2 =	sadd.s32 $0xF4280, s2;
	s10 =	simm.s32 $0x8000  }
0xe6: {  	[tilespmem:s10], [sflag:$0x1] =	stream.linear.gather [hbm4b:s2+s3], $0x400, $0x38;
	[tilespmem:$0x10E00] =	vst v63  }
.LBB2_4:
0xe7: {  	_ =	swait.ge [sflag:s29], $0x4000  }
0xe8: {  	[sflag:s29] =	ssyncset.done $0x0  }
0xe9: {  	[sflag:s29] =	ssyncadd.s32 $0xFFFFC000  }
0xea: {  	_ =	swait.ge [sflag:s29], $0x4000  }
0xeb: {  	[sflag:s29] =	ssyncset.done $0x0  }
0xec: {  	[sflag:s29] =	ssyncadd.s32 $0xFFFFC000  }
0xed: {  	v24 =	vld [tilespmem:s2+$0x0]  }
0xee: {  	v25 =	vld [tilespmem:s2+$0x200];
	_ =	sdelay $0x3  }
0xef: {  	(v2sf) =	vpush v24, $0x8  }
0xf0: {  	(v2sf) =	vpush v25, $0x8;
	_ =	sdelay $0xd  }
0xf1: {  	s4 =	spop (v2sf)  }
0xf2: {  	s4 =	sand.u32 $0x7F, s4;
	s10 =	spop (v2sf)  }
0xf3: {  	s10 =	sand.u32 $0x7F, s10;
	v26 =	vor.u32 s4, v0  }
0xf4: {  	v27 =	vor.u32 s10, v0;
	_ =	sdelay $0x3  }
0xf5: {  	v26 =	vld.idx.msk [tilespmem:v26+s19+$0x0], $0xffff  }
0xf6: {  	v24 =	vand.u32 $0x7F, v24;
	v27 =	vld.idx.msk [tilespmem:v27+s21+$0x0], $0xffff  }
0xf7: {  	v28 =	vbroadcast v24, $0x9;
	v25 =	vand.u32 $0x7F, v25  }
0xf8: {  	v29 =	vbroadcast v25, $0x9  }
0xf9: {  	v28 =	vor.u32 v1, v28  }
0xfa: {  	v29 =	vor.u32 v1, v29  }
0xfb: {  	v26 =	vmul.f32 v27, v26;
	_ =	sdelay $0x1  }
0xfc: {  	[tilespmem:$0x10800] =	vst v26  }
0xfd: {  	v26 =	vld.idx.msk [tilespmem:v28+s19+$0x0], $0xffff  }
0xfe: {  	v34 =	vld.idx.msk [tilespmem:v29+s21+$0x0], $0xffff  }
0xff: {  	v35 =	vbroadcast v24, $0xA  }
0x100: {  	v36 =	vbroadcast v25, $0xA  }
0x101: {  	v28 =	vor.u32 v2, v35  }
0x102: {  	v29 =	vor.u32 v2, v36  }
0x103: {  	v26 =	vmul.f32 v34, v26;
	_ =	sdelay $0x1  }
0x104: {  	[tilespmem:$0x10880] =	vst v26  }
0x105: {  	v26 =	vld.idx.msk [tilespmem:v28+s19+$0x0], $0xffff  }
0x106: {  	v37 =	vld.idx.msk [tilespmem:v29+s21+$0x0], $0xffff  }
0x107: {  	v38 =	vbroadcast v24, $0xB  }
0x108: {  	v39 =	vbroadcast v25, $0xB  }
0x109: {  	v28 =	vor.u32 v3, v38  }
0x10a: {  	v29 =	vor.u32 v3, v39  }
0x10b: {  	v26 =	vmul.f32 v37, v26;
	_ =	sdelay $0x1  }
0x10c: {  	[tilespmem:$0x10900] =	vst v26  }
0x10d: {  	v26 =	vld.idx.msk [tilespmem:v28+s19+$0x0], $0xffff  }
0x10e: {  	v40 =	vld.idx.msk [tilespmem:v29+s21+$0x0], $0xffff  }
0x10f: {  	v41 =	vbroadcast v24, $0xC  }
0x110: {  	v42 =	vbroadcast v25, $0xC  }
0x111: {  	v28 =	vor.u32 v4, v41  }
0x112: {  	v29 =	vor.u32 v4, v42  }
0x113: {  	v26 =	vmul.f32 v40, v26;
	_ =	sdelay $0x1  }
0x114: {  	[tilespmem:$0x10980] =	vst v26  }
0x115: {  	v26 =	vld.idx.msk [tilespmem:v28+s19+$0x0], $0xffff  }
0x116: {  	v43 =	vld.idx.msk [tilespmem:v29+s21+$0x0], $0xffff  }
0x117: {  	v44 =	vbroadcast v24, $0xD  }
0x118: {  	v45 =	vbroadcast v25, $0xD  }
0x119: {  	v28 =	vor.u32 v6, v44  }
0x11a: {  	v29 =	vor.u32 v6, v45  }
0x11b: {  	v26 =	vmul.f32 v43, v26;
	_ =	sdelay $0x1  }
0x11c: {  	[tilespmem:$0x10A00] =	vst v26  }
0x11d: {  	v26 =	vld.idx.msk [tilespmem:v28+s19+$0x0], $0xffff  }
0x11e: {  	v46 =	vld.idx.msk [tilespmem:v29+s21+$0x0], $0xffff  }
0x11f: {  	v47 =	vbroadcast v24, $0xE  }
0x120: {  	v48 =	vbroadcast v25, $0xE  }
0x121: {  	v28 =	vor.u32 v7, v47  }
0x122: {  	v29 =	vor.u32 v7, v48  }
0x123: {  	v26 =	vmul.f32 v46, v26;
	_ =	sdelay $0x1  }
0x124: {  	[tilespmem:$0x10A80] =	vst v26  }
0x125: {  	v26 =	vld.idx.msk [tilespmem:v28+s19+$0x0], $0xffff  }
0x126: {  	v49 =	vld.idx.msk [tilespmem:v29+s21+$0x0], $0xffff  }
0x127: {  	v24 =	vbroadcast v24, $0xF  }
0x128: {  	v25 =	vbroadcast v25, $0xF  }
0x129: {  	v24 =	vor.u32 v8, v24  }
0x12a: {  	v25 =	vor.u32 v8, v25  }
0x12b: {  	v26 =	vmul.f32 v49, v26;
	_ =	sdelay $0x1  }
0x12c: {  	[tilespmem:$0x10B00] =	vst v26  }
0x12d: {  	v24 =	vld.idx.msk [tilespmem:v24+s19+$0x0], $0xffff  }
0x12e: {  	v25 =	vld.idx.msk [tilespmem:v25+s21+$0x0], $0xffff;
	_ =	sdelay $0x4  }
0x12f: {  	v24 =	vmul.f32 v25, v24;
	_ =	sdelay $0x1  }
0x130: {  	[tilespmem:$0x10B80] =	vst v24  }
0x131: {  	v24 =	vld.idx.msk [tilespmem:v5+s30+$0x0], $0xffff;
	_ =	sdelay $0x1  }
0x132: {  	v50 =	vld.idx.msk [tilespmem:v9+s30+$0x0], $0xffff;
	_ =	sdelay $0x1  }
0x133: {  	v26 =	vld.idx.msk [tilespmem:v10+s30+$0x0], $0xffff  }
0x134: {  	v24 =	vadd.f32 $0.0e+00, v24  }
0x135: {  	v51 =	vld.idx.msk [tilespmem:v11+s30+$0x0], $0xffff  }
0x136: {  	v24 =	vadd.f32 v50, v24  }
0x137: {  	v52 =	vld.idx.msk [tilespmem:v12+s30+$0x0], $0xffff  }
0x138: {  	v24 =	vadd.f32 v26, v24  }
0x139: {  	v53 =	vld.idx.msk [tilespmem:v13+s30+$0x0], $0xffff  }
0x13a: {  	v24 =	vadd.f32 v51, v24  }
0x13b: {  	v54 =	vld.idx.msk [tilespmem:v14+s30+$0x0], $0xffff  }
0x13c: {  	v24 =	vadd.f32 v52, v24  }
0x13d: {  	v55 =	vld.idx.msk [tilespmem:v15+s30+$0x0], $0xffff  }
0x13e: {  	v24 =	vadd.f32 v53, v24  }
0x13f: {  	v56 =	vld.idx.msk [tilespmem:v16+s30+$0x0], $0xffff  }
0x140: {  	v24 =	vadd.f32 v54, v24  }
0x141: {  	v57 =	vld.idx.msk [tilespmem:v17+s30+$0x0], $0xffff  }
0x142: {  	v24 =	vadd.f32 v55, v24  }
0x143: {  	v58 =	vld.idx.msk [tilespmem:v18+s30+$0x0], $0xffff  }
0x144: {  	v24 =	vadd.f32 v56, v24  }
0x145: {  	v59 =	vld.idx.msk [tilespmem:v19+s30+$0x0], $0xffff  }
0x146: {  	v24 =	vadd.f32 v57, v24  }
0x147: {  	v60 =	vld.idx.msk [tilespmem:v20+s30+$0x0], $0xffff  }
0x148: {  	v24 =	vadd.f32 v58, v24  }
0x149: {  	v61 =	vld.idx.msk [tilespmem:v21+s30+$0x0], $0xffff  }
0x14a: {  	v24 =	vadd.f32 v59, v24  }
0x14b: {  	v62 =	vld.idx.msk [tilespmem:v22+s30+$0x0], $0xffff  }
0x14c: {  	v24 =	vadd.f32 v60, v24  }
0x14d: {  	v63 =	vld.idx.msk [tilespmem:v23+s30+$0x0], $0xffff  }
0x14e: {  	s31 =	sadd.s32 $0x40, s31;
	v24 =	vadd.f32 v61, v24  }
0x14f: {  	p0 =	sne.s32 s31, $0x800  }
.Ltmp3:
0x150: {  	v24 =	vadd.f32 v62, v24;
	(pc) =	sbr.rel @!p0 .LBB2_5-.Ltmp3, $3  }
0x151: {  	_ = 	snop  }
0x152: {  	v24 =	vadd.f32 v63, v24;
	_ =	sdelay $0x1  }
0x153: {  	[tilespmem:s2+$0x10C00] =	vst v24  }
.LBB2_2:
0x154: {  	s2 =	sshra.s32 s31, $0x2  }
0x155: {  	v25 =	vld [tilespmem:s2+$0x0];
	_ =	sdelay $0x4  }
0x156: {  	(v2sf) =	vpush v25, $0x8;
	_ =	sdelay $0x7  }
0x157: {  	v24 =	vld [tilespmem:s2+$0x200];
	_ =	sdelay $0x4  }
0x158: {  	(v2sf) =	vpush v24, $0x8;
	_ =	sdelay $0x1  }
0x159: {  	s4 =	spop (v2sf)  }
0x15a: {  	s10 =	sand.u32 $0x7F, s4  }
0x15b: {  	p1 =	slt.s32 s4, $0x1;
	p0 =	sne.s32 s10, $0x0;
	s10 =	sshra.s32 s4, $0x1F  }
0x15c: {  	s10 =	sshrl.u32 s10, $0x19;
	p0 =	por !p1, !p0  }
0x15d: {  	s4 =	sadd.s32 s10, s4;
	p0 =	por !p0, !p0;
	s10 =	simm.s32 $0x1  }
0x15e: {  	s4 =	sshrl.u32 s4, $0x7;
	s10 =	simm.s32 @!p0 $0x0  }
0x15f: {  	s4 =	ssub.s32 s4, s10  }
0x160: {  	s4 =	sshll.u32 s4, $0x7  }
0x161: {  	s4 =	sand.u32 $0x1FFFFF80, s4  }
0x162: {  	s4 =	sadd.s32 s0, s4  }
0x163: {  	[tilespmem:s19], [sflag:$0x2] =	stream.linear.gather [hbm4b:s4+s3], $0x400, $0x38;
	[tilespmem:$0x10E00] =	vst v63  }
0x164: {  	(v2sf) =	vpush v25, $0x9;
	s4 =	sadd.s32 $0xF4280, s4  }
0x165: {  	[tilespmem:s5], [sflag:$0x2] =	stream.linear.gather [hbm4b:s4+s3], $0x400, $0x38;
	[tilespmem:$0x10E00] =	vst v63  }
0x166: {  	s4 =	spop (v2sf)  }
0x167: {  	s10 =	sand.u32 $0x7F, s4  }
0x168: {  	p2 =	slt.s32 s4, $0x1;
	p1 =	sne.s32 s10, $0x0;
	s10 =	sshra.s32 s4, $0x1F  }
0x169: {  	s10 =	sshrl.u32 s10, $0x19;
	p0 =	por !p2, !p1  }
0x16a: {  	s4 =	sadd.s32 s10, s4;
	p0 =	por !p0, !p0;
	s10 =	simm.s32 $0x1  }
0x16b: {  	s4 =	sshrl.u32 s4, $0x7;
	s10 =	simm.s32 @!p0 $0x0  }
0x16c: {  	s4 =	ssub.s32 s4, s10  }
0x16d: {  	s4 =	sshll.u32 s4, $0x7  }
0x16e: {  	s4 =	sand.u32 $0x1FFFFF80, s4  }
0x16f: {  	s4 =	sadd.s32 s1, s4  }
0x170: {  	[tilespmem:s21], [sflag:$0x2] =	stream.linear.gather [hbm4b:s4+s3], $0x400, $0x38;
	[tilespmem:$0x10E00] =	vst v63  }
0x171: {  	(v2sf) =	vpush v24, $0x9;
	s10 =	simm.s32 $0xE400;
	s4 =	sadd.s32 $0xF4280, s4  }
0x172: {  	[tilespmem:s10], [sflag:$0x2] =	stream.linear.gather [hbm4b:s4+s3], $0x400, $0x38;
	[tilespmem:$0x10E00] =	vst v63  }
0x173: {  	s4 =	spop (v2sf)  }
0x174: {  	s10 =	sand.u32 $0x7F, s4  }
0x175: {  	p4 =	slt.s32 s4, $0x1;
	p3 =	sne.s32 s10, $0x0;
	s10 =	sshra.s32 s4, $0x1F  }
0x176: {  	s10 =	sshrl.u32 s10, $0x19;
	p0 =	por !p4, !p3  }
0x177: {  	s4 =	sadd.s32 s10, s4;
	p0 =	por !p0, !p0;
	s10 =	simm.s32 $0x1  }
0x178: {  	s4 =	sshrl.u32 s4, $0x7;
	s10 =	simm.s32 @!p0 $0x0  }
0x179: {  	s4 =	ssub.s32 s4, s10  }
0x17a: {  	s4 =	sshll.u32 s4, $0x7  }
0x17b: {  	s4 =	sand.u32 $0x1FFFFF80, s4  }
0x17c: {  	s10 =	simm.s32 $0x8800;
	s4 =	sadd.s32 s0, s4  }
0x17d: {  	[tilespmem:s10], [sflag:$0x2] =	stream.linear.gather [hbm4b:s4+s3], $0x400, $0x38;
	[tilespmem:$0x10E00] =	vst v63  }
0x17e: {  	(v2sf) =	vpush v25, $0xA;
	s4 =	sadd.s32 $0xF4280, s4;
	s10 =	simm.s32 $0xA800  }
0x17f: {  	[tilespmem:s10], [sflag:$0x2] =	stream.linear.gather [hbm4b:s4+s3], $0x400, $0x38;
	[tilespmem:$0x10E00] =	vst v63  }
0x180: {  	s4 =	spop (v2sf)  }
0x181: {  	s10 =	sand.u32 $0x7F, s4  }
0x182: {  	p6 =	slt.s32 s4, $0x1;
	p5 =	sne.s32 s10, $0x0;
	s10 =	sshra.s32 s4, $0x1F  }
0x183: {  	s10 =	sshrl.u32 s10, $0x19;
	p0 =	por !p6, !p5  }
0x184: {  	s4 =	sadd.s32 s10, s4;
	p0 =	por !p0, !p0;
	s10 =	simm.s32 $0x1  }
0x185: {  	s4 =	sshrl.u32 s4, $0x7;
	s10 =	simm.s32 @!p0 $0x0  }
0x186: {  	s4 =	ssub.s32 s4, s10  }
0x187: {  	s4 =	sshll.u32 s4, $0x7  }
0x188: {  	s4 =	sand.u32 $0x1FFFFF80, s4  }
0x189: {  	s10 =	simm.s32 $0xC800;
	s4 =	sadd.s32 s1, s4  }
0x18a: {  	[tilespmem:s10], [sflag:$0x2] =	stream.linear.gather [hbm4b:s4+s3], $0x400, $0x38;
	[tilespmem:$0x10E00] =	vst v63  }
0x18b: {  	(v2sf) =	vpush v24, $0xA;
	s4 =	sadd.s32 $0xF4280, s4;
	s10 =	simm.s32 $0xE800  }
0x18c: {  	[tilespmem:s10], [sflag:$0x2] =	stream.linear.gather [hbm4b:s4+s3], $0x400, $0x38;
	[tilespmem:$0x10E00] =	vst v63  }
0x18d: {  	s4 =	spop (v2sf)  }
0x18e: {  	s10 =	sand.u32 $0x7F, s4  }
0x18f: {  	p2 =	slt.s32 s4, $0x1;
	p1 =	sne.s32 s10, $0x0;
	s10 =	sshra.s32 s4, $0x1F  }
0x190: {  	s10 =	sshrl.u32 s10, $0x19;
	p0 =	por !p2, !p1  }
0x191: {  	s4 =	sadd.s32 s10, s4;
	p0 =	por !p0, !p0;
	s10 =	simm.s32 $0x1  }
0x192: {  	s4 =	sshrl.u32 s4, $0x7;
	s10 =	simm.s32 @!p0 $0x0  }
0x193: {  	s4 =	ssub.s32 s4, s10  }
0x194: {  	s4 =	sshll.u32 s4, $0x7  }
0x195: {  	s4 =	sand.u32 $0x1FFFFF80, s4  }
0x196: {  	s10 =	simm.s32 $0x8C00;
	s4 =	sadd.s32 s0, s4  }
0x197: {  	[tilespmem:s10], [sflag:$0x2] =	stream.linear.gather [hbm4b:s4+s3], $0x400, $0x38;
	[tilespmem:$0x10E00] =	vst v63  }
0x198: {  	(v2sf) =	vpush v25, $0xB;
	s4 =	sadd.s32 $0xF4280, s4;
	s10 =	simm.s32 $0xAC00  }
0x199: {  	[tilespmem:s10], [sflag:$0x2] =	stream.linear.gather [hbm4b:s4+s3], $0x400, $0x38;
	[tilespmem:$0x10E00] =	vst v63  }
0x19a: {  	s4 =	spop (v2sf)  }
0x19b: {  	s10 =	sand.u32 $0x7F, s4  }
0x19c: {  	p4 =	slt.s32 s4, $0x1;
	p3 =	sne.s32 s10, $0x0;
	s10 =	sshra.s32 s4, $0x1F  }
0x19d: {  	s10 =	sshrl.u32 s10, $0x19;
	p0 =	por !p4, !p3  }
0x19e: {  	s4 =	sadd.s32 s10, s4;
	p0 =	por !p0, !p0;
	s10 =	simm.s32 $0x1  }
0x19f: {  	s4 =	sshrl.u32 s4, $0x7;
	s10 =	simm.s32 @!p0 $0x0  }
0x1a0: {  	s4 =	ssub.s32 s4, s10  }
0x1a1: {  	s4 =	sshll.u32 s4, $0x7  }
0x1a2: {  	s4 =	sand.u32 $0x1FFFFF80, s4  }
0x1a3: {  	s10 =	simm.s32 $0xCC00;
	s4 =	sadd.s32 s1, s4  }
0x1a4: {  	[tilespmem:s10], [sflag:$0x2] =	stream.linear.gather [hbm4b:s4+s3], $0x400, $0x38;
	[tilespmem:$0x10E00] =	vst v63  }
0x1a5: {  	(v2sf) =	vpush v24, $0xB;
	s4 =	sadd.s32 $0xF4280, s4;
	s10 =	simm.s32 $0xEC00  }
0x1a6: {  	[tilespmem:s10], [sflag:$0x2] =	stream.linear.gather [hbm4b:s4+s3], $0x400, $0x38;
	[tilespmem:$0x10E00] =	vst v63  }
0x1a7: {  	s4 =	spop (v2sf)  }
0x1a8: {  	s10 =	sand.u32 $0x7F, s4  }
0x1a9: {  	p6 =	slt.s32 s4, $0x1;
	p5 =	sne.s32 s10, $0x0;
	s10 =	sshra.s32 s4, $0x1F  }
0x1aa: {  	s10 =	sshrl.u32 s10, $0x19;
	p0 =	por !p6, !p5  }
0x1ab: {  	s4 =	sadd.s32 s10, s4;
	p0 =	por !p0, !p0;
	s10 =	simm.s32 $0x1  }
0x1ac: {  	s4 =	sshrl.u32 s4, $0x7;
	s10 =	simm.s32 @!p0 $0x0  }
0x1ad: {  	s4 =	ssub.s32 s4, s10  }
0x1ae: {  	s4 =	sshll.u32 s4, $0x7  }
0x1af: {  	s4 =	sand.u32 $0x1FFFFF80, s4  }
0x1b0: {  	s10 =	simm.s32 $0x9000;
	s4 =	sadd.s32 s0, s4  }
0x1b1: {  	[tilespmem:s10], [sflag:$0x2] =	stream.linear.gather [hbm4b:s4+s3], $0x400, $0x38;
	[tilespmem:$0x10E00] =	vst v63  }
0x1b2: {  	(v2sf) =	vpush v25, $0xC;
	s4 =	sadd.s32 $0xF4280, s4;
	s10 =	simm.s32 $0xB000  }
0x1b3: {  	[tilespmem:s10], [sflag:$0x2] =	stream.linear.gather [hbm4b:s4+s3], $0x400, $0x38;
	[tilespmem:$0x10E00] =	vst v63  }
0x1b4: {  	s4 =	spop (v2sf)  }
0x1b5: {  	s10 =	sand.u32 $0x7F, s4  }
0x1b6: {  	p2 =	slt.s32 s4, $0x1;
	p1 =	sne.s32 s10, $0x0;
	s10 =	sshra.s32 s4, $0x1F  }
0x1b7: {  	s10 =	sshrl.u32 s10, $0x19;
	p0 =	por !p2, !p1  }
0x1b8: {  	s4 =	sadd.s32 s10, s4;
	p0 =	por !p0, !p0;
	s10 =	simm.s32 $0x1  }
0x1b9: {  	s4 =	sshrl.u32 s4, $0x7;
	s10 =	simm.s32 @!p0 $0x0  }
0x1ba: {  	s4 =	ssub.s32 s4, s10  }
0x1bb: {  	s4 =	sshll.u32 s4, $0x7  }
0x1bc: {  	s4 =	sand.u32 $0x1FFFFF80, s4  }
0x1bd: {  	s10 =	simm.s32 $0xD000;
	s4 =	sadd.s32 s1, s4  }
0x1be: {  	[tilespmem:s10], [sflag:$0x2] =	stream.linear.gather [hbm4b:s4+s3], $0x400, $0x38;
	[tilespmem:$0x10E00] =	vst v63  }
0x1bf: {  	(v2sf) =	vpush v24, $0xC;
	s4 =	sadd.s32 $0xF4280, s4;
	s10 =	simm.s32 $0xF000  }
0x1c0: {  	[tilespmem:s10], [sflag:$0x2] =	stream.linear.gather [hbm4b:s4+s3], $0x400, $0x38;
	[tilespmem:$0x10E00] =	vst v63  }
0x1c1: {  	s4 =	spop (v2sf)  }
0x1c2: {  	s10 =	sand.u32 $0x7F, s4  }
0x1c3: {  	p4 =	slt.s32 s4, $0x1;
	p3 =	sne.s32 s10, $0x0;
	s10 =	sshra.s32 s4, $0x1F  }
0x1c4: {  	s10 =	sshrl.u32 s10, $0x19;
	p0 =	por !p4, !p3  }
0x1c5: {  	s4 =	sadd.s32 s10, s4;
	p0 =	por !p0, !p0;
	s10 =	simm.s32 $0x1  }
0x1c6: {  	s4 =	sshrl.u32 s4, $0x7;
	s10 =	simm.s32 @!p0 $0x0  }
0x1c7: {  	s4 =	ssub.s32 s4, s10  }
0x1c8: {  	s4 =	sshll.u32 s4, $0x7  }
0x1c9: {  	s4 =	sand.u32 $0x1FFFFF80, s4  }
0x1ca: {  	s4 =	sadd.s32 s0, s4  }
0x1cb: {  	[tilespmem:s6], [sflag:$0x2] =	stream.linear.gather [hbm4b:s4+s3], $0x400, $0x38;
	[tilespmem:$0x10E00] =	vst v63  }
0x1cc: {  	(v2sf) =	vpush v25, $0xD;
	s4 =	sadd.s32 $0xF4280, s4  }
0x1cd: {  	[tilespmem:s7], [sflag:$0x2] =	stream.linear.gather [hbm4b:s4+s3], $0x400, $0x38;
	[tilespmem:$0x10E00] =	vst v63  }
0x1ce: {  	s4 =	spop (v2sf)  }
0x1cf: {  	s10 =	sand.u32 $0x7F, s4  }
0x1d0: {  	p6 =	slt.s32 s4, $0x1;
	p5 =	sne.s32 s10, $0x0;
	s10 =	sshra.s32 s4, $0x1F  }
0x1d1: {  	s10 =	sshrl.u32 s10, $0x19;
	p0 =	por !p6, !p5  }
0x1d2: {  	s4 =	sadd.s32 s10, s4;
	p0 =	por !p0, !p0;
	s10 =	simm.s32 $0x1  }
0x1d3: {  	s4 =	sshrl.u32 s4, $0x7;
	s10 =	simm.s32 @!p0 $0x0  }
0x1d4: {  	s4 =	ssub.s32 s4, s10  }
0x1d5: {  	s4 =	sshll.u32 s4, $0x7  }
0x1d6: {  	s4 =	sand.u32 $0x1FFFFF80, s4  }
0x1d7: {  	s4 =	sadd.s32 s1, s4  }
0x1d8: {  	[tilespmem:s8], [sflag:$0x2] =	stream.linear.gather [hbm4b:s4+s3], $0x400, $0x38;
	[tilespmem:$0x10E00] =	vst v63  }
0x1d9: {  	(v2sf) =	vpush v24, $0xD;
	s4 =	sadd.s32 $0xF4280, s4  }
0x1da: {  	[tilespmem:s9], [sflag:$0x2] =	stream.linear.gather [hbm4b:s4+s3], $0x400, $0x38;
	[tilespmem:$0x10E00] =	vst v63  }
0x1db: {  	s4 =	spop (v2sf)  }
0x1dc: {  	s10 =	sand.u32 $0x7F, s4  }
0x1dd: {  	p2 =	slt.s32 s4, $0x1;
	p1 =	sne.s32 s10, $0x0;
	s10 =	sshra.s32 s4, $0x1F  }
0x1de: {  	s10 =	sshrl.u32 s10, $0x19;
	p0 =	por !p2, !p1  }
0x1df: {  	s4 =	sadd.s32 s10, s4;
	p0 =	por !p0, !p0;
	s10 =	simm.s32 $0x1  }
0x1e0: {  	s4 =	sshrl.u32 s4, $0x7;
	s10 =	simm.s32 @!p0 $0x0  }
0x1e1: {  	s4 =	ssub.s32 s4, s10  }
0x1e2: {  	s4 =	sshll.u32 s4, $0x7  }
0x1e3: {  	s4 =	sand.u32 $0x1FFFFF80, s4  }
0x1e4: {  	s4 =	sadd.s32 s0, s4  }
0x1e5: {  	[tilespmem:s13], [sflag:$0x2] =	stream.linear.gather [hbm4b:s4+s3], $0x400, $0x38;
	[tilespmem:$0x10E00] =	vst v63  }
0x1e6: {  	(v2sf) =	vpush v25, $0xE;
	s4 =	sadd.s32 $0xF4280, s4  }
0x1e7: {  	[tilespmem:s15], [sflag:$0x2] =	stream.linear.gather [hbm4b:s4+s3], $0x400, $0x38;
	[tilespmem:$0x10E00] =	vst v63  }
0x1e8: {  	s4 =	spop (v2sf)  }
0x1e9: {  	s10 =	sand.u32 $0x7F, s4  }
0x1ea: {  	p4 =	slt.s32 s4, $0x1;
	p3 =	sne.s32 s10, $0x0;
	s10 =	sshra.s32 s4, $0x1F  }
0x1eb: {  	s10 =	sshrl.u32 s10, $0x19;
	p0 =	por !p4, !p3  }
0x1ec: {  	s4 =	sadd.s32 s10, s4;
	p0 =	por !p0, !p0;
	s10 =	simm.s32 $0x1  }
0x1ed: {  	s4 =	sshrl.u32 s4, $0x7;
	s10 =	simm.s32 @!p0 $0x0  }
0x1ee: {  	s4 =	ssub.s32 s4, s10  }
0x1ef: {  	s4 =	sshll.u32 s4, $0x7  }
0x1f0: {  	s4 =	sand.u32 $0x1FFFFF80, s4  }
0x1f1: {  	s4 =	sadd.s32 s1, s4  }
0x1f2: {  	[tilespmem:s16], [sflag:$0x2] =	stream.linear.gather [hbm4b:s4+s3], $0x400, $0x38;
	[tilespmem:$0x10E00] =	vst v63  }
0x1f3: {  	(v2sf) =	vpush v24, $0xE;
	s4 =	sadd.s32 $0xF4280, s4  }
0x1f4: {  	[tilespmem:s17], [sflag:$0x2] =	stream.linear.gather [hbm4b:s4+s3], $0x400, $0x38;
	[tilespmem:$0x10E00] =	vst v63  }
0x1f5: {  	s4 =	spop (v2sf)  }
0x1f6: {  	s10 =	sand.u32 $0x7F, s4  }
0x1f7: {  	p6 =	slt.s32 s4, $0x1;
	p5 =	sne.s32 s10, $0x0;
	s10 =	sshra.s32 s4, $0x1F  }
0x1f8: {  	s10 =	sshrl.u32 s10, $0x19;
	p0 =	por !p6, !p5  }
0x1f9: {  	s4 =	sadd.s32 s10, s4;
	p0 =	por !p0, !p0;
	s10 =	simm.s32 $0x1  }
0x1fa: {  	s4 =	sshrl.u32 s4, $0x7;
	s10 =	simm.s32 @!p0 $0x0  }
0x1fb: {  	s4 =	ssub.s32 s4, s10  }
0x1fc: {  	s4 =	sshll.u32 s4, $0x7  }
0x1fd: {  	s4 =	sand.u32 $0x1FFFFF80, s4  }
0x1fe: {  	s4 =	sadd.s32 s0, s4  }
0x1ff: {  	[tilespmem:s18], [sflag:$0x2] =	stream.linear.gather [hbm4b:s4+s3], $0x400, $0x38;
	[tilespmem:$0x10E00] =	vst v63  }
0x200: {  	(v2sf) =	vpush v25, $0xF;
	s4 =	sadd.s32 $0xF4280, s4  }
0x201: {  	[tilespmem:s20], [sflag:$0x2] =	stream.linear.gather [hbm4b:s4+s3], $0x400, $0x38;
	[tilespmem:$0x10E00] =	vst v63  }
0x202: {  	s4 =	spop (v2sf)  }
0x203: {  	s10 =	sand.u32 $0x7F, s4  }
0x204: {  	p2 =	slt.s32 s4, $0x1;
	p1 =	sne.s32 s10, $0x0;
	s10 =	sshra.s32 s4, $0x1F  }
0x205: {  	s10 =	sshrl.u32 s10, $0x19;
	p0 =	por !p2, !p1  }
0x206: {  	s4 =	sadd.s32 s10, s4;
	p0 =	por !p0, !p0;
	s10 =	simm.s32 $0x1  }
0x207: {  	s4 =	sshrl.u32 s4, $0x7;
	s10 =	simm.s32 @!p0 $0x0  }
0x208: {  	s4 =	ssub.s32 s4, s10  }
0x209: {  	s4 =	sshll.u32 s4, $0x7  }
0x20a: {  	s4 =	sand.u32 $0x1FFFFF80, s4  }
0x20b: {  	s4 =	sadd.s32 s1, s4  }
0x20c: {  	[tilespmem:s22], [sflag:$0x2] =	stream.linear.gather [hbm4b:s4+s3], $0x400, $0x38;
	[tilespmem:$0x10E00] =	vst v63  }
0x20d: {  	(v2sf) =	vpush v24, $0xF;
	s4 =	sadd.s32 $0xF4280, s4  }
0x20e: {  	[tilespmem:s23], [sflag:$0x2] =	stream.linear.gather [hbm4b:s4+s3], $0x400, $0x38;
	[tilespmem:$0x10E00] =	vst v63  }
0x20f: {  	s4 =	spop (v2sf)  }
0x210: {  	s10 =	sand.u32 $0x7F, s4  }
0x211: {  	p4 =	slt.s32 s4, $0x1;
	p3 =	sne.s32 s10, $0x0;
	s10 =	sshra.s32 s4, $0x1F  }
0x212: {  	s10 =	sshrl.u32 s10, $0x19;
	p0 =	por !p4, !p3  }
0x213: {  	s4 =	sadd.s32 s10, s4;
	p0 =	por !p0, !p0;
	s10 =	simm.s32 $0x1  }
0x214: {  	s4 =	sshrl.u32 s4, $0x7;
	s10 =	simm.s32 @!p0 $0x0  }
0x215: {  	s4 =	ssub.s32 s4, s10  }
0x216: {  	s4 =	sshll.u32 s4, $0x7  }
0x217: {  	s4 =	sand.u32 $0x1FFFFF80, s4  }
0x218: {  	s4 =	sadd.s32 s0, s4  }
0x219: {  	[tilespmem:s24], [sflag:$0x2] =	stream.linear.gather [hbm4b:s4+s3], $0x400, $0x38;
	[tilespmem:$0x10E00] =	vst v63  }
0x21a: {  	s4 =	sadd.s32 $0xF4280, s4  }
0x21b: {  	[tilespmem:s25], [sflag:$0x2] =	stream.linear.gather [hbm4b:s4+s3], $0x400, $0x38;
	[tilespmem:$0x10E00] =	vst v63  }
0x21c: {  	s4 =	spop (v2sf)  }
0x21d: {  	s10 =	sand.u32 $0x7F, s4  }
0x21e: {  	p6 =	slt.s32 s4, $0x1;
	p5 =	sne.s32 s10, $0x0;
	s10 =	sshra.s32 s4, $0x1F  }
0x21f: {  	s10 =	sshrl.u32 s10, $0x19;
	p0 =	por !p6, !p5  }
0x220: {  	s4 =	sadd.s32 s10, s4;
	p0 =	por !p0, !p0;
	s10 =	simm.s32 $0x1  }
0x221: {  	s4 =	sshrl.u32 s4, $0x7;
	s10 =	simm.s32 @!p0 $0x0  }
0x222: {  	s4 =	ssub.s32 s4, s10  }
0x223: {  	s4 =	sshll.u32 s4, $0x7  }
0x224: {  	s4 =	sand.u32 $0x1FFFFF80, s4  }
0x225: {  	s4 =	sadd.s32 s1, s4  }
0x226: {  	[tilespmem:s26], [sflag:$0x2] =	stream.linear.gather [hbm4b:s4+s3], $0x400, $0x38;
	[tilespmem:$0x10E00] =	vst v63  }
0x227: {  	s4 =	sadd.s32 $0xF4280, s4  }
0x228: {  	[tilespmem:s28], [sflag:$0x2] =	stream.linear.gather [hbm4b:s4+s3], $0x400, $0x38;
	[tilespmem:$0x10E00] =	vst v63  }
0x229: {  	_ =	swait.ge [sflag:s11], $0x4000  }
0x22a: {  	[sflag:s11] =	ssyncset.done $0x0  }
0x22b: {  	[sflag:s11] =	ssyncadd.s32 $0xFFFFC000  }
0x22c: {  	_ =	swait.ge [sflag:s11], $0x4000  }
0x22d: {  	[sflag:s11] =	ssyncset.done $0x0  }
0x22e: {  	[sflag:s11] =	ssyncadd.s32 $0xFFFFC000  }
0x22f: {  	v46 =	vld [tilespmem:s2+$0x0]  }
0x230: {  	v47 =	vld [tilespmem:s2+$0x200];
	_ =	sdelay $0x3  }
0x231: {  	(v2sf) =	vpush v46, $0x0  }
0x232: {  	(v2sf) =	vpush v47, $0x0;
	_ =	sdelay $0xd  }
0x233: {  	s10 =	spop (v2sf)  }
0x234: {  	s4 =	sand.u32 $0x7F, s10;
	s10 =	spop (v2sf)  }
0x235: {  	v26 =	vor.u32 s4, v0;
	s10 =	sand.u32 $0x7F, s10  }
0x236: {  	v27 =	vor.u32 s10, v0;
	_ =	sdelay $0x3  }
0x237: {  	v26 =	vld.idx.msk [tilespmem:v26+s12+$0x0], $0xffff  }
0x238: {  	v24 =	vand.u32 $0x7F, v46;
	v27 =	vld.idx.msk [tilespmem:v27+s14+$0x0], $0xffff  }
0x239: {  	v25 =	vand.u32 $0x7F, v47;
	v28 =	vbroadcast v24, $0x1  }
0x23a: {  	v29 =	vbroadcast v25, $0x1  }
0x23b: {  	v28 =	vor.u32 v1, v28  }
0x23c: {  	v29 =	vor.u32 v1, v29  }
0x23d: {  	v26 =	vmul.f32 v27, v26;
	_ =	sdelay $0x1  }
0x23e: {  	[tilespmem:$0x10400] =	vst v26  }
0x23f: {  	v26 =	vld.idx.msk [tilespmem:v28+s12+$0x0], $0xffff  }
0x240: {  	v48 =	vld.idx.msk [tilespmem:v29+s14+$0x0], $0xffff  }
0x241: {  	v49 =	vbroadcast v24, $0x2  }
0x242: {  	v50 =	vbroadcast v25, $0x2  }
0x243: {  	v28 =	vor.u32 v2, v49  }
0x244: {  	v29 =	vor.u32 v2, v50  }
0x245: {  	v26 =	vmul.f32 v48, v26;
	_ =	sdelay $0x1  }
0x246: {  	[tilespmem:$0x10480] =	vst v26  }
0x247: {  	v26 =	vld.idx.msk [tilespmem:v28+s12+$0x0], $0xffff  }
0x248: {  	v51 =	vld.idx.msk [tilespmem:v29+s14+$0x0], $0xffff  }
0x249: {  	v52 =	vbroadcast v24, $0x3  }
0x24a: {  	v53 =	vbroadcast v25, $0x3  }
0x24b: {  	v28 =	vor.u32 v3, v52  }
0x24c: {  	v29 =	vor.u32 v3, v53  }
0x24d: {  	v26 =	vmul.f32 v51, v26;
	_ =	sdelay $0x1  }
0x24e: {  	[tilespmem:$0x10500] =	vst v26  }
0x24f: {  	v26 =	vld.idx.msk [tilespmem:v28+s12+$0x0], $0xffff  }
0x250: {  	v54 =	vld.idx.msk [tilespmem:v29+s14+$0x0], $0xffff  }
0x251: {  	v55 =	vbroadcast v24, $0x4  }
0x252: {  	v56 =	vbroadcast v25, $0x4  }
0x253: {  	v28 =	vor.u32 v4, v55  }
0x254: {  	v29 =	vor.u32 v4, v56  }
0x255: {  	v26 =	vmul.f32 v54, v26;
	_ =	sdelay $0x1  }
0x256: {  	[tilespmem:$0x10580] =	vst v26  }
0x257: {  	v26 =	vld.idx.msk [tilespmem:v28+s12+$0x0], $0xffff  }
0x258: {  	v57 =	vld.idx.msk [tilespmem:v29+s14+$0x0], $0xffff  }
0x259: {  	v58 =	vbroadcast v24, $0x5  }
0x25a: {  	v59 =	vbroadcast v25, $0x5  }
0x25b: {  	v28 =	vor.u32 v6, v58  }
0x25c: {  	v29 =	vor.u32 v6, v59  }
0x25d: {  	v26 =	vmul.f32 v57, v26;
	_ =	sdelay $0x1  }
0x25e: {  	[tilespmem:$0x10600] =	vst v26  }
0x25f: {  	v26 =	vld.idx.msk [tilespmem:v28+s12+$0x0], $0xffff  }
0x260: {  	v60 =	vld.idx.msk [tilespmem:v29+s14+$0x0], $0xffff  }
0x261: {  	v61 =	vbroadcast v24, $0x6  }
0x262: {  	v62 =	vbroadcast v25, $0x6  }
0x263: {  	v28 =	vor.u32 v7, v61  }
0x264: {  	v29 =	vor.u32 v7, v62  }
0x265: {  	v26 =	vmul.f32 v60, v26;
	_ =	sdelay $0x1  }
0x266: {  	[tilespmem:$0x10680] =	vst v26  }
0x267: {  	v26 =	vld.idx.msk [tilespmem:v28+s12+$0x0], $0xffff  }
0x268: {  	v63 =	vld.idx.msk [tilespmem:v29+s14+$0x0], $0xffff  }
0x269: {  	v24 =	vbroadcast v24, $0x7  }
0x26a: {  	v25 =	vbroadcast v25, $0x7  }
0x26b: {  	v24 =	vor.u32 v8, v24  }
0x26c: {  	v25 =	vor.u32 v8, v25  }
0x26d: {  	v26 =	vmul.f32 v63, v26;
	_ =	sdelay $0x1  }
0x26e: {  	[tilespmem:$0x10700] =	vst v26  }
0x26f: {  	v24 =	vld.idx.msk [tilespmem:v24+s12+$0x0], $0xffff  }
0x270: {  	v25 =	vld.idx.msk [tilespmem:v25+s14+$0x0], $0xffff;
	_ =	sdelay $0x1  }
0x271: {  	p0 =	seq.s32 s31, $0x7C0  }
.Ltmp4:
0x272: {  	_ = 	snop;
	(pc) =	sbr.rel @p0 .LBB2_4-.Ltmp4, $3  }
0x273: {  	_ = 	snop  }
0x274: {  	v24 =	vmul.f32 v25, v24;
	_ =	sdelay $0x1  }
0x275: {  	[tilespmem:$0x10780] =	vst v24  }
0x276: {  	v25 =	vld [tilespmem:s2+$0x10];
	_ =	sdelay $0x4  }
0x277: {  	(v2sf) =	vpush v25, $0x0;
	_ =	sdelay $0x7  }
0x278: {  	v24 =	vld [tilespmem:s2+$0x210];
	_ =	sdelay $0x4  }
0x279: {  	(v2sf) =	vpush v24, $0x0;
	_ =	sdelay $0x1  }
0x27a: {  	s4 =	spop (v2sf)  }
0x27b: {  	s10 =	sand.u32 $0x7F, s4  }
0x27c: {  	s5 =	sshra.s32 s4, $0x1F;
	p1 =	slt.s32 s4, $0x1;
	p0 =	sne.s32 s10, $0x0  }
0x27d: {  	s10 =	sshrl.u32 s5, $0x19;
	p0 =	por !p1, !p0  }
0x27e: {  	s4 =	sadd.s32 s10, s4;
	s10 =	simm.s32 $0x1;
	p0 =	por !p0, !p0  }
0x27f: {  	s4 =	sshrl.u32 s4, $0x7;
	s10 =	simm.s32 @!p0 $0x0  }
0x280: {  	s4 =	ssub.s32 s4, s10  }
0x281: {  	s4 =	sshll.u32 s4, $0x7  }
0x282: {  	s4 =	sand.u32 $0x1FFFFF80, s4  }
0x283: {  	s4 =	sadd.s32 s0, s4  }
0x284: {  	[tilespmem:s12], [sflag:$0x1] =	stream.linear.gather [hbm4b:s4+s3], $0x400, $0x38;
	[tilespmem:$0x10E00] =	vst v63  }
0x285: {  	(v2sf) =	vpush v25, $0x1;
	s5 =	simm.s32 $0x2400;
	s4 =	sadd.s32 $0xF4280, s4  }
0x286: {  	[tilespmem:s5], [sflag:$0x1] =	stream.linear.gather [hbm4b:s4+s3], $0x400, $0x38;
	[tilespmem:$0x10E00] =	vst v63  }
0x287: {  	s4 =	spop (v2sf)  }
0x288: {  	s5 =	sand.u32 $0x7F, s4  }
0x289: {  	p2 =	slt.s32 s4, $0x1;
	p1 =	sne.s32 s5, $0x0;
	s5 =	sshra.s32 s4, $0x1F  }
0x28a: {  	s10 =	sshrl.u32 s5, $0x19;
	p0 =	por !p2, !p1  }
0x28b: {  	s4 =	sadd.s32 s10, s4;
	p0 =	por !p0, !p0;
	s10 =	simm.s32 $0x1  }
0x28c: {  	s4 =	sshrl.u32 s4, $0x7;
	s10 =	simm.s32 @!p0 $0x0  }
0x28d: {  	s4 =	ssub.s32 s4, s10  }
0x28e: {  	s4 =	sshll.u32 s4, $0x7  }
0x28f: {  	s4 =	sand.u32 $0x1FFFFF80, s4  }
0x290: {  	s4 =	sadd.s32 s1, s4  }
0x291: {  	[tilespmem:s14], [sflag:$0x1] =	stream.linear.gather [hbm4b:s4+s3], $0x400, $0x38;
	[tilespmem:$0x10E00] =	vst v63  }
0x292: {  	(v2sf) =	vpush v24, $0x1;
	s5 =	simm.s32 $0x6400;
	s4 =	sadd.s32 $0xF4280, s4  }
0x293: {  	[tilespmem:s5], [sflag:$0x1] =	stream.linear.gather [hbm4b:s4+s3], $0x400, $0x38;
	[tilespmem:$0x10E00] =	vst v63  }
0x294: {  	s4 =	spop (v2sf)  }
0x295: {  	s5 =	sand.u32 $0x7F, s4  }
0x296: {  	p4 =	slt.s32 s4, $0x1;
	p3 =	sne.s32 s5, $0x0;
	s5 =	sshra.s32 s4, $0x1F  }
0x297: {  	s10 =	sshrl.u32 s5, $0x19;
	p0 =	por !p4, !p3  }
0x298: {  	s4 =	sadd.s32 s10, s4;
	p0 =	por !p0, !p0;
	s10 =	simm.s32 $0x1  }
0x299: {  	s4 =	sshrl.u32 s4, $0x7;
	s10 =	simm.s32 @!p0 $0x0  }
0x29a: {  	s4 =	ssub.s32 s4, s10  }
0x29b: {  	s4 =	sshll.u32 s4, $0x7  }
0x29c: {  	s4 =	sand.u32 $0x1FFFFF80, s4  }
0x29d: {  	s5 =	simm.s32 $0x800;
	s4 =	sadd.s32 s0, s4  }
0x29e: {  	[tilespmem:s5], [sflag:$0x1] =	stream.linear.gather [hbm4b:s4+s3], $0x400, $0x38;
	[tilespmem:$0x10E00] =	vst v63  }
0x29f: {  	(v2sf) =	vpush v25, $0x2;
	s4 =	sadd.s32 $0xF4280, s4;
	s5 =	simm.s32 $0x2800  }
0x2a0: {  	[tilespmem:s5], [sflag:$0x1] =	stream.linear.gather [hbm4b:s4+s3], $0x400, $0x38;
	[tilespmem:$0x10E00] =	vst v63  }
0x2a1: {  	s4 =	spop (v2sf)  }
0x2a2: {  	s5 =	sand.u32 $0x7F, s4  }
0x2a3: {  	p6 =	slt.s32 s4, $0x1;
	p5 =	sne.s32 s5, $0x0;
	s5 =	sshra.s32 s4, $0x1F  }
0x2a4: {  	s10 =	sshrl.u32 s5, $0x19;
	p0 =	por !p6, !p5  }
0x2a5: {  	s4 =	sadd.s32 s10, s4;
	p0 =	por !p0, !p0;
	s10 =	simm.s32 $0x1  }
0x2a6: {  	s4 =	sshrl.u32 s4, $0x7;
	s10 =	simm.s32 @!p0 $0x0  }
0x2a7: {  	s4 =	ssub.s32 s4, s10  }
0x2a8: {  	s4 =	sshll.u32 s4, $0x7  }
0x2a9: {  	s4 =	sand.u32 $0x1FFFFF80, s4  }
0x2aa: {  	s5 =	simm.s32 $0x4800;
	s4 =	sadd.s32 s1, s4  }
0x2ab: {  	[tilespmem:s5], [sflag:$0x1] =	stream.linear.gather [hbm4b:s4+s3], $0x400, $0x38;
	[tilespmem:$0x10E00] =	vst v63  }
0x2ac: {  	(v2sf) =	vpush v24, $0x2;
	s4 =	sadd.s32 $0xF4280, s4;
	s5 =	simm.s32 $0x6800  }
0x2ad: {  	[tilespmem:s5], [sflag:$0x1] =	stream.linear.gather [hbm4b:s4+s3], $0x400, $0x38;
	[tilespmem:$0x10E00] =	vst v63  }
0x2ae: {  	s4 =	spop (v2sf)  }
0x2af: {  	s5 =	sand.u32 $0x7F, s4  }
0x2b0: {  	p2 =	slt.s32 s4, $0x1;
	p1 =	sne.s32 s5, $0x0;
	s5 =	sshra.s32 s4, $0x1F  }
0x2b1: {  	s10 =	sshrl.u32 s5, $0x19;
	p0 =	por !p2, !p1  }
0x2b2: {  	s4 =	sadd.s32 s10, s4;
	p0 =	por !p0, !p0;
	s10 =	simm.s32 $0x1  }
0x2b3: {  	s4 =	sshrl.u32 s4, $0x7;
	s10 =	simm.s32 @!p0 $0x0  }
0x2b4: {  	s4 =	ssub.s32 s4, s10  }
0x2b5: {  	s4 =	sshll.u32 s4, $0x7  }
0x2b6: {  	s4 =	sand.u32 $0x1FFFFF80, s4  }
0x2b7: {  	s5 =	simm.s32 $0xC00;
	s4 =	sadd.s32 s0, s4  }
0x2b8: {  	[tilespmem:s5], [sflag:$0x1] =	stream.linear.gather [hbm4b:s4+s3], $0x400, $0x38;
	[tilespmem:$0x10E00] =	vst v63  }
0x2b9: {  	(v2sf) =	vpush v25, $0x3;
	s4 =	sadd.s32 $0xF4280, s4;
	s5 =	simm.s32 $0x2C00  }
0x2ba: {  	[tilespmem:s5], [sflag:$0x1] =	stream.linear.gather [hbm4b:s4+s3], $0x400, $0x38;
	[tilespmem:$0x10E00] =	vst v63  }
0x2bb: {  	s4 =	spop (v2sf)  }
0x2bc: {  	s5 =	sand.u32 $0x7F, s4  }
0x2bd: {  	p4 =	slt.s32 s4, $0x1;
	p3 =	sne.s32 s5, $0x0;
	s5 =	sshra.s32 s4, $0x1F  }
0x2be: {  	s10 =	sshrl.u32 s5, $0x19;
	p0 =	por !p4, !p3  }
0x2bf: {  	s4 =	sadd.s32 s10, s4;
	p0 =	por !p0, !p0;
	s10 =	simm.s32 $0x1  }
0x2c0: {  	s4 =	sshrl.u32 s4, $0x7;
	s10 =	simm.s32 @!p0 $0x0  }
0x2c1: {  	s4 =	ssub.s32 s4, s10  }
0x2c2: {  	s4 =	sshll.u32 s4, $0x7  }
0x2c3: {  	s4 =	sand.u32 $0x1FFFFF80, s4  }
0x2c4: {  	s5 =	simm.s32 $0x4C00;
	s4 =	sadd.s32 s1, s4  }
0x2c5: {  	[tilespmem:s5], [sflag:$0x1] =	stream.linear.gather [hbm4b:s4+s3], $0x400, $0x38;
	[tilespmem:$0x10E00] =	vst v63  }
0x2c6: {  	(v2sf) =	vpush v24, $0x3;
	s4 =	sadd.s32 $0xF4280, s4;
	s5 =	simm.s32 $0x6C00  }
0x2c7: {  	[tilespmem:s5], [sflag:$0x1] =	stream.linear.gather [hbm4b:s4+s3], $0x400, $0x38;
	[tilespmem:$0x10E00] =	vst v63  }
0x2c8: {  	s4 =	spop (v2sf)  }
0x2c9: {  	s5 =	sand.u32 $0x7F, s4  }
0x2ca: {  	p6 =	slt.s32 s4, $0x1;
	p5 =	sne.s32 s5, $0x0;
	s5 =	sshra.s32 s4, $0x1F  }
0x2cb: {  	s10 =	sshrl.u32 s5, $0x19;
	p0 =	por !p6, !p5  }
0x2cc: {  	s4 =	sadd.s32 s10, s4;
	p0 =	por !p0, !p0;
	s10 =	simm.s32 $0x1  }
0x2cd: {  	s4 =	sshrl.u32 s4, $0x7;
	s10 =	simm.s32 @!p0 $0x0  }
0x2ce: {  	s4 =	ssub.s32 s4, s10  }
0x2cf: {  	s4 =	sshll.u32 s4, $0x7  }
0x2d0: {  	s4 =	sand.u32 $0x1FFFFF80, s4  }
0x2d1: {  	s5 =	simm.s32 $0x1000;
	s4 =	sadd.s32 s0, s4  }
0x2d2: {  	[tilespmem:s5], [sflag:$0x1] =	stream.linear.gather [hbm4b:s4+s3], $0x400, $0x38;
	[tilespmem:$0x10E00] =	vst v63  }
0x2d3: {  	(v2sf) =	vpush v25, $0x4;
	s4 =	sadd.s32 $0xF4280, s4;
	s5 =	simm.s32 $0x3000  }
0x2d4: {  	[tilespmem:s5], [sflag:$0x1] =	stream.linear.gather [hbm4b:s4+s3], $0x400, $0x38;
	[tilespmem:$0x10E00] =	vst v63  }
0x2d5: {  	s4 =	spop (v2sf)  }
0x2d6: {  	s5 =	sand.u32 $0x7F, s4  }
0x2d7: {  	p2 =	slt.s32 s4, $0x1;
	p1 =	sne.s32 s5, $0x0;
	s5 =	sshra.s32 s4, $0x1F  }
0x2d8: {  	s10 =	sshrl.u32 s5, $0x19;
	p0 =	por !p2, !p1  }
0x2d9: {  	s4 =	sadd.s32 s10, s4;
	p0 =	por !p0, !p0;
	s10 =	simm.s32 $0x1  }
0x2da: {  	s4 =	sshrl.u32 s4, $0x7;
	s10 =	simm.s32 @!p0 $0x0  }
0x2db: {  	s4 =	ssub.s32 s4, s10  }
0x2dc: {  	s4 =	sshll.u32 s4, $0x7  }
0x2dd: {  	s4 =	sand.u32 $0x1FFFFF80, s4  }
0x2de: {  	s5 =	simm.s32 $0x5000;
	s4 =	sadd.s32 s1, s4  }
0x2df: {  	[tilespmem:s5], [sflag:$0x1] =	stream.linear.gather [hbm4b:s4+s3], $0x400, $0x38;
	[tilespmem:$0x10E00] =	vst v63  }
0x2e0: {  	(v2sf) =	vpush v24, $0x4;
	s4 =	sadd.s32 $0xF4280, s4;
	s5 =	simm.s32 $0x7000  }
0x2e1: {  	[tilespmem:s5], [sflag:$0x1] =	stream.linear.gather [hbm4b:s4+s3], $0x400, $0x38;
	[tilespmem:$0x10E00] =	vst v63  }
0x2e2: {  	s4 =	spop (v2sf)  }
0x2e3: {  	s5 =	sand.u32 $0x7F, s4  }
0x2e4: {  	p4 =	slt.s32 s4, $0x1;
	p3 =	sne.s32 s5, $0x0;
	s5 =	sshra.s32 s4, $0x1F  }
0x2e5: {  	s10 =	sshrl.u32 s5, $0x19;
	p0 =	por !p4, !p3  }
0x2e6: {  	s4 =	sadd.s32 s10, s4;
	p0 =	por !p0, !p0;
	s10 =	simm.s32 $0x1  }
0x2e7: {  	s4 =	sshrl.u32 s4, $0x7;
	s10 =	simm.s32 @!p0 $0x0  }
0x2e8: {  	s4 =	ssub.s32 s4, s10  }
0x2e9: {  	s4 =	sshll.u32 s4, $0x7  }
0x2ea: {  	s4 =	sand.u32 $0x1FFFFF80, s4  }
0x2eb: {  	s5 =	simm.s32 $0x1400;
	s4 =	sadd.s32 s0, s4  }
0x2ec: {  	[tilespmem:s5], [sflag:$0x1] =	stream.linear.gather [hbm4b:s4+s3], $0x400, $0x38;
	[tilespmem:$0x10E00] =	vst v63  }
0x2ed: {  	(v2sf) =	vpush v25, $0x5;
	s4 =	sadd.s32 $0xF4280, s4;
	s5 =	simm.s32 $0x3400  }
0x2ee: {  	[tilespmem:s5], [sflag:$0x1] =	stream.linear.gather [hbm4b:s4+s3], $0x400, $0x38;
	[tilespmem:$0x10E00] =	vst v63  }
0x2ef: {  	s4 =	spop (v2sf)  }
0x2f0: {  	s5 =	sand.u32 $0x7F, s4  }
0x2f1: {  	p6 =	slt.s32 s4, $0x1;
	p5 =	sne.s32 s5, $0x0;
	s5 =	sshra.s32 s4, $0x1F  }
0x2f2: {  	s10 =	sshrl.u32 s5, $0x19;
	p0 =	por !p6, !p5  }
0x2f3: {  	s4 =	sadd.s32 s10, s4;
	p0 =	por !p0, !p0;
	s10 =	simm.s32 $0x1  }
0x2f4: {  	s4 =	sshrl.u32 s4, $0x7;
	s10 =	simm.s32 @!p0 $0x0  }
0x2f5: {  	s4 =	ssub.s32 s4, s10  }
0x2f6: {  	s4 =	sshll.u32 s4, $0x7  }
0x2f7: {  	s4 =	sand.u32 $0x1FFFFF80, s4  }
0x2f8: {  	s5 =	simm.s32 $0x5400;
	s4 =	sadd.s32 s1, s4  }
0x2f9: {  	[tilespmem:s5], [sflag:$0x1] =	stream.linear.gather [hbm4b:s4+s3], $0x400, $0x38;
	[tilespmem:$0x10E00] =	vst v63  }
0x2fa: {  	(v2sf) =	vpush v24, $0x5;
	s4 =	sadd.s32 $0xF4280, s4;
	s5 =	simm.s32 $0x7400  }
0x2fb: {  	[tilespmem:s5], [sflag:$0x1] =	stream.linear.gather [hbm4b:s4+s3], $0x400, $0x38;
	[tilespmem:$0x10E00] =	vst v63  }
0x2fc: {  	s4 =	spop (v2sf)  }
0x2fd: {  	s5 =	sand.u32 $0x7F, s4  }
0x2fe: {  	p2 =	slt.s32 s4, $0x1;
	p1 =	sne.s32 s5, $0x0;
	s5 =	sshra.s32 s4, $0x1F  }
0x2ff: {  	s10 =	sshrl.u32 s5, $0x19;
	p0 =	por !p2, !p1  }
0x300: {  	s4 =	sadd.s32 s10, s4;
	p0 =	por !p0, !p0;
	s10 =	simm.s32 $0x1  }
0x301: {  	s4 =	sshrl.u32 s4, $0x7;
	s10 =	simm.s32 @!p0 $0x0  }
0x302: {  	s4 =	ssub.s32 s4, s10  }
0x303: {  	s4 =	sshll.u32 s4, $0x7  }
0x304: {  	s4 =	sand.u32 $0x1FFFFF80, s4  }
0x305: {  	s5 =	simm.s32 $0x1800;
	s4 =	sadd.s32 s0, s4  }
0x306: {  	[tilespmem:s5], [sflag:$0x1] =	stream.linear.gather [hbm4b:s4+s3], $0x400, $0x38;
	[tilespmem:$0x10E00] =	vst v63  }
0x307: {  	(v2sf) =	vpush v25, $0x6;
	s4 =	sadd.s32 $0xF4280, s4;
	s5 =	simm.s32 $0x3800  }
0x308: {  	[tilespmem:s5], [sflag:$0x1] =	stream.linear.gather [hbm4b:s4+s3], $0x400, $0x38;
	[tilespmem:$0x10E00] =	vst v63  }
0x309: {  	s4 =	spop (v2sf)  }
0x30a: {  	s5 =	sand.u32 $0x7F, s4  }
0x30b: {  	p4 =	slt.s32 s4, $0x1;
	p3 =	sne.s32 s5, $0x0;
	s5 =	sshra.s32 s4, $0x1F  }
0x30c: {  	s10 =	sshrl.u32 s5, $0x19;
	p0 =	por !p4, !p3  }
0x30d: {  	s4 =	sadd.s32 s10, s4;
	p0 =	por !p0, !p0;
	s10 =	simm.s32 $0x1  }
0x30e: {  	s4 =	sshrl.u32 s4, $0x7;
	s10 =	simm.s32 @!p0 $0x0  }
0x30f: {  	s4 =	ssub.s32 s4, s10  }
0x310: {  	s4 =	sshll.u32 s4, $0x7  }
0x311: {  	s4 =	sand.u32 $0x1FFFFF80, s4  }
0x312: {  	s5 =	simm.s32 $0x5800;
	s4 =	sadd.s32 s1, s4  }
0x313: {  	[tilespmem:s5], [sflag:$0x1] =	stream.linear.gather [hbm4b:s4+s3], $0x400, $0x38;
	[tilespmem:$0x10E00] =	vst v63  }
0x314: {  	(v2sf) =	vpush v24, $0x6;
	s4 =	sadd.s32 $0xF4280, s4;
	s5 =	simm.s32 $0x7800  }
0x315: {  	[tilespmem:s5], [sflag:$0x1] =	stream.linear.gather [hbm4b:s4+s3], $0x400, $0x38;
	[tilespmem:$0x10E00] =	vst v63  }
0x316: {  	s4 =	spop (v2sf)  }
0x317: {  	s5 =	sand.u32 $0x7F, s4  }
0x318: {  	p6 =	slt.s32 s4, $0x1;
	p5 =	sne.s32 s5, $0x0;
	s5 =	sshra.s32 s4, $0x1F  }
0x319: {  	s10 =	sshrl.u32 s5, $0x19;
	p0 =	por !p6, !p5  }
0x31a: {  	s4 =	sadd.s32 s10, s4;
	p0 =	por !p0, !p0;
	s10 =	simm.s32 $0x1  }
0x31b: {  	s4 =	sshrl.u32 s4, $0x7;
	s10 =	simm.s32 @!p0 $0x0  }
0x31c: {  	s4 =	ssub.s32 s4, s10  }
0x31d: {  	s4 =	sshll.u32 s4, $0x7  }
0x31e: {  	s4 =	sand.u32 $0x1FFFFF80, s4  }
0x31f: {  	(v2sf) =	vpush v25, $0x7;
	s5 =	simm.s32 $0x1C00;
	s4 =	sadd.s32 s0, s4  }
0x320: {  	[tilespmem:s5], [sflag:$0x1] =	stream.linear.gather [hbm4b:s4+s3], $0x400, $0x38;
	[tilespmem:$0x10E00] =	vst v63  }
0x321: {  	s4 =	sadd.s32 $0xF4280, s4;
	s5 =	simm.s32 $0x3C00  }
0x322: {  	[tilespmem:s5], [sflag:$0x1] =	stream.linear.gather [hbm4b:s4+s3], $0x400, $0x38;
	[tilespmem:$0x10E00] =	vst v63  }
0x323: {  	s4 =	spop (v2sf)  }
0x324: {  	s5 =	sand.u32 $0x7F, s4  }
0x325: {  	p2 =	slt.s32 s4, $0x1;
	p1 =	sne.s32 s5, $0x0;
	s5 =	sshra.s32 s4, $0x1F  }
0x326: {  	s10 =	sshrl.u32 s5, $0x19;
	p0 =	por !p2, !p1  }
0x327: {  	s4 =	sadd.s32 s10, s4;
	p0 =	por !p0, !p0;
	s10 =	simm.s32 $0x1  }
0x328: {  	s4 =	sshrl.u32 s4, $0x7;
	s10 =	simm.s32 @!p0 $0x0  }
0x329: {  	s4 =	ssub.s32 s4, s10  }
0x32a: {  	s4 =	sshll.u32 s4, $0x7  }
0x32b: {  	s4 =	sand.u32 $0x1FFFFF80, s4  }
0x32c: {  	s5 =	simm.s32 $0x5C00;
	s4 =	sadd.s32 s1, s4  }
0x32d: {  	(v2sf) =	vpush v24, $0x7;
	[tilespmem:s5], [sflag:$0x1] =	stream.linear.gather [hbm4b:s4+s3], $0x400, $0x38;
	[tilespmem:$0x10E00] =	vst v63  }
0x32e: {  	s10 =	spop (v2sf);
	s4 =	sadd.s32 $0xF4280, s4;
	s5 =	simm.s32 $0x7C00  }
0x32f: {  	[tilespmem:s5], [sflag:$0x1] =	stream.linear.gather [hbm4b:s4+s3], $0x400, $0x38;
	[tilespmem:$0x10E00] =	vst v63  }
0x330: {  	s5 =	sand.u32 $0x7F, s10  }
0x331: {  	p4 =	slt.s32 s10, $0x1;
	p3 =	sne.s32 s5, $0x0;
	s5 =	sshra.s32 s10, $0x1F  }
0x332: {  	s4 =	sshrl.u32 s5, $0x19;
	p0 =	por !p4, !p3  }
0x333: {  	s4 =	sadd.s32 s4, s10;
	p0 =	por !p0, !p0;
	s10 =	simm.s32 $0x1  }
0x334: {  	s4 =	sshrl.u32 s4, $0x7;
	s10 =	simm.s32 @!p0 $0x0  }
0x335: {  	s4 =	ssub.s32 s4, s10  }
0x336: {  	s4 =	sshll.u32 s4, $0x7  }
0x337: {  	s4 =	sand.u32 $0x1FFFFF80, s4  }
0x338: {  	s10 =	simm.s32 $0x2000;
	s4 =	sadd.s32 s0, s4  }
0x339: {  	[tilespmem:s10], [sflag:$0x1] =	stream.linear.gather [hbm4b:s4+s3], $0x400, $0x38;
	[tilespmem:$0x10E00] =	vst v63  }
0x33a: {  	s4 =	sadd.s32 $0xF4280, s4;
	s10 =	simm.s32 $0x4000  }
0x33b: {  	[tilespmem:s10], [sflag:$0x1] =	stream.linear.gather [hbm4b:s4+s3], $0x400, $0x38;
	[tilespmem:$0x10E00] =	vst v63  }
0x33c: {  	s4 =	spop (v2sf)  }
0x33d: {  	s5 =	sand.u32 $0x7F, s4  }
0x33e: {  	p6 =	slt.s32 s4, $0x1;
	p5 =	sne.s32 s5, $0x0;
	s5 =	sshra.s32 s4, $0x1F  }
0x33f: {  	s10 =	sshrl.u32 s5, $0x19;
	p0 =	por !p6, !p5  }
0x340: {  	s4 =	sadd.s32 s10, s4;
	p0 =	por !p0, !p0;
	s10 =	simm.s32 $0x1  }
0x341: {  	s4 =	sshrl.u32 s4, $0x7;
	s10 =	simm.s32 @!p0 $0x0  }
0x342: {  	s4 =	ssub.s32 s4, s10  }
0x343: {  	s4 =	sshll.u32 s4, $0x7  }
.Ltmp5:
0x344: {  	s4 =	sand.u32 $0x1FFFFF80, s4;
	(pc) =	sbr.rel .LBB2_4-.Ltmp5, $4  }
0x345: {  	s10 =	simm.s32 $0x6000;
	s4 =	sadd.s32 s1, s4  }
0x346: {  	[tilespmem:s10], [sflag:$0x1] =	stream.linear.gather [hbm4b:s4+s3], $0x400, $0x38;
	[tilespmem:$0x10E00] =	vst v63  }
0x347: {  	s5 =	simm.s32 $0xA400;
	s4 =	sadd.s32 $0xF4280, s4;
	s10 =	simm.s32 $0x8000  }
0x348: {  	[tilespmem:s10], [sflag:$0x1] =	stream.linear.gather [hbm4b:s4+s3], $0x400, $0x38;
	[tilespmem:$0x10E00] =	vst v63  }
.LBB2_6:
0x349: {  	_ =	sfence.sel $0x180000  }
0x34a: {  	[bflag:$0x0] =	sbarrier.arrive $0xFFFF  }
0x34b: {  	_ =	strace $0x90000047  }
0x34c: {  	s0 =	stileid.u32;
	[bflag:$0x2] =	sbarrier.arrive $0xFFFF  }
0x34d: {  	p0 =	sne.s32 s0, $0x0;
	s0 =	rddreg [dreg:$0x5]  }
0x34e: {  	s0 =	sadd.s32 @!p0 $0x100000, s0  }
0x34f: {  	[sflag:s0] =	ssyncadd.tile.s32 @!p0 $0x1;
	_ =	shalt  }
.Lfunc_end2:
_tile_overlayer_lowered:
.L_overlay_start_2:
0x350: {  	(tag) =	ssettag $0x2  }
0x351: {  	s0 =	rddreg [dreg:$0x0];
	s2 =	stileid.u32  }
0x352: {  	s1 =	rddreg [dreg:$0x1];
	p0 =	sne.s32 s2, $0x0  }
0x353: {  	s3 =	rddreg [dreg:$0x2];
	[bflag:$0x3] =	sbarrier.arrive $0xFFFF;
	s2 =	simm.s32 @!p0 $0x1C03  }
0x354: {  	[timem:s3], [sflag:s2] =	dma.local @!p0 [hbm:s0], s1  }
0x355: {  	s0 =	simm.s32 @!p0 $0x3  }
0x356: {  	_ =	swait.ge @!p0 [sflag:s0], s1  }
0x357: {  	s1 =	ssub.s32 @!p0 $0x0, s1;
	[sflag:s0] =	ssyncset.done @!p0 $0x0  }
0x358: {  	[sflag:s0] =	ssyncadd.s32 @!p0 s1  }
0x359: {  	[bflag:$0x3] =	sbarrier.arrive $0xFFFF  }
0x35a: {  	_ =	shalt  }

</sc_bundles>
